<compile_context>
chip_gen: v7x
topology: tpu7x:2x2x1
jax: 0.10.2.dev20260603
libtpu: 0.0.44.dev20260713+nightly
codegen_flags: <defaults>
</compile_context>

<pallas_src>
import functools

import jax
import jax.numpy as jnp
from jax import lax
from jax.experimental import pallas as pl
from jax.experimental.pallas import tpu as pltpu
from jax.experimental.pallas import tpu_sc as plsc

TOKENS = 32768
D_IN = 768
D_HID = 768
E = 64
BT = 2048
NW = 32
RPW = D_HID // NW


def _route_combine_sc(x_hbm, wgr_hbm, bgr_hbm, wrows_hbm, b_hbm,
                      wc_out, bc_out,
                      xv, bgv, wbuf, idxv, oidx, bb0, bb1,
                      sem0, sem1):
    c = lax.axis_index("c")
    s = lax.axis_index("s")
    lanes = lax.broadcasted_iota(jnp.int32, (16,), 0)

    pltpu.sync_copy(x_hbm.at[0], xv)
    cp = pltpu.async_copy(wgr_hbm.at[0], wbuf.at[pl.ds(0, 16)], sem0)
    sems = [sem0, sem1]
    ls = []
    for t in range(4):
        roff = (t % 2) * 16
        pltpu.sync_copy(bgr_hbm.at[t], bgv)
        cp.wait()
        if t < 3:
            cp = pltpu.async_copy(
                wgr_hbm.at[t + 1], wbuf.at[pl.ds(((t + 1) % 2) * 16, 16)],
                sems[(t + 1) % 2])

        def fma(r, accs, roff=roff):
            a0, a1, a2 = accs
            xa = xv[pl.ds(r * 48, 16)]
            xb = xv[pl.ds(r * 48 + 16, 16)]
            xc = xv[pl.ds(r * 48 + 32, 16)]
            for dd in range(16):
                a0 = a0 + wbuf[roff + r, pl.ds(dd * 16, 16)] * xa[dd]
                a1 = a1 + wbuf[roff + r, pl.ds((16 + dd) * 16, 16)] * xb[dd]
                a2 = a2 + wbuf[roff + r, pl.ds((32 + dd) * 16, 16)] * xc[dd]
            return a0, a1, a2

        z = jnp.zeros((16,), jnp.float32)
        a0, a1, a2 = lax.fori_loop(0, 16, fma, (bgv[...], z, z))
        ls.append(a0 + a1 + a2)

    ids = [lanes + 16 * t for t in range(4)]
    v, ix = ls[0], ids[0]
    for t in range(1, 4):
        hit = ls[t] > v
        ix = jnp.where(hit, ids[t], ix)
        v = jnp.where(hit, ls[t], v)
    m1 = jnp.max(v)
    i0 = jnp.min(jnp.where(v == m1, ix, E))
    ls2 = [jnp.where(ids[t] == i0, -1e30, ls[t]) for t in range(4)]
    v2, ix2 = ls2[0], ids[0]
    for t in range(1, 4):
        hit = ls2[t] > v2
        ix2 = jnp.where(hit, ids[t], ix2)
        v2 = jnp.where(hit, ls2[t], v2)
    m2 = jnp.max(v2)
    i1 = jnp.min(jnp.where(v2 == m2, ix2, E))
    esum = (jnp.exp(ls[0] - m1) + jnp.exp(ls[1] - m1)
            + jnp.exp(ls[2] - m1) + jnp.exp(ls[3] - m1))
    denomv = jnp.full((16,), jnp.sum(esum), jnp.float32)
    s0v = 1.0 / denomv
    s1v = jnp.exp(jnp.full((16,), m2 - m1, jnp.float32)) / denomv
    s0 = jnp.max(s0v)
    s1 = jnp.max(s1v)

    wid = c * 16 + s
    base = wid * RPW
    idxv[pl.ds(0, 16)] = i0 * D_HID + base + lanes
    idxv[pl.ds(16, 16)] = jnp.where(
        lanes < 8, i0 * D_HID + base + 16 + lanes,
        i1 * D_HID + base + (lanes - 8))
    idxv[pl.ds(32, 16)] = i1 * D_HID + base + 8 + lanes
    oidx[pl.ds(0, 16)] = base + lanes
    oidx[pl.ds(8, 16)] = base + 8 + lanes
    cpg = pltpu.async_copy(wrows_hbm.at[idxv], wbuf, sem0)

    @pl.when((s == 0) & (c == 0))
    def _bias_fetch():
        pltpu.sync_copy(b_hbm.at[i0], bb0)
        pltpu.sync_copy(b_hbm.at[i1], bb1)

    cpg.wait()

    def comb(r, _):
        for u in range(48):
            sl = pl.ds(u * 16, 16)
            wbuf[r, sl] = s0 * wbuf[r, sl] + s1 * wbuf[r + RPW, sl]
        return 0

    lax.fori_loop(0, RPW, comb, 0)
    pltpu.async_copy(wbuf.at[pl.ds(0, RPW)], wc_out.at[oidx], sem1).wait()

    @pl.when((s == 0) & (c == 0))
    def _bias():
        def combb(j, _):
            sl = pl.ds(j * 16, 16)
            bb0[sl] = s0 * bb0[sl] + s1 * bb1[sl]
            return 0

        lax.fori_loop(0, D_HID // 16, combb, 0)
        pltpu.sync_copy(bb0, bc_out)


def _matmul_tc(x_ref, wc_ref, bc_ref, out_ref):
    out_ref[...] = jax.lax.dot_general(
        x_ref[...], wc_ref[...], (((1,), (1,)), ((), ())),
        preferred_element_type=jnp.float32) + bc_ref[...]


def kernel(x, W_experts, b_experts, Wg, bg):
    n_tokens = x.shape[0]
    wgr = (Wg.T.reshape(16, 48, 4, 16).transpose(2, 0, 1, 3)
           .reshape(4, 16, D_IN))
    bgr = bg.reshape(4, 16)
    w_rows = W_experts.reshape(E * D_HID, D_IN)

    sc_fn = pl.kernel(
        _route_combine_sc,
        out_type=(
            jax.ShapeDtypeStruct((D_HID, D_IN), jnp.float32),
            jax.ShapeDtypeStruct((D_HID,), jnp.float32),
        ),
        mesh=plsc.VectorSubcoreMesh(core_axis_name="c", subcore_axis_name="s"),
        compiler_params=pltpu.CompilerParams(needs_layout_passes=False),
        scratch_types=[
            pltpu.VMEM((D_IN,), jnp.float32),
            pltpu.VMEM((16,), jnp.float32),
            pltpu.VMEM((2 * RPW, D_IN), jnp.float32),
            pltpu.VMEM((48,), jnp.int32),
            pltpu.VMEM((RPW,), jnp.int32),
            pltpu.VMEM((D_HID,), jnp.float32),
            pltpu.VMEM((D_HID,), jnp.float32),
            pltpu.SemaphoreType.DMA,
            pltpu.SemaphoreType.DMA,
        ],
    )
    wc, bc = sc_fn(x, wgr, bgr, w_rows, b_experts)

    return pl.pallas_call(
        _matmul_tc,
        grid=(n_tokens // BT,),
        in_specs=[
            pl.BlockSpec((BT, D_IN), lambda i: (i, 0)),
            pl.BlockSpec((D_HID, D_IN), lambda i: (0, 0)),
            pl.BlockSpec((1, D_HID), lambda i: (0, 0)),
        ],
        out_specs=pl.BlockSpec((BT, D_HID), lambda i: (i, 0)),
        out_shape=jax.ShapeDtypeStruct((n_tokens, D_HID), jnp.float32),
    )(x, wc, bc.reshape(1, D_HID))

# --- scband reference (transcript-rebuilt; emitter-appended) ---
"""Pipeline reference for scband-mo-elayer-47193100648722 (READ-ONLY COPY).

The authoritative reference and input builder live on the scoring server;
editing this copy changes nothing except your own understanding.
"""

import jax, jax.numpy as jnp
import numpy as np

TOKENS = 32768
D_IN = 768
D_HID = 768
E = 64
TOP_K = 2


def setup_inputs(seed: int = 0) -> dict:
    key = jax.random.key(seed)
    ks = jax.random.split(key, 5)
    x = jax.random.normal(ks[0], (TOKENS, D_IN), dtype=jnp.float32)
    # per-expert Linear(input_size, hidden_size): weight [E, D_HID, D_IN], bias [E, D_HID]
    W_experts = jax.random.normal(ks[1], (E, D_HID, D_IN), dtype=jnp.float32) * 0.02
    b_experts = jax.random.normal(ks[2], (E, D_HID), dtype=jnp.float32) * 0.02
    # gating network Linear(input_size, num_experts)
    Wg = jax.random.normal(ks[3], (E, D_IN), dtype=jnp.float32) * 0.02
    bg = jax.random.normal(ks[4], (E,), dtype=jnp.float32) * 0.02
    return {"x": x, "W_experts": W_experts, "b_experts": b_experts, "Wg": Wg, "bg": bg}


def reference(x, W_experts, b_experts, Wg, bg):
    # gating_scores = softmax(gating_network(x))
    gating_scores = jax.nn.softmax(x @ Wg.T + bg, axis=-1)  # [N, E]
    # top-k over experts
    top_k_scores, top_k_indices = jax.lax.top_k(gating_scores, TOP_K)  # [N, K]
    # NOTE: faithful to the torch module -- it uses token 0's expert indices
    # and token 0's scores for ALL tokens (top_k_indices[0], top_k_scores[0]).
    idx0 = top_k_indices[0]   # [K] int32
    sc0 = top_k_scores[0]     # [K] float32
    # gather the selected experts' weights (SparseCore-style gather over expert table)
    Wsel = jnp.take(W_experts, idx0, axis=0)   # [K, D_HID, D_IN]
    bsel = jnp.take(b_experts, idx0, axis=0)   # [K, D_HID]
    # expert_outputs[j] = x @ W[idx_j].T + b[idx_j]
    expert_outs = jnp.einsum('nd,khd->knh', x, Wsel) + bsel[:, None, :]  # [K, N, D_HID]
    # weighted sum with token-0's top-k scores (score broadcast over all tokens)
    weighted = jnp.sum(expert_outs * sc0[:, None, None], axis=0)  # [N, D_HID]
    return weighted

if __name__ == "__main__":
    import jax
    _d = setup_inputs()
    print(jax.jit(kernel)(*tuple(_d.values())))

</pallas_src>

<mosaic_0001>
#map = affine_map<(d0, d1) -> (0, 0)>
#map1 = affine_map<(d0, d1) -> (0, 0, 0)>
#map2 = affine_map<(d0, d1) -> (0)>
module attributes {stable_mosaic.version = 14 : i64} {
  func.func @_route_combine_sc(%arg0: i32, %arg1: i32, %arg2: memref<32768x768xf32, #tpu.memory_space<hbm>>, %arg3: memref<4x16x768xf32, #tpu.memory_space<hbm>>, %arg4: memref<4x16xf32, #tpu.memory_space<hbm>>, %arg5: memref<49152x768xf32, #tpu.memory_space<hbm>>, %arg6: memref<64x768xf32, #tpu.memory_space<hbm>>, %arg7: memref<768x768xf32, #tpu.memory_space<hbm>>, %arg8: memref<768xf32, #tpu.memory_space<hbm>>, %arg9: memref<768xf32, #tpu.memory_space<vmem>>, %arg10: memref<16xf32, #tpu.memory_space<vmem>>, %arg11: memref<48x768xf32, #tpu.memory_space<vmem>>, %arg12: memref<48xi32, #tpu.memory_space<vmem>>, %arg13: memref<24xi32, #tpu.memory_space<vmem>>, %arg14: memref<768xf32, #tpu.memory_space<vmem>>, %arg15: memref<768xf32, #tpu.memory_space<vmem>>, %arg16: memref<!tpu.dma_semaphore, #tpu.memory_space<semaphore_mem>>, %arg17: memref<!tpu.dma_semaphore, #tpu.memory_space<semaphore_mem>>) attributes {dimension_semantics = [#tpu.dimension_semantics<core_parallel>, #tpu.dimension_semantics<subcore_parallel>], iteration_bounds = array<i64: 2, 16>, scalar_prefetch = 0 : i64, scratch_operands = 9 : i64, tpu.core_type = #tpu.core_type<sc_vector_subcore>, window_params = [{transform_indices = #map}, {transform_indices = #map1}, {transform_indices = #map}, {transform_indices = #map}, {transform_indices = #map}, {transform_indices = #map}, {transform_indices = #map2}]} {
    %iota3A = tpu.iota {dimensions = array<i32: 0>} : vector<16xi32>
    %run_scoped3A = arith.constant 0 : i32
    "tpu.region"() ({
      %run_scoped3A_362 = tpu.sem_alloc : memref<!tpu.dma_semaphore, #tpu.memory_space<semaphore_mem>>
      %dma_start3A_363 = arith.constant 0 : i32
      %dma_start3A_364 = tpu.memref_slice %arg2[%run_scoped3A, %dma_start3A_363] : memref<32768x768xf32, #tpu.memory_space<hbm>> -> memref<1x768xf32, #tpu.memory_space<hbm>>
      %dma_start3A_365 = tpu.memref_squeeze %dma_start3A_364 : memref<1x768xf32, #tpu.memory_space<hbm>> -> memref<768xf32, #tpu.memory_space<hbm>>
      %dma_start3A_366 = arith.constant 0 : i32
      %dma_start3A_367 = tpu.memref_slice %arg2[%run_scoped3A, %dma_start3A_366] : memref<32768x768xf32, #tpu.memory_space<hbm>> -> memref<1x768xf32, #tpu.memory_space<hbm>>
      %dma_start3A_368 = tpu.memref_squeeze %dma_start3A_367 : memref<1x768xf32, #tpu.memory_space<hbm>> -> memref<768xf32, #tpu.memory_space<hbm>>
      tpu.enqueue_dma source(%dma_start3A_368 : memref<768xf32, #tpu.memory_space<hbm>>) target(%arg9 : memref<768xf32, #tpu.memory_space<vmem>>) target_semaphore(%run_scoped3A_362 : memref<!tpu.dma_semaphore, #tpu.memory_space<semaphore_mem>>)
      %dma_wait3A_369 = arith.constant 0 : i32
      %dma_wait3A_370 = tpu.memref_slice %arg2[%run_scoped3A, %dma_wait3A_369] : memref<32768x768xf32, #tpu.memory_space<hbm>> -> memref<1x768xf32, #tpu.memory_space<hbm>>
      %dma_wait3A_371 = tpu.memref_squeeze %dma_wait3A_370 : memref<1x768xf32, #tpu.memory_space<hbm>> -> memref<768xf32, #tpu.memory_space<hbm>>
      %dma_wait3A_372 = arith.constant 0 : i32
      %dma_wait3A_373 = tpu.memref_slice %arg2[%run_scoped3A, %dma_wait3A_372] : memref<32768x768xf32, #tpu.memory_space<hbm>> -> memref<1x768xf32, #tpu.memory_space<hbm>>
      %dma_wait3A_374 = tpu.memref_squeeze %dma_wait3A_373 : memref<1x768xf32, #tpu.memory_space<hbm>> -> memref<768xf32, #tpu.memory_space<hbm>>
      tpu.wait_dma2 semaphore(%run_scoped3A_362 : memref<!tpu.dma_semaphore, #tpu.memory_space<semaphore_mem>>) src(%dma_wait3A_374 : memref<768xf32, #tpu.memory_space<hbm>>) dst(%arg9 : memref<768xf32, #tpu.memory_space<vmem>>)
      tpu.yield
    }) : () -> ()
    %dma_start3A = arith.constant 0 : i32
    %dma_start3A_0 = arith.constant 0 : i32
    %dma_start3A_1 = arith.constant 0 : i32
    %dma_start3A_2 = tpu.memref_slice %arg11[%dma_start3A_0, %dma_start3A_1] : memref<48x768xf32, #tpu.memory_space<vmem>> -> memref<16x768xf32, #tpu.memory_space<vmem>>
    %dma_start3A_3 = arith.constant 0 : i32
    %dma_start3A_4 = arith.constant 0 : i32
    %dma_start3A_5 = tpu.memref_slice %arg3[%dma_start3A, %dma_start3A_3, %dma_start3A_4] : memref<4x16x768xf32, #tpu.memory_space<hbm>> -> memref<1x16x768xf32, #tpu.memory_space<hbm>>
    %dma_start3A_6 = tpu.memref_squeeze %dma_start3A_5 : memref<1x16x768xf32, #tpu.memory_space<hbm>> -> memref<16x768xf32, #tpu.memory_space<hbm>>
    %dma_start3A_7 = arith.constant 0 : i32
    %dma_start3A_8 = arith.constant 0 : i32
    %dma_start3A_9 = tpu.memref_slice %arg11[%dma_start3A_7, %dma_start3A_8] : memref<48x768xf32, #tpu.memory_space<vmem>> -> memref<16x768xf32, #tpu.memory_space<vmem>>
    %dma_start3A_10 = arith.constant 0 : i32
    %dma_start3A_11 = arith.constant 0 : i32
    %dma_start3A_12 = tpu.memref_slice %arg3[%dma_start3A, %dma_start3A_10, %dma_start3A_11] : memref<4x16x768xf32, #tpu.memory_space<hbm>> -> memref<1x16x768xf32, #tpu.memory_space<hbm>>
    %dma_start3A_13 = tpu.memref_squeeze %dma_start3A_12 : memref<1x16x768xf32, #tpu.memory_space<hbm>> -> memref<16x768xf32, #tpu.memory_space<hbm>>
    tpu.enqueue_dma source(%dma_start3A_13 : memref<16x768xf32, #tpu.memory_space<hbm>>) target(%dma_start3A_9 : memref<16x768xf32, #tpu.memory_space<vmem>>) target_semaphore(%arg16 : memref<!tpu.dma_semaphore, #tpu.memory_space<semaphore_mem>>)
    %run_scoped3A_14 = arith.constant 0 : i32
    "tpu.region"() ({
      %run_scoped3A_362 = tpu.sem_alloc : memref<!tpu.dma_semaphore, #tpu.memory_space<semaphore_mem>>
      %dma_start3A_363 = arith.constant 0 : i32
      %dma_start3A_364 = tpu.memref_slice %arg4[%run_scoped3A_14, %dma_start3A_363] : memref<4x16xf32, #tpu.memory_space<hbm>> -> memref<1x16xf32, #tpu.memory_space<hbm>>
      %dma_start3A_365 = tpu.memref_squeeze %dma_start3A_364 : memref<1x16xf32, #tpu.memory_space<hbm>> -> memref<16xf32, #tpu.memory_space<hbm>>
      %dma_start3A_366 = arith.constant 0 : i32
      %dma_start3A_367 = tpu.memref_slice %arg4[%run_scoped3A_14, %dma_start3A_366] : memref<4x16xf32, #tpu.memory_space<hbm>> -> memref<1x16xf32, #tpu.memory_space<hbm>>
      %dma_start3A_368 = tpu.memref_squeeze %dma_start3A_367 : memref<1x16xf32, #tpu.memory_space<hbm>> -> memref<16xf32, #tpu.memory_space<hbm>>
      tpu.enqueue_dma source(%dma_start3A_368 : memref<16xf32, #tpu.memory_space<hbm>>) target(%arg10 : memref<16xf32, #tpu.memory_space<vmem>>) target_semaphore(%run_scoped3A_362 : memref<!tpu.dma_semaphore, #tpu.memory_space<semaphore_mem>>)
      %dma_wait3A_369 = arith.constant 0 : i32
      %dma_wait3A_370 = tpu.memref_slice %arg4[%run_scoped3A_14, %dma_wait3A_369] : memref<4x16xf32, #tpu.memory_space<hbm>> -> memref<1x16xf32, #tpu.memory_space<hbm>>
      %dma_wait3A_371 = tpu.memref_squeeze %dma_wait3A_370 : memref<1x16xf32, #tpu.memory_space<hbm>> -> memref<16xf32, #tpu.memory_space<hbm>>
      %dma_wait3A_372 = arith.constant 0 : i32
      %dma_wait3A_373 = tpu.memref_slice %arg4[%run_scoped3A_14, %dma_wait3A_372] : memref<4x16xf32, #tpu.memory_space<hbm>> -> memref<1x16xf32, #tpu.memory_space<hbm>>
      %dma_wait3A_374 = tpu.memref_squeeze %dma_wait3A_373 : memref<1x16xf32, #tpu.memory_space<hbm>> -> memref<16xf32, #tpu.memory_space<hbm>>
      tpu.wait_dma2 semaphore(%run_scoped3A_362 : memref<!tpu.dma_semaphore, #tpu.memory_space<semaphore_mem>>) src(%dma_wait3A_374 : memref<16xf32, #tpu.memory_space<hbm>>) dst(%arg10 : memref<16xf32, #tpu.memory_space<vmem>>)
      tpu.yield
    }) : () -> ()
    %dma_wait3A = arith.constant 0 : i32
    %dma_wait3A_15 = arith.constant 0 : i32
    %dma_wait3A_16 = arith.constant 0 : i32
    %dma_wait3A_17 = tpu.memref_slice %arg11[%dma_wait3A_15, %dma_wait3A_16] : memref<48x768xf32, #tpu.memory_space<vmem>> -> memref<16x768xf32, #tpu.memory_space<vmem>>
    %dma_wait3A_18 = arith.constant 0 : i32
    %dma_wait3A_19 = arith.constant 0 : i32
    %dma_wait3A_20 = tpu.memref_slice %arg3[%dma_wait3A, %dma_wait3A_18, %dma_wait3A_19] : memref<4x16x768xf32, #tpu.memory_space<hbm>> -> memref<1x16x768xf32, #tpu.memory_space<hbm>>
    %dma_wait3A_21 = tpu.memref_squeeze %dma_wait3A_20 : memref<1x16x768xf32, #tpu.memory_space<hbm>> -> memref<16x768xf32, #tpu.memory_space<hbm>>
    %dma_wait3A_22 = arith.constant 0 : i32
    %dma_wait3A_23 = arith.constant 0 : i32
    %dma_wait3A_24 = tpu.memref_slice %arg11[%dma_wait3A_22, %dma_wait3A_23] : memref<48x768xf32, #tpu.memory_space<vmem>> -> memref<16x768xf32, #tpu.memory_space<vmem>>
    %dma_wait3A_25 = arith.constant 0 : i32
    %dma_wait3A_26 = arith.constant 0 : i32
    %dma_wait3A_27 = tpu.memref_slice %arg3[%dma_wait3A, %dma_wait3A_25, %dma_wait3A_26] : memref<4x16x768xf32, #tpu.memory_space<hbm>> -> memref<1x16x768xf32, #tpu.memory_space<hbm>>
    %dma_wait3A_28 = tpu.memref_squeeze %dma_wait3A_27 : memref<1x16x768xf32, #tpu.memory_space<hbm>> -> memref<16x768xf32, #tpu.memory_space<hbm>>
    tpu.wait_dma2 semaphore(%arg16 : memref<!tpu.dma_semaphore, #tpu.memory_space<semaphore_mem>>) src(%dma_wait3A_28 : memref<16x768xf32, #tpu.memory_space<hbm>>) dst(%dma_wait3A_24 : memref<16x768xf32, #tpu.memory_space<vmem>>)
    %dma_start3A_29 = arith.constant 1 : i32
    %dma_start3A_30 = arith.constant 16 : i32
    %dma_start3A_31 = arith.constant 0 : i32
    %dma_start3A_32 = tpu.memref_slice %arg11[%dma_start3A_30, %dma_start3A_31] : memref<48x768xf32, #tpu.memory_space<vmem>> -> memref<16x768xf32, #tpu.memory_space<vmem>>
    %dma_start3A_33 = arith.constant 0 : i32
    %dma_start3A_34 = arith.constant 0 : i32
    %dma_start3A_35 = tpu.memref_slice %arg3[%dma_start3A_29, %dma_start3A_33, %dma_start3A_34] : memref<4x16x768xf32, #tpu.memory_space<hbm>> -> memref<1x16x768xf32, #tpu.memory_space<hbm>>
    %dma_start3A_36 = tpu.memref_squeeze %dma_start3A_35 : memref<1x16x768xf32, #tpu.memory_space<hbm>> -> memref<16x768xf32, #tpu.memory_space<hbm>>
    %dma_start3A_37 = arith.constant 16 : i32
    %dma_start3A_38 = arith.constant 0 : i32
    %dma_start3A_39 = tpu.memref_slice %arg11[%dma_start3A_37, %dma_start3A_38] : memref<48x768xf32, #tpu.memory_space<vmem>> -> memref<16x768xf32, #tpu.memory_space<vmem>>
    %dma_start3A_40 = arith.constant 0 : i32
    %dma_start3A_41 = arith.constant 0 : i32
    %dma_start3A_42 = tpu.memref_slice %arg3[%dma_start3A_29, %dma_start3A_40, %dma_start3A_41] : memref<4x16x768xf32, #tpu.memory_space<hbm>> -> memref<1x16x768xf32, #tpu.memory_space<hbm>>
    %dma_start3A_43 = tpu.memref_squeeze %dma_start3A_42 : memref<1x16x768xf32, #tpu.memory_space<hbm>> -> memref<16x768xf32, #tpu.memory_space<hbm>>
    tpu.enqueue_dma source(%dma_start3A_43 : memref<16x768xf32, #tpu.memory_space<hbm>>) target(%dma_start3A_39 : memref<16x768xf32, #tpu.memory_space<vmem>>) target_semaphore(%arg17 : memref<!tpu.dma_semaphore, #tpu.memory_space<semaphore_mem>>)
    %broadcast_in_dim3A = arith.constant 0.000000e+00 : f32
    %broadcast_in_dim3A_44 = vector.broadcast %broadcast_in_dim3A : f32 to vector<16xf32>
    %get3A = arith.constant 0 : index
    %get3A_45 = tpu.vector_load %arg10[%get3A] {strides = array<i32>} : memref<16xf32, #tpu.memory_space<vmem>>, vector<16xf32>,
    %scan3A = arith.constant 0 : i32
    %scan3A_46 = arith.constant 16 : i32
    %scan3A_47 = arith.addi %scan3A, %scan3A_46 : i32
    %scan3A_48 = arith.constant 1 : i32
    %scan3A_49:3 = scf.for %scan3A_362 = %scan3A to %scan3A_47 step %scan3A_48 iter_args(%scan3A_363 = %get3A_45, %scan3A_364 = %broadcast_in_dim3A_44, %scan3A_365 = %broadcast_in_dim3A_44) -> (vector<16xf32>, vector<16xf32>, vector<16xf32>)  : i32 {
      %mul3A_366 = arith.constant 48 : i32
      %mul3A_367 = arith.muli %scan3A_362, %mul3A_366 : i32
      %get3A_368 = arith.index_cast %mul3A_367 : i32 to index
      %get3A_369 = tpu.vector_load %arg9[%get3A_368] {strides = array<i32>} : memref<768xf32, #tpu.memory_space<vmem>>, vector<16xf32>,
      %mul3A_370 = arith.constant 48 : i32
      %mul3A_371 = arith.muli %scan3A_362, %mul3A_370 : i32
      %add3A_372 = arith.constant 16 : i32
      %add3A_373 = arith.addi %mul3A_371, %add3A_372 : i32
      %get3A_374 = arith.index_cast %add3A_373 : i32 to index
      %get3A_375 = tpu.vector_load %arg9[%get3A_374] {strides = array<i32>} : memref<768xf32, #tpu.memory_space<vmem>>, vector<16xf32>,
      %mul3A_376 = arith.constant 48 : i32
      %mul3A_377 = arith.muli %scan3A_362, %mul3A_376 : i32
      %add3A_378 = arith.constant 32 : i32
      %add3A_379 = arith.addi %mul3A_377, %add3A_378 : i32
      %get3A_380 = arith.index_cast %add3A_379 : i32 to index
      %get3A_381 = tpu.vector_load %arg9[%get3A_380] {strides = array<i32>} : memref<768xf32, #tpu.memory_space<vmem>>, vector<16xf32>,
      %add3A_382 = arith.constant 0 : i32
      %add3A_383 = arith.addi %add3A_382, %scan3A_362 : i32
      %get3A_384 = arith.index_cast %add3A_383 : i32 to index
      %get3A_385 = arith.constant 0 : index
      %get3A_386 = tpu.vector_load %arg11[%get3A_384, %get3A_385] {strides = array<i32>} : memref<48x768xf32, #tpu.memory_space<vmem>>, vector<16xf32>,
      %slice3A = vector.extract_strided_slice %get3A_369 {offsets = [0], sizes = [1], strides = [1]} : vector<16xf32> to vector<1xf32>
      %squeeze3A = vector.extract %slice3A[0] : f32 from vector<1xf32>
      %mul3A_387 = vector.broadcast %squeeze3A : f32 to vector<16xf32>
      %mul3A_388 = arith.mulf %get3A_386, %mul3A_387 : vector<16xf32>
      %add3A_389 = arith.addf %scan3A_363, %mul3A_388 : vector<16xf32>
      %add3A_390 = arith.constant 0 : i32
      %add3A_391 = arith.addi %add3A_390, %scan3A_362 : i32
      %get3A_392 = arith.index_cast %add3A_391 : i32 to index
      %get3A_393 = arith.constant 256 : index
      %get3A_394 = tpu.vector_load %arg11[%get3A_392, %get3A_393] {strides = array<i32>} : memref<48x768xf32, #tpu.memory_space<vmem>>, vector<16xf32>,
      %slice3A_395 = vector.extract_strided_slice %get3A_375 {offsets = [0], sizes = [1], strides = [1]} : vector<16xf32> to vector<1xf32>
      %squeeze3A_396 = vector.extract %slice3A_395[0] : f32 from vector<1xf32>
      %mul3A_397 = vector.broadcast %squeeze3A_396 : f32 to vector<16xf32>
      %mul3A_398 = arith.mulf %get3A_394, %mul3A_397 : vector<16xf32>
      %add3A_399 = arith.addf %scan3A_364, %mul3A_398 : vector<16xf32>
      %add3A_400 = arith.constant 0 : i32
      %add3A_401 = arith.addi %add3A_400, %scan3A_362 : i32
      %get3A_402 = arith.index_cast %add3A_401 : i32 to index
      %get3A_403 = arith.constant 512 : index
      %get3A_404 = tpu.vector_load %arg11[%get3A_402, %get3A_403] {strides = array<i32>} : memref<48x768xf32, #tpu.memory_space<vmem>>, vector<16xf32>,
      %slice3A_405 = vector.extract_strided_slice %get3A_381 {offsets = [0], sizes = [1], strides = [1]} : vector<16xf32> to vector<1xf32>
      %squeeze3A_406 = vector.extract %slice3A_405[0] : f32 from vector<1xf32>
      %mul3A_407 = vector.broadcast %squeeze3A_406 : f32 to vector<16xf32>
      %mul3A_408 = arith.mulf %get3A_404, %mul3A_407 : vector<16xf32>
      %add3A_409 = arith.addf %scan3A_365, %mul3A_408 : vector<16xf32>
      %add3A_410 = arith.constant 0 : i32
      %add3A_411 = arith.addi %add3A_410, %scan3A_362 : i32
      %get3A_412 = arith.index_cast %add3A_411 : i32 to index
      %get3A_413 = arith.constant 16 : index
      %get3A_414 = tpu.vector_load %arg11[%get3A_412, %get3A_413] {strides = array<i32>} : memref<48x768xf32, #tpu.memory_space<vmem>>, vector<16xf32>,
      %slice3A_415 = vector.extract_strided_slice %get3A_369 {offsets = [1], sizes = [1], strides = [1]} : vector<16xf32> to vector<1xf32>
      %squeeze3A_416 = vector.extract %slice3A_415[0] : f32 from vector<1xf32>
      %mul3A_417 = vector.broadcast %squeeze3A_416 : f32 to vector<16xf32>
      %mul3A_418 = arith.mulf %get3A_414, %mul3A_417 : vector<16xf32>
      %add3A_419 = arith.addf %add3A_389, %mul3A_418 : vector<16xf32>
      %add3A_420 = arith.constant 0 : i32
      %add3A_421 = arith.addi %add3A_420, %scan3A_362 : i32
      %get3A_422 = arith.index_cast %add3A_421 : i32 to index
      %get3A_423 = arith.constant 272 : index
      %get3A_424 = tpu.vector_load %arg11[%get3A_422, %get3A_423] {strides = array<i32>} : memref<48x768xf32, #tpu.memory_space<vmem>>, vector<16xf32>,
      %slice3A_425 = vector.extract_strided_slice %get3A_375 {offsets = [1], sizes = [1], strides = [1]} : vector<16xf32> to vector<1xf32>
      %squeeze3A_426 = vector.extract %slice3A_425[0] : f32 from vector<1xf32>
      %mul3A_427 = vector.broadcast %squeeze3A_426 : f32 to vector<16xf32>
      %mul3A_428 = arith.mulf %get3A_424, %mul3A_427 : vector<16xf32>
      %add3A_429 = arith.addf %add3A_399, %mul3A_428 : vector<16xf32>
      %add3A_430 = arith.constant 0 : i32
      %add3A_431 = arith.addi %add3A_430, %scan3A_362 : i32
      %get3A_432 = arith.index_cast %add3A_431 : i32 to index
      %get3A_433 = arith.constant 528 : index
      %get3A_434 = tpu.vector_load %arg11[%get3A_432, %get3A_433] {strides = array<i32>} : memref<48x768xf32, #tpu.memory_space<vmem>>, vector<16xf32>,
      %slice3A_435 = vector.extract_strided_slice %get3A_381 {offsets = [1], sizes = [1], strides = [1]} : vector<16xf32> to vector<1xf32>
      %squeeze3A_436 = vector.extract %slice3A_435[0] : f32 from vector<1xf32>
      %mul3A_437 = vector.broadcast %squeeze3A_436 : f32 to vector<16xf32>
      %mul3A_438 = arith.mulf %get3A_434, %mul3A_437 : vector<16xf32>
      %add3A_439 = arith.addf %add3A_409, %mul3A_438 : vector<16xf32>
      %add3A_440 = arith.constant 0 : i32
      %add3A_441 = arith.addi %add3A_440, %scan3A_362 : i32
      %get3A_442 = arith.index_cast %add3A_441 : i32 to index
      %get3A_443 = arith.constant 32 : index
      %get3A_444 = tpu.vector_load %arg11[%get3A_442, %get3A_443] {strides = array<i32>} : memref<48x768xf32, #tpu.memory_space<vmem>>, vector<16xf32>,
      %slice3A_445 = vector.extract_strided_slice %get3A_369 {offsets = [2], sizes = [1], strides = [1]} : vector<16xf32> to vector<1xf32>
      %squeeze3A_446 = vector.extract %slice3A_445[0] : f32 from vector<1xf32>
      %mul3A_447 = vector.broadcast %squeeze3A_446 : f32 to vector<16xf32>
      %mul3A_448 = arith.mulf %get3A_444, %mul3A_447 : vector<16xf32>
      %add3A_449 = arith.addf %add3A_419, %mul3A_448 : vector<16xf32>
      %add3A_450 = arith.constant 0 : i32
      %add3A_451 = arith.addi %add3A_450, %scan3A_362 : i32
      %get3A_452 = arith.index_cast %add3A_451 : i32 to index
      %get3A_453 = arith.constant 288 : index
      %get3A_454 = tpu.vector_load %arg11[%get3A_452, %get3A_453] {strides = array<i32>} : memref<48x768xf32, #tpu.memory_space<vmem>>, vector<16xf32>,
      %slice3A_455 = vector.extract_strided_slice %get3A_375 {offsets = [2], sizes = [1], strides = [1]} : vector<16xf32> to vector<1xf32>
      %squeeze3A_456 = vector.extract %slice3A_455[0] : f32 from vector<1xf32>
      %mul3A_457 = vector.broadcast %squeeze3A_456 : f32 to vector<16xf32>
      %mul3A_458 = arith.mulf %get3A_454, %mul3A_457 : vector<16xf32>
      %add3A_459 = arith.addf %add3A_429, %mul3A_458 : vector<16xf32>
      %add3A_460 = arith.constant 0 : i32
      %add3A_461 = arith.addi %add3A_460, %scan3A_362 : i32
      %get3A_462 = arith.index_cast %add3A_461 : i32 to index
      %get3A_463 = arith.constant 544 : index
      %get3A_464 = tpu.vector_load %arg11[%get3A_462, %get3A_463] {strides = array<i32>} : memref<48x768xf32, #tpu.memory_space<vmem>>, vector<16xf32>,
      %slice3A_465 = vector.extract_strided_slice %get3A_381 {offsets = [2], sizes = [1], strides = [1]} : vector<16xf32> to vector<1xf32>
      %squeeze3A_466 = vector.extract %slice3A_465[0] : f32 from vector<1xf32>
      %mul3A_467 = vector.broadcast %squeeze3A_466 : f32 to vector<16xf32>
      %mul3A_468 = arith.mulf %get3A_464, %mul3A_467 : vector<16xf32>
      %add3A_469 = arith.addf %add3A_439, %mul3A_468 : vector<16xf32>
      %add3A_470 = arith.constant 0 : i32
      %add3A_471 = arith.addi %add3A_470, %scan3A_362 : i32
      %get3A_472 = arith.index_cast %add3A_471 : i32 to index
      %get3A_473 = arith.constant 48 : index
      %get3A_474 = tpu.vector_load %arg11[%get3A_472, %get3A_473] {strides = array<i32>} : memref<48x768xf32, #tpu.memory_space<vmem>>, vector<16xf32>,
      %slice3A_475 = vector.extract_strided_slice %get3A_369 {offsets = [3], sizes = [1], strides = [1]} : vector<16xf32> to vector<1xf32>
      %squeeze3A_476 = vector.extract %slice3A_475[0] : f32 from vector<1xf32>
      %mul3A_477 = vector.broadcast %squeeze3A_476 : f32 to vector<16xf32>
      %mul3A_478 = arith.mulf %get3A_474, %mul3A_477 : vector<16xf32>
      %add3A_479 = arith.addf %add3A_449, %mul3A_478 : vector<16xf32>
      %add3A_480 = arith.constant 0 : i32
      %add3A_481 = arith.addi %add3A_480, %scan3A_362 : i32
      %get3A_482 = arith.index_cast %add3A_481 : i32 to index
      %get3A_483 = arith.constant 304 : index
      %get3A_484 = tpu.vector_load %arg11[%get3A_482, %get3A_483] {strides = array<i32>} : memref<48x768xf32, #tpu.memory_space<vmem>>, vector<16xf32>,
      %slice3A_485 = vector.extract_strided_slice %get3A_375 {offsets = [3], sizes = [1], strides = [1]} : vector<16xf32> to vector<1xf32>
      %squeeze3A_486 = vector.extract %slice3A_485[0] : f32 from vector<1xf32>
      %mul3A_487 = vector.broadcast %squeeze3A_486 : f32 to vector<16xf32>
      %mul3A_488 = arith.mulf %get3A_484, %mul3A_487 : vector<16xf32>
      %add3A_489 = arith.addf %add3A_459, %mul3A_488 : vector<16xf32>
      %add3A_490 = arith.constant 0 : i32
      %add3A_491 = arith.addi %add3A_490, %scan3A_362 : i32
      %get3A_492 = arith.index_cast %add3A_491 : i32 to index
      %get3A_493 = arith.constant 560 : index
      %get3A_494 = tpu.vector_load %arg11[%get3A_492, %get3A_493] {strides = array<i32>} : memref<48x768xf32, #tpu.memory_space<vmem>>, vector<16xf32>,
      %slice3A_495 = vector.extract_strided_slice %get3A_381 {offsets = [3], sizes = [1], strides = [1]} : vector<16xf32> to vector<1xf32>
      %squeeze3A_496 = vector.extract %slice3A_495[0] : f32 from vector<1xf32>
      %mul3A_497 = vector.broadcast %squeeze3A_496 : f32 to vector<16xf32>
      %mul3A_498 = arith.mulf %get3A_494, %mul3A_497 : vector<16xf32>
      %add3A_499 = arith.addf %add3A_469, %mul3A_498 : vector<16xf32>
      %add3A_500 = arith.constant 0 : i32
      %add3A_501 = arith.addi %add3A_500, %scan3A_362 : i32
      %get3A_502 = arith.index_cast %add3A_501 : i32 to index
      %get3A_503 = arith.constant 64 : index
      %get3A_504 = tpu.vector_load %arg11[%get3A_502, %get3A_503] {strides = array<i32>} : memref<48x768xf32, #tpu.memory_space<vmem>>, vector<16xf32>,
      %slice3A_505 = vector.extract_strided_slice %get3A_369 {offsets = [4], sizes = [1], strides = [1]} : vector<16xf32> to vector<1xf32>
      %squeeze3A_506 = vector.extract %slice3A_505[0] : f32 from vector<1xf32>
      %mul3A_507 = vector.broadcast %squeeze3A_506 : f32 to vector<16xf32>
      %mul3A_508 = arith.mulf %get3A_504, %mul3A_507 : vector<16xf32>
      %add3A_509 = arith.addf %add3A_479, %mul3A_508 : vector<16xf32>
      %add3A_510 = arith.constant 0 : i32
      %add3A_511 = arith.addi %add3A_510, %scan3A_362 : i32
      %get3A_512 = arith.index_cast %add3A_511 : i32 to index
      %get3A_513 = arith.constant 320 : index
      %get3A_514 = tpu.vector_load %arg11[%get3A_512, %get3A_513] {strides = array<i32>} : memref<48x768xf32, #tpu.memory_space<vmem>>, vector<16xf32>,
      %slice3A_515 = vector.extract_strided_slice %get3A_375 {offsets = [4], sizes = [1], strides = [1]} : vector<16xf32> to vector<1xf32>
      %squeeze3A_516 = vector.extract %slice3A_515[0] : f32 from vector<1xf32>
      %mul3A_517 = vector.broadcast %squeeze3A_516 : f32 to vector<16xf32>
      %mul3A_518 = arith.mulf %get3A_514, %mul3A_517 : vector<16xf32>
      %add3A_519 = arith.addf %add3A_489, %mul3A_518 : vector<16xf32>
      %add3A_520 = arith.constant 0 : i32
      %add3A_521 = arith.addi %add3A_520, %scan3A_362 : i32
      %get3A_522 = arith.index_cast %add3A_521 : i32 to index
      %get3A_523 = arith.constant 576 : index
      %get3A_524 = tpu.vector_load %arg11[%get3A_522, %get3A_523] {strides = array<i32>} : memref<48x768xf32, #tpu.memory_space<vmem>>, vector<16xf32>,
      %slice3A_525 = vector.extract_strided_slice %get3A_381 {offsets = [4], sizes = [1], strides = [1]} : vector<16xf32> to vector<1xf32>
      %squeeze3A_526 = vector.extract %slice3A_525[0] : f32 from vector<1xf32>
      %mul3A_527 = vector.broadcast %squeeze3A_526 : f32 to vector<16xf32>
      %mul3A_528 = arith.mulf %get3A_524, %mul3A_527 : vector<16xf32>
      %add3A_529 = arith.addf %add3A_499, %mul3A_528 : vector<16xf32>
      %add3A_530 = arith.constant 0 : i32
      %add3A_531 = arith.addi %add3A_530, %scan3A_362 : i32
      %get3A_532 = arith.index_cast %add3A_531 : i32 to index
      %get3A_533 = arith.constant 80 : index
      %get3A_534 = tpu.vector_load %arg11[%get3A_532, %get3A_533] {strides = array<i32>} : memref<48x768xf32, #tpu.memory_space<vmem>>, vector<16xf32>,
      %slice3A_535 = vector.extract_strided_slice %get3A_369 {offsets = [5], sizes = [1], strides = [1]} : vector<16xf32> to vector<1xf32>
      %squeeze3A_536 = vector.extract %slice3A_535[0] : f32 from vector<1xf32>
      %mul3A_537 = vector.broadcast %squeeze3A_536 : f32 to vector<16xf32>
      %mul3A_538 = arith.mulf %get3A_534, %mul3A_537 : vector<16xf32>
      %add3A_539 = arith.addf %add3A_509, %mul3A_538 : vector<16xf32>
      %add3A_540 = arith.constant 0 : i32
      %add3A_541 = arith.addi %add3A_540, %scan3A_362 : i32
      %get3A_542 = arith.index_cast %add3A_541 : i32 to index
      %get3A_543 = arith.constant 336 : index
      %get3A_544 = tpu.vector_load %arg11[%get3A_542, %get3A_543] {strides = array<i32>} : memref<48x768xf32, #tpu.memory_space<vmem>>, vector<16xf32>,
      %slice3A_545 = vector.extract_strided_slice %get3A_375 {offsets = [5], sizes = [1], strides = [1]} : vector<16xf32> to vector<1xf32>
      %squeeze3A_546 = vector.extract %slice3A_545[0] : f32 from vector<1xf32>
      %mul3A_547 = vector.broadcast %squeeze3A_546 : f32 to vector<16xf32>
      %mul3A_548 = arith.mulf %get3A_544, %mul3A_547 : vector<16xf32>
      %add3A_549 = arith.addf %add3A_519, %mul3A_548 : vector<16xf32>
      %add3A_550 = arith.constant 0 : i32
      %add3A_551 = arith.addi %add3A_550, %scan3A_362 : i32
      %get3A_552 = arith.index_cast %add3A_551 : i32 to index
      %get3A_553 = arith.constant 592 : index
      %get3A_554 = tpu.vector_load %arg11[%get3A_552, %get3A_553] {strides = array<i32>} : memref<48x768xf32, #tpu.memory_space<vmem>>, vector<16xf32>,
      %slice3A_555 = vector.extract_strided_slice %get3A_381 {offsets = [5], sizes = [1], strides = [1]} : vector<16xf32> to vector<1xf32>
      %squeeze3A_556 = vector.extract %slice3A_555[0] : f32 from vector<1xf32>
      %mul3A_557 = vector.broadcast %squeeze3A_556 : f32 to vector<16xf32>
      %mul3A_558 = arith.mulf %get3A_554, %mul3A_557 : vector<16xf32>
      %add3A_559 = arith.addf %add3A_529, %mul3A_558 : vector<16xf32>
      %add3A_560 = arith.constant 0 : i32
      %add3A_561 = arith.addi %add3A_560, %scan3A_362 : i32
      %get3A_562 = arith.index_cast %add3A_561 : i32 to index
      %get3A_563 = arith.constant 96 : index
      %get3A_564 = tpu.vector_load %arg11[%get3A_562, %get3A_563] {strides = array<i32>} : memref<48x768xf32, #tpu.memory_space<vmem>>, vector<16xf32>,
      %slice3A_565 = vector.extract_strided_slice %get3A_369 {offsets = [6], sizes = [1], strides = [1]} : vector<16xf32> to vector<1xf32>
      %squeeze3A_566 = vector.extract %slice3A_565[0] : f32 from vector<1xf32>
      %mul3A_567 = vector.broadcast %squeeze3A_566 : f32 to vector<16xf32>
      %mul3A_568 = arith.mulf %get3A_564, %mul3A_567 : vector<16xf32>
      %add3A_569 = arith.addf %add3A_539, %mul3A_568 : vector<16xf32>
      %add3A_570 = arith.constant 0 : i32
      %add3A_571 = arith.addi %add3A_570, %scan3A_362 : i32
      %get3A_572 = arith.index_cast %add3A_571 : i32 to index
      %get3A_573 = arith.constant 352 : index
      %get3A_574 = tpu.vector_load %arg11[%get3A_572, %get3A_573] {strides = array<i32>} : memref<48x768xf32, #tpu.memory_space<vmem>>, vector<16xf32>,
      %slice3A_575 = vector.extract_strided_slice %get3A_375 {offsets = [6], sizes = [1], strides = [1]} : vector<16xf32> to vector<1xf32>
      %squeeze3A_576 = vector.extract %slice3A_575[0] : f32 from vector<1xf32>
      %mul3A_577 = vector.broadcast %squeeze3A_576 : f32 to vector<16xf32>
      %mul3A_578 = arith.mulf %get3A_574, %mul3A_577 : vector<16xf32>
      %add3A_579 = arith.addf %add3A_549, %mul3A_578 : vector<16xf32>
      %add3A_580 = arith.constant 0 : i32
      %add3A_581 = arith.addi %add3A_580, %scan3A_362 : i32
      %get3A_582 = arith.index_cast %add3A_581 : i32 to index
      %get3A_583 = arith.constant 608 : index
      %get3A_584 = tpu.vector_load %arg11[%get3A_582, %get3A_583] {strides = array<i32>} : memref<48x768xf32, #tpu.memory_space<vmem>>, vector<16xf32>,
      %slice3A_585 = vector.extract_strided_slice %get3A_381 {offsets = [6], sizes = [1], strides = [1]} : vector<16xf32> to vector<1xf32>
      %squeeze3A_586 = vector.extract %slice3A_585[0] : f32 from vector<1xf32>
      %mul3A_587 = vector.broadcast %squeeze3A_586 : f32 to vector<16xf32>
      %mul3A_588 = arith.mulf %get3A_584, %mul3A_587 : vector<16xf32>
      %add3A_589 = arith.addf %add3A_559, %mul3A_588 : vector<16xf32>
      %add3A_590 = arith.constant 0 : i32
      %add3A_591 = arith.addi %add3A_590, %scan3A_362 : i32
      %get3A_592 = arith.index_cast %add3A_591 : i32 to index
      %get3A_593 = arith.constant 112 : index
      %get3A_594 = tpu.vector_load %arg11[%get3A_592, %get3A_593] {strides = array<i32>} : memref<48x768xf32, #tpu.memory_space<vmem>>, vector<16xf32>,
      %slice3A_595 = vector.extract_strided_slice %get3A_369 {offsets = [7], sizes = [1], strides = [1]} : vector<16xf32> to vector<1xf32>
      %squeeze3A_596 = vector.extract %slice3A_595[0] : f32 from vector<1xf32>
      %mul3A_597 = vector.broadcast %squeeze3A_596 : f32 to vector<16xf32>
      %mul3A_598 = arith.mulf %get3A_594, %mul3A_597 : vector<16xf32>
      %add3A_599 = arith.addf %add3A_569, %mul3A_598 : vector<16xf32>
      %add3A_600 = arith.constant 0 : i32
      %add3A_601 = arith.addi %add3A_600, %scan3A_362 : i32
      %get3A_602 = arith.index_cast %add3A_601 : i32 to index
      %get3A_603 = arith.constant 368 : index
      %get3A_604 = tpu.vector_load %arg11[%get3A_602, %get3A_603] {strides = array<i32>} : memref<48x768xf32, #tpu.memory_space<vmem>>, vector<16xf32>,
      %slice3A_605 = vector.extract_strided_slice %get3A_375 {offsets = [7], sizes = [1], strides = [1]} : vector<16xf32> to vector<1xf32>
      %squeeze3A_606 = vector.extract %slice3A_605[0] : f32 from vector<1xf32>
      %mul3A_607 = vector.broadcast %squeeze3A_606 : f32 to vector<16xf32>
      %mul3A_608 = arith.mulf %get3A_604, %mul3A_607 : vector<16xf32>
      %add3A_609 = arith.addf %add3A_579, %mul3A_608 : vector<16xf32>
      %add3A_610 = arith.constant 0 : i32
      %add3A_611 = arith.addi %add3A_610, %scan3A_362 : i32
      %get3A_612 = arith.index_cast %add3A_611 : i32 to index
      %get3A_613 = arith.constant 624 : index
      %get3A_614 = tpu.vector_load %arg11[%get3A_612, %get3A_613] {strides = array<i32>} : memref<48x768xf32, #tpu.memory_space<vmem>>, vector<16xf32>,
      %slice3A_615 = vector.extract_strided_slice %get3A_381 {offsets = [7], sizes = [1], strides = [1]} : vector<16xf32> to vector<1xf32>
      %squeeze3A_616 = vector.extract %slice3A_615[0] : f32 from vector<1xf32>
      %mul3A_617 = vector.broadcast %squeeze3A_616 : f32 to vector<16xf32>
      %mul3A_618 = arith.mulf %get3A_614, %mul3A_617 : vector<16xf32>
      %add3A_619 = arith.addf %add3A_589, %mul3A_618 : vector<16xf32>
      %add3A_620 = arith.constant 0 : i32
      %add3A_621 = arith.addi %add3A_620, %scan3A_362 : i32
      %get3A_622 = arith.index_cast %add3A_621 : i32 to index
      %get3A_623 = arith.constant 128 : index
      %get3A_624 = tpu.vector_load %arg11[%get3A_622, %get3A_623] {strides = array<i32>} : memref<48x768xf32, #tpu.memory_space<vmem>>, vector<16xf32>,
      %slice3A_625 = vector.extract_strided_slice %get3A_369 {offsets = [8], sizes = [1], strides = [1]} : vector<16xf32> to vector<1xf32>
      %squeeze3A_626 = vector.extract %slice3A_625[0] : f32 from vector<1xf32>
      %mul3A_627 = vector.broadcast %squeeze3A_626 : f32 to vector<16xf32>
      %mul3A_628 = arith.mulf %get3A_624, %mul3A_627 : vector<16xf32>
      %add3A_629 = arith.addf %add3A_599, %mul3A_628 : vector<16xf32>
      %add3A_630 = arith.constant 0 : i32
      %add3A_631 = arith.addi %add3A_630, %scan3A_362 : i32
      %get3A_632 = arith.index_cast %add3A_631 : i32 to index
      %get3A_633 = arith.constant 384 : index
      %get3A_634 = tpu.vector_load %arg11[%get3A_632, %get3A_633] {strides = array<i32>} : memref<48x768xf32, #tpu.memory_space<vmem>>, vector<16xf32>,
      %slice3A_635 = vector.extract_strided_slice %get3A_375 {offsets = [8], sizes = [1], strides = [1]} : vector<16xf32> to vector<1xf32>
      %squeeze3A_636 = vector.extract %slice3A_635[0] : f32 from vector<1xf32>
      %mul3A_637 = vector.broadcast %squeeze3A_636 : f32 to vector<16xf32>
      %mul3A_638 = arith.mulf %get3A_634, %mul3A_637 : vector<16xf32>
      %add3A_639 = arith.addf %add3A_609, %mul3A_638 : vector<16xf32>
      %add3A_640 = arith.constant 0 : i32
      %add3A_641 = arith.addi %add3A_640, %scan3A_362 : i32
      %get3A_642 = arith.index_cast %add3A_641 : i32 to index
      %get3A_643 = arith.constant 640 : index
      %get3A_644 = tpu.vector_load %arg11[%get3A_642, %get3A_643] {strides = array<i32>} : memref<48x768xf32, #tpu.memory_space<vmem>>, vector<16xf32>,
      %slice3A_645 = vector.extract_strided_slice %get3A_381 {offsets = [8], sizes = [1], strides = [1]} : vector<16xf32> to vector<1xf32>
      %squeeze3A_646 = vector.extract %slice3A_645[0] : f32 from vector<1xf32>
      %mul3A_647 = vector.broadcast %squeeze3A_646 : f32 to vector<16xf32>
      %mul3A_648 = arith.mulf %get3A_644, %mul3A_647 : vector<16xf32>
      %add3A_649 = arith.addf %add3A_619, %mul3A_648 : vector<16xf32>
      %add3A_650 = arith.constant 0 : i32
      %add3A_651 = arith.addi %add3A_650, %scan3A_362 : i32
      %get3A_652 = arith.index_cast %add3A_651 : i32 to index
      %get3A_653 = arith.constant 144 : index
      %get3A_654 = tpu.vector_load %arg11[%get3A_652, %get3A_653] {strides = array<i32>} : memref<48x768xf32, #tpu.memory_space<vmem>>, vector<16xf32>,
      %slice3A_655 = vector.extract_strided_slice %get3A_369 {offsets = [9], sizes = [1], strides = [1]} : vector<16xf32> to vector<1xf32>
      %squeeze3A_656 = vector.extract %slice3A_655[0] : f32 from vector<1xf32>
      %mul3A_657 = vector.broadcast %squeeze3A_656 : f32 to vector<16xf32>
      %mul3A_658 = arith.mulf %get3A_654, %mul3A_657 : vector<16xf32>
      %add3A_659 = arith.addf %add3A_629, %mul3A_658 : vector<16xf32>
      %add3A_660 = arith.constant 0 : i32
      %add3A_661 = arith.addi %add3A_660, %scan3A_362 : i32
      %get3A_662 = arith.index_cast %add3A_661 : i32 to index
      %get3A_663 = arith.constant 400 : index
      %get3A_664 = tpu.vector_load %arg11[%get3A_662, %get3A_663] {strides = array<i32>} : memref<48x768xf32, #tpu.memory_space<vmem>>, vector<16xf32>,
      %slice3A_665 = vector.extract_strided_slice %get3A_375 {offsets = [9], sizes = [1], strides = [1]} : vector<16xf32> to vector<1xf32>
      %squeeze3A_666 = vector.extract %slice3A_665[0] : f32 from vector<1xf32>
      %mul3A_667 = vector.broadcast %squeeze3A_666 : f32 to vector<16xf32>
      %mul3A_668 = arith.mulf %get3A_664, %mul3A_667 : vector<16xf32>
      %add3A_669 = arith.addf %add3A_639, %mul3A_668 : vector<16xf32>
      %add3A_670 = arith.constant 0 : i32
      %add3A_671 = arith.addi %add3A_670, %scan3A_362 : i32
      %get3A_672 = arith.index_cast %add3A_671 : i32 to index
      %get3A_673 = arith.constant 656 : index
      %get3A_674 = tpu.vector_load %arg11[%get3A_672, %get3A_673] {strides = array<i32>} : memref<48x768xf32, #tpu.memory_space<vmem>>, vector<16xf32>,
      %slice3A_675 = vector.extract_strided_slice %get3A_381 {offsets = [9], sizes = [1], strides = [1]} : vector<16xf32> to vector<1xf32>
      %squeeze3A_676 = vector.extract %slice3A_675[0] : f32 from vector<1xf32>
      %mul3A_677 = vector.broadcast %squeeze3A_676 : f32 to vector<16xf32>
      %mul3A_678 = arith.mulf %get3A_674, %mul3A_677 : vector<16xf32>
      %add3A_679 = arith.addf %add3A_649, %mul3A_678 : vector<16xf32>
      %add3A_680 = arith.constant 0 : i32
      %add3A_681 = arith.addi %add3A_680, %scan3A_362 : i32
      %get3A_682 = arith.index_cast %add3A_681 : i32 to index
      %get3A_683 = arith.constant 160 : index
      %get3A_684 = tpu.vector_load %arg11[%get3A_682, %get3A_683] {strides = array<i32>} : memref<48x768xf32, #tpu.memory_space<vmem>>, vector<16xf32>,
      %slice3A_685 = vector.extract_strided_slice %get3A_369 {offsets = [10], sizes = [1], strides = [1]} : vector<16xf32> to vector<1xf32>
      %squeeze3A_686 = vector.extract %slice3A_685[0] : f32 from vector<1xf32>
      %mul3A_687 = vector.broadcast %squeeze3A_686 : f32 to vector<16xf32>
      %mul3A_688 = arith.mulf %get3A_684, %mul3A_687 : vector<16xf32>
      %add3A_689 = arith.addf %add3A_659, %mul3A_688 : vector<16xf32>
      %add3A_690 = arith.constant 0 : i32
      %add3A_691 = arith.addi %add3A_690, %scan3A_362 : i32
      %get3A_692 = arith.index_cast %add3A_691 : i32 to index
      %get3A_693 = arith.constant 416 : index
      %get3A_694 = tpu.vector_load %arg11[%get3A_692, %get3A_693] {strides = array<i32>} : memref<48x768xf32, #tpu.memory_space<vmem>>, vector<16xf32>,
      %slice3A_695 = vector.extract_strided_slice %get3A_375 {offsets = [10], sizes = [1], strides = [1]} : vector<16xf32> to vector<1xf32>
      %squeeze3A_696 = vector.extract %slice3A_695[0] : f32 from vector<1xf32>
      %mul3A_697 = vector.broadcast %squeeze3A_696 : f32 to vector<16xf32>
      %mul3A_698 = arith.mulf %get3A_694, %mul3A_697 : vector<16xf32>
      %add3A_699 = arith.addf %add3A_669, %mul3A_698 : vector<16xf32>
      %add3A_700 = arith.constant 0 : i32
      %add3A_701 = arith.addi %add3A_700, %scan3A_362 : i32
      %get3A_702 = arith.index_cast %add3A_701 : i32 to index
      %get3A_703 = arith.constant 672 : index
      %get3A_704 = tpu.vector_load %arg11[%get3A_702, %get3A_703] {strides = array<i32>} : memref<48x768xf32, #tpu.memory_space<vmem>>, vector<16xf32>,
      %slice3A_705 = vector.extract_strided_slice %get3A_381 {offsets = [10], sizes = [1], strides = [1]} : vector<16xf32> to vector<1xf32>
      %squeeze3A_706 = vector.extract %slice3A_705[0] : f32 from vector<1xf32>
      %mul3A_707 = vector.broadcast %squeeze3A_706 : f32 to vector<16xf32>
      %mul3A_708 = arith.mulf %get3A_704, %mul3A_707 : vector<16xf32>
      %add3A_709 = arith.addf %add3A_679, %mul3A_708 : vector<16xf32>
      %add3A_710 = arith.constant 0 : i32
      %add3A_711 = arith.addi %add3A_710, %scan3A_362 : i32
      %get3A_712 = arith.index_cast %add3A_711 : i32 to index
      %get3A_713 = arith.constant 176 : index
      %get3A_714 = tpu.vector_load %arg11[%get3A_712, %get3A_713] {strides = array<i32>} : memref<48x768xf32, #tpu.memory_space<vmem>>, vector<16xf32>,
      %slice3A_715 = vector.extract_strided_slice %get3A_369 {offsets = [11], sizes = [1], strides = [1]} : vector<16xf32> to vector<1xf32>
      %squeeze3A_716 = vector.extract %slice3A_715[0] : f32 from vector<1xf32>
      %mul3A_717 = vector.broadcast %squeeze3A_716 : f32 to vector<16xf32>
      %mul3A_718 = arith.mulf %get3A_714, %mul3A_717 : vector<16xf32>
      %add3A_719 = arith.addf %add3A_689, %mul3A_718 : vector<16xf32>
      %add3A_720 = arith.constant 0 : i32
      %add3A_721 = arith.addi %add3A_720, %scan3A_362 : i32
      %get3A_722 = arith.index_cast %add3A_721 : i32 to index
      %get3A_723 = arith.constant 432 : index
      %get3A_724 = tpu.vector_load %arg11[%get3A_722, %get3A_723] {strides = array<i32>} : memref<48x768xf32, #tpu.memory_space<vmem>>, vector<16xf32>,
      %slice3A_725 = vector.extract_strided_slice %get3A_375 {offsets = [11], sizes = [1], strides = [1]} : vector<16xf32> to vector<1xf32>
      %squeeze3A_726 = vector.extract %slice3A_725[0] : f32 from vector<1xf32>
      %mul3A_727 = vector.broadcast %squeeze3A_726 : f32 to vector<16xf32>
      %mul3A_728 = arith.mulf %get3A_724, %mul3A_727 : vector<16xf32>
      %add3A_729 = arith.addf %add3A_699, %mul3A_728 : vector<16xf32>
      %add3A_730 = arith.constant 0 : i32
      %add3A_731 = arith.addi %add3A_730, %scan3A_362 : i32
      %get3A_732 = arith.index_cast %add3A_731 : i32 to index
      %get3A_733 = arith.constant 688 : index
      %get3A_734 = tpu.vector_load %arg11[%get3A_732, %get3A_733] {strides = array<i32>} : memref<48x768xf32, #tpu.memory_space<vmem>>, vector<16xf32>,
      %slice3A_735 = vector.extract_strided_slice %get3A_381 {offsets = [11], sizes = [1], strides = [1]} : vector<16xf32> to vector<1xf32>
      %squeeze3A_736 = vector.extract %slice3A_735[0] : f32 from vector<1xf32>
      %mul3A_737 = vector.broadcast %squeeze3A_736 : f32 to vector<16xf32>
      %mul3A_738 = arith.mulf %get3A_734, %mul3A_737 : vector<16xf32>
      %add3A_739 = arith.addf %add3A_709, %mul3A_738 : vector<16xf32>
      %add3A_740 = arith.constant 0 : i32
      %add3A_741 = arith.addi %add3A_740, %scan3A_362 : i32
      %get3A_742 = arith.index_cast %add3A_741 : i32 to index
      %get3A_743 = arith.constant 192 : index
      %get3A_744 = tpu.vector_load %arg11[%get3A_742, %get3A_743] {strides = array<i32>} : memref<48x768xf32, #tpu.memory_space<vmem>>, vector<16xf32>,
      %slice3A_745 = vector.extract_strided_slice %get3A_369 {offsets = [12], sizes = [1], strides = [1]} : vector<16xf32> to vector<1xf32>
      %squeeze3A_746 = vector.extract %slice3A_745[0] : f32 from vector<1xf32>
      %mul3A_747 = vector.broadcast %squeeze3A_746 : f32 to vector<16xf32>
      %mul3A_748 = arith.mulf %get3A_744, %mul3A_747 : vector<16xf32>
      %add3A_749 = arith.addf %add3A_719, %mul3A_748 : vector<16xf32>
      %add3A_750 = arith.constant 0 : i32
      %add3A_751 = arith.addi %add3A_750, %scan3A_362 : i32
      %get3A_752 = arith.index_cast %add3A_751 : i32 to index
      %get3A_753 = arith.constant 448 : index
      %get3A_754 = tpu.vector_load %arg11[%get3A_752, %get3A_753] {strides = array<i32>} : memref<48x768xf32, #tpu.memory_space<vmem>>, vector<16xf32>,
      %slice3A_755 = vector.extract_strided_slice %get3A_375 {offsets = [12], sizes = [1], strides = [1]} : vector<16xf32> to vector<1xf32>
      %squeeze3A_756 = vector.extract %slice3A_755[0] : f32 from vector<1xf32>
      %mul3A_757 = vector.broadcast %squeeze3A_756 : f32 to vector<16xf32>
      %mul3A_758 = arith.mulf %get3A_754, %mul3A_757 : vector<16xf32>
      %add3A_759 = arith.addf %add3A_729, %mul3A_758 : vector<16xf32>
      %add3A_760 = arith.constant 0 : i32
      %add3A_761 = arith.addi %add3A_760, %scan3A_362 : i32
      %get3A_762 = arith.index_cast %add3A_761 : i32 to index
      %get3A_763 = arith.constant 704 : index
      %get3A_764 = tpu.vector_load %arg11[%get3A_762, %get3A_763] {strides = array<i32>} : memref<48x768xf32, #tpu.memory_space<vmem>>, vector<16xf32>,
      %slice3A_765 = vector.extract_strided_slice %get3A_381 {offsets = [12], sizes = [1], strides = [1]} : vector<16xf32> to vector<1xf32>
      %squeeze3A_766 = vector.extract %slice3A_765[0] : f32 from vector<1xf32>
      %mul3A_767 = vector.broadcast %squeeze3A_766 : f32 to vector<16xf32>
      %mul3A_768 = arith.mulf %get3A_764, %mul3A_767 : vector<16xf32>
      %add3A_769 = arith.addf %add3A_739, %mul3A_768 : vector<16xf32>
      %add3A_770 = arith.constant 0 : i32
      %add3A_771 = arith.addi %add3A_770, %scan3A_362 : i32
      %get3A_772 = arith.index_cast %add3A_771 : i32 to index
      %get3A_773 = arith.constant 208 : index
      %get3A_774 = tpu.vector_load %arg11[%get3A_772, %get3A_773] {strides = array<i32>} : memref<48x768xf32, #tpu.memory_space<vmem>>, vector<16xf32>,
      %slice3A_775 = vector.extract_strided_slice %get3A_369 {offsets = [13], sizes = [1], strides = [1]} : vector<16xf32> to vector<1xf32>
      %squeeze3A_776 = vector.extract %slice3A_775[0] : f32 from vector<1xf32>
      %mul3A_777 = vector.broadcast %squeeze3A_776 : f32 to vector<16xf32>
      %mul3A_778 = arith.mulf %get3A_774, %mul3A_777 : vector<16xf32>
      %add3A_779 = arith.addf %add3A_749, %mul3A_778 : vector<16xf32>
      %add3A_780 = arith.constant 0 : i32
      %add3A_781 = arith.addi %add3A_780, %scan3A_362 : i32
      %get3A_782 = arith.index_cast %add3A_781 : i32 to index
      %get3A_783 = arith.constant 464 : index
      %get3A_784 = tpu.vector_load %arg11[%get3A_782, %get3A_783] {strides = array<i32>} : memref<48x768xf32, #tpu.memory_space<vmem>>, vector<16xf32>,
      %slice3A_785 = vector.extract_strided_slice %get3A_375 {offsets = [13], sizes = [1], strides = [1]} : vector<16xf32> to vector<1xf32>
      %squeeze3A_786 = vector.extract %slice3A_785[0] : f32 from vector<1xf32>
      %mul3A_787 = vector.broadcast %squeeze3A_786 : f32 to vector<16xf32>
      %mul3A_788 = arith.mulf %get3A_784, %mul3A_787 : vector<16xf32>
      %add3A_789 = arith.addf %add3A_759, %mul3A_788 : vector<16xf32>
      %add3A_790 = arith.constant 0 : i32
      %add3A_791 = arith.addi %add3A_790, %scan3A_362 : i32
      %get3A_792 = arith.index_cast %add3A_791 : i32 to index
      %get3A_793 = arith.constant 720 : index
      %get3A_794 = tpu.vector_load %arg11[%get3A_792, %get3A_793] {strides = array<i32>} : memref<48x768xf32, #tpu.memory_space<vmem>>, vector<16xf32>,
      %slice3A_795 = vector.extract_strided_slice %get3A_381 {offsets = [13], sizes = [1], strides = [1]} : vector<16xf32> to vector<1xf32>
      %squeeze3A_796 = vector.extract %slice3A_795[0] : f32 from vector<1xf32>
      %mul3A_797 = vector.broadcast %squeeze3A_796 : f32 to vector<16xf32>
      %mul3A_798 = arith.mulf %get3A_794, %mul3A_797 : vector<16xf32>
      %add3A_799 = arith.addf %add3A_769, %mul3A_798 : vector<16xf32>
      %add3A_800 = arith.constant 0 : i32
      %add3A_801 = arith.addi %add3A_800, %scan3A_362 : i32
      %get3A_802 = arith.index_cast %add3A_801 : i32 to index
      %get3A_803 = arith.constant 224 : index
      %get3A_804 = tpu.vector_load %arg11[%get3A_802, %get3A_803] {strides = array<i32>} : memref<48x768xf32, #tpu.memory_space<vmem>>, vector<16xf32>,
      %slice3A_805 = vector.extract_strided_slice %get3A_369 {offsets = [14], sizes = [1], strides = [1]} : vector<16xf32> to vector<1xf32>
      %squeeze3A_806 = vector.extract %slice3A_805[0] : f32 from vector<1xf32>
      %mul3A_807 = vector.broadcast %squeeze3A_806 : f32 to vector<16xf32>
      %mul3A_808 = arith.mulf %get3A_804, %mul3A_807 : vector<16xf32>
      %add3A_809 = arith.addf %add3A_779, %mul3A_808 : vector<16xf32>
      %add3A_810 = arith.constant 0 : i32
      %add3A_811 = arith.addi %add3A_810, %scan3A_362 : i32
      %get3A_812 = arith.index_cast %add3A_811 : i32 to index
      %get3A_813 = arith.constant 480 : index
      %get3A_814 = tpu.vector_load %arg11[%get3A_812, %get3A_813] {strides = array<i32>} : memref<48x768xf32, #tpu.memory_space<vmem>>, vector<16xf32>,
      %slice3A_815 = vector.extract_strided_slice %get3A_375 {offsets = [14], sizes = [1], strides = [1]} : vector<16xf32> to vector<1xf32>
      %squeeze3A_816 = vector.extract %slice3A_815[0] : f32 from vector<1xf32>
      %mul3A_817 = vector.broadcast %squeeze3A_816 : f32 to vector<16xf32>
      %mul3A_818 = arith.mulf %get3A_814, %mul3A_817 : vector<16xf32>
      %add3A_819 = arith.addf %add3A_789, %mul3A_818 : vector<16xf32>
      %add3A_820 = arith.constant 0 : i32
      %add3A_821 = arith.addi %add3A_820, %scan3A_362 : i32
      %get3A_822 = arith.index_cast %add3A_821 : i32 to index
      %get3A_823 = arith.constant 736 : index
      %get3A_824 = tpu.vector_load %arg11[%get3A_822, %get3A_823] {strides = array<i32>} : memref<48x768xf32, #tpu.memory_space<vmem>>, vector<16xf32>,
      %slice3A_825 = vector.extract_strided_slice %get3A_381 {offsets = [14], sizes = [1], strides = [1]} : vector<16xf32> to vector<1xf32>
      %squeeze3A_826 = vector.extract %slice3A_825[0] : f32 from vector<1xf32>
      %mul3A_827 = vector.broadcast %squeeze3A_826 : f32 to vector<16xf32>
      %mul3A_828 = arith.mulf %get3A_824, %mul3A_827 : vector<16xf32>
      %add3A_829 = arith.addf %add3A_799, %mul3A_828 : vector<16xf32>
      %add3A_830 = arith.constant 0 : i32
      %add3A_831 = arith.addi %add3A_830, %scan3A_362 : i32
      %get3A_832 = arith.index_cast %add3A_831 : i32 to index
      %get3A_833 = arith.constant 240 : index
      %get3A_834 = tpu.vector_load %arg11[%get3A_832, %get3A_833] {strides = array<i32>} : memref<48x768xf32, #tpu.memory_space<vmem>>, vector<16xf32>,
      %slice3A_835 = vector.extract_strided_slice %get3A_369 {offsets = [15], sizes = [1], strides = [1]} : vector<16xf32> to vector<1xf32>
      %squeeze3A_836 = vector.extract %slice3A_835[0] : f32 from vector<1xf32>
      %mul3A_837 = vector.broadcast %squeeze3A_836 : f32 to vector<16xf32>
      %mul3A_838 = arith.mulf %get3A_834, %mul3A_837 : vector<16xf32>
      %add3A_839 = arith.addf %add3A_809, %mul3A_838 : vector<16xf32>
      %add3A_840 = arith.constant 0 : i32
      %add3A_841 = arith.addi %add3A_840, %scan3A_362 : i32
      %get3A_842 = arith.index_cast %add3A_841 : i32 to index
      %get3A_843 = arith.constant 496 : index
      %get3A_844 = tpu.vector_load %arg11[%get3A_842, %get3A_843] {strides = array<i32>} : memref<48x768xf32, #tpu.memory_space<vmem>>, vector<16xf32>,
      %slice3A_845 = vector.extract_strided_slice %get3A_375 {offsets = [15], sizes = [1], strides = [1]} : vector<16xf32> to vector<1xf32>
      %squeeze3A_846 = vector.extract %slice3A_845[0] : f32 from vector<1xf32>
      %mul3A_847 = vector.broadcast %squeeze3A_846 : f32 to vector<16xf32>
      %mul3A_848 = arith.mulf %get3A_844, %mul3A_847 : vector<16xf32>
      %add3A_849 = arith.addf %add3A_819, %mul3A_848 : vector<16xf32>
      %add3A_850 = arith.constant 0 : i32
      %add3A_851 = arith.addi %add3A_850, %scan3A_362 : i32
      %get3A_852 = arith.index_cast %add3A_851 : i32 to index
      %get3A_853 = arith.constant 752 : index
      %get3A_854 = tpu.vector_load %arg11[%get3A_852, %get3A_853] {strides = array<i32>} : memref<48x768xf32, #tpu.memory_space<vmem>>, vector<16xf32>,
      %slice3A_855 = vector.extract_strided_slice %get3A_381 {offsets = [15], sizes = [1], strides = [1]} : vector<16xf32> to vector<1xf32>
      %squeeze3A_856 = vector.extract %slice3A_855[0] : f32 from vector<1xf32>
      %mul3A_857 = vector.broadcast %squeeze3A_856 : f32 to vector<16xf32>
      %mul3A_858 = arith.mulf %get3A_854, %mul3A_857 : vector<16xf32>
      %add3A_859 = arith.addf %add3A_829, %mul3A_858 : vector<16xf32>
      scf.yield %add3A_839, %add3A_849, %add3A_859 : vector<16xf32>, vector<16xf32>, vector<16xf32>
    }
    %scan3A_50 = arith.constant 16 : i32
    %add3A = arith.addf %scan3A_49#0, %scan3A_49#1 : vector<16xf32>
    %add3A_51 = arith.addf %add3A, %scan3A_49#2 : vector<16xf32>
    %run_scoped3A_52 = arith.constant 1 : i32
    "tpu.region"() ({
      %run_scoped3A_362 = tpu.sem_alloc : memref<!tpu.dma_semaphore, #tpu.memory_space<semaphore_mem>>
      %dma_start3A_363 = arith.constant 0 : i32
      %dma_start3A_364 = tpu.memref_slice %arg4[%run_scoped3A_52, %dma_start3A_363] : memref<4x16xf32, #tpu.memory_space<hbm>> -> memref<1x16xf32, #tpu.memory_space<hbm>>
      %dma_start3A_365 = tpu.memref_squeeze %dma_start3A_364 : memref<1x16xf32, #tpu.memory_space<hbm>> -> memref<16xf32, #tpu.memory_space<hbm>>
      %dma_start3A_366 = arith.constant 0 : i32
      %dma_start3A_367 = tpu.memref_slice %arg4[%run_scoped3A_52, %dma_start3A_366] : memref<4x16xf32, #tpu.memory_space<hbm>> -> memref<1x16xf32, #tpu.memory_space<hbm>>
      %dma_start3A_368 = tpu.memref_squeeze %dma_start3A_367 : memref<1x16xf32, #tpu.memory_space<hbm>> -> memref<16xf32, #tpu.memory_space<hbm>>
      tpu.enqueue_dma source(%dma_start3A_368 : memref<16xf32, #tpu.memory_space<hbm>>) target(%arg10 : memref<16xf32, #tpu.memory_space<vmem>>) target_semaphore(%run_scoped3A_362 : memref<!tpu.dma_semaphore, #tpu.memory_space<semaphore_mem>>)
      %dma_wait3A_369 = arith.constant 0 : i32
      %dma_wait3A_370 = tpu.memref_slice %arg4[%run_scoped3A_52, %dma_wait3A_369] : memref<4x16xf32, #tpu.memory_space<hbm>> -> memref<1x16xf32, #tpu.memory_space<hbm>>
      %dma_wait3A_371 = tpu.memref_squeeze %dma_wait3A_370 : memref<1x16xf32, #tpu.memory_space<hbm>> -> memref<16xf32, #tpu.memory_space<hbm>>
      %dma_wait3A_372 = arith.constant 0 : i32
      %dma_wait3A_373 = tpu.memref_slice %arg4[%run_scoped3A_52, %dma_wait3A_372] : memref<4x16xf32, #tpu.memory_space<hbm>> -> memref<1x16xf32, #tpu.memory_space<hbm>>
      %dma_wait3A_374 = tpu.memref_squeeze %dma_wait3A_373 : memref<1x16xf32, #tpu.memory_space<hbm>> -> memref<16xf32, #tpu.memory_space<hbm>>
      tpu.wait_dma2 semaphore(%run_scoped3A_362 : memref<!tpu.dma_semaphore, #tpu.memory_space<semaphore_mem>>) src(%dma_wait3A_374 : memref<16xf32, #tpu.memory_space<hbm>>) dst(%arg10 : memref<16xf32, #tpu.memory_space<vmem>>)
      tpu.yield
    }) : () -> ()
    %dma_wait3A_53 = arith.constant 1 : i32
    %dma_wait3A_54 = arith.constant 16 : i32
    %dma_wait3A_55 = arith.constant 0 : i32
    %dma_wait3A_56 = tpu.memref_slice %arg11[%dma_wait3A_54, %dma_wait3A_55] : memref<48x768xf32, #tpu.memory_space<vmem>> -> memref<16x768xf32, #tpu.memory_space<vmem>>
    %dma_wait3A_57 = arith.constant 0 : i32
    %dma_wait3A_58 = arith.constant 0 : i32
    %dma_wait3A_59 = tpu.memref_slice %arg3[%dma_wait3A_53, %dma_wait3A_57, %dma_wait3A_58] : memref<4x16x768xf32, #tpu.memory_space<hbm>> -> memref<1x16x768xf32, #tpu.memory_space<hbm>>
    %dma_wait3A_60 = tpu.memref_squeeze %dma_wait3A_59 : memref<1x16x768xf32, #tpu.memory_space<hbm>> -> memref<16x768xf32, #tpu.memory_space<hbm>>
    %dma_wait3A_61 = arith.constant 16 : i32
    %dma_wait3A_62 = arith.constant 0 : i32
    %dma_wait3A_63 = tpu.memref_slice %arg11[%dma_wait3A_61, %dma_wait3A_62] : memref<48x768xf32, #tpu.memory_space<vmem>> -> memref<16x768xf32, #tpu.memory_space<vmem>>
    %dma_wait3A_64 = arith.constant 0 : i32
    %dma_wait3A_65 = arith.constant 0 : i32
    %dma_wait3A_66 = tpu.memref_slice %arg3[%dma_wait3A_53, %dma_wait3A_64, %dma_wait3A_65] : memref<4x16x768xf32, #tpu.memory_space<hbm>> -> memref<1x16x768xf32, #tpu.memory_space<hbm>>
    %dma_wait3A_67 = tpu.memref_squeeze %dma_wait3A_66 : memref<1x16x768xf32, #tpu.memory_space<hbm>> -> memref<16x768xf32, #tpu.memory_space<hbm>>
    tpu.wait_dma2 semaphore(%arg17 : memref<!tpu.dma_semaphore, #tpu.memory_space<semaphore_mem>>) src(%dma_wait3A_67 : memref<16x768xf32, #tpu.memory_space<hbm>>) dst(%dma_wait3A_63 : memref<16x768xf32, #tpu.memory_space<vmem>>)
    %dma_start3A_68 = arith.constant 2 : i32
    %dma_start3A_69 = arith.constant 0 : i32
    %dma_start3A_70 = arith.constant 0 : i32
    %dma_start3A_71 = tpu.memref_slice %arg11[%dma_start3A_69, %dma_start3A_70] : memref<48x768xf32, #tpu.memory_space<vmem>> -> memref<16x768xf32, #tpu.memory_space<vmem>>
    %dma_start3A_72 = arith.constant 0 : i32
    %dma_start3A_73 = arith.constant 0 : i32
    %dma_start3A_74 = tpu.memref_slice %arg3[%dma_start3A_68, %dma_start3A_72, %dma_start3A_73] : memref<4x16x768xf32, #tpu.memory_space<hbm>> -> memref<1x16x768xf32, #tpu.memory_space<hbm>>
    %dma_start3A_75 = tpu.memref_squeeze %dma_start3A_74 : memref<1x16x768xf32, #tpu.memory_space<hbm>> -> memref<16x768xf32, #tpu.memory_space<hbm>>
    %dma_start3A_76 = arith.constant 0 : i32
    %dma_start3A_77 = arith.constant 0 : i32
    %dma_start3A_78 = tpu.memref_slice %arg11[%dma_start3A_76, %dma_start3A_77] : memref<48x768xf32, #tpu.memory_space<vmem>> -> memref<16x768xf32, #tpu.memory_space<vmem>>
    %dma_start3A_79 = arith.constant 0 : i32
    %dma_start3A_80 = arith.constant 0 : i32
    %dma_start3A_81 = tpu.memref_slice %arg3[%dma_start3A_68, %dma_start3A_79, %dma_start3A_80] : memref<4x16x768xf32, #tpu.memory_space<hbm>> -> memref<1x16x768xf32, #tpu.memory_space<hbm>>
    %dma_start3A_82 = tpu.memref_squeeze %dma_start3A_81 : memref<1x16x768xf32, #tpu.memory_space<hbm>> -> memref<16x768xf32, #tpu.memory_space<hbm>>
    tpu.enqueue_dma source(%dma_start3A_82 : memref<16x768xf32, #tpu.memory_space<hbm>>) target(%dma_start3A_78 : memref<16x768xf32, #tpu.memory_space<vmem>>) target_semaphore(%arg16 : memref<!tpu.dma_semaphore, #tpu.memory_space<semaphore_mem>>)
    %broadcast_in_dim3A_83 = arith.constant 0.000000e+00 : f32
    %broadcast_in_dim3A_84 = vector.broadcast %broadcast_in_dim3A_83 : f32 to vector<16xf32>
    %get3A_85 = arith.constant 0 : index
    %get3A_86 = tpu.vector_load %arg10[%get3A_85] {strides = array<i32>} : memref<16xf32, #tpu.memory_space<vmem>>, vector<16xf32>,
    %scan3A_87 = arith.constant 0 : i32
    %scan3A_88 = arith.constant 16 : i32
    %scan3A_89 = arith.addi %scan3A_87, %scan3A_88 : i32
    %scan3A_90 = arith.constant 1 : i32
    %scan3A_91:3 = scf.for %scan3A_362 = %scan3A_87 to %scan3A_89 step %scan3A_90 iter_args(%scan3A_363 = %get3A_86, %scan3A_364 = %broadcast_in_dim3A_84, %scan3A_365 = %broadcast_in_dim3A_84) -> (vector<16xf32>, vector<16xf32>, vector<16xf32>)  : i32 {
      %mul3A_366 = arith.constant 48 : i32
      %mul3A_367 = arith.muli %scan3A_362, %mul3A_366 : i32
      %get3A_368 = arith.index_cast %mul3A_367 : i32 to index
      %get3A_369 = tpu.vector_load %arg9[%get3A_368] {strides = array<i32>} : memref<768xf32, #tpu.memory_space<vmem>>, vector<16xf32>,
      %mul3A_370 = arith.constant 48 : i32
      %mul3A_371 = arith.muli %scan3A_362, %mul3A_370 : i32
      %add3A_372 = arith.constant 16 : i32
      %add3A_373 = arith.addi %mul3A_371, %add3A_372 : i32
      %get3A_374 = arith.index_cast %add3A_373 : i32 to index
      %get3A_375 = tpu.vector_load %arg9[%get3A_374] {strides = array<i32>} : memref<768xf32, #tpu.memory_space<vmem>>, vector<16xf32>,
      %mul3A_376 = arith.constant 48 : i32
      %mul3A_377 = arith.muli %scan3A_362, %mul3A_376 : i32
      %add3A_378 = arith.constant 32 : i32
      %add3A_379 = arith.addi %mul3A_377, %add3A_378 : i32
      %get3A_380 = arith.index_cast %add3A_379 : i32 to index
      %get3A_381 = tpu.vector_load %arg9[%get3A_380] {strides = array<i32>} : memref<768xf32, #tpu.memory_space<vmem>>, vector<16xf32>,
      %add3A_382 = arith.constant 16 : i32
      %add3A_383 = arith.addi %add3A_382, %scan3A_362 : i32
      %get3A_384 = arith.index_cast %add3A_383 : i32 to index
      %get3A_385 = arith.constant 0 : index
      %get3A_386 = tpu.vector_load %arg11[%get3A_384, %get3A_385] {strides = array<i32>} : memref<48x768xf32, #tpu.memory_space<vmem>>, vector<16xf32>,
      %slice3A = vector.extract_strided_slice %get3A_369 {offsets = [0], sizes = [1], strides = [1]} : vector<16xf32> to vector<1xf32>
      %squeeze3A = vector.extract %slice3A[0] : f32 from vector<1xf32>
      %mul3A_387 = vector.broadcast %squeeze3A : f32 to vector<16xf32>
      %mul3A_388 = arith.mulf %get3A_386, %mul3A_387 : vector<16xf32>
      %add3A_389 = arith.addf %scan3A_363, %mul3A_388 : vector<16xf32>
      %add3A_390 = arith.constant 16 : i32
      %add3A_391 = arith.addi %add3A_390, %scan3A_362 : i32
      %get3A_392 = arith.index_cast %add3A_391 : i32 to index
      %get3A_393 = arith.constant 256 : index
      %get3A_394 = tpu.vector_load %arg11[%get3A_392, %get3A_393] {strides = array<i32>} : memref<48x768xf32, #tpu.memory_space<vmem>>, vector<16xf32>,
      %slice3A_395 = vector.extract_strided_slice %get3A_375 {offsets = [0], sizes = [1], strides = [1]} : vector<16xf32> to vector<1xf32>
      %squeeze3A_396 = vector.extract %slice3A_395[0] : f32 from vector<1xf32>
      %mul3A_397 = vector.broadcast %squeeze3A_396 : f32 to vector<16xf32>
      %mul3A_398 = arith.mulf %get3A_394, %mul3A_397 : vector<16xf32>
      %add3A_399 = arith.addf %scan3A_364, %mul3A_398 : vector<16xf32>
      %add3A_400 = arith.constant 16 : i32
      %add3A_401 = arith.addi %add3A_400, %scan3A_362 : i32
      %get3A_402 = arith.index_cast %add3A_401 : i32 to index
      %get3A_403 = arith.constant 512 : index
      %get3A_404 = tpu.vector_load %arg11[%get3A_402, %get3A_403] {strides = array<i32>} : memref<48x768xf32, #tpu.memory_space<vmem>>, vector<16xf32>,
      %slice3A_405 = vector.extract_strided_slice %get3A_381 {offsets = [0], sizes = [1], strides = [1]} : vector<16xf32> to vector<1xf32>
      %squeeze3A_406 = vector.extract %slice3A_405[0] : f32 from vector<1xf32>
      %mul3A_407 = vector.broadcast %squeeze3A_406 : f32 to vector<16xf32>
      %mul3A_408 = arith.mulf %get3A_404, %mul3A_407 : vector<16xf32>
      %add3A_409 = arith.addf %scan3A_365, %mul3A_408 : vector<16xf32>
      %add3A_410 = arith.constant 16 : i32
      %add3A_411 = arith.addi %add3A_410, %scan3A_362 : i32
      %get3A_412 = arith.index_cast %add3A_411 : i32 to index
      %get3A_413 = arith.constant 16 : index
      %get3A_414 = tpu.vector_load %arg11[%get3A_412, %get3A_413] {strides = array<i32>} : memref<48x768xf32, #tpu.memory_space<vmem>>, vector<16xf32>,
      %slice3A_415 = vector.extract_strided_slice %get3A_369 {offsets = [1], sizes = [1], strides = [1]} : vector<16xf32> to vector<1xf32>
      %squeeze3A_416 = vector.extract %slice3A_415[0] : f32 from vector<1xf32>
      %mul3A_417 = vector.broadcast %squeeze3A_416 : f32 to vector<16xf32>
      %mul3A_418 = arith.mulf %get3A_414, %mul3A_417 : vector<16xf32>
      %add3A_419 = arith.addf %add3A_389, %mul3A_418 : vector<16xf32>
      %add3A_420 = arith.constant 16 : i32
      %add3A_421 = arith.addi %add3A_420, %scan3A_362 : i32
      %get3A_422 = arith.index_cast %add3A_421 : i32 to index
      %get3A_423 = arith.constant 272 : index
      %get3A_424 = tpu.vector_load %arg11[%get3A_422, %get3A_423] {strides = array<i32>} : memref<48x768xf32, #tpu.memory_space<vmem>>, vector<16xf32>,
      %slice3A_425 = vector.extract_strided_slice %get3A_375 {offsets = [1], sizes = [1], strides = [1]} : vector<16xf32> to vector<1xf32>
      %squeeze3A_426 = vector.extract %slice3A_425[0] : f32 from vector<1xf32>
      %mul3A_427 = vector.broadcast %squeeze3A_426 : f32 to vector<16xf32>
      %mul3A_428 = arith.mulf %get3A_424, %mul3A_427 : vector<16xf32>
      %add3A_429 = arith.addf %add3A_399, %mul3A_428 : vector<16xf32>
      %add3A_430 = arith.constant 16 : i32
      %add3A_431 = arith.addi %add3A_430, %scan3A_362 : i32
      %get3A_432 = arith.index_cast %add3A_431 : i32 to index
      %get3A_433 = arith.constant 528 : index
      %get3A_434 = tpu.vector_load %arg11[%get3A_432, %get3A_433] {strides = array<i32>} : memref<48x768xf32, #tpu.memory_space<vmem>>, vector<16xf32>,
      %slice3A_435 = vector.extract_strided_slice %get3A_381 {offsets = [1], sizes = [1], strides = [1]} : vector<16xf32> to vector<1xf32>
      %squeeze3A_436 = vector.extract %slice3A_435[0] : f32 from vector<1xf32>
      %mul3A_437 = vector.broadcast %squeeze3A_436 : f32 to vector<16xf32>
      %mul3A_438 = arith.mulf %get3A_434, %mul3A_437 : vector<16xf32>
      %add3A_439 = arith.addf %add3A_409, %mul3A_438 : vector<16xf32>
      %add3A_440 = arith.constant 16 : i32
      %add3A_441 = arith.addi %add3A_440, %scan3A_362 : i32
      %get3A_442 = arith.index_cast %add3A_441 : i32 to index
      %get3A_443 = arith.constant 32 : index
      %get3A_444 = tpu.vector_load %arg11[%get3A_442, %get3A_443] {strides = array<i32>} : memref<48x768xf32, #tpu.memory_space<vmem>>, vector<16xf32>,
      %slice3A_445 = vector.extract_strided_slice %get3A_369 {offsets = [2], sizes = [1], strides = [1]} : vector<16xf32> to vector<1xf32>
      %squeeze3A_446 = vector.extract %slice3A_445[0] : f32 from vector<1xf32>
      %mul3A_447 = vector.broadcast %squeeze3A_446 : f32 to vector<16xf32>
      %mul3A_448 = arith.mulf %get3A_444, %mul3A_447 : vector<16xf32>
      %add3A_449 = arith.addf %add3A_419, %mul3A_448 : vector<16xf32>
      %add3A_450 = arith.constant 16 : i32
      %add3A_451 = arith.addi %add3A_450, %scan3A_362 : i32
      %get3A_452 = arith.index_cast %add3A_451 : i32 to index
      %get3A_453 = arith.constant 288 : index
      %get3A_454 = tpu.vector_load %arg11[%get3A_452, %get3A_453] {strides = array<i32>} : memref<48x768xf32, #tpu.memory_space<vmem>>, vector<16xf32>,
      %slice3A_455 = vector.extract_strided_slice %get3A_375 {offsets = [2], sizes = [1], strides = [1]} : vector<16xf32> to vector<1xf32>
      %squeeze3A_456 = vector.extract %slice3A_455[0] : f32 from vector<1xf32>
      %mul3A_457 = vector.broadcast %squeeze3A_456 : f32 to vector<16xf32>
      %mul3A_458 = arith.mulf %get3A_454, %mul3A_457 : vector<16xf32>
      %add3A_459 = arith.addf %add3A_429, %mul3A_458 : vector<16xf32>
      %add3A_460 = arith.constant 16 : i32
      %add3A_461 = arith.addi %add3A_460, %scan3A_362 : i32
      %get3A_462 = arith.index_cast %add3A_461 : i32 to index
      %get3A_463 = arith.constant 544 : index
      %get3A_464 = tpu.vector_load %arg11[%get3A_462, %get3A_463] {strides = array<i32>} : memref<48x768xf32, #tpu.memory_space<vmem>>, vector<16xf32>,
      %slice3A_465 = vector.extract_strided_slice %get3A_381 {offsets = [2], sizes = [1], strides = [1]} : vector<16xf32> to vector<1xf32>
      %squeeze3A_466 = vector.extract %slice3A_465[0] : f32 from vector<1xf32>
      %mul3A_467 = vector.broadcast %squeeze3A_466 : f32 to vector<16xf32>
      %mul3A_468 = arith.mulf %get3A_464, %mul3A_467 : vector<16xf32>
      %add3A_469 = arith.addf %add3A_439, %mul3A_468 : vector<16xf32>
      %add3A_470 = arith.constant 16 : i32
      %add3A_471 = arith.addi %add3A_470, %scan3A_362 : i32
      %get3A_472 = arith.index_cast %add3A_471 : i32 to index
      %get3A_473 = arith.constant 48 : index
      %get3A_474 = tpu.vector_load %arg11[%get3A_472, %get3A_473] {strides = array<i32>} : memref<48x768xf32, #tpu.memory_space<vmem>>, vector<16xf32>,
      %slice3A_475 = vector.extract_strided_slice %get3A_369 {offsets = [3], sizes = [1], strides = [1]} : vector<16xf32> to vector<1xf32>
      %squeeze3A_476 = vector.extract %slice3A_475[0] : f32 from vector<1xf32>
      %mul3A_477 = vector.broadcast %squeeze3A_476 : f32 to vector<16xf32>
      %mul3A_478 = arith.mulf %get3A_474, %mul3A_477 : vector<16xf32>
      %add3A_479 = arith.addf %add3A_449, %mul3A_478 : vector<16xf32>
      %add3A_480 = arith.constant 16 : i32
      %add3A_481 = arith.addi %add3A_480, %scan3A_362 : i32
      %get3A_482 = arith.index_cast %add3A_481 : i32 to index
      %get3A_483 = arith.constant 304 : index
      %get3A_484 = tpu.vector_load %arg11[%get3A_482, %get3A_483] {strides = array<i32>} : memref<48x768xf32, #tpu.memory_space<vmem>>, vector<16xf32>,
      %slice3A_485 = vector.extract_strided_slice %get3A_375 {offsets = [3], sizes = [1], strides = [1]} : vector<16xf32> to vector<1xf32>
      %squeeze3A_486 = vector.extract %slice3A_485[0] : f32 from vector<1xf32>
      %mul3A_487 = vector.broadcast %squeeze3A_486 : f32 to vector<16xf32>
      %mul3A_488 = arith.mulf %get3A_484, %mul3A_487 : vector<16xf32>
      %add3A_489 = arith.addf %add3A_459, %mul3A_488 : vector<16xf32>
      %add3A_490 = arith.constant 16 : i32
      %add3A_491 = arith.addi %add3A_490, %scan3A_362 : i32
      %get3A_492 = arith.index_cast %add3A_491 : i32 to index
      %get3A_493 = arith.constant 560 : index
      %get3A_494 = tpu.vector_load %arg11[%get3A_492, %get3A_493] {strides = array<i32>} : memref<48x768xf32, #tpu.memory_space<vmem>>, vector<16xf32>,
      %slice3A_495 = vector.extract_strided_slice %get3A_381 {offsets = [3], sizes = [1], strides = [1]} : vector<16xf32> to vector<1xf32>
      %squeeze3A_496 = vector.extract %slice3A_495[0] : f32 from vector<1xf32>
      %mul3A_497 = vector.broadcast %squeeze3A_496 : f32 to vector<16xf32>
      %mul3A_498 = arith.mulf %get3A_494, %mul3A_497 : vector<16xf32>
      %add3A_499 = arith.addf %add3A_469, %mul3A_498 : vector<16xf32>
      %add3A_500 = arith.constant 16 : i32
      %add3A_501 = arith.addi %add3A_500, %scan3A_362 : i32
      %get3A_502 = arith.index_cast %add3A_501 : i32 to index
      %get3A_503 = arith.constant 64 : index
      %get3A_504 = tpu.vector_load %arg11[%get3A_502, %get3A_503] {strides = array<i32>} : memref<48x768xf32, #tpu.memory_space<vmem>>, vector<16xf32>,
      %slice3A_505 = vector.extract_strided_slice %get3A_369 {offsets = [4], sizes = [1], strides = [1]} : vector<16xf32> to vector<1xf32>
      %squeeze3A_506 = vector.extract %slice3A_505[0] : f32 from vector<1xf32>
      %mul3A_507 = vector.broadcast %squeeze3A_506 : f32 to vector<16xf32>
      %mul3A_508 = arith.mulf %get3A_504, %mul3A_507 : vector<16xf32>
      %add3A_509 = arith.addf %add3A_479, %mul3A_508 : vector<16xf32>
      %add3A_510 = arith.constant 16 : i32
      %add3A_511 = arith.addi %add3A_510, %scan3A_362 : i32
      %get3A_512 = arith.index_cast %add3A_511 : i32 to index
      %get3A_513 = arith.constant 320 : index
      %get3A_514 = tpu.vector_load %arg11[%get3A_512, %get3A_513] {strides = array<i32>} : memref<48x768xf32, #tpu.memory_space<vmem>>, vector<16xf32>,
      %slice3A_515 = vector.extract_strided_slice %get3A_375 {offsets = [4], sizes = [1], strides = [1]} : vector<16xf32> to vector<1xf32>
      %squeeze3A_516 = vector.extract %slice3A_515[0] : f32 from vector<1xf32>
      %mul3A_517 = vector.broadcast %squeeze3A_516 : f32 to vector<16xf32>
      %mul3A_518 = arith.mulf %get3A_514, %mul3A_517 : vector<16xf32>
      %add3A_519 = arith.addf %add3A_489, %mul3A_518 : vector<16xf32>
      %add3A_520 = arith.constant 16 : i32
      %add3A_521 = arith.addi %add3A_520, %scan3A_362 : i32
      %get3A_522 = arith.index_cast %add3A_521 : i32 to index
      %get3A_523 = arith.constant 576 : index
      %get3A_524 = tpu.vector_load %arg11[%get3A_522, %get3A_523] {strides = array<i32>} : memref<48x768xf32, #tpu.memory_space<vmem>>, vector<16xf32>,
      %slice3A_525 = vector.extract_strided_slice %get3A_381 {offsets = [4], sizes = [1], strides = [1]} : vector<16xf32> to vector<1xf32>
      %squeeze3A_526 = vector.extract %slice3A_525[0] : f32 from vector<1xf32>
      %mul3A_527 = vector.broadcast %squeeze3A_526 : f32 to vector<16xf32>
      %mul3A_528 = arith.mulf %get3A_524, %mul3A_527 : vector<16xf32>
      %add3A_529 = arith.addf %add3A_499, %mul3A_528 : vector<16xf32>
      %add3A_530 = arith.constant 16 : i32
      %add3A_531 = arith.addi %add3A_530, %scan3A_362 : i32
      %get3A_532 = arith.index_cast %add3A_531 : i32 to index
      %get3A_533 = arith.constant 80 : index
      %get3A_534 = tpu.vector_load %arg11[%get3A_532, %get3A_533] {strides = array<i32>} : memref<48x768xf32, #tpu.memory_space<vmem>>, vector<16xf32>,
      %slice3A_535 = vector.extract_strided_slice %get3A_369 {offsets = [5], sizes = [1], strides = [1]} : vector<16xf32> to vector<1xf32>
      %squeeze3A_536 = vector.extract %slice3A_535[0] : f32 from vector<1xf32>
      %mul3A_537 = vector.broadcast %squeeze3A_536 : f32 to vector<16xf32>
      %mul3A_538 = arith.mulf %get3A_534, %mul3A_537 : vector<16xf32>
      %add3A_539 = arith.addf %add3A_509, %mul3A_538 : vector<16xf32>
      %add3A_540 = arith.constant 16 : i32
      %add3A_541 = arith.addi %add3A_540, %scan3A_362 : i32
      %get3A_542 = arith.index_cast %add3A_541 : i32 to index
      %get3A_543 = arith.constant 336 : index
      %get3A_544 = tpu.vector_load %arg11[%get3A_542, %get3A_543] {strides = array<i32>} : memref<48x768xf32, #tpu.memory_space<vmem>>, vector<16xf32>,
      %slice3A_545 = vector.extract_strided_slice %get3A_375 {offsets = [5], sizes = [1], strides = [1]} : vector<16xf32> to vector<1xf32>
      %squeeze3A_546 = vector.extract %slice3A_545[0] : f32 from vector<1xf32>
      %mul3A_547 = vector.broadcast %squeeze3A_546 : f32 to vector<16xf32>
      %mul3A_548 = arith.mulf %get3A_544, %mul3A_547 : vector<16xf32>
      %add3A_549 = arith.addf %add3A_519, %mul3A_548 : vector<16xf32>
      %add3A_550 = arith.constant 16 : i32
      %add3A_551 = arith.addi %add3A_550, %scan3A_362 : i32
      %get3A_552 = arith.index_cast %add3A_551 : i32 to index
      %get3A_553 = arith.constant 592 : index
      %get3A_554 = tpu.vector_load %arg11[%get3A_552, %get3A_553] {strides = array<i32>} : memref<48x768xf32, #tpu.memory_space<vmem>>, vector<16xf32>,
      %slice3A_555 = vector.extract_strided_slice %get3A_381 {offsets = [5], sizes = [1], strides = [1]} : vector<16xf32> to vector<1xf32>
      %squeeze3A_556 = vector.extract %slice3A_555[0] : f32 from vector<1xf32>
      %mul3A_557 = vector.broadcast %squeeze3A_556 : f32 to vector<16xf32>
      %mul3A_558 = arith.mulf %get3A_554, %mul3A_557 : vector<16xf32>
      %add3A_559 = arith.addf %add3A_529, %mul3A_558 : vector<16xf32>
      %add3A_560 = arith.constant 16 : i32
      %add3A_561 = arith.addi %add3A_560, %scan3A_362 : i32
      %get3A_562 = arith.index_cast %add3A_561 : i32 to index
      %get3A_563 = arith.constant 96 : index
      %get3A_564 = tpu.vector_load %arg11[%get3A_562, %get3A_563] {strides = array<i32>} : memref<48x768xf32, #tpu.memory_space<vmem>>, vector<16xf32>,
      %slice3A_565 = vector.extract_strided_slice %get3A_369 {offsets = [6], sizes = [1], strides = [1]} : vector<16xf32> to vector<1xf32>
      %squeeze3A_566 = vector.extract %slice3A_565[0] : f32 from vector<1xf32>
      %mul3A_567 = vector.broadcast %squeeze3A_566 : f32 to vector<16xf32>
      %mul3A_568 = arith.mulf %get3A_564, %mul3A_567 : vector<16xf32>
      %add3A_569 = arith.addf %add3A_539, %mul3A_568 : vector<16xf32>
      %add3A_570 = arith.constant 16 : i32
      %add3A_571 = arith.addi %add3A_570, %scan3A_362 : i32
      %get3A_572 = arith.index_cast %add3A_571 : i32 to index
      %get3A_573 = arith.constant 352 : index
      %get3A_574 = tpu.vector_load %arg11[%get3A_572, %get3A_573] {strides = array<i32>} : memref<48x768xf32, #tpu.memory_space<vmem>>, vector<16xf32>,
      %slice3A_575 = vector.extract_strided_slice %get3A_375 {offsets = [6], sizes = [1], strides = [1]} : vector<16xf32> to vector<1xf32>
      %squeeze3A_576 = vector.extract %slice3A_575[0] : f32 from vector<1xf32>
      %mul3A_577 = vector.broadcast %squeeze3A_576 : f32 to vector<16xf32>
      %mul3A_578 = arith.mulf %get3A_574, %mul3A_577 : vector<16xf32>
      %add3A_579 = arith.addf %add3A_549, %mul3A_578 : vector<16xf32>
      %add3A_580 = arith.constant 16 : i32
      %add3A_581 = arith.addi %add3A_580, %scan3A_362 : i32
      %get3A_582 = arith.index_cast %add3A_581 : i32 to index
      %get3A_583 = arith.constant 608 : index
      %get3A_584 = tpu.vector_load %arg11[%get3A_582, %get3A_583] {strides = array<i32>} : memref<48x768xf32, #tpu.memory_space<vmem>>, vector<16xf32>,
      %slice3A_585 = vector.extract_strided_slice %get3A_381 {offsets = [6], sizes = [1], strides = [1]} : vector<16xf32> to vector<1xf32>
      %squeeze3A_586 = vector.extract %slice3A_585[0] : f32 from vector<1xf32>
      %mul3A_587 = vector.broadcast %squeeze3A_586 : f32 to vector<16xf32>
      %mul3A_588 = arith.mulf %get3A_584, %mul3A_587 : vector<16xf32>
      %add3A_589 = arith.addf %add3A_559, %mul3A_588 : vector<16xf32>
      %add3A_590 = arith.constant 16 : i32
      %add3A_591 = arith.addi %add3A_590, %scan3A_362 : i32
      %get3A_592 = arith.index_cast %add3A_591 : i32 to index
      %get3A_593 = arith.constant 112 : index
      %get3A_594 = tpu.vector_load %arg11[%get3A_592, %get3A_593] {strides = array<i32>} : memref<48x768xf32, #tpu.memory_space<vmem>>, vector<16xf32>,
      %slice3A_595 = vector.extract_strided_slice %get3A_369 {offsets = [7], sizes = [1], strides = [1]} : vector<16xf32> to vector<1xf32>
      %squeeze3A_596 = vector.extract %slice3A_595[0] : f32 from vector<1xf32>
      %mul3A_597 = vector.broadcast %squeeze3A_596 : f32 to vector<16xf32>
      %mul3A_598 = arith.mulf %get3A_594, %mul3A_597 : vector<16xf32>
      %add3A_599 = arith.addf %add3A_569, %mul3A_598 : vector<16xf32>
      %add3A_600 = arith.constant 16 : i32
      %add3A_601 = arith.addi %add3A_600, %scan3A_362 : i32
      %get3A_602 = arith.index_cast %add3A_601 : i32 to index
      %get3A_603 = arith.constant 368 : index
      %get3A_604 = tpu.vector_load %arg11[%get3A_602, %get3A_603] {strides = array<i32>} : memref<48x768xf32, #tpu.memory_space<vmem>>, vector<16xf32>,
      %slice3A_605 = vector.extract_strided_slice %get3A_375 {offsets = [7], sizes = [1], strides = [1]} : vector<16xf32> to vector<1xf32>
      %squeeze3A_606 = vector.extract %slice3A_605[0] : f32 from vector<1xf32>
      %mul3A_607 = vector.broadcast %squeeze3A_606 : f32 to vector<16xf32>
      %mul3A_608 = arith.mulf %get3A_604, %mul3A_607 : vector<16xf32>
      %add3A_609 = arith.addf %add3A_579, %mul3A_608 : vector<16xf32>
      %add3A_610 = arith.constant 16 : i32
      %add3A_611 = arith.addi %add3A_610, %scan3A_362 : i32
      %get3A_612 = arith.index_cast %add3A_611 : i32 to index
      %get3A_613 = arith.constant 624 : index
      %get3A_614 = tpu.vector_load %arg11[%get3A_612, %get3A_613] {strides = array<i32>} : memref<48x768xf32, #tpu.memory_space<vmem>>, vector<16xf32>,
      %slice3A_615 = vector.extract_strided_slice %get3A_381 {offsets = [7], sizes = [1], strides = [1]} : vector<16xf32> to vector<1xf32>
      %squeeze3A_616 = vector.extract %slice3A_615[0] : f32 from vector<1xf32>
      %mul3A_617 = vector.broadcast %squeeze3A_616 : f32 to vector<16xf32>
      %mul3A_618 = arith.mulf %get3A_614, %mul3A_617 : vector<16xf32>
      %add3A_619 = arith.addf %add3A_589, %mul3A_618 : vector<16xf32>
      %add3A_620 = arith.constant 16 : i32
      %add3A_621 = arith.addi %add3A_620, %scan3A_362 : i32
      %get3A_622 = arith.index_cast %add3A_621 : i32 to index
      %get3A_623 = arith.constant 128 : index
      %get3A_624 = tpu.vector_load %arg11[%get3A_622, %get3A_623] {strides = array<i32>} : memref<48x768xf32, #tpu.memory_space<vmem>>, vector<16xf32>,
      %slice3A_625 = vector.extract_strided_slice %get3A_369 {offsets = [8], sizes = [1], strides = [1]} : vector<16xf32> to vector<1xf32>
      %squeeze3A_626 = vector.extract %slice3A_625[0] : f32 from vector<1xf32>
      %mul3A_627 = vector.broadcast %squeeze3A_626 : f32 to vector<16xf32>
      %mul3A_628 = arith.mulf %get3A_624, %mul3A_627 : vector<16xf32>
      %add3A_629 = arith.addf %add3A_599, %mul3A_628 : vector<16xf32>
      %add3A_630 = arith.constant 16 : i32
      %add3A_631 = arith.addi %add3A_630, %scan3A_362 : i32
      %get3A_632 = arith.index_cast %add3A_631 : i32 to index
      %get3A_633 = arith.constant 384 : index
      %get3A_634 = tpu.vector_load %arg11[%get3A_632, %get3A_633] {strides = array<i32>} : memref<48x768xf32, #tpu.memory_space<vmem>>, vector<16xf32>,
      %slice3A_635 = vector.extract_strided_slice %get3A_375 {offsets = [8], sizes = [1], strides = [1]} : vector<16xf32> to vector<1xf32>
      %squeeze3A_636 = vector.extract %slice3A_635[0] : f32 from vector<1xf32>
      %mul3A_637 = vector.broadcast %squeeze3A_636 : f32 to vector<16xf32>
      %mul3A_638 = arith.mulf %get3A_634, %mul3A_637 : vector<16xf32>
      %add3A_639 = arith.addf %add3A_609, %mul3A_638 : vector<16xf32>
      %add3A_640 = arith.constant 16 : i32
      %add3A_641 = arith.addi %add3A_640, %scan3A_362 : i32
      %get3A_642 = arith.index_cast %add3A_641 : i32 to index
      %get3A_643 = arith.constant 640 : index
      %get3A_644 = tpu.vector_load %arg11[%get3A_642, %get3A_643] {strides = array<i32>} : memref<48x768xf32, #tpu.memory_space<vmem>>, vector<16xf32>,
      %slice3A_645 = vector.extract_strided_slice %get3A_381 {offsets = [8], sizes = [1], strides = [1]} : vector<16xf32> to vector<1xf32>
      %squeeze3A_646 = vector.extract %slice3A_645[0] : f32 from vector<1xf32>
      %mul3A_647 = vector.broadcast %squeeze3A_646 : f32 to vector<16xf32>
      %mul3A_648 = arith.mulf %get3A_644, %mul3A_647 : vector<16xf32>
      %add3A_649 = arith.addf %add3A_619, %mul3A_648 : vector<16xf32>
      %add3A_650 = arith.constant 16 : i32
      %add3A_651 = arith.addi %add3A_650, %scan3A_362 : i32
      %get3A_652 = arith.index_cast %add3A_651 : i32 to index
      %get3A_653 = arith.constant 144 : index
      %get3A_654 = tpu.vector_load %arg11[%get3A_652, %get3A_653] {strides = array<i32>} : memref<48x768xf32, #tpu.memory_space<vmem>>, vector<16xf32>,
      %slice3A_655 = vector.extract_strided_slice %get3A_369 {offsets = [9], sizes = [1], strides = [1]} : vector<16xf32> to vector<1xf32>
      %squeeze3A_656 = vector.extract %slice3A_655[0] : f32 from vector<1xf32>
      %mul3A_657 = vector.broadcast %squeeze3A_656 : f32 to vector<16xf32>
      %mul3A_658 = arith.mulf %get3A_654, %mul3A_657 : vector<16xf32>
      %add3A_659 = arith.addf %add3A_629, %mul3A_658 : vector<16xf32>
      %add3A_660 = arith.constant 16 : i32
      %add3A_661 = arith.addi %add3A_660, %scan3A_362 : i32
      %get3A_662 = arith.index_cast %add3A_661 : i32 to index
      %get3A_663 = arith.constant 400 : index
      %get3A_664 = tpu.vector_load %arg11[%get3A_662, %get3A_663] {strides = array<i32>} : memref<48x768xf32, #tpu.memory_space<vmem>>, vector<16xf32>,
      %slice3A_665 = vector.extract_strided_slice %get3A_375 {offsets = [9], sizes = [1], strides = [1]} : vector<16xf32> to vector<1xf32>
      %squeeze3A_666 = vector.extract %slice3A_665[0] : f32 from vector<1xf32>
      %mul3A_667 = vector.broadcast %squeeze3A_666 : f32 to vector<16xf32>
      %mul3A_668 = arith.mulf %get3A_664, %mul3A_667 : vector<16xf32>
      %add3A_669 = arith.addf %add3A_639, %mul3A_668 : vector<16xf32>
      %add3A_670 = arith.constant 16 : i32
      %add3A_671 = arith.addi %add3A_670, %scan3A_362 : i32
      %get3A_672 = arith.index_cast %add3A_671 : i32 to index
      %get3A_673 = arith.constant 656 : index
      %get3A_674 = tpu.vector_load %arg11[%get3A_672, %get3A_673] {strides = array<i32>} : memref<48x768xf32, #tpu.memory_space<vmem>>, vector<16xf32>,
      %slice3A_675 = vector.extract_strided_slice %get3A_381 {offsets = [9], sizes = [1], strides = [1]} : vector<16xf32> to vector<1xf32>
      %squeeze3A_676 = vector.extract %slice3A_675[0] : f32 from vector<1xf32>
      %mul3A_677 = vector.broadcast %squeeze3A_676 : f32 to vector<16xf32>
      %mul3A_678 = arith.mulf %get3A_674, %mul3A_677 : vector<16xf32>
      %add3A_679 = arith.addf %add3A_649, %mul3A_678 : vector<16xf32>
      %add3A_680 = arith.constant 16 : i32
      %add3A_681 = arith.addi %add3A_680, %scan3A_362 : i32
      %get3A_682 = arith.index_cast %add3A_681 : i32 to index
      %get3A_683 = arith.constant 160 : index
      %get3A_684 = tpu.vector_load %arg11[%get3A_682, %get3A_683] {strides = array<i32>} : memref<48x768xf32, #tpu.memory_space<vmem>>, vector<16xf32>,
      %slice3A_685 = vector.extract_strided_slice %get3A_369 {offsets = [10], sizes = [1], strides = [1]} : vector<16xf32> to vector<1xf32>
      %squeeze3A_686 = vector.extract %slice3A_685[0] : f32 from vector<1xf32>
      %mul3A_687 = vector.broadcast %squeeze3A_686 : f32 to vector<16xf32>
      %mul3A_688 = arith.mulf %get3A_684, %mul3A_687 : vector<16xf32>
      %add3A_689 = arith.addf %add3A_659, %mul3A_688 : vector<16xf32>
      %add3A_690 = arith.constant 16 : i32
      %add3A_691 = arith.addi %add3A_690, %scan3A_362 : i32
      %get3A_692 = arith.index_cast %add3A_691 : i32 to index
      %get3A_693 = arith.constant 416 : index
      %get3A_694 = tpu.vector_load %arg11[%get3A_692, %get3A_693] {strides = array<i32>} : memref<48x768xf32, #tpu.memory_space<vmem>>, vector<16xf32>,
      %slice3A_695 = vector.extract_strided_slice %get3A_375 {offsets = [10], sizes = [1], strides = [1]} : vector<16xf32> to vector<1xf32>
      %squeeze3A_696 = vector.extract %slice3A_695[0] : f32 from vector<1xf32>
      %mul3A_697 = vector.broadcast %squeeze3A_696 : f32 to vector<16xf32>
      %mul3A_698 = arith.mulf %get3A_694, %mul3A_697 : vector<16xf32>
      %add3A_699 = arith.addf %add3A_669, %mul3A_698 : vector<16xf32>
      %add3A_700 = arith.constant 16 : i32
      %add3A_701 = arith.addi %add3A_700, %scan3A_362 : i32
      %get3A_702 = arith.index_cast %add3A_701 : i32 to index
      %get3A_703 = arith.constant 672 : index
      %get3A_704 = tpu.vector_load %arg11[%get3A_702, %get3A_703] {strides = array<i32>} : memref<48x768xf32, #tpu.memory_space<vmem>>, vector<16xf32>,
      %slice3A_705 = vector.extract_strided_slice %get3A_381 {offsets = [10], sizes = [1], strides = [1]} : vector<16xf32> to vector<1xf32>
      %squeeze3A_706 = vector.extract %slice3A_705[0] : f32 from vector<1xf32>
      %mul3A_707 = vector.broadcast %squeeze3A_706 : f32 to vector<16xf32>
      %mul3A_708 = arith.mulf %get3A_704, %mul3A_707 : vector<16xf32>
      %add3A_709 = arith.addf %add3A_679, %mul3A_708 : vector<16xf32>
      %add3A_710 = arith.constant 16 : i32
      %add3A_711 = arith.addi %add3A_710, %scan3A_362 : i32
      %get3A_712 = arith.index_cast %add3A_711 : i32 to index
      %get3A_713 = arith.constant 176 : index
      %get3A_714 = tpu.vector_load %arg11[%get3A_712, %get3A_713] {strides = array<i32>} : memref<48x768xf32, #tpu.memory_space<vmem>>, vector<16xf32>,
      %slice3A_715 = vector.extract_strided_slice %get3A_369 {offsets = [11], sizes = [1], strides = [1]} : vector<16xf32> to vector<1xf32>
      %squeeze3A_716 = vector.extract %slice3A_715[0] : f32 from vector<1xf32>
      %mul3A_717 = vector.broadcast %squeeze3A_716 : f32 to vector<16xf32>
      %mul3A_718 = arith.mulf %get3A_714, %mul3A_717 : vector<16xf32>
      %add3A_719 = arith.addf %add3A_689, %mul3A_718 : vector<16xf32>
      %add3A_720 = arith.constant 16 : i32
      %add3A_721 = arith.addi %add3A_720, %scan3A_362 : i32
      %get3A_722 = arith.index_cast %add3A_721 : i32 to index
      %get3A_723 = arith.constant 432 : index
      %get3A_724 = tpu.vector_load %arg11[%get3A_722, %get3A_723] {strides = array<i32>} : memref<48x768xf32, #tpu.memory_space<vmem>>, vector<16xf32>,
      %slice3A_725 = vector.extract_strided_slice %get3A_375 {offsets = [11], sizes = [1], strides = [1]} : vector<16xf32> to vector<1xf32>
      %squeeze3A_726 = vector.extract %slice3A_725[0] : f32 from vector<1xf32>
      %mul3A_727 = vector.broadcast %squeeze3A_726 : f32 to vector<16xf32>
      %mul3A_728 = arith.mulf %get3A_724, %mul3A_727 : vector<16xf32>
      %add3A_729 = arith.addf %add3A_699, %mul3A_728 : vector<16xf32>
      %add3A_730 = arith.constant 16 : i32
      %add3A_731 = arith.addi %add3A_730, %scan3A_362 : i32
      %get3A_732 = arith.index_cast %add3A_731 : i32 to index
      %get3A_733 = arith.constant 688 : index
      %get3A_734 = tpu.vector_load %arg11[%get3A_732, %get3A_733] {strides = array<i32>} : memref<48x768xf32, #tpu.memory_space<vmem>>, vector<16xf32>,
      %slice3A_735 = vector.extract_strided_slice %get3A_381 {offsets = [11], sizes = [1], strides = [1]} : vector<16xf32> to vector<1xf32>
      %squeeze3A_736 = vector.extract %slice3A_735[0] : f32 from vector<1xf32>
      %mul3A_737 = vector.broadcast %squeeze3A_736 : f32 to vector<16xf32>
      %mul3A_738 = arith.mulf %get3A_734, %mul3A_737 : vector<16xf32>
      %add3A_739 = arith.addf %add3A_709, %mul3A_738 : vector<16xf32>
      %add3A_740 = arith.constant 16 : i32
      %add3A_741 = arith.addi %add3A_740, %scan3A_362 : i32
      %get3A_742 = arith.index_cast %add3A_741 : i32 to index
      %get3A_743 = arith.constant 192 : index
      %get3A_744 = tpu.vector_load %arg11[%get3A_742, %get3A_743] {strides = array<i32>} : memref<48x768xf32, #tpu.memory_space<vmem>>, vector<16xf32>,
      %slice3A_745 = vector.extract_strided_slice %get3A_369 {offsets = [12], sizes = [1], strides = [1]} : vector<16xf32> to vector<1xf32>
      %squeeze3A_746 = vector.extract %slice3A_745[0] : f32 from vector<1xf32>
      %mul3A_747 = vector.broadcast %squeeze3A_746 : f32 to vector<16xf32>
      %mul3A_748 = arith.mulf %get3A_744, %mul3A_747 : vector<16xf32>
      %add3A_749 = arith.addf %add3A_719, %mul3A_748 : vector<16xf32>
      %add3A_750 = arith.constant 16 : i32
      %add3A_751 = arith.addi %add3A_750, %scan3A_362 : i32
      %get3A_752 = arith.index_cast %add3A_751 : i32 to index
      %get3A_753 = arith.constant 448 : index
      %get3A_754 = tpu.vector_load %arg11[%get3A_752, %get3A_753] {strides = array<i32>} : memref<48x768xf32, #tpu.memory_space<vmem>>, vector<16xf32>,
      %slice3A_755 = vector.extract_strided_slice %get3A_375 {offsets = [12], sizes = [1], strides = [1]} : vector<16xf32> to vector<1xf32>
      %squeeze3A_756 = vector.extract %slice3A_755[0] : f32 from vector<1xf32>
      %mul3A_757 = vector.broadcast %squeeze3A_756 : f32 to vector<16xf32>
      %mul3A_758 = arith.mulf %get3A_754, %mul3A_757 : vector<16xf32>
      %add3A_759 = arith.addf %add3A_729, %mul3A_758 : vector<16xf32>
      %add3A_760 = arith.constant 16 : i32
      %add3A_761 = arith.addi %add3A_760, %scan3A_362 : i32
      %get3A_762 = arith.index_cast %add3A_761 : i32 to index
      %get3A_763 = arith.constant 704 : index
      %get3A_764 = tpu.vector_load %arg11[%get3A_762, %get3A_763] {strides = array<i32>} : memref<48x768xf32, #tpu.memory_space<vmem>>, vector<16xf32>,
      %slice3A_765 = vector.extract_strided_slice %get3A_381 {offsets = [12], sizes = [1], strides = [1]} : vector<16xf32> to vector<1xf32>
      %squeeze3A_766 = vector.extract %slice3A_765[0] : f32 from vector<1xf32>
      %mul3A_767 = vector.broadcast %squeeze3A_766 : f32 to vector<16xf32>
      %mul3A_768 = arith.mulf %get3A_764, %mul3A_767 : vector<16xf32>
      %add3A_769 = arith.addf %add3A_739, %mul3A_768 : vector<16xf32>
      %add3A_770 = arith.constant 16 : i32
      %add3A_771 = arith.addi %add3A_770, %scan3A_362 : i32
      %get3A_772 = arith.index_cast %add3A_771 : i32 to index
      %get3A_773 = arith.constant 208 : index
      %get3A_774 = tpu.vector_load %arg11[%get3A_772, %get3A_773] {strides = array<i32>} : memref<48x768xf32, #tpu.memory_space<vmem>>, vector<16xf32>,
      %slice3A_775 = vector.extract_strided_slice %get3A_369 {offsets = [13], sizes = [1], strides = [1]} : vector<16xf32> to vector<1xf32>
      %squeeze3A_776 = vector.extract %slice3A_775[0] : f32 from vector<1xf32>
      %mul3A_777 = vector.broadcast %squeeze3A_776 : f32 to vector<16xf32>
      %mul3A_778 = arith.mulf %get3A_774, %mul3A_777 : vector<16xf32>
      %add3A_779 = arith.addf %add3A_749, %mul3A_778 : vector<16xf32>
      %add3A_780 = arith.constant 16 : i32
      %add3A_781 = arith.addi %add3A_780, %scan3A_362 : i32
      %get3A_782 = arith.index_cast %add3A_781 : i32 to index
      %get3A_783 = arith.constant 464 : index
      %get3A_784 = tpu.vector_load %arg11[%get3A_782, %get3A_783] {strides = array<i32>} : memref<48x768xf32, #tpu.memory_space<vmem>>, vector<16xf32>,
      %slice3A_785 = vector.extract_strided_slice %get3A_375 {offsets = [13], sizes = [1], strides = [1]} : vector<16xf32> to vector<1xf32>
      %squeeze3A_786 = vector.extract %slice3A_785[0] : f32 from vector<1xf32>
      %mul3A_787 = vector.broadcast %squeeze3A_786 : f32 to vector<16xf32>
      %mul3A_788 = arith.mulf %get3A_784, %mul3A_787 : vector<16xf32>
      %add3A_789 = arith.addf %add3A_759, %mul3A_788 : vector<16xf32>
      %add3A_790 = arith.constant 16 : i32
      %add3A_791 = arith.addi %add3A_790, %scan3A_362 : i32
      %get3A_792 = arith.index_cast %add3A_791 : i32 to index
      %get3A_793 = arith.constant 720 : index
      %get3A_794 = tpu.vector_load %arg11[%get3A_792, %get3A_793] {strides = array<i32>} : memref<48x768xf32, #tpu.memory_space<vmem>>, vector<16xf32>,
      %slice3A_795 = vector.extract_strided_slice %get3A_381 {offsets = [13], sizes = [1], strides = [1]} : vector<16xf32> to vector<1xf32>
      %squeeze3A_796 = vector.extract %slice3A_795[0] : f32 from vector<1xf32>
      %mul3A_797 = vector.broadcast %squeeze3A_796 : f32 to vector<16xf32>
      %mul3A_798 = arith.mulf %get3A_794, %mul3A_797 : vector<16xf32>
      %add3A_799 = arith.addf %add3A_769, %mul3A_798 : vector<16xf32>
      %add3A_800 = arith.constant 16 : i32
      %add3A_801 = arith.addi %add3A_800, %scan3A_362 : i32
      %get3A_802 = arith.index_cast %add3A_801 : i32 to index
      %get3A_803 = arith.constant 224 : index
      %get3A_804 = tpu.vector_load %arg11[%get3A_802, %get3A_803] {strides = array<i32>} : memref<48x768xf32, #tpu.memory_space<vmem>>, vector<16xf32>,
      %slice3A_805 = vector.extract_strided_slice %get3A_369 {offsets = [14], sizes = [1], strides = [1]} : vector<16xf32> to vector<1xf32>
      %squeeze3A_806 = vector.extract %slice3A_805[0] : f32 from vector<1xf32>
      %mul3A_807 = vector.broadcast %squeeze3A_806 : f32 to vector<16xf32>
      %mul3A_808 = arith.mulf %get3A_804, %mul3A_807 : vector<16xf32>
      %add3A_809 = arith.addf %add3A_779, %mul3A_808 : vector<16xf32>
      %add3A_810 = arith.constant 16 : i32
      %add3A_811 = arith.addi %add3A_810, %scan3A_362 : i32
      %get3A_812 = arith.index_cast %add3A_811 : i32 to index
      %get3A_813 = arith.constant 480 : index
      %get3A_814 = tpu.vector_load %arg11[%get3A_812, %get3A_813] {strides = array<i32>} : memref<48x768xf32, #tpu.memory_space<vmem>>, vector<16xf32>,
      %slice3A_815 = vector.extract_strided_slice %get3A_375 {offsets = [14], sizes = [1], strides = [1]} : vector<16xf32> to vector<1xf32>
      %squeeze3A_816 = vector.extract %slice3A_815[0] : f32 from vector<1xf32>
      %mul3A_817 = vector.broadcast %squeeze3A_816 : f32 to vector<16xf32>
      %mul3A_818 = arith.mulf %get3A_814, %mul3A_817 : vector<16xf32>
      %add3A_819 = arith.addf %add3A_789, %mul3A_818 : vector<16xf32>
      %add3A_820 = arith.constant 16 : i32
      %add3A_821 = arith.addi %add3A_820, %scan3A_362 : i32
      %get3A_822 = arith.index_cast %add3A_821 : i32 to index
      %get3A_823 = arith.constant 736 : index
      %get3A_824 = tpu.vector_load %arg11[%get3A_822, %get3A_823] {strides = array<i32>} : memref<48x768xf32, #tpu.memory_space<vmem>>, vector<16xf32>,
      %slice3A_825 = vector.extract_strided_slice %get3A_381 {offsets = [14], sizes = [1], strides = [1]} : vector<16xf32> to vector<1xf32>
      %squeeze3A_826 = vector.extract %slice3A_825[0] : f32 from vector<1xf32>
      %mul3A_827 = vector.broadcast %squeeze3A_826 : f32 to vector<16xf32>
      %mul3A_828 = arith.mulf %get3A_824, %mul3A_827 : vector<16xf32>
      %add3A_829 = arith.addf %add3A_799, %mul3A_828 : vector<16xf32>
      %add3A_830 = arith.constant 16 : i32
      %add3A_831 = arith.addi %add3A_830, %scan3A_362 : i32
      %get3A_832 = arith.index_cast %add3A_831 : i32 to index
      %get3A_833 = arith.constant 240 : index
      %get3A_834 = tpu.vector_load %arg11[%get3A_832, %get3A_833] {strides = array<i32>} : memref<48x768xf32, #tpu.memory_space<vmem>>, vector<16xf32>,
      %slice3A_835 = vector.extract_strided_slice %get3A_369 {offsets = [15], sizes = [1], strides = [1]} : vector<16xf32> to vector<1xf32>
      %squeeze3A_836 = vector.extract %slice3A_835[0] : f32 from vector<1xf32>
      %mul3A_837 = vector.broadcast %squeeze3A_836 : f32 to vector<16xf32>
      %mul3A_838 = arith.mulf %get3A_834, %mul3A_837 : vector<16xf32>
      %add3A_839 = arith.addf %add3A_809, %mul3A_838 : vector<16xf32>
      %add3A_840 = arith.constant 16 : i32
      %add3A_841 = arith.addi %add3A_840, %scan3A_362 : i32
      %get3A_842 = arith.index_cast %add3A_841 : i32 to index
      %get3A_843 = arith.constant 496 : index
      %get3A_844 = tpu.vector_load %arg11[%get3A_842, %get3A_843] {strides = array<i32>} : memref<48x768xf32, #tpu.memory_space<vmem>>, vector<16xf32>,
      %slice3A_845 = vector.extract_strided_slice %get3A_375 {offsets = [15], sizes = [1], strides = [1]} : vector<16xf32> to vector<1xf32>
      %squeeze3A_846 = vector.extract %slice3A_845[0] : f32 from vector<1xf32>
      %mul3A_847 = vector.broadcast %squeeze3A_846 : f32 to vector<16xf32>
      %mul3A_848 = arith.mulf %get3A_844, %mul3A_847 : vector<16xf32>
      %add3A_849 = arith.addf %add3A_819, %mul3A_848 : vector<16xf32>
      %add3A_850 = arith.constant 16 : i32
      %add3A_851 = arith.addi %add3A_850, %scan3A_362 : i32
      %get3A_852 = arith.index_cast %add3A_851 : i32 to index
      %get3A_853 = arith.constant 752 : index
      %get3A_854 = tpu.vector_load %arg11[%get3A_852, %get3A_853] {strides = array<i32>} : memref<48x768xf32, #tpu.memory_space<vmem>>, vector<16xf32>,
      %slice3A_855 = vector.extract_strided_slice %get3A_381 {offsets = [15], sizes = [1], strides = [1]} : vector<16xf32> to vector<1xf32>
      %squeeze3A_856 = vector.extract %slice3A_855[0] : f32 from vector<1xf32>
      %mul3A_857 = vector.broadcast %squeeze3A_856 : f32 to vector<16xf32>
      %mul3A_858 = arith.mulf %get3A_854, %mul3A_857 : vector<16xf32>
      %add3A_859 = arith.addf %add3A_829, %mul3A_858 : vector<16xf32>
      scf.yield %add3A_839, %add3A_849, %add3A_859 : vector<16xf32>, vector<16xf32>, vector<16xf32>
    }
    %scan3A_92 = arith.constant 16 : i32
    %add3A_93 = arith.addf %scan3A_91#0, %scan3A_91#1 : vector<16xf32>
    %add3A_94 = arith.addf %add3A_93, %scan3A_91#2 : vector<16xf32>
    %run_scoped3A_95 = arith.constant 2 : i32
    "tpu.region"() ({
      %run_scoped3A_362 = tpu.sem_alloc : memref<!tpu.dma_semaphore, #tpu.memory_space<semaphore_mem>>
      %dma_start3A_363 = arith.constant 0 : i32
      %dma_start3A_364 = tpu.memref_slice %arg4[%run_scoped3A_95, %dma_start3A_363] : memref<4x16xf32, #tpu.memory_space<hbm>> -> memref<1x16xf32, #tpu.memory_space<hbm>>
      %dma_start3A_365 = tpu.memref_squeeze %dma_start3A_364 : memref<1x16xf32, #tpu.memory_space<hbm>> -> memref<16xf32, #tpu.memory_space<hbm>>
      %dma_start3A_366 = arith.constant 0 : i32
      %dma_start3A_367 = tpu.memref_slice %arg4[%run_scoped3A_95, %dma_start3A_366] : memref<4x16xf32, #tpu.memory_space<hbm>> -> memref<1x16xf32, #tpu.memory_space<hbm>>
      %dma_start3A_368 = tpu.memref_squeeze %dma_start3A_367 : memref<1x16xf32, #tpu.memory_space<hbm>> -> memref<16xf32, #tpu.memory_space<hbm>>
      tpu.enqueue_dma source(%dma_start3A_368 : memref<16xf32, #tpu.memory_space<hbm>>) target(%arg10 : memref<16xf32, #tpu.memory_space<vmem>>) target_semaphore(%run_scoped3A_362 : memref<!tpu.dma_semaphore, #tpu.memory_space<semaphore_mem>>)
      %dma_wait3A_369 = arith.constant 0 : i32
      %dma_wait3A_370 = tpu.memref_slice %arg4[%run_scoped3A_95, %dma_wait3A_369] : memref<4x16xf32, #tpu.memory_space<hbm>> -> memref<1x16xf32, #tpu.memory_space<hbm>>
      %dma_wait3A_371 = tpu.memref_squeeze %dma_wait3A_370 : memref<1x16xf32, #tpu.memory_space<hbm>> -> memref<16xf32, #tpu.memory_space<hbm>>
      %dma_wait3A_372 = arith.constant 0 : i32
      %dma_wait3A_373 = tpu.memref_slice %arg4[%run_scoped3A_95, %dma_wait3A_372] : memref<4x16xf32, #tpu.memory_space<hbm>> -> memref<1x16xf32, #tpu.memory_space<hbm>>
      %dma_wait3A_374 = tpu.memref_squeeze %dma_wait3A_373 : memref<1x16xf32, #tpu.memory_space<hbm>> -> memref<16xf32, #tpu.memory_space<hbm>>
      tpu.wait_dma2 semaphore(%run_scoped3A_362 : memref<!tpu.dma_semaphore, #tpu.memory_space<semaphore_mem>>) src(%dma_wait3A_374 : memref<16xf32, #tpu.memory_space<hbm>>) dst(%arg10 : memref<16xf32, #tpu.memory_space<vmem>>)
      tpu.yield
    }) : () -> ()
    %dma_wait3A_96 = arith.constant 2 : i32
    %dma_wait3A_97 = arith.constant 0 : i32
    %dma_wait3A_98 = arith.constant 0 : i32
    %dma_wait3A_99 = tpu.memref_slice %arg11[%dma_wait3A_97, %dma_wait3A_98] : memref<48x768xf32, #tpu.memory_space<vmem>> -> memref<16x768xf32, #tpu.memory_space<vmem>>
    %dma_wait3A_100 = arith.constant 0 : i32
    %dma_wait3A_101 = arith.constant 0 : i32
    %dma_wait3A_102 = tpu.memref_slice %arg3[%dma_wait3A_96, %dma_wait3A_100, %dma_wait3A_101] : memref<4x16x768xf32, #tpu.memory_space<hbm>> -> memref<1x16x768xf32, #tpu.memory_space<hbm>>
    %dma_wait3A_103 = tpu.memref_squeeze %dma_wait3A_102 : memref<1x16x768xf32, #tpu.memory_space<hbm>> -> memref<16x768xf32, #tpu.memory_space<hbm>>
    %dma_wait3A_104 = arith.constant 0 : i32
    %dma_wait3A_105 = arith.constant 0 : i32
    %dma_wait3A_106 = tpu.memref_slice %arg11[%dma_wait3A_104, %dma_wait3A_105] : memref<48x768xf32, #tpu.memory_space<vmem>> -> memref<16x768xf32, #tpu.memory_space<vmem>>
    %dma_wait3A_107 = arith.constant 0 : i32
    %dma_wait3A_108 = arith.constant 0 : i32
    %dma_wait3A_109 = tpu.memref_slice %arg3[%dma_wait3A_96, %dma_wait3A_107, %dma_wait3A_108] : memref<4x16x768xf32, #tpu.memory_space<hbm>> -> memref<1x16x768xf32, #tpu.memory_space<hbm>>
    %dma_wait3A_110 = tpu.memref_squeeze %dma_wait3A_109 : memref<1x16x768xf32, #tpu.memory_space<hbm>> -> memref<16x768xf32, #tpu.memory_space<hbm>>
    tpu.wait_dma2 semaphore(%arg16 : memref<!tpu.dma_semaphore, #tpu.memory_space<semaphore_mem>>) src(%dma_wait3A_110 : memref<16x768xf32, #tpu.memory_space<hbm>>) dst(%dma_wait3A_106 : memref<16x768xf32, #tpu.memory_space<vmem>>)
    %dma_start3A_111 = arith.constant 3 : i32
    %dma_start3A_112 = arith.constant 16 : i32
    %dma_start3A_113 = arith.constant 0 : i32
    %dma_start3A_114 = tpu.memref_slice %arg11[%dma_start3A_112, %dma_start3A_113] : memref<48x768xf32, #tpu.memory_space<vmem>> -> memref<16x768xf32, #tpu.memory_space<vmem>>
    %dma_start3A_115 = arith.constant 0 : i32
    %dma_start3A_116 = arith.constant 0 : i32
    %dma_start3A_117 = tpu.memref_slice %arg3[%dma_start3A_111, %dma_start3A_115, %dma_start3A_116] : memref<4x16x768xf32, #tpu.memory_space<hbm>> -> memref<1x16x768xf32, #tpu.memory_space<hbm>>
    %dma_start3A_118 = tpu.memref_squeeze %dma_start3A_117 : memref<1x16x768xf32, #tpu.memory_space<hbm>> -> memref<16x768xf32, #tpu.memory_space<hbm>>
    %dma_start3A_119 = arith.constant 16 : i32
    %dma_start3A_120 = arith.constant 0 : i32
    %dma_start3A_121 = tpu.memref_slice %arg11[%dma_start3A_119, %dma_start3A_120] : memref<48x768xf32, #tpu.memory_space<vmem>> -> memref<16x768xf32, #tpu.memory_space<vmem>>
    %dma_start3A_122 = arith.constant 0 : i32
    %dma_start3A_123 = arith.constant 0 : i32
    %dma_start3A_124 = tpu.memref_slice %arg3[%dma_start3A_111, %dma_start3A_122, %dma_start3A_123] : memref<4x16x768xf32, #tpu.memory_space<hbm>> -> memref<1x16x768xf32, #tpu.memory_space<hbm>>
    %dma_start3A_125 = tpu.memref_squeeze %dma_start3A_124 : memref<1x16x768xf32, #tpu.memory_space<hbm>> -> memref<16x768xf32, #tpu.memory_space<hbm>>
    tpu.enqueue_dma source(%dma_start3A_125 : memref<16x768xf32, #tpu.memory_space<hbm>>) target(%dma_start3A_121 : memref<16x768xf32, #tpu.memory_space<vmem>>) target_semaphore(%arg17 : memref<!tpu.dma_semaphore, #tpu.memory_space<semaphore_mem>>)
    %broadcast_in_dim3A_126 = arith.constant 0.000000e+00 : f32
    %broadcast_in_dim3A_127 = vector.broadcast %broadcast_in_dim3A_126 : f32 to vector<16xf32>
    %get3A_128 = arith.constant 0 : index
    %get3A_129 = tpu.vector_load %arg10[%get3A_128] {strides = array<i32>} : memref<16xf32, #tpu.memory_space<vmem>>, vector<16xf32>,
    %scan3A_130 = arith.constant 0 : i32
    %scan3A_131 = arith.constant 16 : i32
    %scan3A_132 = arith.addi %scan3A_130, %scan3A_131 : i32
    %scan3A_133 = arith.constant 1 : i32
    %scan3A_134:3 = scf.for %scan3A_362 = %scan3A_130 to %scan3A_132 step %scan3A_133 iter_args(%scan3A_363 = %get3A_129, %scan3A_364 = %broadcast_in_dim3A_127, %scan3A_365 = %broadcast_in_dim3A_127) -> (vector<16xf32>, vector<16xf32>, vector<16xf32>)  : i32 {
      %mul3A_366 = arith.constant 48 : i32
      %mul3A_367 = arith.muli %scan3A_362, %mul3A_366 : i32
      %get3A_368 = arith.index_cast %mul3A_367 : i32 to index
      %get3A_369 = tpu.vector_load %arg9[%get3A_368] {strides = array<i32>} : memref<768xf32, #tpu.memory_space<vmem>>, vector<16xf32>,
      %mul3A_370 = arith.constant 48 : i32
      %mul3A_371 = arith.muli %scan3A_362, %mul3A_370 : i32
      %add3A_372 = arith.constant 16 : i32
      %add3A_373 = arith.addi %mul3A_371, %add3A_372 : i32
      %get3A_374 = arith.index_cast %add3A_373 : i32 to index
      %get3A_375 = tpu.vector_load %arg9[%get3A_374] {strides = array<i32>} : memref<768xf32, #tpu.memory_space<vmem>>, vector<16xf32>,
      %mul3A_376 = arith.constant 48 : i32
      %mul3A_377 = arith.muli %scan3A_362, %mul3A_376 : i32
      %add3A_378 = arith.constant 32 : i32
      %add3A_379 = arith.addi %mul3A_377, %add3A_378 : i32
      %get3A_380 = arith.index_cast %add3A_379 : i32 to index
      %get3A_381 = tpu.vector_load %arg9[%get3A_380] {strides = array<i32>} : memref<768xf32, #tpu.memory_space<vmem>>, vector<16xf32>,
      %add3A_382 = arith.constant 0 : i32
      %add3A_383 = arith.addi %add3A_382, %scan3A_362 : i32
      %get3A_384 = arith.index_cast %add3A_383 : i32 to index
      %get3A_385 = arith.constant 0 : index
      %get3A_386 = tpu.vector_load %arg11[%get3A_384, %get3A_385] {strides = array<i32>} : memref<48x768xf32, #tpu.memory_space<vmem>>, vector<16xf32>,
      %slice3A = vector.extract_strided_slice %get3A_369 {offsets = [0], sizes = [1], strides = [1]} : vector<16xf32> to vector<1xf32>
      %squeeze3A = vector.extract %slice3A[0] : f32 from vector<1xf32>
      %mul3A_387 = vector.broadcast %squeeze3A : f32 to vector<16xf32>
      %mul3A_388 = arith.mulf %get3A_386, %mul3A_387 : vector<16xf32>
      %add3A_389 = arith.addf %scan3A_363, %mul3A_388 : vector<16xf32>
      %add3A_390 = arith.constant 0 : i32
      %add3A_391 = arith.addi %add3A_390, %scan3A_362 : i32
      %get3A_392 = arith.index_cast %add3A_391 : i32 to index
      %get3A_393 = arith.constant 256 : index
      %get3A_394 = tpu.vector_load %arg11[%get3A_392, %get3A_393] {strides = array<i32>} : memref<48x768xf32, #tpu.memory_space<vmem>>, vector<16xf32>,
      %slice3A_395 = vector.extract_strided_slice %get3A_375 {offsets = [0], sizes = [1], strides = [1]} : vector<16xf32> to vector<1xf32>
      %squeeze3A_396 = vector.extract %slice3A_395[0] : f32 from vector<1xf32>
      %mul3A_397 = vector.broadcast %squeeze3A_396 : f32 to vector<16xf32>
      %mul3A_398 = arith.mulf %get3A_394, %mul3A_397 : vector<16xf32>
      %add3A_399 = arith.addf %scan3A_364, %mul3A_398 : vector<16xf32>
      %add3A_400 = arith.constant 0 : i32
      %add3A_401 = arith.addi %add3A_400, %scan3A_362 : i32
      %get3A_402 = arith.index_cast %add3A_401 : i32 to index
      %get3A_403 = arith.constant 512 : index
      %get3A_404 = tpu.vector_load %arg11[%get3A_402, %get3A_403] {strides = array<i32>} : memref<48x768xf32, #tpu.memory_space<vmem>>, vector<16xf32>,
      %slice3A_405 = vector.extract_strided_slice %get3A_381 {offsets = [0], sizes = [1], strides = [1]} : vector<16xf32> to vector<1xf32>
      %squeeze3A_406 = vector.extract %slice3A_405[0] : f32 from vector<1xf32>
      %mul3A_407 = vector.broadcast %squeeze3A_406 : f32 to vector<16xf32>
      %mul3A_408 = arith.mulf %get3A_404, %mul3A_407 : vector<16xf32>
      %add3A_409 = arith.addf %scan3A_365, %mul3A_408 : vector<16xf32>
      %add3A_410 = arith.constant 0 : i32
      %add3A_411 = arith.addi %add3A_410, %scan3A_362 : i32
      %get3A_412 = arith.index_cast %add3A_411 : i32 to index
      %get3A_413 = arith.constant 16 : index
      %get3A_414 = tpu.vector_load %arg11[%get3A_412, %get3A_413] {strides = array<i32>} : memref<48x768xf32, #tpu.memory_space<vmem>>, vector<16xf32>,
      %slice3A_415 = vector.extract_strided_slice %get3A_369 {offsets = [1], sizes = [1], strides = [1]} : vector<16xf32> to vector<1xf32>
      %squeeze3A_416 = vector.extract %slice3A_415[0] : f32 from vector<1xf32>
      %mul3A_417 = vector.broadcast %squeeze3A_416 : f32 to vector<16xf32>
      %mul3A_418 = arith.mulf %get3A_414, %mul3A_417 : vector<16xf32>
      %add3A_419 = arith.addf %add3A_389, %mul3A_418 : vector<16xf32>
      %add3A_420 = arith.constant 0 : i32
      %add3A_421 = arith.addi %add3A_420, %scan3A_362 : i32
      %get3A_422 = arith.index_cast %add3A_421 : i32 to index
      %get3A_423 = arith.constant 272 : index
      %get3A_424 = tpu.vector_load %arg11[%get3A_422, %get3A_423] {strides = array<i32>} : memref<48x768xf32, #tpu.memory_space<vmem>>, vector<16xf32>,
      %slice3A_425 = vector.extract_strided_slice %get3A_375 {offsets = [1], sizes = [1], strides = [1]} : vector<16xf32> to vector<1xf32>
      %squeeze3A_426 = vector.extract %slice3A_425[0] : f32 from vector<1xf32>
      %mul3A_427 = vector.broadcast %squeeze3A_426 : f32 to vector<16xf32>
      %mul3A_428 = arith.mulf %get3A_424, %mul3A_427 : vector<16xf32>
      %add3A_429 = arith.addf %add3A_399, %mul3A_428 : vector<16xf32>
      %add3A_430 = arith.constant 0 : i32
      %add3A_431 = arith.addi %add3A_430, %scan3A_362 : i32
      %get3A_432 = arith.index_cast %add3A_431 : i32 to index
      %get3A_433 = arith.constant 528 : index
      %get3A_434 = tpu.vector_load %arg11[%get3A_432, %get3A_433] {strides = array<i32>} : memref<48x768xf32, #tpu.memory_space<vmem>>, vector<16xf32>,
      %slice3A_435 = vector.extract_strided_slice %get3A_381 {offsets = [1], sizes = [1], strides = [1]} : vector<16xf32> to vector<1xf32>
      %squeeze3A_436 = vector.extract %slice3A_435[0] : f32 from vector<1xf32>
      %mul3A_437 = vector.broadcast %squeeze3A_436 : f32 to vector<16xf32>
      %mul3A_438 = arith.mulf %get3A_434, %mul3A_437 : vector<16xf32>
      %add3A_439 = arith.addf %add3A_409, %mul3A_438 : vector<16xf32>
      %add3A_440 = arith.constant 0 : i32
      %add3A_441 = arith.addi %add3A_440, %scan3A_362 : i32
      %get3A_442 = arith.index_cast %add3A_441 : i32 to index
      %get3A_443 = arith.constant 32 : index
      %get3A_444 = tpu.vector_load %arg11[%get3A_442, %get3A_443] {strides = array<i32>} : memref<48x768xf32, #tpu.memory_space<vmem>>, vector<16xf32>,
      %slice3A_445 = vector.extract_strided_slice %get3A_369 {offsets = [2], sizes = [1], strides = [1]} : vector<16xf32> to vector<1xf32>
      %squeeze3A_446 = vector.extract %slice3A_445[0] : f32 from vector<1xf32>
      %mul3A_447 = vector.broadcast %squeeze3A_446 : f32 to vector<16xf32>
      %mul3A_448 = arith.mulf %get3A_444, %mul3A_447 : vector<16xf32>
      %add3A_449 = arith.addf %add3A_419, %mul3A_448 : vector<16xf32>
      %add3A_450 = arith.constant 0 : i32
      %add3A_451 = arith.addi %add3A_450, %scan3A_362 : i32
      %get3A_452 = arith.index_cast %add3A_451 : i32 to index
      %get3A_453 = arith.constant 288 : index
      %get3A_454 = tpu.vector_load %arg11[%get3A_452, %get3A_453] {strides = array<i32>} : memref<48x768xf32, #tpu.memory_space<vmem>>, vector<16xf32>,
      %slice3A_455 = vector.extract_strided_slice %get3A_375 {offsets = [2], sizes = [1], strides = [1]} : vector<16xf32> to vector<1xf32>
      %squeeze3A_456 = vector.extract %slice3A_455[0] : f32 from vector<1xf32>
      %mul3A_457 = vector.broadcast %squeeze3A_456 : f32 to vector<16xf32>
      %mul3A_458 = arith.mulf %get3A_454, %mul3A_457 : vector<16xf32>
      %add3A_459 = arith.addf %add3A_429, %mul3A_458 : vector<16xf32>
      %add3A_460 = arith.constant 0 : i32
      %add3A_461 = arith.addi %add3A_460, %scan3A_362 : i32
      %get3A_462 = arith.index_cast %add3A_461 : i32 to index
      %get3A_463 = arith.constant 544 : index
      %get3A_464 = tpu.vector_load %arg11[%get3A_462, %get3A_463] {strides = array<i32>} : memref<48x768xf32, #tpu.memory_space<vmem>>, vector<16xf32>,
      %slice3A_465 = vector.extract_strided_slice %get3A_381 {offsets = [2], sizes = [1], strides = [1]} : vector<16xf32> to vector<1xf32>
      %squeeze3A_466 = vector.extract %slice3A_465[0] : f32 from vector<1xf32>
      %mul3A_467 = vector.broadcast %squeeze3A_466 : f32 to vector<16xf32>
      %mul3A_468 = arith.mulf %get3A_464, %mul3A_467 : vector<16xf32>
      %add3A_469 = arith.addf %add3A_439, %mul3A_468 : vector<16xf32>
      %add3A_470 = arith.constant 0 : i32
      %add3A_471 = arith.addi %add3A_470, %scan3A_362 : i32
      %get3A_472 = arith.index_cast %add3A_471 : i32 to index
      %get3A_473 = arith.constant 48 : index
      %get3A_474 = tpu.vector_load %arg11[%get3A_472, %get3A_473] {strides = array<i32>} : memref<48x768xf32, #tpu.memory_space<vmem>>, vector<16xf32>,
      %slice3A_475 = vector.extract_strided_slice %get3A_369 {offsets = [3], sizes = [1], strides = [1]} : vector<16xf32> to vector<1xf32>
      %squeeze3A_476 = vector.extract %slice3A_475[0] : f32 from vector<1xf32>
      %mul3A_477 = vector.broadcast %squeeze3A_476 : f32 to vector<16xf32>
      %mul3A_478 = arith.mulf %get3A_474, %mul3A_477 : vector<16xf32>
      %add3A_479 = arith.addf %add3A_449, %mul3A_478 : vector<16xf32>
      %add3A_480 = arith.constant 0 : i32
      %add3A_481 = arith.addi %add3A_480, %scan3A_362 : i32
      %get3A_482 = arith.index_cast %add3A_481 : i32 to index
      %get3A_483 = arith.constant 304 : index
      %get3A_484 = tpu.vector_load %arg11[%get3A_482, %get3A_483] {strides = array<i32>} : memref<48x768xf32, #tpu.memory_space<vmem>>, vector<16xf32>,
      %slice3A_485 = vector.extract_strided_slice %get3A_375 {offsets = [3], sizes = [1], strides = [1]} : vector<16xf32> to vector<1xf32>
      %squeeze3A_486 = vector.extract %slice3A_485[0] : f32 from vector<1xf32>
      %mul3A_487 = vector.broadcast %squeeze3A_486 : f32 to vector<16xf32>
      %mul3A_488 = arith.mulf %get3A_484, %mul3A_487 : vector<16xf32>
      %add3A_489 = arith.addf %add3A_459, %mul3A_488 : vector<16xf32>
      %add3A_490 = arith.constant 0 : i32
      %add3A_491 = arith.addi %add3A_490, %scan3A_362 : i32
      %get3A_492 = arith.index_cast %add3A_491 : i32 to index
      %get3A_493 = arith.constant 560 : index
      %get3A_494 = tpu.vector_load %arg11[%get3A_492, %get3A_493] {strides = array<i32>} : memref<48x768xf32, #tpu.memory_space<vmem>>, vector<16xf32>,
      %slice3A_495 = vector.extract_strided_slice %get3A_381 {offsets = [3], sizes = [1], strides = [1]} : vector<16xf32> to vector<1xf32>
      %squeeze3A_496 = vector.extract %slice3A_495[0] : f32 from vector<1xf32>
      %mul3A_497 = vector.broadcast %squeeze3A_496 : f32 to vector<16xf32>
      %mul3A_498 = arith.mulf %get3A_494, %mul3A_497 : vector<16xf32>
      %add3A_499 = arith.addf %add3A_469, %mul3A_498 : vector<16xf32>
      %add3A_500 = arith.constant 0 : i32
      %add3A_501 = arith.addi %add3A_500, %scan3A_362 : i32
      %get3A_502 = arith.index_cast %add3A_501 : i32 to index
      %get3A_503 = arith.constant 64 : index
      %get3A_504 = tpu.vector_load %arg11[%get3A_502, %get3A_503] {strides = array<i32>} : memref<48x768xf32, #tpu.memory_space<vmem>>, vector<16xf32>,
      %slice3A_505 = vector.extract_strided_slice %get3A_369 {offsets = [4], sizes = [1], strides = [1]} : vector<16xf32> to vector<1xf32>
      %squeeze3A_506 = vector.extract %slice3A_505[0] : f32 from vector<1xf32>
      %mul3A_507 = vector.broadcast %squeeze3A_506 : f32 to vector<16xf32>
      %mul3A_508 = arith.mulf %get3A_504, %mul3A_507 : vector<16xf32>
      %add3A_509 = arith.addf %add3A_479, %mul3A_508 : vector<16xf32>
      %add3A_510 = arith.constant 0 : i32
      %add3A_511 = arith.addi %add3A_510, %scan3A_362 : i32
      %get3A_512 = arith.index_cast %add3A_511 : i32 to index
      %get3A_513 = arith.constant 320 : index
      %get3A_514 = tpu.vector_load %arg11[%get3A_512, %get3A_513] {strides = array<i32>} : memref<48x768xf32, #tpu.memory_space<vmem>>, vector<16xf32>,
      %slice3A_515 = vector.extract_strided_slice %get3A_375 {offsets = [4], sizes = [1], strides = [1]} : vector<16xf32> to vector<1xf32>
      %squeeze3A_516 = vector.extract %slice3A_515[0] : f32 from vector<1xf32>
      %mul3A_517 = vector.broadcast %squeeze3A_516 : f32 to vector<16xf32>
      %mul3A_518 = arith.mulf %get3A_514, %mul3A_517 : vector<16xf32>
      %add3A_519 = arith.addf %add3A_489, %mul3A_518 : vector<16xf32>
      %add3A_520 = arith.constant 0 : i32
      %add3A_521 = arith.addi %add3A_520, %scan3A_362 : i32
      %get3A_522 = arith.index_cast %add3A_521 : i32 to index
      %get3A_523 = arith.constant 576 : index
      %get3A_524 = tpu.vector_load %arg11[%get3A_522, %get3A_523] {strides = array<i32>} : memref<48x768xf32, #tpu.memory_space<vmem>>, vector<16xf32>,
      %slice3A_525 = vector.extract_strided_slice %get3A_381 {offsets = [4], sizes = [1], strides = [1]} : vector<16xf32> to vector<1xf32>
      %squeeze3A_526 = vector.extract %slice3A_525[0] : f32 from vector<1xf32>
      %mul3A_527 = vector.broadcast %squeeze3A_526 : f32 to vector<16xf32>
      %mul3A_528 = arith.mulf %get3A_524, %mul3A_527 : vector<16xf32>
      %add3A_529 = arith.addf %add3A_499, %mul3A_528 : vector<16xf32>
      %add3A_530 = arith.constant 0 : i32
      %add3A_531 = arith.addi %add3A_530, %scan3A_362 : i32
      %get3A_532 = arith.index_cast %add3A_531 : i32 to index
      %get3A_533 = arith.constant 80 : index
      %get3A_534 = tpu.vector_load %arg11[%get3A_532, %get3A_533] {strides = array<i32>} : memref<48x768xf32, #tpu.memory_space<vmem>>, vector<16xf32>,
      %slice3A_535 = vector.extract_strided_slice %get3A_369 {offsets = [5], sizes = [1], strides = [1]} : vector<16xf32> to vector<1xf32>
      %squeeze3A_536 = vector.extract %slice3A_535[0] : f32 from vector<1xf32>
      %mul3A_537 = vector.broadcast %squeeze3A_536 : f32 to vector<16xf32>
      %mul3A_538 = arith.mulf %get3A_534, %mul3A_537 : vector<16xf32>
      %add3A_539 = arith.addf %add3A_509, %mul3A_538 : vector<16xf32>
      %add3A_540 = arith.constant 0 : i32
      %add3A_541 = arith.addi %add3A_540, %scan3A_362 : i32
      %get3A_542 = arith.index_cast %add3A_541 : i32 to index
      %get3A_543 = arith.constant 336 : index
      %get3A_544 = tpu.vector_load %arg11[%get3A_542, %get3A_543] {strides = array<i32>} : memref<48x768xf32, #tpu.memory_space<vmem>>, vector<16xf32>,
      %slice3A_545 = vector.extract_strided_slice %get3A_375 {offsets = [5], sizes = [1], strides = [1]} : vector<16xf32> to vector<1xf32>
      %squeeze3A_546 = vector.extract %slice3A_545[0] : f32 from vector<1xf32>
      %mul3A_547 = vector.broadcast %squeeze3A_546 : f32 to vector<16xf32>
      %mul3A_548 = arith.mulf %get3A_544, %mul3A_547 : vector<16xf32>
      %add3A_549 = arith.addf %add3A_519, %mul3A_548 : vector<16xf32>
      %add3A_550 = arith.constant 0 : i32
      %add3A_551 = arith.addi %add3A_550, %scan3A_362 : i32
      %get3A_552 = arith.index_cast %add3A_551 : i32 to index
      %get3A_553 = arith.constant 592 : index
      %get3A_554 = tpu.vector_load %arg11[%get3A_552, %get3A_553] {strides = array<i32>} : memref<48x768xf32, #tpu.memory_space<vmem>>, vector<16xf32>,
      %slice3A_555 = vector.extract_strided_slice %get3A_381 {offsets = [5], sizes = [1], strides = [1]} : vector<16xf32> to vector<1xf32>
      %squeeze3A_556 = vector.extract %slice3A_555[0] : f32 from vector<1xf32>
      %mul3A_557 = vector.broadcast %squeeze3A_556 : f32 to vector<16xf32>
      %mul3A_558 = arith.mulf %get3A_554, %mul3A_557 : vector<16xf32>
      %add3A_559 = arith.addf %add3A_529, %mul3A_558 : vector<16xf32>
      %add3A_560 = arith.constant 0 : i32
      %add3A_561 = arith.addi %add3A_560, %scan3A_362 : i32
      %get3A_562 = arith.index_cast %add3A_561 : i32 to index
      %get3A_563 = arith.constant 96 : index
      %get3A_564 = tpu.vector_load %arg11[%get3A_562, %get3A_563] {strides = array<i32>} : memref<48x768xf32, #tpu.memory_space<vmem>>, vector<16xf32>,
      %slice3A_565 = vector.extract_strided_slice %get3A_369 {offsets = [6], sizes = [1], strides = [1]} : vector<16xf32> to vector<1xf32>
      %squeeze3A_566 = vector.extract %slice3A_565[0] : f32 from vector<1xf32>
      %mul3A_567 = vector.broadcast %squeeze3A_566 : f32 to vector<16xf32>
      %mul3A_568 = arith.mulf %get3A_564, %mul3A_567 : vector<16xf32>
      %add3A_569 = arith.addf %add3A_539, %mul3A_568 : vector<16xf32>
      %add3A_570 = arith.constant 0 : i32
      %add3A_571 = arith.addi %add3A_570, %scan3A_362 : i32
      %get3A_572 = arith.index_cast %add3A_571 : i32 to index
      %get3A_573 = arith.constant 352 : index
      %get3A_574 = tpu.vector_load %arg11[%get3A_572, %get3A_573] {strides = array<i32>} : memref<48x768xf32, #tpu.memory_space<vmem>>, vector<16xf32>,
      %slice3A_575 = vector.extract_strided_slice %get3A_375 {offsets = [6], sizes = [1], strides = [1]} : vector<16xf32> to vector<1xf32>
      %squeeze3A_576 = vector.extract %slice3A_575[0] : f32 from vector<1xf32>
      %mul3A_577 = vector.broadcast %squeeze3A_576 : f32 to vector<16xf32>
      %mul3A_578 = arith.mulf %get3A_574, %mul3A_577 : vector<16xf32>
      %add3A_579 = arith.addf %add3A_549, %mul3A_578 : vector<16xf32>
      %add3A_580 = arith.constant 0 : i32
      %add3A_581 = arith.addi %add3A_580, %scan3A_362 : i32
      %get3A_582 = arith.index_cast %add3A_581 : i32 to index
      %get3A_583 = arith.constant 608 : index
      %get3A_584 = tpu.vector_load %arg11[%get3A_582, %get3A_583] {strides = array<i32>} : memref<48x768xf32, #tpu.memory_space<vmem>>, vector<16xf32>,
      %slice3A_585 = vector.extract_strided_slice %get3A_381 {offsets = [6], sizes = [1], strides = [1]} : vector<16xf32> to vector<1xf32>
      %squeeze3A_586 = vector.extract %slice3A_585[0] : f32 from vector<1xf32>
      %mul3A_587 = vector.broadcast %squeeze3A_586 : f32 to vector<16xf32>
      %mul3A_588 = arith.mulf %get3A_584, %mul3A_587 : vector<16xf32>
      %add3A_589 = arith.addf %add3A_559, %mul3A_588 : vector<16xf32>
      %add3A_590 = arith.constant 0 : i32
      %add3A_591 = arith.addi %add3A_590, %scan3A_362 : i32
      %get3A_592 = arith.index_cast %add3A_591 : i32 to index
      %get3A_593 = arith.constant 112 : index
      %get3A_594 = tpu.vector_load %arg11[%get3A_592, %get3A_593] {strides = array<i32>} : memref<48x768xf32, #tpu.memory_space<vmem>>, vector<16xf32>,
      %slice3A_595 = vector.extract_strided_slice %get3A_369 {offsets = [7], sizes = [1], strides = [1]} : vector<16xf32> to vector<1xf32>
      %squeeze3A_596 = vector.extract %slice3A_595[0] : f32 from vector<1xf32>
      %mul3A_597 = vector.broadcast %squeeze3A_596 : f32 to vector<16xf32>
      %mul3A_598 = arith.mulf %get3A_594, %mul3A_597 : vector<16xf32>
      %add3A_599 = arith.addf %add3A_569, %mul3A_598 : vector<16xf32>
      %add3A_600 = arith.constant 0 : i32
      %add3A_601 = arith.addi %add3A_600, %scan3A_362 : i32
      %get3A_602 = arith.index_cast %add3A_601 : i32 to index
      %get3A_603 = arith.constant 368 : index
      %get3A_604 = tpu.vector_load %arg11[%get3A_602, %get3A_603] {strides = array<i32>} : memref<48x768xf32, #tpu.memory_space<vmem>>, vector<16xf32>,
      %slice3A_605 = vector.extract_strided_slice %get3A_375 {offsets = [7], sizes = [1], strides = [1]} : vector<16xf32> to vector<1xf32>
      %squeeze3A_606 = vector.extract %slice3A_605[0] : f32 from vector<1xf32>
      %mul3A_607 = vector.broadcast %squeeze3A_606 : f32 to vector<16xf32>
      %mul3A_608 = arith.mulf %get3A_604, %mul3A_607 : vector<16xf32>
      %add3A_609 = arith.addf %add3A_579, %mul3A_608 : vector<16xf32>
      %add3A_610 = arith.constant 0 : i32
      %add3A_611 = arith.addi %add3A_610, %scan3A_362 : i32
      %get3A_612 = arith.index_cast %add3A_611 : i32 to index
      %get3A_613 = arith.constant 624 : index
      %get3A_614 = tpu.vector_load %arg11[%get3A_612, %get3A_613] {strides = array<i32>} : memref<48x768xf32, #tpu.memory_space<vmem>>, vector<16xf32>,
      %slice3A_615 = vector.extract_strided_slice %get3A_381 {offsets = [7], sizes = [1], strides = [1]} : vector<16xf32> to vector<1xf32>
      %squeeze3A_616 = vector.extract %slice3A_615[0] : f32 from vector<1xf32>
      %mul3A_617 = vector.broadcast %squeeze3A_616 : f32 to vector<16xf32>
      %mul3A_618 = arith.mulf %get3A_614, %mul3A_617 : vector<16xf32>
      %add3A_619 = arith.addf %add3A_589, %mul3A_618 : vector<16xf32>
      %add3A_620 = arith.constant 0 : i32
      %add3A_621 = arith.addi %add3A_620, %scan3A_362 : i32
      %get3A_622 = arith.index_cast %add3A_621 : i32 to index
      %get3A_623 = arith.constant 128 : index
      %get3A_624 = tpu.vector_load %arg11[%get3A_622, %get3A_623] {strides = array<i32>} : memref<48x768xf32, #tpu.memory_space<vmem>>, vector<16xf32>,
      %slice3A_625 = vector.extract_strided_slice %get3A_369 {offsets = [8], sizes = [1], strides = [1]} : vector<16xf32> to vector<1xf32>
      %squeeze3A_626 = vector.extract %slice3A_625[0] : f32 from vector<1xf32>
      %mul3A_627 = vector.broadcast %squeeze3A_626 : f32 to vector<16xf32>
      %mul3A_628 = arith.mulf %get3A_624, %mul3A_627 : vector<16xf32>
      %add3A_629 = arith.addf %add3A_599, %mul3A_628 : vector<16xf32>
      %add3A_630 = arith.constant 0 : i32
      %add3A_631 = arith.addi %add3A_630, %scan3A_362 : i32
      %get3A_632 = arith.index_cast %add3A_631 : i32 to index
      %get3A_633 = arith.constant 384 : index
      %get3A_634 = tpu.vector_load %arg11[%get3A_632, %get3A_633] {strides = array<i32>} : memref<48x768xf32, #tpu.memory_space<vmem>>, vector<16xf32>,
      %slice3A_635 = vector.extract_strided_slice %get3A_375 {offsets = [8], sizes = [1], strides = [1]} : vector<16xf32> to vector<1xf32>
      %squeeze3A_636 = vector.extract %slice3A_635[0] : f32 from vector<1xf32>
      %mul3A_637 = vector.broadcast %squeeze3A_636 : f32 to vector<16xf32>
      %mul3A_638 = arith.mulf %get3A_634, %mul3A_637 : vector<16xf32>
      %add3A_639 = arith.addf %add3A_609, %mul3A_638 : vector<16xf32>
      %add3A_640 = arith.constant 0 : i32
      %add3A_641 = arith.addi %add3A_640, %scan3A_362 : i32
      %get3A_642 = arith.index_cast %add3A_641 : i32 to index
      %get3A_643 = arith.constant 640 : index
      %get3A_644 = tpu.vector_load %arg11[%get3A_642, %get3A_643] {strides = array<i32>} : memref<48x768xf32, #tpu.memory_space<vmem>>, vector<16xf32>,
      %slice3A_645 = vector.extract_strided_slice %get3A_381 {offsets = [8], sizes = [1], strides = [1]} : vector<16xf32> to vector<1xf32>
      %squeeze3A_646 = vector.extract %slice3A_645[0] : f32 from vector<1xf32>
      %mul3A_647 = vector.broadcast %squeeze3A_646 : f32 to vector<16xf32>
      %mul3A_648 = arith.mulf %get3A_644, %mul3A_647 : vector<16xf32>
      %add3A_649 = arith.addf %add3A_619, %mul3A_648 : vector<16xf32>
      %add3A_650 = arith.constant 0 : i32
      %add3A_651 = arith.addi %add3A_650, %scan3A_362 : i32
      %get3A_652 = arith.index_cast %add3A_651 : i32 to index
      %get3A_653 = arith.constant 144 : index
      %get3A_654 = tpu.vector_load %arg11[%get3A_652, %get3A_653] {strides = array<i32>} : memref<48x768xf32, #tpu.memory_space<vmem>>, vector<16xf32>,
      %slice3A_655 = vector.extract_strided_slice %get3A_369 {offsets = [9], sizes = [1], strides = [1]} : vector<16xf32> to vector<1xf32>
      %squeeze3A_656 = vector.extract %slice3A_655[0] : f32 from vector<1xf32>
      %mul3A_657 = vector.broadcast %squeeze3A_656 : f32 to vector<16xf32>
      %mul3A_658 = arith.mulf %get3A_654, %mul3A_657 : vector<16xf32>
      %add3A_659 = arith.addf %add3A_629, %mul3A_658 : vector<16xf32>
      %add3A_660 = arith.constant 0 : i32
      %add3A_661 = arith.addi %add3A_660, %scan3A_362 : i32
      %get3A_662 = arith.index_cast %add3A_661 : i32 to index
      %get3A_663 = arith.constant 400 : index
      %get3A_664 = tpu.vector_load %arg11[%get3A_662, %get3A_663] {strides = array<i32>} : memref<48x768xf32, #tpu.memory_space<vmem>>, vector<16xf32>,
      %slice3A_665 = vector.extract_strided_slice %get3A_375 {offsets = [9], sizes = [1], strides = [1]} : vector<16xf32> to vector<1xf32>
      %squeeze3A_666 = vector.extract %slice3A_665[0] : f32 from vector<1xf32>
      %mul3A_667 = vector.broadcast %squeeze3A_666 : f32 to vector<16xf32>
      %mul3A_668 = arith.mulf %get3A_664, %mul3A_667 : vector<16xf32>
      %add3A_669 = arith.addf %add3A_639, %mul3A_668 : vector<16xf32>
      %add3A_670 = arith.constant 0 : i32
      %add3A_671 = arith.addi %add3A_670, %scan3A_362 : i32
      %get3A_672 = arith.index_cast %add3A_671 : i32 to index
      %get3A_673 = arith.constant 656 : index
      %get3A_674 = tpu.vector_load %arg11[%get3A_672, %get3A_673] {strides = array<i32>} : memref<48x768xf32, #tpu.memory_space<vmem>>, vector<16xf32>,
      %slice3A_675 = vector.extract_strided_slice %get3A_381 {offsets = [9], sizes = [1], strides = [1]} : vector<16xf32> to vector<1xf32>
      %squeeze3A_676 = vector.extract %slice3A_675[0] : f32 from vector<1xf32>
      %mul3A_677 = vector.broadcast %squeeze3A_676 : f32 to vector<16xf32>
      %mul3A_678 = arith.mulf %get3A_674, %mul3A_677 : vector<16xf32>
      %add3A_679 = arith.addf %add3A_649, %mul3A_678 : vector<16xf32>
      %add3A_680 = arith.constant 0 : i32
      %add3A_681 = arith.addi %add3A_680, %scan3A_362 : i32
      %get3A_682 = arith.index_cast %add3A_681 : i32 to index
      %get3A_683 = arith.constant 160 : index
      %get3A_684 = tpu.vector_load %arg11[%get3A_682, %get3A_683] {strides = array<i32>} : memref<48x768xf32, #tpu.memory_space<vmem>>, vector<16xf32>,
      %slice3A_685 = vector.extract_strided_slice %get3A_369 {offsets = [10], sizes = [1], strides = [1]} : vector<16xf32> to vector<1xf32>
      %squeeze3A_686 = vector.extract %slice3A_685[0] : f32 from vector<1xf32>
      %mul3A_687 = vector.broadcast %squeeze3A_686 : f32 to vector<16xf32>
      %mul3A_688 = arith.mulf %get3A_684, %mul3A_687 : vector<16xf32>
      %add3A_689 = arith.addf %add3A_659, %mul3A_688 : vector<16xf32>
      %add3A_690 = arith.constant 0 : i32
      %add3A_691 = arith.addi %add3A_690, %scan3A_362 : i32
      %get3A_692 = arith.index_cast %add3A_691 : i32 to index
      %get3A_693 = arith.constant 416 : index
      %get3A_694 = tpu.vector_load %arg11[%get3A_692, %get3A_693] {strides = array<i32>} : memref<48x768xf32, #tpu.memory_space<vmem>>, vector<16xf32>,
      %slice3A_695 = vector.extract_strided_slice %get3A_375 {offsets = [10], sizes = [1], strides = [1]} : vector<16xf32> to vector<1xf32>
      %squeeze3A_696 = vector.extract %slice3A_695[0] : f32 from vector<1xf32>
      %mul3A_697 = vector.broadcast %squeeze3A_696 : f32 to vector<16xf32>
      %mul3A_698 = arith.mulf %get3A_694, %mul3A_697 : vector<16xf32>
      %add3A_699 = arith.addf %add3A_669, %mul3A_698 : vector<16xf32>
      %add3A_700 = arith.constant 0 : i32
      %add3A_701 = arith.addi %add3A_700, %scan3A_362 : i32
      %get3A_702 = arith.index_cast %add3A_701 : i32 to index
      %get3A_703 = arith.constant 672 : index
      %get3A_704 = tpu.vector_load %arg11[%get3A_702, %get3A_703] {strides = array<i32>} : memref<48x768xf32, #tpu.memory_space<vmem>>, vector<16xf32>,
      %slice3A_705 = vector.extract_strided_slice %get3A_381 {offsets = [10], sizes = [1], strides = [1]} : vector<16xf32> to vector<1xf32>
      %squeeze3A_706 = vector.extract %slice3A_705[0] : f32 from vector<1xf32>
      %mul3A_707 = vector.broadcast %squeeze3A_706 : f32 to vector<16xf32>
      %mul3A_708 = arith.mulf %get3A_704, %mul3A_707 : vector<16xf32>
      %add3A_709 = arith.addf %add3A_679, %mul3A_708 : vector<16xf32>
      %add3A_710 = arith.constant 0 : i32
      %add3A_711 = arith.addi %add3A_710, %scan3A_362 : i32
      %get3A_712 = arith.index_cast %add3A_711 : i32 to index
      %get3A_713 = arith.constant 176 : index
      %get3A_714 = tpu.vector_load %arg11[%get3A_712, %get3A_713] {strides = array<i32>} : memref<48x768xf32, #tpu.memory_space<vmem>>, vector<16xf32>,
      %slice3A_715 = vector.extract_strided_slice %get3A_369 {offsets = [11], sizes = [1], strides = [1]} : vector<16xf32> to vector<1xf32>
      %squeeze3A_716 = vector.extract %slice3A_715[0] : f32 from vector<1xf32>
      %mul3A_717 = vector.broadcast %squeeze3A_716 : f32 to vector<16xf32>
      %mul3A_718 = arith.mulf %get3A_714, %mul3A_717 : vector<16xf32>
      %add3A_719 = arith.addf %add3A_689, %mul3A_718 : vector<16xf32>
      %add3A_720 = arith.constant 0 : i32
      %add3A_721 = arith.addi %add3A_720, %scan3A_362 : i32
      %get3A_722 = arith.index_cast %add3A_721 : i32 to index
      %get3A_723 = arith.constant 432 : index
      %get3A_724 = tpu.vector_load %arg11[%get3A_722, %get3A_723] {strides = array<i32>} : memref<48x768xf32, #tpu.memory_space<vmem>>, vector<16xf32>,
      %slice3A_725 = vector.extract_strided_slice %get3A_375 {offsets = [11], sizes = [1], strides = [1]} : vector<16xf32> to vector<1xf32>
      %squeeze3A_726 = vector.extract %slice3A_725[0] : f32 from vector<1xf32>
      %mul3A_727 = vector.broadcast %squeeze3A_726 : f32 to vector<16xf32>
      %mul3A_728 = arith.mulf %get3A_724, %mul3A_727 : vector<16xf32>
      %add3A_729 = arith.addf %add3A_699, %mul3A_728 : vector<16xf32>
      %add3A_730 = arith.constant 0 : i32
      %add3A_731 = arith.addi %add3A_730, %scan3A_362 : i32
      %get3A_732 = arith.index_cast %add3A_731 : i32 to index
      %get3A_733 = arith.constant 688 : index
      %get3A_734 = tpu.vector_load %arg11[%get3A_732, %get3A_733] {strides = array<i32>} : memref<48x768xf32, #tpu.memory_space<vmem>>, vector<16xf32>,
      %slice3A_735 = vector.extract_strided_slice %get3A_381 {offsets = [11], sizes = [1], strides = [1]} : vector<16xf32> to vector<1xf32>
      %squeeze3A_736 = vector.extract %slice3A_735[0] : f32 from vector<1xf32>
      %mul3A_737 = vector.broadcast %squeeze3A_736 : f32 to vector<16xf32>
      %mul3A_738 = arith.mulf %get3A_734, %mul3A_737 : vector<16xf32>
      %add3A_739 = arith.addf %add3A_709, %mul3A_738 : vector<16xf32>
      %add3A_740 = arith.constant 0 : i32
      %add3A_741 = arith.addi %add3A_740, %scan3A_362 : i32
      %get3A_742 = arith.index_cast %add3A_741 : i32 to index
      %get3A_743 = arith.constant 192 : index
      %get3A_744 = tpu.vector_load %arg11[%get3A_742, %get3A_743] {strides = array<i32>} : memref<48x768xf32, #tpu.memory_space<vmem>>, vector<16xf32>,
      %slice3A_745 = vector.extract_strided_slice %get3A_369 {offsets = [12], sizes = [1], strides = [1]} : vector<16xf32> to vector<1xf32>
      %squeeze3A_746 = vector.extract %slice3A_745[0] : f32 from vector<1xf32>
      %mul3A_747 = vector.broadcast %squeeze3A_746 : f32 to vector<16xf32>
      %mul3A_748 = arith.mulf %get3A_744, %mul3A_747 : vector<16xf32>
      %add3A_749 = arith.addf %add3A_719, %mul3A_748 : vector<16xf32>
      %add3A_750 = arith.constant 0 : i32
      %add3A_751 = arith.addi %add3A_750, %scan3A_362 : i32
      %get3A_752 = arith.index_cast %add3A_751 : i32 to index
      %get3A_753 = arith.constant 448 : index
      %get3A_754 = tpu.vector_load %arg11[%get3A_752, %get3A_753] {strides = array<i32>} : memref<48x768xf32, #tpu.memory_space<vmem>>, vector<16xf32>,
      %slice3A_755 = vector.extract_strided_slice %get3A_375 {offsets = [12], sizes = [1], strides = [1]} : vector<16xf32> to vector<1xf32>
      %squeeze3A_756 = vector.extract %slice3A_755[0] : f32 from vector<1xf32>
      %mul3A_757 = vector.broadcast %squeeze3A_756 : f32 to vector<16xf32>
      %mul3A_758 = arith.mulf %get3A_754, %mul3A_757 : vector<16xf32>
      %add3A_759 = arith.addf %add3A_729, %mul3A_758 : vector<16xf32>
      %add3A_760 = arith.constant 0 : i32
      %add3A_761 = arith.addi %add3A_760, %scan3A_362 : i32
      %get3A_762 = arith.index_cast %add3A_761 : i32 to index
      %get3A_763 = arith.constant 704 : index
      %get3A_764 = tpu.vector_load %arg11[%get3A_762, %get3A_763] {strides = array<i32>} : memref<48x768xf32, #tpu.memory_space<vmem>>, vector<16xf32>,
      %slice3A_765 = vector.extract_strided_slice %get3A_381 {offsets = [12], sizes = [1], strides = [1]} : vector<16xf32> to vector<1xf32>
      %squeeze3A_766 = vector.extract %slice3A_765[0] : f32 from vector<1xf32>
      %mul3A_767 = vector.broadcast %squeeze3A_766 : f32 to vector<16xf32>
      %mul3A_768 = arith.mulf %get3A_764, %mul3A_767 : vector<16xf32>
      %add3A_769 = arith.addf %add3A_739, %mul3A_768 : vector<16xf32>
      %add3A_770 = arith.constant 0 : i32
      %add3A_771 = arith.addi %add3A_770, %scan3A_362 : i32
      %get3A_772 = arith.index_cast %add3A_771 : i32 to index
      %get3A_773 = arith.constant 208 : index
      %get3A_774 = tpu.vector_load %arg11[%get3A_772, %get3A_773] {strides = array<i32>} : memref<48x768xf32, #tpu.memory_space<vmem>>, vector<16xf32>,
      %slice3A_775 = vector.extract_strided_slice %get3A_369 {offsets = [13], sizes = [1], strides = [1]} : vector<16xf32> to vector<1xf32>
      %squeeze3A_776 = vector.extract %slice3A_775[0] : f32 from vector<1xf32>
      %mul3A_777 = vector.broadcast %squeeze3A_776 : f32 to vector<16xf32>
      %mul3A_778 = arith.mulf %get3A_774, %mul3A_777 : vector<16xf32>
      %add3A_779 = arith.addf %add3A_749, %mul3A_778 : vector<16xf32>
      %add3A_780 = arith.constant 0 : i32
      %add3A_781 = arith.addi %add3A_780, %scan3A_362 : i32
      %get3A_782 = arith.index_cast %add3A_781 : i32 to index
      %get3A_783 = arith.constant 464 : index
      %get3A_784 = tpu.vector_load %arg11[%get3A_782, %get3A_783] {strides = array<i32>} : memref<48x768xf32, #tpu.memory_space<vmem>>, vector<16xf32>,
      %slice3A_785 = vector.extract_strided_slice %get3A_375 {offsets = [13], sizes = [1], strides = [1]} : vector<16xf32> to vector<1xf32>
      %squeeze3A_786 = vector.extract %slice3A_785[0] : f32 from vector<1xf32>
      %mul3A_787 = vector.broadcast %squeeze3A_786 : f32 to vector<16xf32>
      %mul3A_788 = arith.mulf %get3A_784, %mul3A_787 : vector<16xf32>
      %add3A_789 = arith.addf %add3A_759, %mul3A_788 : vector<16xf32>
      %add3A_790 = arith.constant 0 : i32
      %add3A_791 = arith.addi %add3A_790, %scan3A_362 : i32
      %get3A_792 = arith.index_cast %add3A_791 : i32 to index
      %get3A_793 = arith.constant 720 : index
      %get3A_794 = tpu.vector_load %arg11[%get3A_792, %get3A_793] {strides = array<i32>} : memref<48x768xf32, #tpu.memory_space<vmem>>, vector<16xf32>,
      %slice3A_795 = vector.extract_strided_slice %get3A_381 {offsets = [13], sizes = [1], strides = [1]} : vector<16xf32> to vector<1xf32>
      %squeeze3A_796 = vector.extract %slice3A_795[0] : f32 from vector<1xf32>
      %mul3A_797 = vector.broadcast %squeeze3A_796 : f32 to vector<16xf32>
      %mul3A_798 = arith.mulf %get3A_794, %mul3A_797 : vector<16xf32>
      %add3A_799 = arith.addf %add3A_769, %mul3A_798 : vector<16xf32>
      %add3A_800 = arith.constant 0 : i32
      %add3A_801 = arith.addi %add3A_800, %scan3A_362 : i32
      %get3A_802 = arith.index_cast %add3A_801 : i32 to index
      %get3A_803 = arith.constant 224 : index
      %get3A_804 = tpu.vector_load %arg11[%get3A_802, %get3A_803] {strides = array<i32>} : memref<48x768xf32, #tpu.memory_space<vmem>>, vector<16xf32>,
      %slice3A_805 = vector.extract_strided_slice %get3A_369 {offsets = [14], sizes = [1], strides = [1]} : vector<16xf32> to vector<1xf32>
      %squeeze3A_806 = vector.extract %slice3A_805[0] : f32 from vector<1xf32>
      %mul3A_807 = vector.broadcast %squeeze3A_806 : f32 to vector<16xf32>
      %mul3A_808 = arith.mulf %get3A_804, %mul3A_807 : vector<16xf32>
      %add3A_809 = arith.addf %add3A_779, %mul3A_808 : vector<16xf32>
      %add3A_810 = arith.constant 0 : i32
      %add3A_811 = arith.addi %add3A_810, %scan3A_362 : i32
      %get3A_812 = arith.index_cast %add3A_811 : i32 to index
      %get3A_813 = arith.constant 480 : index
      %get3A_814 = tpu.vector_load %arg11[%get3A_812, %get3A_813] {strides = array<i32>} : memref<48x768xf32, #tpu.memory_space<vmem>>, vector<16xf32>,
      %slice3A_815 = vector.extract_strided_slice %get3A_375 {offsets = [14], sizes = [1], strides = [1]} : vector<16xf32> to vector<1xf32>
      %squeeze3A_816 = vector.extract %slice3A_815[0] : f32 from vector<1xf32>
      %mul3A_817 = vector.broadcast %squeeze3A_816 : f32 to vector<16xf32>
      %mul3A_818 = arith.mulf %get3A_814, %mul3A_817 : vector<16xf32>
      %add3A_819 = arith.addf %add3A_789, %mul3A_818 : vector<16xf32>
      %add3A_820 = arith.constant 0 : i32
      %add3A_821 = arith.addi %add3A_820, %scan3A_362 : i32
      %get3A_822 = arith.index_cast %add3A_821 : i32 to index
      %get3A_823 = arith.constant 736 : index
      %get3A_824 = tpu.vector_load %arg11[%get3A_822, %get3A_823] {strides = array<i32>} : memref<48x768xf32, #tpu.memory_space<vmem>>, vector<16xf32>,
      %slice3A_825 = vector.extract_strided_slice %get3A_381 {offsets = [14], sizes = [1], strides = [1]} : vector<16xf32> to vector<1xf32>
      %squeeze3A_826 = vector.extract %slice3A_825[0] : f32 from vector<1xf32>
      %mul3A_827 = vector.broadcast %squeeze3A_826 : f32 to vector<16xf32>
      %mul3A_828 = arith.mulf %get3A_824, %mul3A_827 : vector<16xf32>
      %add3A_829 = arith.addf %add3A_799, %mul3A_828 : vector<16xf32>
      %add3A_830 = arith.constant 0 : i32
      %add3A_831 = arith.addi %add3A_830, %scan3A_362 : i32
      %get3A_832 = arith.index_cast %add3A_831 : i32 to index
      %get3A_833 = arith.constant 240 : index
      %get3A_834 = tpu.vector_load %arg11[%get3A_832, %get3A_833] {strides = array<i32>} : memref<48x768xf32, #tpu.memory_space<vmem>>, vector<16xf32>,
      %slice3A_835 = vector.extract_strided_slice %get3A_369 {offsets = [15], sizes = [1], strides = [1]} : vector<16xf32> to vector<1xf32>
      %squeeze3A_836 = vector.extract %slice3A_835[0] : f32 from vector<1xf32>
      %mul3A_837 = vector.broadcast %squeeze3A_836 : f32 to vector<16xf32>
      %mul3A_838 = arith.mulf %get3A_834, %mul3A_837 : vector<16xf32>
      %add3A_839 = arith.addf %add3A_809, %mul3A_838 : vector<16xf32>
      %add3A_840 = arith.constant 0 : i32
      %add3A_841 = arith.addi %add3A_840, %scan3A_362 : i32
      %get3A_842 = arith.index_cast %add3A_841 : i32 to index
      %get3A_843 = arith.constant 496 : index
      %get3A_844 = tpu.vector_load %arg11[%get3A_842, %get3A_843] {strides = array<i32>} : memref<48x768xf32, #tpu.memory_space<vmem>>, vector<16xf32>,
      %slice3A_845 = vector.extract_strided_slice %get3A_375 {offsets = [15], sizes = [1], strides = [1]} : vector<16xf32> to vector<1xf32>
      %squeeze3A_846 = vector.extract %slice3A_845[0] : f32 from vector<1xf32>
      %mul3A_847 = vector.broadcast %squeeze3A_846 : f32 to vector<16xf32>
      %mul3A_848 = arith.mulf %get3A_844, %mul3A_847 : vector<16xf32>
      %add3A_849 = arith.addf %add3A_819, %mul3A_848 : vector<16xf32>
      %add3A_850 = arith.constant 0 : i32
      %add3A_851 = arith.addi %add3A_850, %scan3A_362 : i32
      %get3A_852 = arith.index_cast %add3A_851 : i32 to index
      %get3A_853 = arith.constant 752 : index
      %get3A_854 = tpu.vector_load %arg11[%get3A_852, %get3A_853] {strides = array<i32>} : memref<48x768xf32, #tpu.memory_space<vmem>>, vector<16xf32>,
      %slice3A_855 = vector.extract_strided_slice %get3A_381 {offsets = [15], sizes = [1], strides = [1]} : vector<16xf32> to vector<1xf32>
      %squeeze3A_856 = vector.extract %slice3A_855[0] : f32 from vector<1xf32>
      %mul3A_857 = vector.broadcast %squeeze3A_856 : f32 to vector<16xf32>
      %mul3A_858 = arith.mulf %get3A_854, %mul3A_857 : vector<16xf32>
      %add3A_859 = arith.addf %add3A_829, %mul3A_858 : vector<16xf32>
      scf.yield %add3A_839, %add3A_849, %add3A_859 : vector<16xf32>, vector<16xf32>, vector<16xf32>
    }
    %scan3A_135 = arith.constant 16 : i32
    %add3A_136 = arith.addf %scan3A_134#0, %scan3A_134#1 : vector<16xf32>
    %add3A_137 = arith.addf %add3A_136, %scan3A_134#2 : vector<16xf32>
    %run_scoped3A_138 = arith.constant 3 : i32
    "tpu.region"() ({
      %run_scoped3A_362 = tpu.sem_alloc : memref<!tpu.dma_semaphore, #tpu.memory_space<semaphore_mem>>
      %dma_start3A_363 = arith.constant 0 : i32
      %dma_start3A_364 = tpu.memref_slice %arg4[%run_scoped3A_138, %dma_start3A_363] : memref<4x16xf32, #tpu.memory_space<hbm>> -> memref<1x16xf32, #tpu.memory_space<hbm>>
      %dma_start3A_365 = tpu.memref_squeeze %dma_start3A_364 : memref<1x16xf32, #tpu.memory_space<hbm>> -> memref<16xf32, #tpu.memory_space<hbm>>
      %dma_start3A_366 = arith.constant 0 : i32
      %dma_start3A_367 = tpu.memref_slice %arg4[%run_scoped3A_138, %dma_start3A_366] : memref<4x16xf32, #tpu.memory_space<hbm>> -> memref<1x16xf32, #tpu.memory_space<hbm>>
      %dma_start3A_368 = tpu.memref_squeeze %dma_start3A_367 : memref<1x16xf32, #tpu.memory_space<hbm>> -> memref<16xf32, #tpu.memory_space<hbm>>
      tpu.enqueue_dma source(%dma_start3A_368 : memref<16xf32, #tpu.memory_space<hbm>>) target(%arg10 : memref<16xf32, #tpu.memory_space<vmem>>) target_semaphore(%run_scoped3A_362 : memref<!tpu.dma_semaphore, #tpu.memory_space<semaphore_mem>>)
      %dma_wait3A_369 = arith.constant 0 : i32
      %dma_wait3A_370 = tpu.memref_slice %arg4[%run_scoped3A_138, %dma_wait3A_369] : memref<4x16xf32, #tpu.memory_space<hbm>> -> memref<1x16xf32, #tpu.memory_space<hbm>>
      %dma_wait3A_371 = tpu.memref_squeeze %dma_wait3A_370 : memref<1x16xf32, #tpu.memory_space<hbm>> -> memref<16xf32, #tpu.memory_space<hbm>>
      %dma_wait3A_372 = arith.constant 0 : i32
      %dma_wait3A_373 = tpu.memref_slice %arg4[%run_scoped3A_138, %dma_wait3A_372] : memref<4x16xf32, #tpu.memory_space<hbm>> -> memref<1x16xf32, #tpu.memory_space<hbm>>
      %dma_wait3A_374 = tpu.memref_squeeze %dma_wait3A_373 : memref<1x16xf32, #tpu.memory_space<hbm>> -> memref<16xf32, #tpu.memory_space<hbm>>
      tpu.wait_dma2 semaphore(%run_scoped3A_362 : memref<!tpu.dma_semaphore, #tpu.memory_space<semaphore_mem>>) src(%dma_wait3A_374 : memref<16xf32, #tpu.memory_space<hbm>>) dst(%arg10 : memref<16xf32, #tpu.memory_space<vmem>>)
      tpu.yield
    }) : () -> ()
    %dma_wait3A_139 = arith.constant 3 : i32
    %dma_wait3A_140 = arith.constant 16 : i32
    %dma_wait3A_141 = arith.constant 0 : i32
    %dma_wait3A_142 = tpu.memref_slice %arg11[%dma_wait3A_140, %dma_wait3A_141] : memref<48x768xf32, #tpu.memory_space<vmem>> -> memref<16x768xf32, #tpu.memory_space<vmem>>
    %dma_wait3A_143 = arith.constant 0 : i32
    %dma_wait3A_144 = arith.constant 0 : i32
    %dma_wait3A_145 = tpu.memref_slice %arg3[%dma_wait3A_139, %dma_wait3A_143, %dma_wait3A_144] : memref<4x16x768xf32, #tpu.memory_space<hbm>> -> memref<1x16x768xf32, #tpu.memory_space<hbm>>
    %dma_wait3A_146 = tpu.memref_squeeze %dma_wait3A_145 : memref<1x16x768xf32, #tpu.memory_space<hbm>> -> memref<16x768xf32, #tpu.memory_space<hbm>>
    %dma_wait3A_147 = arith.constant 16 : i32
    %dma_wait3A_148 = arith.constant 0 : i32
    %dma_wait3A_149 = tpu.memref_slice %arg11[%dma_wait3A_147, %dma_wait3A_148] : memref<48x768xf32, #tpu.memory_space<vmem>> -> memref<16x768xf32, #tpu.memory_space<vmem>>
    %dma_wait3A_150 = arith.constant 0 : i32
    %dma_wait3A_151 = arith.constant 0 : i32
    %dma_wait3A_152 = tpu.memref_slice %arg3[%dma_wait3A_139, %dma_wait3A_150, %dma_wait3A_151] : memref<4x16x768xf32, #tpu.memory_space<hbm>> -> memref<1x16x768xf32, #tpu.memory_space<hbm>>
    %dma_wait3A_153 = tpu.memref_squeeze %dma_wait3A_152 : memref<1x16x768xf32, #tpu.memory_space<hbm>> -> memref<16x768xf32, #tpu.memory_space<hbm>>
    tpu.wait_dma2 semaphore(%arg17 : memref<!tpu.dma_semaphore, #tpu.memory_space<semaphore_mem>>) src(%dma_wait3A_153 : memref<16x768xf32, #tpu.memory_space<hbm>>) dst(%dma_wait3A_149 : memref<16x768xf32, #tpu.memory_space<vmem>>)
    %broadcast_in_dim3A_154 = arith.constant 0.000000e+00 : f32
    %broadcast_in_dim3A_155 = vector.broadcast %broadcast_in_dim3A_154 : f32 to vector<16xf32>
    %get3A_156 = arith.constant 0 : index
    %get3A_157 = tpu.vector_load %arg10[%get3A_156] {strides = array<i32>} : memref<16xf32, #tpu.memory_space<vmem>>, vector<16xf32>,
    %scan3A_158 = arith.constant 0 : i32
    %scan3A_159 = arith.constant 16 : i32
    %scan3A_160 = arith.addi %scan3A_158, %scan3A_159 : i32
    %scan3A_161 = arith.constant 1 : i32
    %scan3A_162:3 = scf.for %scan3A_362 = %scan3A_158 to %scan3A_160 step %scan3A_161 iter_args(%scan3A_363 = %get3A_157, %scan3A_364 = %broadcast_in_dim3A_155, %scan3A_365 = %broadcast_in_dim3A_155) -> (vector<16xf32>, vector<16xf32>, vector<16xf32>)  : i32 {
      %mul3A_366 = arith.constant 48 : i32
      %mul3A_367 = arith.muli %scan3A_362, %mul3A_366 : i32
      %get3A_368 = arith.index_cast %mul3A_367 : i32 to index
      %get3A_369 = tpu.vector_load %arg9[%get3A_368] {strides = array<i32>} : memref<768xf32, #tpu.memory_space<vmem>>, vector<16xf32>,
      %mul3A_370 = arith.constant 48 : i32
      %mul3A_371 = arith.muli %scan3A_362, %mul3A_370 : i32
      %add3A_372 = arith.constant 16 : i32
      %add3A_373 = arith.addi %mul3A_371, %add3A_372 : i32
      %get3A_374 = arith.index_cast %add3A_373 : i32 to index
      %get3A_375 = tpu.vector_load %arg9[%get3A_374] {strides = array<i32>} : memref<768xf32, #tpu.memory_space<vmem>>, vector<16xf32>,
      %mul3A_376 = arith.constant 48 : i32
      %mul3A_377 = arith.muli %scan3A_362, %mul3A_376 : i32
      %add3A_378 = arith.constant 32 : i32
      %add3A_379 = arith.addi %mul3A_377, %add3A_378 : i32
      %get3A_380 = arith.index_cast %add3A_379 : i32 to index
      %get3A_381 = tpu.vector_load %arg9[%get3A_380] {strides = array<i32>} : memref<768xf32, #tpu.memory_space<vmem>>, vector<16xf32>,
      %add3A_382 = arith.constant 16 : i32
      %add3A_383 = arith.addi %add3A_382, %scan3A_362 : i32
      %get3A_384 = arith.index_cast %add3A_383 : i32 to index
      %get3A_385 = arith.constant 0 : index
      %get3A_386 = tpu.vector_load %arg11[%get3A_384, %get3A_385] {strides = array<i32>} : memref<48x768xf32, #tpu.memory_space<vmem>>, vector<16xf32>,
      %slice3A = vector.extract_strided_slice %get3A_369 {offsets = [0], sizes = [1], strides = [1]} : vector<16xf32> to vector<1xf32>
      %squeeze3A = vector.extract %slice3A[0] : f32 from vector<1xf32>
      %mul3A_387 = vector.broadcast %squeeze3A : f32 to vector<16xf32>
      %mul3A_388 = arith.mulf %get3A_386, %mul3A_387 : vector<16xf32>
      %add3A_389 = arith.addf %scan3A_363, %mul3A_388 : vector<16xf32>
      %add3A_390 = arith.constant 16 : i32
      %add3A_391 = arith.addi %add3A_390, %scan3A_362 : i32
      %get3A_392 = arith.index_cast %add3A_391 : i32 to index
      %get3A_393 = arith.constant 256 : index
      %get3A_394 = tpu.vector_load %arg11[%get3A_392, %get3A_393] {strides = array<i32>} : memref<48x768xf32, #tpu.memory_space<vmem>>, vector<16xf32>,
      %slice3A_395 = vector.extract_strided_slice %get3A_375 {offsets = [0], sizes = [1], strides = [1]} : vector<16xf32> to vector<1xf32>
      %squeeze3A_396 = vector.extract %slice3A_395[0] : f32 from vector<1xf32>
      %mul3A_397 = vector.broadcast %squeeze3A_396 : f32 to vector<16xf32>
      %mul3A_398 = arith.mulf %get3A_394, %mul3A_397 : vector<16xf32>
      %add3A_399 = arith.addf %scan3A_364, %mul3A_398 : vector<16xf32>
      %add3A_400 = arith.constant 16 : i32
      %add3A_401 = arith.addi %add3A_400, %scan3A_362 : i32
      %get3A_402 = arith.index_cast %add3A_401 : i32 to index
      %get3A_403 = arith.constant 512 : index
      %get3A_404 = tpu.vector_load %arg11[%get3A_402, %get3A_403] {strides = array<i32>} : memref<48x768xf32, #tpu.memory_space<vmem>>, vector<16xf32>,
      %slice3A_405 = vector.extract_strided_slice %get3A_381 {offsets = [0], sizes = [1], strides = [1]} : vector<16xf32> to vector<1xf32>
      %squeeze3A_406 = vector.extract %slice3A_405[0] : f32 from vector<1xf32>
      %mul3A_407 = vector.broadcast %squeeze3A_406 : f32 to vector<16xf32>
      %mul3A_408 = arith.mulf %get3A_404, %mul3A_407 : vector<16xf32>
      %add3A_409 = arith.addf %scan3A_365, %mul3A_408 : vector<16xf32>
      %add3A_410 = arith.constant 16 : i32
      %add3A_411 = arith.addi %add3A_410, %scan3A_362 : i32
      %get3A_412 = arith.index_cast %add3A_411 : i32 to index
      %get3A_413 = arith.constant 16 : index
      %get3A_414 = tpu.vector_load %arg11[%get3A_412, %get3A_413] {strides = array<i32>} : memref<48x768xf32, #tpu.memory_space<vmem>>, vector<16xf32>,
      %slice3A_415 = vector.extract_strided_slice %get3A_369 {offsets = [1], sizes = [1], strides = [1]} : vector<16xf32> to vector<1xf32>
      %squeeze3A_416 = vector.extract %slice3A_415[0] : f32 from vector<1xf32>
      %mul3A_417 = vector.broadcast %squeeze3A_416 : f32 to vector<16xf32>
      %mul3A_418 = arith.mulf %get3A_414, %mul3A_417 : vector<16xf32>
      %add3A_419 = arith.addf %add3A_389, %mul3A_418 : vector<16xf32>
      %add3A_420 = arith.constant 16 : i32
      %add3A_421 = arith.addi %add3A_420, %scan3A_362 : i32
      %get3A_422 = arith.index_cast %add3A_421 : i32 to index
      %get3A_423 = arith.constant 272 : index
      %get3A_424 = tpu.vector_load %arg11[%get3A_422, %get3A_423] {strides = array<i32>} : memref<48x768xf32, #tpu.memory_space<vmem>>, vector<16xf32>,
      %slice3A_425 = vector.extract_strided_slice %get3A_375 {offsets = [1], sizes = [1], strides = [1]} : vector<16xf32> to vector<1xf32>
      %squeeze3A_426 = vector.extract %slice3A_425[0] : f32 from vector<1xf32>
      %mul3A_427 = vector.broadcast %squeeze3A_426 : f32 to vector<16xf32>
      %mul3A_428 = arith.mulf %get3A_424, %mul3A_427 : vector<16xf32>
      %add3A_429 = arith.addf %add3A_399, %mul3A_428 : vector<16xf32>
      %add3A_430 = arith.constant 16 : i32
      %add3A_431 = arith.addi %add3A_430, %scan3A_362 : i32
      %get3A_432 = arith.index_cast %add3A_431 : i32 to index
      %get3A_433 = arith.constant 528 : index
      %get3A_434 = tpu.vector_load %arg11[%get3A_432, %get3A_433] {strides = array<i32>} : memref<48x768xf32, #tpu.memory_space<vmem>>, vector<16xf32>,
      %slice3A_435 = vector.extract_strided_slice %get3A_381 {offsets = [1], sizes = [1], strides = [1]} : vector<16xf32> to vector<1xf32>
      %squeeze3A_436 = vector.extract %slice3A_435[0] : f32 from vector<1xf32>
      %mul3A_437 = vector.broadcast %squeeze3A_436 : f32 to vector<16xf32>
      %mul3A_438 = arith.mulf %get3A_434, %mul3A_437 : vector<16xf32>
      %add3A_439 = arith.addf %add3A_409, %mul3A_438 : vector<16xf32>
      %add3A_440 = arith.constant 16 : i32
      %add3A_441 = arith.addi %add3A_440, %scan3A_362 : i32
      %get3A_442 = arith.index_cast %add3A_441 : i32 to index
      %get3A_443 = arith.constant 32 : index
      %get3A_444 = tpu.vector_load %arg11[%get3A_442, %get3A_443] {strides = array<i32>} : memref<48x768xf32, #tpu.memory_space<vmem>>, vector<16xf32>,
      %slice3A_445 = vector.extract_strided_slice %get3A_369 {offsets = [2], sizes = [1], strides = [1]} : vector<16xf32> to vector<1xf32>
      %squeeze3A_446 = vector.extract %slice3A_445[0] : f32 from vector<1xf32>
      %mul3A_447 = vector.broadcast %squeeze3A_446 : f32 to vector<16xf32>
      %mul3A_448 = arith.mulf %get3A_444, %mul3A_447 : vector<16xf32>
      %add3A_449 = arith.addf %add3A_419, %mul3A_448 : vector<16xf32>
      %add3A_450 = arith.constant 16 : i32
      %add3A_451 = arith.addi %add3A_450, %scan3A_362 : i32
      %get3A_452 = arith.index_cast %add3A_451 : i32 to index
      %get3A_453 = arith.constant 288 : index
      %get3A_454 = tpu.vector_load %arg11[%get3A_452, %get3A_453] {strides = array<i32>} : memref<48x768xf32, #tpu.memory_space<vmem>>, vector<16xf32>,
      %slice3A_455 = vector.extract_strided_slice %get3A_375 {offsets = [2], sizes = [1], strides = [1]} : vector<16xf32> to vector<1xf32>
      %squeeze3A_456 = vector.extract %slice3A_455[0] : f32 from vector<1xf32>
      %mul3A_457 = vector.broadcast %squeeze3A_456 : f32 to vector<16xf32>
      %mul3A_458 = arith.mulf %get3A_454, %mul3A_457 : vector<16xf32>
      %add3A_459 = arith.addf %add3A_429, %mul3A_458 : vector<16xf32>
      %add3A_460 = arith.constant 16 : i32
      %add3A_461 = arith.addi %add3A_460, %scan3A_362 : i32
      %get3A_462 = arith.index_cast %add3A_461 : i32 to index
      %get3A_463 = arith.constant 544 : index
      %get3A_464 = tpu.vector_load %arg11[%get3A_462, %get3A_463] {strides = array<i32>} : memref<48x768xf32, #tpu.memory_space<vmem>>, vector<16xf32>,
      %slice3A_465 = vector.extract_strided_slice %get3A_381 {offsets = [2], sizes = [1], strides = [1]} : vector<16xf32> to vector<1xf32>
      %squeeze3A_466 = vector.extract %slice3A_465[0] : f32 from vector<1xf32>
      %mul3A_467 = vector.broadcast %squeeze3A_466 : f32 to vector<16xf32>
      %mul3A_468 = arith.mulf %get3A_464, %mul3A_467 : vector<16xf32>
      %add3A_469 = arith.addf %add3A_439, %mul3A_468 : vector<16xf32>
      %add3A_470 = arith.constant 16 : i32
      %add3A_471 = arith.addi %add3A_470, %scan3A_362 : i32
      %get3A_472 = arith.index_cast %add3A_471 : i32 to index
      %get3A_473 = arith.constant 48 : index
      %get3A_474 = tpu.vector_load %arg11[%get3A_472, %get3A_473] {strides = array<i32>} : memref<48x768xf32, #tpu.memory_space<vmem>>, vector<16xf32>,
      %slice3A_475 = vector.extract_strided_slice %get3A_369 {offsets = [3], sizes = [1], strides = [1]} : vector<16xf32> to vector<1xf32>
      %squeeze3A_476 = vector.extract %slice3A_475[0] : f32 from vector<1xf32>
      %mul3A_477 = vector.broadcast %squeeze3A_476 : f32 to vector<16xf32>
      %mul3A_478 = arith.mulf %get3A_474, %mul3A_477 : vector<16xf32>
      %add3A_479 = arith.addf %add3A_449, %mul3A_478 : vector<16xf32>
      %add3A_480 = arith.constant 16 : i32
      %add3A_481 = arith.addi %add3A_480, %scan3A_362 : i32
      %get3A_482 = arith.index_cast %add3A_481 : i32 to index
      %get3A_483 = arith.constant 304 : index
      %get3A_484 = tpu.vector_load %arg11[%get3A_482, %get3A_483] {strides = array<i32>} : memref<48x768xf32, #tpu.memory_space<vmem>>, vector<16xf32>,
      %slice3A_485 = vector.extract_strided_slice %get3A_375 {offsets = [3], sizes = [1], strides = [1]} : vector<16xf32> to vector<1xf32>
      %squeeze3A_486 = vector.extract %slice3A_485[0] : f32 from vector<1xf32>
      %mul3A_487 = vector.broadcast %squeeze3A_486 : f32 to vector<16xf32>
      %mul3A_488 = arith.mulf %get3A_484, %mul3A_487 : vector<16xf32>
      %add3A_489 = arith.addf %add3A_459, %mul3A_488 : vector<16xf32>
      %add3A_490 = arith.constant 16 : i32
      %add3A_491 = arith.addi %add3A_490, %scan3A_362 : i32
      %get3A_492 = arith.index_cast %add3A_491 : i32 to index
      %get3A_493 = arith.constant 560 : index
      %get3A_494 = tpu.vector_load %arg11[%get3A_492, %get3A_493] {strides = array<i32>} : memref<48x768xf32, #tpu.memory_space<vmem>>, vector<16xf32>,
      %slice3A_495 = vector.extract_strided_slice %get3A_381 {offsets = [3], sizes = [1], strides = [1]} : vector<16xf32> to vector<1xf32>
      %squeeze3A_496 = vector.extract %slice3A_495[0] : f32 from vector<1xf32>
      %mul3A_497 = vector.broadcast %squeeze3A_496 : f32 to vector<16xf32>
      %mul3A_498 = arith.mulf %get3A_494, %mul3A_497 : vector<16xf32>
      %add3A_499 = arith.addf %add3A_469, %mul3A_498 : vector<16xf32>
      %add3A_500 = arith.constant 16 : i32
      %add3A_501 = arith.addi %add3A_500, %scan3A_362 : i32
      %get3A_502 = arith.index_cast %add3A_501 : i32 to index
      %get3A_503 = arith.constant 64 : index
      %get3A_504 = tpu.vector_load %arg11[%get3A_502, %get3A_503] {strides = array<i32>} : memref<48x768xf32, #tpu.memory_space<vmem>>, vector<16xf32>,
      %slice3A_505 = vector.extract_strided_slice %get3A_369 {offsets = [4], sizes = [1], strides = [1]} : vector<16xf32> to vector<1xf32>
      %squeeze3A_506 = vector.extract %slice3A_505[0] : f32 from vector<1xf32>
      %mul3A_507 = vector.broadcast %squeeze3A_506 : f32 to vector<16xf32>
      %mul3A_508 = arith.mulf %get3A_504, %mul3A_507 : vector<16xf32>
      %add3A_509 = arith.addf %add3A_479, %mul3A_508 : vector<16xf32>
      %add3A_510 = arith.constant 16 : i32
      %add3A_511 = arith.addi %add3A_510, %scan3A_362 : i32
      %get3A_512 = arith.index_cast %add3A_511 : i32 to index
      %get3A_513 = arith.constant 320 : index
      %get3A_514 = tpu.vector_load %arg11[%get3A_512, %get3A_513] {strides = array<i32>} : memref<48x768xf32, #tpu.memory_space<vmem>>, vector<16xf32>,
      %slice3A_515 = vector.extract_strided_slice %get3A_375 {offsets = [4], sizes = [1], strides = [1]} : vector<16xf32> to vector<1xf32>
      %squeeze3A_516 = vector.extract %slice3A_515[0] : f32 from vector<1xf32>
      %mul3A_517 = vector.broadcast %squeeze3A_516 : f32 to vector<16xf32>
      %mul3A_518 = arith.mulf %get3A_514, %mul3A_517 : vector<16xf32>
      %add3A_519 = arith.addf %add3A_489, %mul3A_518 : vector<16xf32>
      %add3A_520 = arith.constant 16 : i32
      %add3A_521 = arith.addi %add3A_520, %scan3A_362 : i32
      %get3A_522 = arith.index_cast %add3A_521 : i32 to index
      %get3A_523 = arith.constant 576 : index
      %get3A_524 = tpu.vector_load %arg11[%get3A_522, %get3A_523] {strides = array<i32>} : memref<48x768xf32, #tpu.memory_space<vmem>>, vector<16xf32>,
      %slice3A_525 = vector.extract_strided_slice %get3A_381 {offsets = [4], sizes = [1], strides = [1]} : vector<16xf32> to vector<1xf32>
      %squeeze3A_526 = vector.extract %slice3A_525[0] : f32 from vector<1xf32>
      %mul3A_527 = vector.broadcast %squeeze3A_526 : f32 to vector<16xf32>
      %mul3A_528 = arith.mulf %get3A_524, %mul3A_527 : vector<16xf32>
      %add3A_529 = arith.addf %add3A_499, %mul3A_528 : vector<16xf32>
      %add3A_530 = arith.constant 16 : i32
      %add3A_531 = arith.addi %add3A_530, %scan3A_362 : i32
      %get3A_532 = arith.index_cast %add3A_531 : i32 to index
      %get3A_533 = arith.constant 80 : index
      %get3A_534 = tpu.vector_load %arg11[%get3A_532, %get3A_533] {strides = array<i32>} : memref<48x768xf32, #tpu.memory_space<vmem>>, vector<16xf32>,
      %slice3A_535 = vector.extract_strided_slice %get3A_369 {offsets = [5], sizes = [1], strides = [1]} : vector<16xf32> to vector<1xf32>
      %squeeze3A_536 = vector.extract %slice3A_535[0] : f32 from vector<1xf32>
      %mul3A_537 = vector.broadcast %squeeze3A_536 : f32 to vector<16xf32>
      %mul3A_538 = arith.mulf %get3A_534, %mul3A_537 : vector<16xf32>
      %add3A_539 = arith.addf %add3A_509, %mul3A_538 : vector<16xf32>
      %add3A_540 = arith.constant 16 : i32
      %add3A_541 = arith.addi %add3A_540, %scan3A_362 : i32
      %get3A_542 = arith.index_cast %add3A_541 : i32 to index
      %get3A_543 = arith.constant 336 : index
      %get3A_544 = tpu.vector_load %arg11[%get3A_542, %get3A_543] {strides = array<i32>} : memref<48x768xf32, #tpu.memory_space<vmem>>, vector<16xf32>,
      %slice3A_545 = vector.extract_strided_slice %get3A_375 {offsets = [5], sizes = [1], strides = [1]} : vector<16xf32> to vector<1xf32>
      %squeeze3A_546 = vector.extract %slice3A_545[0] : f32 from vector<1xf32>
      %mul3A_547 = vector.broadcast %squeeze3A_546 : f32 to vector<16xf32>
      %mul3A_548 = arith.mulf %get3A_544, %mul3A_547 : vector<16xf32>
      %add3A_549 = arith.addf %add3A_519, %mul3A_548 : vector<16xf32>
      %add3A_550 = arith.constant 16 : i32
      %add3A_551 = arith.addi %add3A_550, %scan3A_362 : i32
      %get3A_552 = arith.index_cast %add3A_551 : i32 to index
      %get3A_553 = arith.constant 592 : index
      %get3A_554 = tpu.vector_load %arg11[%get3A_552, %get3A_553] {strides = array<i32>} : memref<48x768xf32, #tpu.memory_space<vmem>>, vector<16xf32>,
      %slice3A_555 = vector.extract_strided_slice %get3A_381 {offsets = [5], sizes = [1], strides = [1]} : vector<16xf32> to vector<1xf32>
      %squeeze3A_556 = vector.extract %slice3A_555[0] : f32 from vector<1xf32>
      %mul3A_557 = vector.broadcast %squeeze3A_556 : f32 to vector<16xf32>
      %mul3A_558 = arith.mulf %get3A_554, %mul3A_557 : vector<16xf32>
      %add3A_559 = arith.addf %add3A_529, %mul3A_558 : vector<16xf32>
      %add3A_560 = arith.constant 16 : i32
      %add3A_561 = arith.addi %add3A_560, %scan3A_362 : i32
      %get3A_562 = arith.index_cast %add3A_561 : i32 to index
      %get3A_563 = arith.constant 96 : index
      %get3A_564 = tpu.vector_load %arg11[%get3A_562, %get3A_563] {strides = array<i32>} : memref<48x768xf32, #tpu.memory_space<vmem>>, vector<16xf32>,
      %slice3A_565 = vector.extract_strided_slice %get3A_369 {offsets = [6], sizes = [1], strides = [1]} : vector<16xf32> to vector<1xf32>
      %squeeze3A_566 = vector.extract %slice3A_565[0] : f32 from vector<1xf32>
      %mul3A_567 = vector.broadcast %squeeze3A_566 : f32 to vector<16xf32>
      %mul3A_568 = arith.mulf %get3A_564, %mul3A_567 : vector<16xf32>
      %add3A_569 = arith.addf %add3A_539, %mul3A_568 : vector<16xf32>
      %add3A_570 = arith.constant 16 : i32
      %add3A_571 = arith.addi %add3A_570, %scan3A_362 : i32
      %get3A_572 = arith.index_cast %add3A_571 : i32 to index
      %get3A_573 = arith.constant 352 : index
      %get3A_574 = tpu.vector_load %arg11[%get3A_572, %get3A_573] {strides = array<i32>} : memref<48x768xf32, #tpu.memory_space<vmem>>, vector<16xf32>,
      %slice3A_575 = vector.extract_strided_slice %get3A_375 {offsets = [6], sizes = [1], strides = [1]} : vector<16xf32> to vector<1xf32>
      %squeeze3A_576 = vector.extract %slice3A_575[0] : f32 from vector<1xf32>
      %mul3A_577 = vector.broadcast %squeeze3A_576 : f32 to vector<16xf32>
      %mul3A_578 = arith.mulf %get3A_574, %mul3A_577 : vector<16xf32>
      %add3A_579 = arith.addf %add3A_549, %mul3A_578 : vector<16xf32>
      %add3A_580 = arith.constant 16 : i32
      %add3A_581 = arith.addi %add3A_580, %scan3A_362 : i32
      %get3A_582 = arith.index_cast %add3A_581 : i32 to index
      %get3A_583 = arith.constant 608 : index
      %get3A_584 = tpu.vector_load %arg11[%get3A_582, %get3A_583] {strides = array<i32>} : memref<48x768xf32, #tpu.memory_space<vmem>>, vector<16xf32>,
      %slice3A_585 = vector.extract_strided_slice %get3A_381 {offsets = [6], sizes = [1], strides = [1]} : vector<16xf32> to vector<1xf32>
      %squeeze3A_586 = vector.extract %slice3A_585[0] : f32 from vector<1xf32>
      %mul3A_587 = vector.broadcast %squeeze3A_586 : f32 to vector<16xf32>
      %mul3A_588 = arith.mulf %get3A_584, %mul3A_587 : vector<16xf32>
      %add3A_589 = arith.addf %add3A_559, %mul3A_588 : vector<16xf32>
      %add3A_590 = arith.constant 16 : i32
      %add3A_591 = arith.addi %add3A_590, %scan3A_362 : i32
      %get3A_592 = arith.index_cast %add3A_591 : i32 to index
      %get3A_593 = arith.constant 112 : index
      %get3A_594 = tpu.vector_load %arg11[%get3A_592, %get3A_593] {strides = array<i32>} : memref<48x768xf32, #tpu.memory_space<vmem>>, vector<16xf32>,
      %slice3A_595 = vector.extract_strided_slice %get3A_369 {offsets = [7], sizes = [1], strides = [1]} : vector<16xf32> to vector<1xf32>
      %squeeze3A_596 = vector.extract %slice3A_595[0] : f32 from vector<1xf32>
      %mul3A_597 = vector.broadcast %squeeze3A_596 : f32 to vector<16xf32>
      %mul3A_598 = arith.mulf %get3A_594, %mul3A_597 : vector<16xf32>
      %add3A_599 = arith.addf %add3A_569, %mul3A_598 : vector<16xf32>
      %add3A_600 = arith.constant 16 : i32
      %add3A_601 = arith.addi %add3A_600, %scan3A_362 : i32
      %get3A_602 = arith.index_cast %add3A_601 : i32 to index
      %get3A_603 = arith.constant 368 : index
      %get3A_604 = tpu.vector_load %arg11[%get3A_602, %get3A_603] {strides = array<i32>} : memref<48x768xf32, #tpu.memory_space<vmem>>, vector<16xf32>,
      %slice3A_605 = vector.extract_strided_slice %get3A_375 {offsets = [7], sizes = [1], strides = [1]} : vector<16xf32> to vector<1xf32>
      %squeeze3A_606 = vector.extract %slice3A_605[0] : f32 from vector<1xf32>
      %mul3A_607 = vector.broadcast %squeeze3A_606 : f32 to vector<16xf32>
      %mul3A_608 = arith.mulf %get3A_604, %mul3A_607 : vector<16xf32>
      %add3A_609 = arith.addf %add3A_579, %mul3A_608 : vector<16xf32>
      %add3A_610 = arith.constant 16 : i32
      %add3A_611 = arith.addi %add3A_610, %scan3A_362 : i32
      %get3A_612 = arith.index_cast %add3A_611 : i32 to index
      %get3A_613 = arith.constant 624 : index
      %get3A_614 = tpu.vector_load %arg11[%get3A_612, %get3A_613] {strides = array<i32>} : memref<48x768xf32, #tpu.memory_space<vmem>>, vector<16xf32>,
      %slice3A_615 = vector.extract_strided_slice %get3A_381 {offsets = [7], sizes = [1], strides = [1]} : vector<16xf32> to vector<1xf32>
      %squeeze3A_616 = vector.extract %slice3A_615[0] : f32 from vector<1xf32>
      %mul3A_617 = vector.broadcast %squeeze3A_616 : f32 to vector<16xf32>
      %mul3A_618 = arith.mulf %get3A_614, %mul3A_617 : vector<16xf32>
      %add3A_619 = arith.addf %add3A_589, %mul3A_618 : vector<16xf32>
      %add3A_620 = arith.constant 16 : i32
      %add3A_621 = arith.addi %add3A_620, %scan3A_362 : i32
      %get3A_622 = arith.index_cast %add3A_621 : i32 to index
      %get3A_623 = arith.constant 128 : index
      %get3A_624 = tpu.vector_load %arg11[%get3A_622, %get3A_623] {strides = array<i32>} : memref<48x768xf32, #tpu.memory_space<vmem>>, vector<16xf32>,
      %slice3A_625 = vector.extract_strided_slice %get3A_369 {offsets = [8], sizes = [1], strides = [1]} : vector<16xf32> to vector<1xf32>
      %squeeze3A_626 = vector.extract %slice3A_625[0] : f32 from vector<1xf32>
      %mul3A_627 = vector.broadcast %squeeze3A_626 : f32 to vector<16xf32>
      %mul3A_628 = arith.mulf %get3A_624, %mul3A_627 : vector<16xf32>
      %add3A_629 = arith.addf %add3A_599, %mul3A_628 : vector<16xf32>
      %add3A_630 = arith.constant 16 : i32
      %add3A_631 = arith.addi %add3A_630, %scan3A_362 : i32
      %get3A_632 = arith.index_cast %add3A_631 : i32 to index
      %get3A_633 = arith.constant 384 : index
      %get3A_634 = tpu.vector_load %arg11[%get3A_632, %get3A_633] {strides = array<i32>} : memref<48x768xf32, #tpu.memory_space<vmem>>, vector<16xf32>,
      %slice3A_635 = vector.extract_strided_slice %get3A_375 {offsets = [8], sizes = [1], strides = [1]} : vector<16xf32> to vector<1xf32>
      %squeeze3A_636 = vector.extract %slice3A_635[0] : f32 from vector<1xf32>
      %mul3A_637 = vector.broadcast %squeeze3A_636 : f32 to vector<16xf32>
      %mul3A_638 = arith.mulf %get3A_634, %mul3A_637 : vector<16xf32>
      %add3A_639 = arith.addf %add3A_609, %mul3A_638 : vector<16xf32>
      %add3A_640 = arith.constant 16 : i32
      %add3A_641 = arith.addi %add3A_640, %scan3A_362 : i32
      %get3A_642 = arith.index_cast %add3A_641 : i32 to index
      %get3A_643 = arith.constant 640 : index
      %get3A_644 = tpu.vector_load %arg11[%get3A_642, %get3A_643] {strides = array<i32>} : memref<48x768xf32, #tpu.memory_space<vmem>>, vector<16xf32>,
      %slice3A_645 = vector.extract_strided_slice %get3A_381 {offsets = [8], sizes = [1], strides = [1]} : vector<16xf32> to vector<1xf32>
      %squeeze3A_646 = vector.extract %slice3A_645[0] : f32 from vector<1xf32>
      %mul3A_647 = vector.broadcast %squeeze3A_646 : f32 to vector<16xf32>
      %mul3A_648 = arith.mulf %get3A_644, %mul3A_647 : vector<16xf32>
      %add3A_649 = arith.addf %add3A_619, %mul3A_648 : vector<16xf32>
      %add3A_650 = arith.constant 16 : i32
      %add3A_651 = arith.addi %add3A_650, %scan3A_362 : i32
      %get3A_652 = arith.index_cast %add3A_651 : i32 to index
      %get3A_653 = arith.constant 144 : index
      %get3A_654 = tpu.vector_load %arg11[%get3A_652, %get3A_653] {strides = array<i32>} : memref<48x768xf32, #tpu.memory_space<vmem>>, vector<16xf32>,
      %slice3A_655 = vector.extract_strided_slice %get3A_369 {offsets = [9], sizes = [1], strides = [1]} : vector<16xf32> to vector<1xf32>
      %squeeze3A_656 = vector.extract %slice3A_655[0] : f32 from vector<1xf32>
      %mul3A_657 = vector.broadcast %squeeze3A_656 : f32 to vector<16xf32>
      %mul3A_658 = arith.mulf %get3A_654, %mul3A_657 : vector<16xf32>
      %add3A_659 = arith.addf %add3A_629, %mul3A_658 : vector<16xf32>
      %add3A_660 = arith.constant 16 : i32
      %add3A_661 = arith.addi %add3A_660, %scan3A_362 : i32
      %get3A_662 = arith.index_cast %add3A_661 : i32 to index
      %get3A_663 = arith.constant 400 : index
      %get3A_664 = tpu.vector_load %arg11[%get3A_662, %get3A_663] {strides = array<i32>} : memref<48x768xf32, #tpu.memory_space<vmem>>, vector<16xf32>,
      %slice3A_665 = vector.extract_strided_slice %get3A_375 {offsets = [9], sizes = [1], strides = [1]} : vector<16xf32> to vector<1xf32>
      %squeeze3A_666 = vector.extract %slice3A_665[0] : f32 from vector<1xf32>
      %mul3A_667 = vector.broadcast %squeeze3A_666 : f32 to vector<16xf32>
      %mul3A_668 = arith.mulf %get3A_664, %mul3A_667 : vector<16xf32>
      %add3A_669 = arith.addf %add3A_639, %mul3A_668 : vector<16xf32>
      %add3A_670 = arith.constant 16 : i32
      %add3A_671 = arith.addi %add3A_670, %scan3A_362 : i32
      %get3A_672 = arith.index_cast %add3A_671 : i32 to index
      %get3A_673 = arith.constant 656 : index
      %get3A_674 = tpu.vector_load %arg11[%get3A_672, %get3A_673] {strides = array<i32>} : memref<48x768xf32, #tpu.memory_space<vmem>>, vector<16xf32>,
      %slice3A_675 = vector.extract_strided_slice %get3A_381 {offsets = [9], sizes = [1], strides = [1]} : vector<16xf32> to vector<1xf32>
      %squeeze3A_676 = vector.extract %slice3A_675[0] : f32 from vector<1xf32>
      %mul3A_677 = vector.broadcast %squeeze3A_676 : f32 to vector<16xf32>
      %mul3A_678 = arith.mulf %get3A_674, %mul3A_677 : vector<16xf32>
      %add3A_679 = arith.addf %add3A_649, %mul3A_678 : vector<16xf32>
      %add3A_680 = arith.constant 16 : i32
      %add3A_681 = arith.addi %add3A_680, %scan3A_362 : i32
      %get3A_682 = arith.index_cast %add3A_681 : i32 to index
      %get3A_683 = arith.constant 160 : index
      %get3A_684 = tpu.vector_load %arg11[%get3A_682, %get3A_683] {strides = array<i32>} : memref<48x768xf32, #tpu.memory_space<vmem>>, vector<16xf32>,
      %slice3A_685 = vector.extract_strided_slice %get3A_369 {offsets = [10], sizes = [1], strides = [1]} : vector<16xf32> to vector<1xf32>
      %squeeze3A_686 = vector.extract %slice3A_685[0] : f32 from vector<1xf32>
      %mul3A_687 = vector.broadcast %squeeze3A_686 : f32 to vector<16xf32>
      %mul3A_688 = arith.mulf %get3A_684, %mul3A_687 : vector<16xf32>
      %add3A_689 = arith.addf %add3A_659, %mul3A_688 : vector<16xf32>
      %add3A_690 = arith.constant 16 : i32
      %add3A_691 = arith.addi %add3A_690, %scan3A_362 : i32
      %get3A_692 = arith.index_cast %add3A_691 : i32 to index
      %get3A_693 = arith.constant 416 : index
      %get3A_694 = tpu.vector_load %arg11[%get3A_692, %get3A_693] {strides = array<i32>} : memref<48x768xf32, #tpu.memory_space<vmem>>, vector<16xf32>,
      %slice3A_695 = vector.extract_strided_slice %get3A_375 {offsets = [10], sizes = [1], strides = [1]} : vector<16xf32> to vector<1xf32>
      %squeeze3A_696 = vector.extract %slice3A_695[0] : f32 from vector<1xf32>
      %mul3A_697 = vector.broadcast %squeeze3A_696 : f32 to vector<16xf32>
      %mul3A_698 = arith.mulf %get3A_694, %mul3A_697 : vector<16xf32>
      %add3A_699 = arith.addf %add3A_669, %mul3A_698 : vector<16xf32>
      %add3A_700 = arith.constant 16 : i32
      %add3A_701 = arith.addi %add3A_700, %scan3A_362 : i32
      %get3A_702 = arith.index_cast %add3A_701 : i32 to index
      %get3A_703 = arith.constant 672 : index
      %get3A_704 = tpu.vector_load %arg11[%get3A_702, %get3A_703] {strides = array<i32>} : memref<48x768xf32, #tpu.memory_space<vmem>>, vector<16xf32>,
      %slice3A_705 = vector.extract_strided_slice %get3A_381 {offsets = [10], sizes = [1], strides = [1]} : vector<16xf32> to vector<1xf32>
      %squeeze3A_706 = vector.extract %slice3A_705[0] : f32 from vector<1xf32>
      %mul3A_707 = vector.broadcast %squeeze3A_706 : f32 to vector<16xf32>
      %mul3A_708 = arith.mulf %get3A_704, %mul3A_707 : vector<16xf32>
      %add3A_709 = arith.addf %add3A_679, %mul3A_708 : vector<16xf32>
      %add3A_710 = arith.constant 16 : i32
      %add3A_711 = arith.addi %add3A_710, %scan3A_362 : i32
      %get3A_712 = arith.index_cast %add3A_711 : i32 to index
      %get3A_713 = arith.constant 176 : index
      %get3A_714 = tpu.vector_load %arg11[%get3A_712, %get3A_713] {strides = array<i32>} : memref<48x768xf32, #tpu.memory_space<vmem>>, vector<16xf32>,
      %slice3A_715 = vector.extract_strided_slice %get3A_369 {offsets = [11], sizes = [1], strides = [1]} : vector<16xf32> to vector<1xf32>
      %squeeze3A_716 = vector.extract %slice3A_715[0] : f32 from vector<1xf32>
      %mul3A_717 = vector.broadcast %squeeze3A_716 : f32 to vector<16xf32>
      %mul3A_718 = arith.mulf %get3A_714, %mul3A_717 : vector<16xf32>
      %add3A_719 = arith.addf %add3A_689, %mul3A_718 : vector<16xf32>
      %add3A_720 = arith.constant 16 : i32
      %add3A_721 = arith.addi %add3A_720, %scan3A_362 : i32
      %get3A_722 = arith.index_cast %add3A_721 : i32 to index
      %get3A_723 = arith.constant 432 : index
      %get3A_724 = tpu.vector_load %arg11[%get3A_722, %get3A_723] {strides = array<i32>} : memref<48x768xf32, #tpu.memory_space<vmem>>, vector<16xf32>,
      %slice3A_725 = vector.extract_strided_slice %get3A_375 {offsets = [11], sizes = [1], strides = [1]} : vector<16xf32> to vector<1xf32>
      %squeeze3A_726 = vector.extract %slice3A_725[0] : f32 from vector<1xf32>
      %mul3A_727 = vector.broadcast %squeeze3A_726 : f32 to vector<16xf32>
      %mul3A_728 = arith.mulf %get3A_724, %mul3A_727 : vector<16xf32>
      %add3A_729 = arith.addf %add3A_699, %mul3A_728 : vector<16xf32>
      %add3A_730 = arith.constant 16 : i32
      %add3A_731 = arith.addi %add3A_730, %scan3A_362 : i32
      %get3A_732 = arith.index_cast %add3A_731 : i32 to index
      %get3A_733 = arith.constant 688 : index
      %get3A_734 = tpu.vector_load %arg11[%get3A_732, %get3A_733] {strides = array<i32>} : memref<48x768xf32, #tpu.memory_space<vmem>>, vector<16xf32>,
      %slice3A_735 = vector.extract_strided_slice %get3A_381 {offsets = [11], sizes = [1], strides = [1]} : vector<16xf32> to vector<1xf32>
      %squeeze3A_736 = vector.extract %slice3A_735[0] : f32 from vector<1xf32>
      %mul3A_737 = vector.broadcast %squeeze3A_736 : f32 to vector<16xf32>
      %mul3A_738 = arith.mulf %get3A_734, %mul3A_737 : vector<16xf32>
      %add3A_739 = arith.addf %add3A_709, %mul3A_738 : vector<16xf32>
      %add3A_740 = arith.constant 16 : i32
      %add3A_741 = arith.addi %add3A_740, %scan3A_362 : i32
      %get3A_742 = arith.index_cast %add3A_741 : i32 to index
      %get3A_743 = arith.constant 192 : index
      %get3A_744 = tpu.vector_load %arg11[%get3A_742, %get3A_743] {strides = array<i32>} : memref<48x768xf32, #tpu.memory_space<vmem>>, vector<16xf32>,
      %slice3A_745 = vector.extract_strided_slice %get3A_369 {offsets = [12], sizes = [1], strides = [1]} : vector<16xf32> to vector<1xf32>
      %squeeze3A_746 = vector.extract %slice3A_745[0] : f32 from vector<1xf32>
      %mul3A_747 = vector.broadcast %squeeze3A_746 : f32 to vector<16xf32>
      %mul3A_748 = arith.mulf %get3A_744, %mul3A_747 : vector<16xf32>
      %add3A_749 = arith.addf %add3A_719, %mul3A_748 : vector<16xf32>
      %add3A_750 = arith.constant 16 : i32
      %add3A_751 = arith.addi %add3A_750, %scan3A_362 : i32
      %get3A_752 = arith.index_cast %add3A_751 : i32 to index
      %get3A_753 = arith.constant 448 : index
      %get3A_754 = tpu.vector_load %arg11[%get3A_752, %get3A_753] {strides = array<i32>} : memref<48x768xf32, #tpu.memory_space<vmem>>, vector<16xf32>,
      %slice3A_755 = vector.extract_strided_slice %get3A_375 {offsets = [12], sizes = [1], strides = [1]} : vector<16xf32> to vector<1xf32>
      %squeeze3A_756 = vector.extract %slice3A_755[0] : f32 from vector<1xf32>
      %mul3A_757 = vector.broadcast %squeeze3A_756 : f32 to vector<16xf32>
      %mul3A_758 = arith.mulf %get3A_754, %mul3A_757 : vector<16xf32>
      %add3A_759 = arith.addf %add3A_729, %mul3A_758 : vector<16xf32>
      %add3A_760 = arith.constant 16 : i32
      %add3A_761 = arith.addi %add3A_760, %scan3A_362 : i32
      %get3A_762 = arith.index_cast %add3A_761 : i32 to index
      %get3A_763 = arith.constant 704 : index
      %get3A_764 = tpu.vector_load %arg11[%get3A_762, %get3A_763] {strides = array<i32>} : memref<48x768xf32, #tpu.memory_space<vmem>>, vector<16xf32>,
      %slice3A_765 = vector.extract_strided_slice %get3A_381 {offsets = [12], sizes = [1], strides = [1]} : vector<16xf32> to vector<1xf32>
      %squeeze3A_766 = vector.extract %slice3A_765[0] : f32 from vector<1xf32>
      %mul3A_767 = vector.broadcast %squeeze3A_766 : f32 to vector<16xf32>
      %mul3A_768 = arith.mulf %get3A_764, %mul3A_767 : vector<16xf32>
      %add3A_769 = arith.addf %add3A_739, %mul3A_768 : vector<16xf32>
      %add3A_770 = arith.constant 16 : i32
      %add3A_771 = arith.addi %add3A_770, %scan3A_362 : i32
      %get3A_772 = arith.index_cast %add3A_771 : i32 to index
      %get3A_773 = arith.constant 208 : index
      %get3A_774 = tpu.vector_load %arg11[%get3A_772, %get3A_773] {strides = array<i32>} : memref<48x768xf32, #tpu.memory_space<vmem>>, vector<16xf32>,
      %slice3A_775 = vector.extract_strided_slice %get3A_369 {offsets = [13], sizes = [1], strides = [1]} : vector<16xf32> to vector<1xf32>
      %squeeze3A_776 = vector.extract %slice3A_775[0] : f32 from vector<1xf32>
      %mul3A_777 = vector.broadcast %squeeze3A_776 : f32 to vector<16xf32>
      %mul3A_778 = arith.mulf %get3A_774, %mul3A_777 : vector<16xf32>
      %add3A_779 = arith.addf %add3A_749, %mul3A_778 : vector<16xf32>
      %add3A_780 = arith.constant 16 : i32
      %add3A_781 = arith.addi %add3A_780, %scan3A_362 : i32
      %get3A_782 = arith.index_cast %add3A_781 : i32 to index
      %get3A_783 = arith.constant 464 : index
      %get3A_784 = tpu.vector_load %arg11[%get3A_782, %get3A_783] {strides = array<i32>} : memref<48x768xf32, #tpu.memory_space<vmem>>, vector<16xf32>,
      %slice3A_785 = vector.extract_strided_slice %get3A_375 {offsets = [13], sizes = [1], strides = [1]} : vector<16xf32> to vector<1xf32>
      %squeeze3A_786 = vector.extract %slice3A_785[0] : f32 from vector<1xf32>
      %mul3A_787 = vector.broadcast %squeeze3A_786 : f32 to vector<16xf32>
      %mul3A_788 = arith.mulf %get3A_784, %mul3A_787 : vector<16xf32>
      %add3A_789 = arith.addf %add3A_759, %mul3A_788 : vector<16xf32>
      %add3A_790 = arith.constant 16 : i32
      %add3A_791 = arith.addi %add3A_790, %scan3A_362 : i32
      %get3A_792 = arith.index_cast %add3A_791 : i32 to index
      %get3A_793 = arith.constant 720 : index
      %get3A_794 = tpu.vector_load %arg11[%get3A_792, %get3A_793] {strides = array<i32>} : memref<48x768xf32, #tpu.memory_space<vmem>>, vector<16xf32>,
      %slice3A_795 = vector.extract_strided_slice %get3A_381 {offsets = [13], sizes = [1], strides = [1]} : vector<16xf32> to vector<1xf32>
      %squeeze3A_796 = vector.extract %slice3A_795[0] : f32 from vector<1xf32>
      %mul3A_797 = vector.broadcast %squeeze3A_796 : f32 to vector<16xf32>
      %mul3A_798 = arith.mulf %get3A_794, %mul3A_797 : vector<16xf32>
      %add3A_799 = arith.addf %add3A_769, %mul3A_798 : vector<16xf32>
      %add3A_800 = arith.constant 16 : i32
      %add3A_801 = arith.addi %add3A_800, %scan3A_362 : i32
      %get3A_802 = arith.index_cast %add3A_801 : i32 to index
      %get3A_803 = arith.constant 224 : index
      %get3A_804 = tpu.vector_load %arg11[%get3A_802, %get3A_803] {strides = array<i32>} : memref<48x768xf32, #tpu.memory_space<vmem>>, vector<16xf32>,
      %slice3A_805 = vector.extract_strided_slice %get3A_369 {offsets = [14], sizes = [1], strides = [1]} : vector<16xf32> to vector<1xf32>
      %squeeze3A_806 = vector.extract %slice3A_805[0] : f32 from vector<1xf32>
      %mul3A_807 = vector.broadcast %squeeze3A_806 : f32 to vector<16xf32>
      %mul3A_808 = arith.mulf %get3A_804, %mul3A_807 : vector<16xf32>
      %add3A_809 = arith.addf %add3A_779, %mul3A_808 : vector<16xf32>
      %add3A_810 = arith.constant 16 : i32
      %add3A_811 = arith.addi %add3A_810, %scan3A_362 : i32
      %get3A_812 = arith.index_cast %add3A_811 : i32 to index
      %get3A_813 = arith.constant 480 : index
      %get3A_814 = tpu.vector_load %arg11[%get3A_812, %get3A_813] {strides = array<i32>} : memref<48x768xf32, #tpu.memory_space<vmem>>, vector<16xf32>,
      %slice3A_815 = vector.extract_strided_slice %get3A_375 {offsets = [14], sizes = [1], strides = [1]} : vector<16xf32> to vector<1xf32>
      %squeeze3A_816 = vector.extract %slice3A_815[0] : f32 from vector<1xf32>
      %mul3A_817 = vector.broadcast %squeeze3A_816 : f32 to vector<16xf32>
      %mul3A_818 = arith.mulf %get3A_814, %mul3A_817 : vector<16xf32>
      %add3A_819 = arith.addf %add3A_789, %mul3A_818 : vector<16xf32>
      %add3A_820 = arith.constant 16 : i32
      %add3A_821 = arith.addi %add3A_820, %scan3A_362 : i32
      %get3A_822 = arith.index_cast %add3A_821 : i32 to index
      %get3A_823 = arith.constant 736 : index
      %get3A_824 = tpu.vector_load %arg11[%get3A_822, %get3A_823] {strides = array<i32>} : memref<48x768xf32, #tpu.memory_space<vmem>>, vector<16xf32>,
      %slice3A_825 = vector.extract_strided_slice %get3A_381 {offsets = [14], sizes = [1], strides = [1]} : vector<16xf32> to vector<1xf32>
      %squeeze3A_826 = vector.extract %slice3A_825[0] : f32 from vector<1xf32>
      %mul3A_827 = vector.broadcast %squeeze3A_826 : f32 to vector<16xf32>
      %mul3A_828 = arith.mulf %get3A_824, %mul3A_827 : vector<16xf32>
      %add3A_829 = arith.addf %add3A_799, %mul3A_828 : vector<16xf32>
      %add3A_830 = arith.constant 16 : i32
      %add3A_831 = arith.addi %add3A_830, %scan3A_362 : i32
      %get3A_832 = arith.index_cast %add3A_831 : i32 to index
      %get3A_833 = arith.constant 240 : index
      %get3A_834 = tpu.vector_load %arg11[%get3A_832, %get3A_833] {strides = array<i32>} : memref<48x768xf32, #tpu.memory_space<vmem>>, vector<16xf32>,
      %slice3A_835 = vector.extract_strided_slice %get3A_369 {offsets = [15], sizes = [1], strides = [1]} : vector<16xf32> to vector<1xf32>
      %squeeze3A_836 = vector.extract %slice3A_835[0] : f32 from vector<1xf32>
      %mul3A_837 = vector.broadcast %squeeze3A_836 : f32 to vector<16xf32>
      %mul3A_838 = arith.mulf %get3A_834, %mul3A_837 : vector<16xf32>
      %add3A_839 = arith.addf %add3A_809, %mul3A_838 : vector<16xf32>
      %add3A_840 = arith.constant 16 : i32
      %add3A_841 = arith.addi %add3A_840, %scan3A_362 : i32
      %get3A_842 = arith.index_cast %add3A_841 : i32 to index
      %get3A_843 = arith.constant 496 : index
      %get3A_844 = tpu.vector_load %arg11[%get3A_842, %get3A_843] {strides = array<i32>} : memref<48x768xf32, #tpu.memory_space<vmem>>, vector<16xf32>,
      %slice3A_845 = vector.extract_strided_slice %get3A_375 {offsets = [15], sizes = [1], strides = [1]} : vector<16xf32> to vector<1xf32>
      %squeeze3A_846 = vector.extract %slice3A_845[0] : f32 from vector<1xf32>
      %mul3A_847 = vector.broadcast %squeeze3A_846 : f32 to vector<16xf32>
      %mul3A_848 = arith.mulf %get3A_844, %mul3A_847 : vector<16xf32>
      %add3A_849 = arith.addf %add3A_819, %mul3A_848 : vector<16xf32>
      %add3A_850 = arith.constant 16 : i32
      %add3A_851 = arith.addi %add3A_850, %scan3A_362 : i32
      %get3A_852 = arith.index_cast %add3A_851 : i32 to index
      %get3A_853 = arith.constant 752 : index
      %get3A_854 = tpu.vector_load %arg11[%get3A_852, %get3A_853] {strides = array<i32>} : memref<48x768xf32, #tpu.memory_space<vmem>>, vector<16xf32>,
      %slice3A_855 = vector.extract_strided_slice %get3A_381 {offsets = [15], sizes = [1], strides = [1]} : vector<16xf32> to vector<1xf32>
      %squeeze3A_856 = vector.extract %slice3A_855[0] : f32 from vector<1xf32>
      %mul3A_857 = vector.broadcast %squeeze3A_856 : f32 to vector<16xf32>
      %mul3A_858 = arith.mulf %get3A_854, %mul3A_857 : vector<16xf32>
      %add3A_859 = arith.addf %add3A_829, %mul3A_858 : vector<16xf32>
      scf.yield %add3A_839, %add3A_849, %add3A_859 : vector<16xf32>, vector<16xf32>, vector<16xf32>
    }
    %scan3A_163 = arith.constant 16 : i32
    %add3A_164 = arith.addf %scan3A_162#0, %scan3A_162#1 : vector<16xf32>
    %add3A_165 = arith.addf %add3A_164, %scan3A_162#2 : vector<16xf32>
    %add3A_166 = arith.constant 0 : i32
    %add3A_167 = vector.broadcast %add3A_166 : i32 to vector<16xi32>
    %add3A_168 = arith.addi %iota3A, %add3A_167 : vector<16xi32>
    %add3A_169 = arith.constant 16 : i32
    %add3A_170 = vector.broadcast %add3A_169 : i32 to vector<16xi32>
    %add3A_171 = arith.addi %iota3A, %add3A_170 : vector<16xi32>
    %add3A_172 = arith.constant 32 : i32
    %add3A_173 = vector.broadcast %add3A_172 : i32 to vector<16xi32>
    %add3A_174 = arith.addi %iota3A, %add3A_173 : vector<16xi32>
    %add3A_175 = arith.constant 48 : i32
    %add3A_176 = vector.broadcast %add3A_175 : i32 to vector<16xi32>
    %add3A_177 = arith.addi %iota3A, %add3A_176 : vector<16xi32>
    %gt3A = arith.cmpf ogt, %add3A_94, %add3A_51 : vector<16xf32>
    %select_n3A = arith.select %gt3A, %add3A_171, %add3A_168 : vector<16xi1>, vector<16xi32>
    %select_n3A_178 = arith.select %gt3A, %add3A_94, %add3A_51 : vector<16xi1>, vector<16xf32>
    %gt3A_179 = arith.cmpf ogt, %add3A_137, %select_n3A_178 : vector<16xf32>
    %select_n3A_180 = arith.select %gt3A_179, %add3A_174, %select_n3A : vector<16xi1>, vector<16xi32>
    %select_n3A_181 = arith.select %gt3A_179, %add3A_137, %select_n3A_178 : vector<16xi1>, vector<16xf32>
    %gt3A_182 = arith.cmpf ogt, %add3A_165, %select_n3A_181 : vector<16xf32>
    %select_n3A_183 = arith.select %gt3A_182, %add3A_177, %select_n3A_180 : vector<16xi1>, vector<16xi32>
    %select_n3A_184 = arith.select %gt3A_182, %add3A_165, %select_n3A_181 : vector<16xi1>, vector<16xf32>
    %reduce_max3A = arith.constant true
    %reduce_max3A_185 = vector.broadcast %reduce_max3A : i1 to vector<16xi1>
    %reduce_max3A_186 = tpu.scan <max>, %select_n3A_184 masked %reduce_max3A_185 : vector<16xf32>, vector<16xi1> -> vector<16xf32>
    %reduce_max3A_187 = vector.extract %reduce_max3A_186[15] : f32 from vector<16xf32>
    %eq3A = vector.broadcast %reduce_max3A_187 : f32 to vector<16xf32>
    %eq3A_188 = arith.cmpf oeq, %select_n3A_184, %eq3A : vector<16xf32>
    %jit3A = arith.constant 64 : i32
    %broadcast_in_dim3A_189 = vector.broadcast %jit3A : i32 to vector<16xi32>
    %select_n3A_190 = arith.select %eq3A_188, %select_n3A_183, %broadcast_in_dim3A_189 : vector<16xi1>, vector<16xi32>
    %reduce_min3A = arith.constant true
    %reduce_min3A_191 = vector.broadcast %reduce_min3A : i1 to vector<16xi1>
    %reduce_min3A_192 = arith.constant -2147483648 : i32
    %reduce_min3A_193 = vector.broadcast %reduce_min3A_192 : i32 to vector<16xi32>
    %reduce_min3A_194 = arith.xori %select_n3A_190, %reduce_min3A_193 : vector<16xi32>
    %reduce_min3A_195 = tpu.scan <min>, %reduce_min3A_194 masked %reduce_min3A_191 : vector<16xi32>, vector<16xi1> -> vector<16xi32>
    %reduce_min3A_196 = arith.xori %reduce_min3A_195, %reduce_min3A_193 : vector<16xi32>
    %reduce_min3A_197 = vector.extract %reduce_min3A_196[15] : i32 from vector<16xi32>
    %eq3A_198 = vector.broadcast %reduce_min3A_197 : i32 to vector<16xi32>
    %eq3A_199 = arith.cmpi eq, %add3A_168, %eq3A_198 : vector<16xi32>
    %jit3A_200 = arith.constant -1.000000e+30 : f32
    %broadcast_in_dim3A_201 = vector.broadcast %jit3A_200 : f32 to vector<16xf32>
    %select_n3A_202 = arith.select %eq3A_199, %broadcast_in_dim3A_201, %add3A_51 : vector<16xi1>, vector<16xf32>
    %eq3A_203 = vector.broadcast %reduce_min3A_197 : i32 to vector<16xi32>
    %eq3A_204 = arith.cmpi eq, %add3A_171, %eq3A_203 : vector<16xi32>
    %jit3A_205 = arith.constant -1.000000e+30 : f32
    %broadcast_in_dim3A_206 = vector.broadcast %jit3A_205 : f32 to vector<16xf32>
    %select_n3A_207 = arith.select %eq3A_204, %broadcast_in_dim3A_206, %add3A_94 : vector<16xi1>, vector<16xf32>
    %eq3A_208 = vector.broadcast %reduce_min3A_197 : i32 to vector<16xi32>
    %eq3A_209 = arith.cmpi eq, %add3A_174, %eq3A_208 : vector<16xi32>
    %jit3A_210 = arith.constant -1.000000e+30 : f32
    %broadcast_in_dim3A_211 = vector.broadcast %jit3A_210 : f32 to vector<16xf32>
    %select_n3A_212 = arith.select %eq3A_209, %broadcast_in_dim3A_211, %add3A_137 : vector<16xi1>, vector<16xf32>
    %eq3A_213 = vector.broadcast %reduce_min3A_197 : i32 to vector<16xi32>
    %eq3A_214 = arith.cmpi eq, %add3A_177, %eq3A_213 : vector<16xi32>
    %jit3A_215 = arith.constant -1.000000e+30 : f32
    %broadcast_in_dim3A_216 = vector.broadcast %jit3A_215 : f32 to vector<16xf32>
    %select_n3A_217 = arith.select %eq3A_214, %broadcast_in_dim3A_216, %add3A_165 : vector<16xi1>, vector<16xf32>
    %gt3A_218 = arith.cmpf ogt, %select_n3A_207, %select_n3A_202 : vector<16xf32>
    %select_n3A_219 = arith.select %gt3A_218, %add3A_171, %add3A_168 : vector<16xi1>, vector<16xi32>
    %select_n3A_220 = arith.select %gt3A_218, %select_n3A_207, %select_n3A_202 : vector<16xi1>, vector<16xf32>
    %gt3A_221 = arith.cmpf ogt, %select_n3A_212, %select_n3A_220 : vector<16xf32>
    %select_n3A_222 = arith.select %gt3A_221, %add3A_174, %select_n3A_219 : vector<16xi1>, vector<16xi32>
    %select_n3A_223 = arith.select %gt3A_221, %select_n3A_212, %select_n3A_220 : vector<16xi1>, vector<16xf32>
    %gt3A_224 = arith.cmpf ogt, %select_n3A_217, %select_n3A_223 : vector<16xf32>
    %select_n3A_225 = arith.select %gt3A_224, %add3A_177, %select_n3A_222 : vector<16xi1>, vector<16xi32>
    %select_n3A_226 = arith.select %gt3A_224, %select_n3A_217, %select_n3A_223 : vector<16xi1>, vector<16xf32>
    %reduce_max3A_227 = arith.constant true
    %reduce_max3A_228 = vector.broadcast %reduce_max3A_227 : i1 to vector<16xi1>
    %reduce_max3A_229 = tpu.scan <max>, %select_n3A_226 masked %reduce_max3A_228 : vector<16xf32>, vector<16xi1> -> vector<16xf32>
    %reduce_max3A_230 = vector.extract %reduce_max3A_229[15] : f32 from vector<16xf32>
    %eq3A_231 = vector.broadcast %reduce_max3A_230 : f32 to vector<16xf32>
    %eq3A_232 = arith.cmpf oeq, %select_n3A_226, %eq3A_231 : vector<16xf32>
    %jit3A_233 = arith.constant 64 : i32
    %broadcast_in_dim3A_234 = vector.broadcast %jit3A_233 : i32 to vector<16xi32>
    %select_n3A_235 = arith.select %eq3A_232, %select_n3A_225, %broadcast_in_dim3A_234 : vector<16xi1>, vector<16xi32>
    %reduce_min3A_236 = arith.constant true
    %reduce_min3A_237 = vector.broadcast %reduce_min3A_236 : i1 to vector<16xi1>
    %reduce_min3A_238 = arith.constant -2147483648 : i32
    %reduce_min3A_239 = vector.broadcast %reduce_min3A_238 : i32 to vector<16xi32>
    %reduce_min3A_240 = arith.xori %select_n3A_235, %reduce_min3A_239 : vector<16xi32>
    %reduce_min3A_241 = tpu.scan <min>, %reduce_min3A_240 masked %reduce_min3A_237 : vector<16xi32>, vector<16xi1> -> vector<16xi32>
    %reduce_min3A_242 = arith.xori %reduce_min3A_241, %reduce_min3A_239 : vector<16xi32>
    %reduce_min3A_243 = vector.extract %reduce_min3A_242[15] : i32 from vector<16xi32>
    %sub3A = vector.broadcast %reduce_max3A_187 : f32 to vector<16xf32>
    %sub3A_244 = arith.subf %add3A_51, %sub3A : vector<16xf32>
    %exp3A = math.exp %sub3A_244 : vector<16xf32>
    %sub3A_245 = vector.broadcast %reduce_max3A_187 : f32 to vector<16xf32>
    %sub3A_246 = arith.subf %add3A_94, %sub3A_245 : vector<16xf32>
    %exp3A_247 = math.exp %sub3A_246 : vector<16xf32>
    %add3A_248 = arith.addf %exp3A, %exp3A_247 : vector<16xf32>
    %sub3A_249 = vector.broadcast %reduce_max3A_187 : f32 to vector<16xf32>
    %sub3A_250 = arith.subf %add3A_137, %sub3A_249 : vector<16xf32>
    %exp3A_251 = math.exp %sub3A_250 : vector<16xf32>
    %add3A_252 = arith.addf %add3A_248, %exp3A_251 : vector<16xf32>
    %sub3A_253 = vector.broadcast %reduce_max3A_187 : f32 to vector<16xf32>
    %sub3A_254 = arith.subf %add3A_165, %sub3A_253 : vector<16xf32>
    %exp3A_255 = math.exp %sub3A_254 : vector<16xf32>
    %add3A_256 = arith.addf %add3A_252, %exp3A_255 : vector<16xf32>
    %reduce_sum3A = arith.constant true
    %reduce_sum3A_257 = vector.broadcast %reduce_sum3A : i1 to vector<16xi1>
    %reduce_sum3A_258 = tpu.scan <sum>, %add3A_256 masked %reduce_sum3A_257 : vector<16xf32>, vector<16xi1> -> vector<16xf32>
    %reduce_sum3A_259 = vector.extract %reduce_sum3A_258[15] : f32 from vector<16xf32>
    %broadcast_in_dim3A_260 = vector.broadcast %reduce_sum3A_259 : f32 to vector<16xf32>
    %div3A = arith.constant 1.000000e+00 : f32
    %div3A_261 = vector.broadcast %div3A : f32 to vector<16xf32>
    %div3A_262 = arith.divf %div3A_261, %broadcast_in_dim3A_260 : vector<16xf32>
    %sub3A_263 = arith.subf %reduce_max3A_230, %reduce_max3A_187 : f32
    %broadcast_in_dim3A_264 = vector.broadcast %sub3A_263 : f32 to vector<16xf32>
    %exp3A_265 = math.exp %broadcast_in_dim3A_264 : vector<16xf32>
    %div3A_266 = arith.divf %exp3A_265, %broadcast_in_dim3A_260 : vector<16xf32>
    %reduce_max3A_267 = arith.constant true
    %reduce_max3A_268 = vector.broadcast %reduce_max3A_267 : i1 to vector<16xi1>
    %reduce_max3A_269 = tpu.scan <max>, %div3A_262 masked %reduce_max3A_268 : vector<16xf32>, vector<16xi1> -> vector<16xf32>
    %reduce_max3A_270 = vector.extract %reduce_max3A_269[15] : f32 from vector<16xf32>
    %reduce_max3A_271 = arith.constant true
    %reduce_max3A_272 = vector.broadcast %reduce_max3A_271 : i1 to vector<16xi1>
    %reduce_max3A_273 = tpu.scan <max>, %div3A_266 masked %reduce_max3A_272 : vector<16xf32>, vector<16xi1> -> vector<16xf32>
    %reduce_max3A_274 = vector.extract %reduce_max3A_273[15] : f32 from vector<16xf32>
    %mul3A = arith.constant 16 : i32
    %mul3A_275 = arith.muli %arg0, %mul3A : i32
    %add3A_276 = arith.addi %mul3A_275, %arg1 : i32
    %mul3A_277 = arith.constant 24 : i32
    %mul3A_278 = arith.muli %add3A_276, %mul3A_277 : i32
    %mul3A_279 = arith.constant 768 : i32
    %mul3A_280 = arith.muli %reduce_min3A_197, %mul3A_279 : i32
    %add3A_281 = arith.addi %mul3A_280, %mul3A_278 : i32
    %add3A_282 = vector.broadcast %add3A_281 : i32 to vector<16xi32>
    %add3A_283 = arith.addi %add3A_282, %iota3A : vector<16xi32>
    %swap3A = arith.constant 0 : index
    %swap3A_284 = tpu.vector_load %arg12[%swap3A] {strides = array<i32>} : memref<48xi32, #tpu.memory_space<vmem>>, vector<16xi32>,
    tpu.vector_store %arg12[%swap3A], %add3A_283 {strides = array<i32>} : memref<48xi32, #tpu.memory_space<vmem>>, vector<16xi32>,
    %lt3A = arith.constant 8 : i32
    %lt3A_285 = vector.broadcast %lt3A : i32 to vector<16xi32>
    %lt3A_286 = arith.cmpi slt, %iota3A, %lt3A_285 : vector<16xi32>
    %mul3A_287 = arith.constant 768 : i32
    %mul3A_288 = arith.muli %reduce_min3A_197, %mul3A_287 : i32
    %add3A_289 = arith.addi %mul3A_288, %mul3A_278 : i32
    %add3A_290 = arith.constant 16 : i32
    %add3A_291 = arith.addi %add3A_289, %add3A_290 : i32
    %add3A_292 = vector.broadcast %add3A_291 : i32 to vector<16xi32>
    %add3A_293 = arith.addi %add3A_292, %iota3A : vector<16xi32>
    %mul3A_294 = arith.constant 768 : i32
    %mul3A_295 = arith.muli %reduce_min3A_243, %mul3A_294 : i32
    %add3A_296 = arith.addi %mul3A_295, %mul3A_278 : i32
    %sub3A_297 = arith.constant 8 : i32
    %sub3A_298 = vector.broadcast %sub3A_297 : i32 to vector<16xi32>
    %sub3A_299 = arith.subi %iota3A, %sub3A_298 : vector<16xi32>
    %add3A_300 = vector.broadcast %add3A_296 : i32 to vector<16xi32>
    %add3A_301 = arith.addi %add3A_300, %sub3A_299 : vector<16xi32>
    %select_n3A_302 = arith.select %lt3A_286, %add3A_293, %add3A_301 : vector<16xi1>, vector<16xi32>
    %swap3A_303 = arith.constant 16 : index
    %swap3A_304 = tpu.vector_load %arg12[%swap3A_303] {strides = array<i32>} : memref<48xi32, #tpu.memory_space<vmem>>, vector<16xi32>,
    tpu.vector_store %arg12[%swap3A_303], %select_n3A_302 {strides = array<i32>} : memref<48xi32, #tpu.memory_space<vmem>>, vector<16xi32>,
    %mul3A_305 = arith.constant 768 : i32
    %mul3A_306 = arith.muli %reduce_min3A_243, %mul3A_305 : i32
    %add3A_307 = arith.addi %mul3A_306, %mul3A_278 : i32
    %add3A_308 = arith.constant 8 : i32
    %add3A_309 = arith.addi %add3A_307, %add3A_308 : i32
    %add3A_310 = vector.broadcast %add3A_309 : i32 to vector<16xi32>
    %add3A_311 = arith.addi %add3A_310, %iota3A : vector<16xi32>
    %swap3A_312 = arith.constant 32 : index
    %swap3A_313 = tpu.vector_load %arg12[%swap3A_312] {strides = array<i32>} : memref<48xi32, #tpu.memory_space<vmem>>, vector<16xi32>,
    tpu.vector_store %arg12[%swap3A_312], %add3A_311 {strides = array<i32>} : memref<48xi32, #tpu.memory_space<vmem>>, vector<16xi32>,
    %add3A_314 = vector.broadcast %mul3A_278 : i32 to vector<16xi32>
    %add3A_315 = arith.addi %add3A_314, %iota3A : vector<16xi32>
    %swap3A_316 = arith.constant 0 : index
    %swap3A_317 = tpu.vector_load %arg13[%swap3A_316] {strides = array<i32>} : memref<24xi32, #tpu.memory_space<vmem>>, vector<16xi32>,
    tpu.vector_store %arg13[%swap3A_316], %add3A_315 {strides = array<i32>} : memref<24xi32, #tpu.memory_space<vmem>>, vector<16xi32>,
    %add3A_318 = arith.constant 8 : i32
    %add3A_319 = arith.addi %mul3A_278, %add3A_318 : i32
    %add3A_320 = vector.broadcast %add3A_319 : i32 to vector<16xi32>
    %add3A_321 = arith.addi %add3A_320, %iota3A : vector<16xi32>
    %swap3A_322 = arith.constant 8 : index
    %swap3A_323 = tpu.vector_load %arg13[%swap3A_322] {strides = array<i32>} : memref<24xi32, #tpu.memory_space<vmem>>, vector<16xi32>,
    tpu.vector_store %arg13[%swap3A_322], %add3A_321 {strides = array<i32>} : memref<24xi32, #tpu.memory_space<vmem>>, vector<16xi32>,
    %dma_start3A_324 = arith.constant 0 : i32
    %dma_start3A_325 = arith.constant 0 : i32
    %dma_start3A_326 = tpu.memref_slice %arg5[%dma_start3A_324, %dma_start3A_325] : memref<49152x768xf32, #tpu.memory_space<hbm>> -> memref<49152x768xf32, #tpu.memory_space<hbm>>
    tpu.enqueue_indirect_dma source(%dma_start3A_326 : memref<49152x768xf32, #tpu.memory_space<hbm>>) target(%arg11 : memref<48x768xf32, #tpu.memory_space<vmem>>) offsets(%arg12 : memref<48xi32, #tpu.memory_space<vmem>>) semaphore(%arg16 : memref<!tpu.dma_semaphore, #tpu.memory_space<semaphore_mem>>)
    %eq3A_327 = arith.constant 0 : i32
    %eq3A_328 = arith.cmpi eq, %arg1, %eq3A_327 : i32
    %eq3A_329 = arith.constant 0 : i32
    %eq3A_330 = arith.cmpi eq, %arg0, %eq3A_329 : i32
    %and3A = arith.andi %eq3A_328, %eq3A_330 : i1
    %convert_element_type3A = arith.extui %and3A : i1 to i32
    %cond3A = arith.constant 0 : i32
    %cond3A_331 = arith.cmpi ne, %convert_element_type3A, %cond3A : i32
    scf.if %cond3A_331 {
      "tpu.region"() ({
        %run_scoped3A_362 = tpu.sem_alloc : memref<!tpu.dma_semaphore, #tpu.memory_space<semaphore_mem>>
        %dma_start3A_363 = arith.constant 0 : i32
        %dma_start3A_364 = tpu.memref_slice %arg6[%reduce_min3A_197, %dma_start3A_363] : memref<64x768xf32, #tpu.memory_space<hbm>> -> memref<1x768xf32, #tpu.memory_space<hbm>>
        %dma_start3A_365 = tpu.memref_squeeze %dma_start3A_364 : memref<1x768xf32, #tpu.memory_space<hbm>> -> memref<768xf32, #tpu.memory_space<hbm>>
        %dma_start3A_366 = arith.constant 0 : i32
        %dma_start3A_367 = tpu.memref_slice %arg6[%reduce_min3A_197, %dma_start3A_366] : memref<64x768xf32, #tpu.memory_space<hbm>> -> memref<1x768xf32, #tpu.memory_space<hbm>>
        %dma_start3A_368 = tpu.memref_squeeze %dma_start3A_367 : memref<1x768xf32, #tpu.memory_space<hbm>> -> memref<768xf32, #tpu.memory_space<hbm>>
        tpu.enqueue_dma source(%dma_start3A_368 : memref<768xf32, #tpu.memory_space<hbm>>) target(%arg14 : memref<768xf32, #tpu.memory_space<vmem>>) target_semaphore(%run_scoped3A_362 : memref<!tpu.dma_semaphore, #tpu.memory_space<semaphore_mem>>)
        %dma_wait3A_369 = arith.constant 0 : i32
        %dma_wait3A_370 = tpu.memref_slice %arg6[%reduce_min3A_197, %dma_wait3A_369] : memref<64x768xf32, #tpu.memory_space<hbm>> -> memref<1x768xf32, #tpu.memory_space<hbm>>
        %dma_wait3A_371 = tpu.memref_squeeze %dma_wait3A_370 : memref<1x768xf32, #tpu.memory_space<hbm>> -> memref<768xf32, #tpu.memory_space<hbm>>
        %dma_wait3A_372 = arith.constant 0 : i32
        %dma_wait3A_373 = tpu.memref_slice %arg6[%reduce_min3A_197, %dma_wait3A_372] : memref<64x768xf32, #tpu.memory_space<hbm>> -> memref<1x768xf32, #tpu.memory_space<hbm>>
        %dma_wait3A_374 = tpu.memref_squeeze %dma_wait3A_373 : memref<1x768xf32, #tpu.memory_space<hbm>> -> memref<768xf32, #tpu.memory_space<hbm>>
        tpu.wait_dma2 semaphore(%run_scoped3A_362 : memref<!tpu.dma_semaphore, #tpu.memory_space<semaphore_mem>>) src(%dma_wait3A_374 : memref<768xf32, #tpu.memory_space<hbm>>) dst(%arg14 : memref<768xf32, #tpu.memory_space<vmem>>)
        tpu.yield
      }) : () -> ()
      "tpu.region"() ({
        %run_scoped3A_362 = tpu.sem_alloc : memref<!tpu.dma_semaphore, #tpu.memory_space<semaphore_mem>>
        %dma_start3A_363 = arith.constant 0 : i32
        %dma_start3A_364 = tpu.memref_slice %arg6[%reduce_min3A_243, %dma_start3A_363] : memref<64x768xf32, #tpu.memory_space<hbm>> -> memref<1x768xf32, #tpu.memory_space<hbm>>
        %dma_start3A_365 = tpu.memref_squeeze %dma_start3A_364 : memref<1x768xf32, #tpu.memory_space<hbm>> -> memref<768xf32, #tpu.memory_space<hbm>>
        %dma_start3A_366 = arith.constant 0 : i32
        %dma_start3A_367 = tpu.memref_slice %arg6[%reduce_min3A_243, %dma_start3A_366] : memref<64x768xf32, #tpu.memory_space<hbm>> -> memref<1x768xf32, #tpu.memory_space<hbm>>
        %dma_start3A_368 = tpu.memref_squeeze %dma_start3A_367 : memref<1x768xf32, #tpu.memory_space<hbm>> -> memref<768xf32, #tpu.memory_space<hbm>>
        tpu.enqueue_dma source(%dma_start3A_368 : memref<768xf32, #tpu.memory_space<hbm>>) target(%arg15 : memref<768xf32, #tpu.memory_space<vmem>>) target_semaphore(%run_scoped3A_362 : memref<!tpu.dma_semaphore, #tpu.memory_space<semaphore_mem>>)
        %dma_wait3A_369 = arith.constant 0 : i32
        %dma_wait3A_370 = tpu.memref_slice %arg6[%reduce_min3A_243, %dma_wait3A_369] : memref<64x768xf32, #tpu.memory_space<hbm>> -> memref<1x768xf32, #tpu.memory_space<hbm>>
        %dma_wait3A_371 = tpu.memref_squeeze %dma_wait3A_370 : memref<1x768xf32, #tpu.memory_space<hbm>> -> memref<768xf32, #tpu.memory_space<hbm>>
        %dma_wait3A_372 = arith.constant 0 : i32
        %dma_wait3A_373 = tpu.memref_slice %arg6[%reduce_min3A_243, %dma_wait3A_372] : memref<64x768xf32, #tpu.memory_space<hbm>> -> memref<1x768xf32, #tpu.memory_space<hbm>>
        %dma_wait3A_374 = tpu.memref_squeeze %dma_wait3A_373 : memref<1x768xf32, #tpu.memory_space<hbm>> -> memref<768xf32, #tpu.memory_space<hbm>>
        tpu.wait_dma2 semaphore(%run_scoped3A_362 : memref<!tpu.dma_semaphore, #tpu.memory_space<semaphore_mem>>) src(%dma_wait3A_374 : memref<768xf32, #tpu.memory_space<hbm>>) dst(%arg15 : memref<768xf32, #tpu.memory_space<vmem>>)
        tpu.yield
      }) : () -> ()
    } else {
    }
    %dma_wait3A_332 = arith.constant 0 : i32
    %dma_wait3A_333 = arith.constant 0 : i32
    %dma_wait3A_334 = tpu.memref_slice %arg5[%dma_wait3A_332, %dma_wait3A_333] : memref<49152x768xf32, #tpu.memory_space<hbm>> -> memref<49152x768xf32, #tpu.memory_space<hbm>>
    tpu.wait_indirect_dma semaphore(%arg16 : memref<!tpu.dma_semaphore, #tpu.memory_space<semaphore_mem>>) src(%dma_wait3A_334 : memref<49152x768xf32, #tpu.memory_space<hbm>>) dst(%arg11 : memref<48x768xf32, #tpu.memory_space<vmem>>)
    %scan3A_335 = arith.constant 0 : i32
    %scan3A_336 = arith.constant 0 : i32
    %scan3A_337 = arith.constant 24 : i32
    %scan3A_338 = arith.addi %scan3A_336, %scan3A_337 : i32
    %scan3A_339 = arith.constant 1 : i32
    %scan3A_340 = scf.for %scan3A_362 = %scan3A_336 to %scan3A_338 step %scan3A_339 iter_args(%scan3A_363 = %scan3A_335) -> (i32)  : i32 {
      %get3A_364 = arith.index_cast %scan3A_362 : i32 to index
      %get3A_365 = arith.constant 0 : index
      %get3A_366 = tpu.vector_load %arg11[%get3A_364, %get3A_365] {strides = array<i32>} : memref<48x768xf32, #tpu.memory_space<vmem>>, vector<16xf32>,
      %mul3A_367 = vector.broadcast %reduce_max3A_270 : f32 to vector<16xf32>
      %mul3A_368 = arith.mulf %mul3A_367, %get3A_366 : vector<16xf32>
      %add3A_369 = arith.constant 24 : i32
      %add3A_370 = arith.addi %scan3A_362, %add3A_369 : i32
      %get3A_371 = arith.index_cast %add3A_370 : i32 to index
      %get3A_372 = arith.constant 0 : index
      %get3A_373 = tpu.vector_load %arg11[%get3A_371, %get3A_372] {strides = array<i32>} : memref<48x768xf32, #tpu.memory_space<vmem>>, vector<16xf32>,
      %mul3A_374 = vector.broadcast %reduce_max3A_274 : f32 to vector<16xf32>
      %mul3A_375 = arith.mulf %mul3A_374, %get3A_373 : vector<16xf32>
      %add3A_376 = arith.addf %mul3A_368, %mul3A_375 : vector<16xf32>
      %swap3A_377 = arith.index_cast %scan3A_362 : i32 to index
      %swap3A_378 = arith.constant 0 : index
      %swap3A_379 = tpu.vector_load %arg11[%swap3A_377, %swap3A_378] {strides = array<i32>} : memref<48x768xf32, #tpu.memory_space<vmem>>, vector<16xf32>,
      tpu.vector_store %arg11[%swap3A_377, %swap3A_378], %add3A_376 {strides = array<i32>} : memref<48x768xf32, #tpu.memory_space<vmem>>, vector<16xf32>,
      %get3A_380 = arith.index_cast %scan3A_362 : i32 to index
      %get3A_381 = arith.constant 16 : index
      %get3A_382 = tpu.vector_load %arg11[%get3A_380, %get3A_381] {strides = array<i32>} : memref<48x768xf32, #tpu.memory_space<vmem>>, vector<16xf32>,
      %mul3A_383 = vector.broadcast %reduce_max3A_270 : f32 to vector<16xf32>
      %mul3A_384 = arith.mulf %mul3A_383, %get3A_382 : vector<16xf32>
      %add3A_385 = arith.constant 24 : i32
      %add3A_386 = arith.addi %scan3A_362, %add3A_385 : i32
      %get3A_387 = arith.index_cast %add3A_386 : i32 to index
      %get3A_388 = arith.constant 16 : index
      %get3A_389 = tpu.vector_load %arg11[%get3A_387, %get3A_388] {strides = array<i32>} : memref<48x768xf32, #tpu.memory_space<vmem>>, vector<16xf32>,
      %mul3A_390 = vector.broadcast %reduce_max3A_274 : f32 to vector<16xf32>
      %mul3A_391 = arith.mulf %mul3A_390, %get3A_389 : vector<16xf32>
      %add3A_392 = arith.addf %mul3A_384, %mul3A_391 : vector<16xf32>
      %swap3A_393 = arith.index_cast %scan3A_362 : i32 to index
      %swap3A_394 = arith.constant 16 : index
      %swap3A_395 = tpu.vector_load %arg11[%swap3A_393, %swap3A_394] {strides = array<i32>} : memref<48x768xf32, #tpu.memory_space<vmem>>, vector<16xf32>,
      tpu.vector_store %arg11[%swap3A_393, %swap3A_394], %add3A_392 {strides = array<i32>} : memref<48x768xf32, #tpu.memory_space<vmem>>, vector<16xf32>,
      %get3A_396 = arith.index_cast %scan3A_362 : i32 to index
      %get3A_397 = arith.constant 32 : index
      %get3A_398 = tpu.vector_load %arg11[%get3A_396, %get3A_397] {strides = array<i32>} : memref<48x768xf32, #tpu.memory_space<vmem>>, vector<16xf32>,
      %mul3A_399 = vector.broadcast %reduce_max3A_270 : f32 to vector<16xf32>
      %mul3A_400 = arith.mulf %mul3A_399, %get3A_398 : vector<16xf32>
      %add3A_401 = arith.constant 24 : i32
      %add3A_402 = arith.addi %scan3A_362, %add3A_401 : i32
      %get3A_403 = arith.index_cast %add3A_402 : i32 to index
      %get3A_404 = arith.constant 32 : index
      %get3A_405 = tpu.vector_load %arg11[%get3A_403, %get3A_404] {strides = array<i32>} : memref<48x768xf32, #tpu.memory_space<vmem>>, vector<16xf32>,
      %mul3A_406 = vector.broadcast %reduce_max3A_274 : f32 to vector<16xf32>
      %mul3A_407 = arith.mulf %mul3A_406, %get3A_405 : vector<16xf32>
      %add3A_408 = arith.addf %mul3A_400, %mul3A_407 : vector<16xf32>
      %swap3A_409 = arith.index_cast %scan3A_362 : i32 to index
      %swap3A_410 = arith.constant 32 : index
      %swap3A_411 = tpu.vector_load %arg11[%swap3A_409, %swap3A_410] {strides = array<i32>} : memref<48x768xf32, #tpu.memory_space<vmem>>, vector<16xf32>,
      tpu.vector_store %arg11[%swap3A_409, %swap3A_410], %add3A_408 {strides = array<i32>} : memref<48x768xf32, #tpu.memory_space<vmem>>, vector<16xf32>,
      %get3A_412 = arith.index_cast %scan3A_362 : i32 to index
      %get3A_413 = arith.constant 48 : index
      %get3A_414 = tpu.vector_load %arg11[%get3A_412, %get3A_413] {strides = array<i32>} : memref<48x768xf32, #tpu.memory_space<vmem>>, vector<16xf32>,
      %mul3A_415 = vector.broadcast %reduce_max3A_270 : f32 to vector<16xf32>
      %mul3A_416 = arith.mulf %mul3A_415, %get3A_414 : vector<16xf32>
      %add3A_417 = arith.constant 24 : i32
      %add3A_418 = arith.addi %scan3A_362, %add3A_417 : i32
      %get3A_419 = arith.index_cast %add3A_418 : i32 to index
      %get3A_420 = arith.constant 48 : index
      %get3A_421 = tpu.vector_load %arg11[%get3A_419, %get3A_420] {strides = array<i32>} : memref<48x768xf32, #tpu.memory_space<vmem>>, vector<16xf32>,
      %mul3A_422 = vector.broadcast %reduce_max3A_274 : f32 to vector<16xf32>
      %mul3A_423 = arith.mulf %mul3A_422, %get3A_421 : vector<16xf32>
      %add3A_424 = arith.addf %mul3A_416, %mul3A_423 : vector<16xf32>
      %swap3A_425 = arith.index_cast %scan3A_362 : i32 to index
      %swap3A_426 = arith.constant 48 : index
      %swap3A_427 = tpu.vector_load %arg11[%swap3A_425, %swap3A_426] {strides = array<i32>} : memref<48x768xf32, #tpu.memory_space<vmem>>, vector<16xf32>,
      tpu.vector_store %arg11[%swap3A_425, %swap3A_426], %add3A_424 {strides = array<i32>} : memref<48x768xf32, #tpu.memory_space<vmem>>, vector<16xf32>,
      %get3A_428 = arith.index_cast %scan3A_362 : i32 to index
      %get3A_429 = arith.constant 64 : index
      %get3A_430 = tpu.vector_load %arg11[%get3A_428, %get3A_429] {strides = array<i32>} : memref<48x768xf32, #tpu.memory_space<vmem>>, vector<16xf32>,
      %mul3A_431 = vector.broadcast %reduce_max3A_270 : f32 to vector<16xf32>
      %mul3A_432 = arith.mulf %mul3A_431, %get3A_430 : vector<16xf32>
      %add3A_433 = arith.constant 24 : i32
      %add3A_434 = arith.addi %scan3A_362, %add3A_433 : i32
      %get3A_435 = arith.index_cast %add3A_434 : i32 to index
      %get3A_436 = arith.constant 64 : index
      %get3A_437 = tpu.vector_load %arg11[%get3A_435, %get3A_436] {strides = array<i32>} : memref<48x768xf32, #tpu.memory_space<vmem>>, vector<16xf32>,
      %mul3A_438 = vector.broadcast %reduce_max3A_274 : f32 to vector<16xf32>
      %mul3A_439 = arith.mulf %mul3A_438, %get3A_437 : vector<16xf32>
      %add3A_440 = arith.addf %mul3A_432, %mul3A_439 : vector<16xf32>
      %swap3A_441 = arith.index_cast %scan3A_362 : i32 to index
      %swap3A_442 = arith.constant 64 : index
      %swap3A_443 = tpu.vector_load %arg11[%swap3A_441, %swap3A_442] {strides = array<i32>} : memref<48x768xf32, #tpu.memory_space<vmem>>, vector<16xf32>,
      tpu.vector_store %arg11[%swap3A_441, %swap3A_442], %add3A_440 {strides = array<i32>} : memref<48x768xf32, #tpu.memory_space<vmem>>, vector<16xf32>,
      %get3A_444 = arith.index_cast %scan3A_362 : i32 to index
      %get3A_445 = arith.constant 80 : index
      %get3A_446 = tpu.vector_load %arg11[%get3A_444, %get3A_445] {strides = array<i32>} : memref<48x768xf32, #tpu.memory_space<vmem>>, vector<16xf32>,
      %mul3A_447 = vector.broadcast %reduce_max3A_270 : f32 to vector<16xf32>
      %mul3A_448 = arith.mulf %mul3A_447, %get3A_446 : vector<16xf32>
      %add3A_449 = arith.constant 24 : i32
      %add3A_450 = arith.addi %scan3A_362, %add3A_449 : i32
      %get3A_451 = arith.index_cast %add3A_450 : i32 to index
      %get3A_452 = arith.constant 80 : index
      %get3A_453 = tpu.vector_load %arg11[%get3A_451, %get3A_452] {strides = array<i32>} : memref<48x768xf32, #tpu.memory_space<vmem>>, vector<16xf32>,
      %mul3A_454 = vector.broadcast %reduce_max3A_274 : f32 to vector<16xf32>
      %mul3A_455 = arith.mulf %mul3A_454, %get3A_453 : vector<16xf32>
      %add3A_456 = arith.addf %mul3A_448, %mul3A_455 : vector<16xf32>
      %swap3A_457 = arith.index_cast %scan3A_362 : i32 to index
      %swap3A_458 = arith.constant 80 : index
      %swap3A_459 = tpu.vector_load %arg11[%swap3A_457, %swap3A_458] {strides = array<i32>} : memref<48x768xf32, #tpu.memory_space<vmem>>, vector<16xf32>,
      tpu.vector_store %arg11[%swap3A_457, %swap3A_458], %add3A_456 {strides = array<i32>} : memref<48x768xf32, #tpu.memory_space<vmem>>, vector<16xf32>,
      %get3A_460 = arith.index_cast %scan3A_362 : i32 to index
      %get3A_461 = arith.constant 96 : index
      %get3A_462 = tpu.vector_load %arg11[%get3A_460, %get3A_461] {strides = array<i32>} : memref<48x768xf32, #tpu.memory_space<vmem>>, vector<16xf32>,
      %mul3A_463 = vector.broadcast %reduce_max3A_270 : f32 to vector<16xf32>
      %mul3A_464 = arith.mulf %mul3A_463, %get3A_462 : vector<16xf32>
      %add3A_465 = arith.constant 24 : i32
      %add3A_466 = arith.addi %scan3A_362, %add3A_465 : i32
      %get3A_467 = arith.index_cast %add3A_466 : i32 to index
      %get3A_468 = arith.constant 96 : index
      %get3A_469 = tpu.vector_load %arg11[%get3A_467, %get3A_468] {strides = array<i32>} : memref<48x768xf32, #tpu.memory_space<vmem>>, vector<16xf32>,
      %mul3A_470 = vector.broadcast %reduce_max3A_274 : f32 to vector<16xf32>
      %mul3A_471 = arith.mulf %mul3A_470, %get3A_469 : vector<16xf32>
      %add3A_472 = arith.addf %mul3A_464, %mul3A_471 : vector<16xf32>
      %swap3A_473 = arith.index_cast %scan3A_362 : i32 to index
      %swap3A_474 = arith.constant 96 : index
      %swap3A_475 = tpu.vector_load %arg11[%swap3A_473, %swap3A_474] {strides = array<i32>} : memref<48x768xf32, #tpu.memory_space<vmem>>, vector<16xf32>,
      tpu.vector_store %arg11[%swap3A_473, %swap3A_474], %add3A_472 {strides = array<i32>} : memref<48x768xf32, #tpu.memory_space<vmem>>, vector<16xf32>,
      %get3A_476 = arith.index_cast %scan3A_362 : i32 to index
      %get3A_477 = arith.constant 112 : index
      %get3A_478 = tpu.vector_load %arg11[%get3A_476, %get3A_477] {strides = array<i32>} : memref<48x768xf32, #tpu.memory_space<vmem>>, vector<16xf32>,
      %mul3A_479 = vector.broadcast %reduce_max3A_270 : f32 to vector<16xf32>
      %mul3A_480 = arith.mulf %mul3A_479, %get3A_478 : vector<16xf32>
      %add3A_481 = arith.constant 24 : i32
      %add3A_482 = arith.addi %scan3A_362, %add3A_481 : i32
      %get3A_483 = arith.index_cast %add3A_482 : i32 to index
      %get3A_484 = arith.constant 112 : index
      %get3A_485 = tpu.vector_load %arg11[%get3A_483, %get3A_484] {strides = array<i32>} : memref<48x768xf32, #tpu.memory_space<vmem>>, vector<16xf32>,
      %mul3A_486 = vector.broadcast %reduce_max3A_274 : f32 to vector<16xf32>
      %mul3A_487 = arith.mulf %mul3A_486, %get3A_485 : vector<16xf32>
      %add3A_488 = arith.addf %mul3A_480, %mul3A_487 : vector<16xf32>
      %swap3A_489 = arith.index_cast %scan3A_362 : i32 to index
      %swap3A_490 = arith.constant 112 : index
      %swap3A_491 = tpu.vector_load %arg11[%swap3A_489, %swap3A_490] {strides = array<i32>} : memref<48x768xf32, #tpu.memory_space<vmem>>, vector<16xf32>,
      tpu.vector_store %arg11[%swap3A_489, %swap3A_490], %add3A_488 {strides = array<i32>} : memref<48x768xf32, #tpu.memory_space<vmem>>, vector<16xf32>,
      %get3A_492 = arith.index_cast %scan3A_362 : i32 to index
      %get3A_493 = arith.constant 128 : index
      %get3A_494 = tpu.vector_load %arg11[%get3A_492, %get3A_493] {strides = array<i32>} : memref<48x768xf32, #tpu.memory_space<vmem>>, vector<16xf32>,
      %mul3A_495 = vector.broadcast %reduce_max3A_270 : f32 to vector<16xf32>
      %mul3A_496 = arith.mulf %mul3A_495, %get3A_494 : vector<16xf32>
      %add3A_497 = arith.constant 24 : i32
      %add3A_498 = arith.addi %scan3A_362, %add3A_497 : i32
      %get3A_499 = arith.index_cast %add3A_498 : i32 to index
      %get3A_500 = arith.constant 128 : index
      %get3A_501 = tpu.vector_load %arg11[%get3A_499, %get3A_500] {strides = array<i32>} : memref<48x768xf32, #tpu.memory_space<vmem>>, vector<16xf32>,
      %mul3A_502 = vector.broadcast %reduce_max3A_274 : f32 to vector<16xf32>
      %mul3A_503 = arith.mulf %mul3A_502, %get3A_501 : vector<16xf32>
      %add3A_504 = arith.addf %mul3A_496, %mul3A_503 : vector<16xf32>
      %swap3A_505 = arith.index_cast %scan3A_362 : i32 to index
      %swap3A_506 = arith.constant 128 : index
      %swap3A_507 = tpu.vector_load %arg11[%swap3A_505, %swap3A_506] {strides = array<i32>} : memref<48x768xf32, #tpu.memory_space<vmem>>, vector<16xf32>,
      tpu.vector_store %arg11[%swap3A_505, %swap3A_506], %add3A_504 {strides = array<i32>} : memref<48x768xf32, #tpu.memory_space<vmem>>, vector<16xf32>,
      %get3A_508 = arith.index_cast %scan3A_362 : i32 to index
      %get3A_509 = arith.constant 144 : index
      %get3A_510 = tpu.vector_load %arg11[%get3A_508, %get3A_509] {strides = array<i32>} : memref<48x768xf32, #tpu.memory_space<vmem>>, vector<16xf32>,
      %mul3A_511 = vector.broadcast %reduce_max3A_270 : f32 to vector<16xf32>
      %mul3A_512 = arith.mulf %mul3A_511, %get3A_510 : vector<16xf32>
      %add3A_513 = arith.constant 24 : i32
      %add3A_514 = arith.addi %scan3A_362, %add3A_513 : i32
      %get3A_515 = arith.index_cast %add3A_514 : i32 to index
      %get3A_516 = arith.constant 144 : index
      %get3A_517 = tpu.vector_load %arg11[%get3A_515, %get3A_516] {strides = array<i32>} : memref<48x768xf32, #tpu.memory_space<vmem>>, vector<16xf32>,
      %mul3A_518 = vector.broadcast %reduce_max3A_274 : f32 to vector<16xf32>
      %mul3A_519 = arith.mulf %mul3A_518, %get3A_517 : vector<16xf32>
      %add3A_520 = arith.addf %mul3A_512, %mul3A_519 : vector<16xf32>
      %swap3A_521 = arith.index_cast %scan3A_362 : i32 to index
      %swap3A_522 = arith.constant 144 : index
      %swap3A_523 = tpu.vector_load %arg11[%swap3A_521, %swap3A_522] {strides = array<i32>} : memref<48x768xf32, #tpu.memory_space<vmem>>, vector<16xf32>,
      tpu.vector_store %arg11[%swap3A_521, %swap3A_522], %add3A_520 {strides = array<i32>} : memref<48x768xf32, #tpu.memory_space<vmem>>, vector<16xf32>,
      %get3A_524 = arith.index_cast %scan3A_362 : i32 to index
      %get3A_525 = arith.constant 160 : index
      %get3A_526 = tpu.vector_load %arg11[%get3A_524, %get3A_525] {strides = array<i32>} : memref<48x768xf32, #tpu.memory_space<vmem>>, vector<16xf32>,
      %mul3A_527 = vector.broadcast %reduce_max3A_270 : f32 to vector<16xf32>
      %mul3A_528 = arith.mulf %mul3A_527, %get3A_526 : vector<16xf32>
      %add3A_529 = arith.constant 24 : i32
      %add3A_530 = arith.addi %scan3A_362, %add3A_529 : i32
      %get3A_531 = arith.index_cast %add3A_530 : i32 to index
      %get3A_532 = arith.constant 160 : index
      %get3A_533 = tpu.vector_load %arg11[%get3A_531, %get3A_532] {strides = array<i32>} : memref<48x768xf32, #tpu.memory_space<vmem>>, vector<16xf32>,
      %mul3A_534 = vector.broadcast %reduce_max3A_274 : f32 to vector<16xf32>
      %mul3A_535 = arith.mulf %mul3A_534, %get3A_533 : vector<16xf32>
      %add3A_536 = arith.addf %mul3A_528, %mul3A_535 : vector<16xf32>
      %swap3A_537 = arith.index_cast %scan3A_362 : i32 to index
      %swap3A_538 = arith.constant 160 : index
      %swap3A_539 = tpu.vector_load %arg11[%swap3A_537, %swap3A_538] {strides = array<i32>} : memref<48x768xf32, #tpu.memory_space<vmem>>, vector<16xf32>,
      tpu.vector_store %arg11[%swap3A_537, %swap3A_538], %add3A_536 {strides = array<i32>} : memref<48x768xf32, #tpu.memory_space<vmem>>, vector<16xf32>,
      %get3A_540 = arith.index_cast %scan3A_362 : i32 to index
      %get3A_541 = arith.constant 176 : index
      %get3A_542 = tpu.vector_load %arg11[%get3A_540, %get3A_541] {strides = array<i32>} : memref<48x768xf32, #tpu.memory_space<vmem>>, vector<16xf32>,
      %mul3A_543 = vector.broadcast %reduce_max3A_270 : f32 to vector<16xf32>
      %mul3A_544 = arith.mulf %mul3A_543, %get3A_542 : vector<16xf32>
      %add3A_545 = arith.constant 24 : i32
      %add3A_546 = arith.addi %scan3A_362, %add3A_545 : i32
      %get3A_547 = arith.index_cast %add3A_546 : i32 to index
      %get3A_548 = arith.constant 176 : index
      %get3A_549 = tpu.vector_load %arg11[%get3A_547, %get3A_548] {strides = array<i32>} : memref<48x768xf32, #tpu.memory_space<vmem>>, vector<16xf32>,
      %mul3A_550 = vector.broadcast %reduce_max3A_274 : f32 to vector<16xf32>
      %mul3A_551 = arith.mulf %mul3A_550, %get3A_549 : vector<16xf32>
      %add3A_552 = arith.addf %mul3A_544, %mul3A_551 : vector<16xf32>
      %swap3A_553 = arith.index_cast %scan3A_362 : i32 to index
      %swap3A_554 = arith.constant 176 : index
      %swap3A_555 = tpu.vector_load %arg11[%swap3A_553, %swap3A_554] {strides = array<i32>} : memref<48x768xf32, #tpu.memory_space<vmem>>, vector<16xf32>,
      tpu.vector_store %arg11[%swap3A_553, %swap3A_554], %add3A_552 {strides = array<i32>} : memref<48x768xf32, #tpu.memory_space<vmem>>, vector<16xf32>,
      %get3A_556 = arith.index_cast %scan3A_362 : i32 to index
      %get3A_557 = arith.constant 192 : index
      %get3A_558 = tpu.vector_load %arg11[%get3A_556, %get3A_557] {strides = array<i32>} : memref<48x768xf32, #tpu.memory_space<vmem>>, vector<16xf32>,
      %mul3A_559 = vector.broadcast %reduce_max3A_270 : f32 to vector<16xf32>
      %mul3A_560 = arith.mulf %mul3A_559, %get3A_558 : vector<16xf32>
      %add3A_561 = arith.constant 24 : i32
      %add3A_562 = arith.addi %scan3A_362, %add3A_561 : i32
      %get3A_563 = arith.index_cast %add3A_562 : i32 to index
      %get3A_564 = arith.constant 192 : index
      %get3A_565 = tpu.vector_load %arg11[%get3A_563, %get3A_564] {strides = array<i32>} : memref<48x768xf32, #tpu.memory_space<vmem>>, vector<16xf32>,
      %mul3A_566 = vector.broadcast %reduce_max3A_274 : f32 to vector<16xf32>
      %mul3A_567 = arith.mulf %mul3A_566, %get3A_565 : vector<16xf32>
      %add3A_568 = arith.addf %mul3A_560, %mul3A_567 : vector<16xf32>
      %swap3A_569 = arith.index_cast %scan3A_362 : i32 to index
      %swap3A_570 = arith.constant 192 : index
      %swap3A_571 = tpu.vector_load %arg11[%swap3A_569, %swap3A_570] {strides = array<i32>} : memref<48x768xf32, #tpu.memory_space<vmem>>, vector<16xf32>,
      tpu.vector_store %arg11[%swap3A_569, %swap3A_570], %add3A_568 {strides = array<i32>} : memref<48x768xf32, #tpu.memory_space<vmem>>, vector<16xf32>,
      %get3A_572 = arith.index_cast %scan3A_362 : i32 to index
      %get3A_573 = arith.constant 208 : index
      %get3A_574 = tpu.vector_load %arg11[%get3A_572, %get3A_573] {strides = array<i32>} : memref<48x768xf32, #tpu.memory_space<vmem>>, vector<16xf32>,
      %mul3A_575 = vector.broadcast %reduce_max3A_270 : f32 to vector<16xf32>
      %mul3A_576 = arith.mulf %mul3A_575, %get3A_574 : vector<16xf32>
      %add3A_577 = arith.constant 24 : i32
      %add3A_578 = arith.addi %scan3A_362, %add3A_577 : i32
      %get3A_579 = arith.index_cast %add3A_578 : i32 to index
      %get3A_580 = arith.constant 208 : index
      %get3A_581 = tpu.vector_load %arg11[%get3A_579, %get3A_580] {strides = array<i32>} : memref<48x768xf32, #tpu.memory_space<vmem>>, vector<16xf32>,
      %mul3A_582 = vector.broadcast %reduce_max3A_274 : f32 to vector<16xf32>
      %mul3A_583 = arith.mulf %mul3A_582, %get3A_581 : vector<16xf32>
      %add3A_584 = arith.addf %mul3A_576, %mul3A_583 : vector<16xf32>
      %swap3A_585 = arith.index_cast %scan3A_362 : i32 to index
      %swap3A_586 = arith.constant 208 : index
      %swap3A_587 = tpu.vector_load %arg11[%swap3A_585, %swap3A_586] {strides = array<i32>} : memref<48x768xf32, #tpu.memory_space<vmem>>, vector<16xf32>,
      tpu.vector_store %arg11[%swap3A_585, %swap3A_586], %add3A_584 {strides = array<i32>} : memref<48x768xf32, #tpu.memory_space<vmem>>, vector<16xf32>,
      %get3A_588 = arith.index_cast %scan3A_362 : i32 to index
      %get3A_589 = arith.constant 224 : index
      %get3A_590 = tpu.vector_load %arg11[%get3A_588, %get3A_589] {strides = array<i32>} : memref<48x768xf32, #tpu.memory_space<vmem>>, vector<16xf32>,
      %mul3A_591 = vector.broadcast %reduce_max3A_270 : f32 to vector<16xf32>
      %mul3A_592 = arith.mulf %mul3A_591, %get3A_590 : vector<16xf32>
      %add3A_593 = arith.constant 24 : i32
      %add3A_594 = arith.addi %scan3A_362, %add3A_593 : i32
      %get3A_595 = arith.index_cast %add3A_594 : i32 to index
      %get3A_596 = arith.constant 224 : index
      %get3A_597 = tpu.vector_load %arg11[%get3A_595, %get3A_596] {strides = array<i32>} : memref<48x768xf32, #tpu.memory_space<vmem>>, vector<16xf32>,
      %mul3A_598 = vector.broadcast %reduce_max3A_274 : f32 to vector<16xf32>
      %mul3A_599 = arith.mulf %mul3A_598, %get3A_597 : vector<16xf32>
      %add3A_600 = arith.addf %mul3A_592, %mul3A_599 : vector<16xf32>
      %swap3A_601 = arith.index_cast %scan3A_362 : i32 to index
      %swap3A_602 = arith.constant 224 : index
      %swap3A_603 = tpu.vector_load %arg11[%swap3A_601, %swap3A_602] {strides = array<i32>} : memref<48x768xf32, #tpu.memory_space<vmem>>, vector<16xf32>,
      tpu.vector_store %arg11[%swap3A_601, %swap3A_602], %add3A_600 {strides = array<i32>} : memref<48x768xf32, #tpu.memory_space<vmem>>, vector<16xf32>,
      %get3A_604 = arith.index_cast %scan3A_362 : i32 to index
      %get3A_605 = arith.constant 240 : index
      %get3A_606 = tpu.vector_load %arg11[%get3A_604, %get3A_605] {strides = array<i32>} : memref<48x768xf32, #tpu.memory_space<vmem>>, vector<16xf32>,
      %mul3A_607 = vector.broadcast %reduce_max3A_270 : f32 to vector<16xf32>
      %mul3A_608 = arith.mulf %mul3A_607, %get3A_606 : vector<16xf32>
      %add3A_609 = arith.constant 24 : i32
      %add3A_610 = arith.addi %scan3A_362, %add3A_609 : i32
      %get3A_611 = arith.index_cast %add3A_610 : i32 to index
      %get3A_612 = arith.constant 240 : index
      %get3A_613 = tpu.vector_load %arg11[%get3A_611, %get3A_612] {strides = array<i32>} : memref<48x768xf32, #tpu.memory_space<vmem>>, vector<16xf32>,
      %mul3A_614 = vector.broadcast %reduce_max3A_274 : f32 to vector<16xf32>
      %mul3A_615 = arith.mulf %mul3A_614, %get3A_613 : vector<16xf32>
      %add3A_616 = arith.addf %mul3A_608, %mul3A_615 : vector<16xf32>
      %swap3A_617 = arith.index_cast %scan3A_362 : i32 to index
      %swap3A_618 = arith.constant 240 : index
      %swap3A_619 = tpu.vector_load %arg11[%swap3A_617, %swap3A_618] {strides = array<i32>} : memref<48x768xf32, #tpu.memory_space<vmem>>, vector<16xf32>,
      tpu.vector_store %arg11[%swap3A_617, %swap3A_618], %add3A_616 {strides = array<i32>} : memref<48x768xf32, #tpu.memory_space<vmem>>, vector<16xf32>,
      %get3A_620 = arith.index_cast %scan3A_362 : i32 to index
      %get3A_621 = arith.constant 256 : index
      %get3A_622 = tpu.vector_load %arg11[%get3A_620, %get3A_621] {strides = array<i32>} : memref<48x768xf32, #tpu.memory_space<vmem>>, vector<16xf32>,
      %mul3A_623 = vector.broadcast %reduce_max3A_270 : f32 to vector<16xf32>
      %mul3A_624 = arith.mulf %mul3A_623, %get3A_622 : vector<16xf32>
      %add3A_625 = arith.constant 24 : i32
      %add3A_626 = arith.addi %scan3A_362, %add3A_625 : i32
      %get3A_627 = arith.index_cast %add3A_626 : i32 to index
      %get3A_628 = arith.constant 256 : index
      %get3A_629 = tpu.vector_load %arg11[%get3A_627, %get3A_628] {strides = array<i32>} : memref<48x768xf32, #tpu.memory_space<vmem>>, vector<16xf32>,
      %mul3A_630 = vector.broadcast %reduce_max3A_274 : f32 to vector<16xf32>
      %mul3A_631 = arith.mulf %mul3A_630, %get3A_629 : vector<16xf32>
      %add3A_632 = arith.addf %mul3A_624, %mul3A_631 : vector<16xf32>
      %swap3A_633 = arith.index_cast %scan3A_362 : i32 to index
      %swap3A_634 = arith.constant 256 : index
      %swap3A_635 = tpu.vector_load %arg11[%swap3A_633, %swap3A_634] {strides = array<i32>} : memref<48x768xf32, #tpu.memory_space<vmem>>, vector<16xf32>,
      tpu.vector_store %arg11[%swap3A_633, %swap3A_634], %add3A_632 {strides = array<i32>} : memref<48x768xf32, #tpu.memory_space<vmem>>, vector<16xf32>,
      %get3A_636 = arith.index_cast %scan3A_362 : i32 to index
      %get3A_637 = arith.constant 272 : index
      %get3A_638 = tpu.vector_load %arg11[%get3A_636, %get3A_637] {strides = array<i32>} : memref<48x768xf32, #tpu.memory_space<vmem>>, vector<16xf32>,
      %mul3A_639 = vector.broadcast %reduce_max3A_270 : f32 to vector<16xf32>
      %mul3A_640 = arith.mulf %mul3A_639, %get3A_638 : vector<16xf32>
      %add3A_641 = arith.constant 24 : i32
      %add3A_642 = arith.addi %scan3A_362, %add3A_641 : i32
      %get3A_643 = arith.index_cast %add3A_642 : i32 to index
      %get3A_644 = arith.constant 272 : index
      %get3A_645 = tpu.vector_load %arg11[%get3A_643, %get3A_644] {strides = array<i32>} : memref<48x768xf32, #tpu.memory_space<vmem>>, vector<16xf32>,
      %mul3A_646 = vector.broadcast %reduce_max3A_274 : f32 to vector<16xf32>
      %mul3A_647 = arith.mulf %mul3A_646, %get3A_645 : vector<16xf32>
      %add3A_648 = arith.addf %mul3A_640, %mul3A_647 : vector<16xf32>
      %swap3A_649 = arith.index_cast %scan3A_362 : i32 to index
      %swap3A_650 = arith.constant 272 : index
      %swap3A_651 = tpu.vector_load %arg11[%swap3A_649, %swap3A_650] {strides = array<i32>} : memref<48x768xf32, #tpu.memory_space<vmem>>, vector<16xf32>,
      tpu.vector_store %arg11[%swap3A_649, %swap3A_650], %add3A_648 {strides = array<i32>} : memref<48x768xf32, #tpu.memory_space<vmem>>, vector<16xf32>,
      %get3A_652 = arith.index_cast %scan3A_362 : i32 to index
      %get3A_653 = arith.constant 288 : index
      %get3A_654 = tpu.vector_load %arg11[%get3A_652, %get3A_653] {strides = array<i32>} : memref<48x768xf32, #tpu.memory_space<vmem>>, vector<16xf32>,
      %mul3A_655 = vector.broadcast %reduce_max3A_270 : f32 to vector<16xf32>
      %mul3A_656 = arith.mulf %mul3A_655, %get3A_654 : vector<16xf32>
      %add3A_657 = arith.constant 24 : i32
      %add3A_658 = arith.addi %scan3A_362, %add3A_657 : i32
      %get3A_659 = arith.index_cast %add3A_658 : i32 to index
      %get3A_660 = arith.constant 288 : index
      %get3A_661 = tpu.vector_load %arg11[%get3A_659, %get3A_660] {strides = array<i32>} : memref<48x768xf32, #tpu.memory_space<vmem>>, vector<16xf32>,
      %mul3A_662 = vector.broadcast %reduce_max3A_274 : f32 to vector<16xf32>
      %mul3A_663 = arith.mulf %mul3A_662, %get3A_661 : vector<16xf32>
      %add3A_664 = arith.addf %mul3A_656, %mul3A_663 : vector<16xf32>
      %swap3A_665 = arith.index_cast %scan3A_362 : i32 to index
      %swap3A_666 = arith.constant 288 : index
      %swap3A_667 = tpu.vector_load %arg11[%swap3A_665, %swap3A_666] {strides = array<i32>} : memref<48x768xf32, #tpu.memory_space<vmem>>, vector<16xf32>,
      tpu.vector_store %arg11[%swap3A_665, %swap3A_666], %add3A_664 {strides = array<i32>} : memref<48x768xf32, #tpu.memory_space<vmem>>, vector<16xf32>,
      %get3A_668 = arith.index_cast %scan3A_362 : i32 to index
      %get3A_669 = arith.constant 304 : index
      %get3A_670 = tpu.vector_load %arg11[%get3A_668, %get3A_669] {strides = array<i32>} : memref<48x768xf32, #tpu.memory_space<vmem>>, vector<16xf32>,
      %mul3A_671 = vector.broadcast %reduce_max3A_270 : f32 to vector<16xf32>
      %mul3A_672 = arith.mulf %mul3A_671, %get3A_670 : vector<16xf32>
      %add3A_673 = arith.constant 24 : i32
      %add3A_674 = arith.addi %scan3A_362, %add3A_673 : i32
      %get3A_675 = arith.index_cast %add3A_674 : i32 to index
      %get3A_676 = arith.constant 304 : index
      %get3A_677 = tpu.vector_load %arg11[%get3A_675, %get3A_676] {strides = array<i32>} : memref<48x768xf32, #tpu.memory_space<vmem>>, vector<16xf32>,
      %mul3A_678 = vector.broadcast %reduce_max3A_274 : f32 to vector<16xf32>
      %mul3A_679 = arith.mulf %mul3A_678, %get3A_677 : vector<16xf32>
      %add3A_680 = arith.addf %mul3A_672, %mul3A_679 : vector<16xf32>
      %swap3A_681 = arith.index_cast %scan3A_362 : i32 to index
      %swap3A_682 = arith.constant 304 : index
      %swap3A_683 = tpu.vector_load %arg11[%swap3A_681, %swap3A_682] {strides = array<i32>} : memref<48x768xf32, #tpu.memory_space<vmem>>, vector<16xf32>,
      tpu.vector_store %arg11[%swap3A_681, %swap3A_682], %add3A_680 {strides = array<i32>} : memref<48x768xf32, #tpu.memory_space<vmem>>, vector<16xf32>,
      %get3A_684 = arith.index_cast %scan3A_362 : i32 to index
      %get3A_685 = arith.constant 320 : index
      %get3A_686 = tpu.vector_load %arg11[%get3A_684, %get3A_685] {strides = array<i32>} : memref<48x768xf32, #tpu.memory_space<vmem>>, vector<16xf32>,
      %mul3A_687 = vector.broadcast %reduce_max3A_270 : f32 to vector<16xf32>
      %mul3A_688 = arith.mulf %mul3A_687, %get3A_686 : vector<16xf32>
      %add3A_689 = arith.constant 24 : i32
      %add3A_690 = arith.addi %scan3A_362, %add3A_689 : i32
      %get3A_691 = arith.index_cast %add3A_690 : i32 to index
      %get3A_692 = arith.constant 320 : index
      %get3A_693 = tpu.vector_load %arg11[%get3A_691, %get3A_692] {strides = array<i32>} : memref<48x768xf32, #tpu.memory_space<vmem>>, vector<16xf32>,
      %mul3A_694 = vector.broadcast %reduce_max3A_274 : f32 to vector<16xf32>
      %mul3A_695 = arith.mulf %mul3A_694, %get3A_693 : vector<16xf32>
      %add3A_696 = arith.addf %mul3A_688, %mul3A_695 : vector<16xf32>
      %swap3A_697 = arith.index_cast %scan3A_362 : i32 to index
      %swap3A_698 = arith.constant 320 : index
      %swap3A_699 = tpu.vector_load %arg11[%swap3A_697, %swap3A_698] {strides = array<i32>} : memref<48x768xf32, #tpu.memory_space<vmem>>, vector<16xf32>,
      tpu.vector_store %arg11[%swap3A_697, %swap3A_698], %add3A_696 {strides = array<i32>} : memref<48x768xf32, #tpu.memory_space<vmem>>, vector<16xf32>,
      %get3A_700 = arith.index_cast %scan3A_362 : i32 to index
      %get3A_701 = arith.constant 336 : index
      %get3A_702 = tpu.vector_load %arg11[%get3A_700, %get3A_701] {strides = array<i32>} : memref<48x768xf32, #tpu.memory_space<vmem>>, vector<16xf32>,
      %mul3A_703 = vector.broadcast %reduce_max3A_270 : f32 to vector<16xf32>
      %mul3A_704 = arith.mulf %mul3A_703, %get3A_702 : vector<16xf32>
      %add3A_705 = arith.constant 24 : i32
      %add3A_706 = arith.addi %scan3A_362, %add3A_705 : i32
      %get3A_707 = arith.index_cast %add3A_706 : i32 to index
      %get3A_708 = arith.constant 336 : index
      %get3A_709 = tpu.vector_load %arg11[%get3A_707, %get3A_708] {strides = array<i32>} : memref<48x768xf32, #tpu.memory_space<vmem>>, vector<16xf32>,
      %mul3A_710 = vector.broadcast %reduce_max3A_274 : f32 to vector<16xf32>
      %mul3A_711 = arith.mulf %mul3A_710, %get3A_709 : vector<16xf32>
      %add3A_712 = arith.addf %mul3A_704, %mul3A_711 : vector<16xf32>
      %swap3A_713 = arith.index_cast %scan3A_362 : i32 to index
      %swap3A_714 = arith.constant 336 : index
      %swap3A_715 = tpu.vector_load %arg11[%swap3A_713, %swap3A_714] {strides = array<i32>} : memref<48x768xf32, #tpu.memory_space<vmem>>, vector<16xf32>,
      tpu.vector_store %arg11[%swap3A_713, %swap3A_714], %add3A_712 {strides = array<i32>} : memref<48x768xf32, #tpu.memory_space<vmem>>, vector<16xf32>,
      %get3A_716 = arith.index_cast %scan3A_362 : i32 to index
      %get3A_717 = arith.constant 352 : index
      %get3A_718 = tpu.vector_load %arg11[%get3A_716, %get3A_717] {strides = array<i32>} : memref<48x768xf32, #tpu.memory_space<vmem>>, vector<16xf32>,
      %mul3A_719 = vector.broadcast %reduce_max3A_270 : f32 to vector<16xf32>
      %mul3A_720 = arith.mulf %mul3A_719, %get3A_718 : vector<16xf32>
      %add3A_721 = arith.constant 24 : i32
      %add3A_722 = arith.addi %scan3A_362, %add3A_721 : i32
      %get3A_723 = arith.index_cast %add3A_722 : i32 to index
      %get3A_724 = arith.constant 352 : index
      %get3A_725 = tpu.vector_load %arg11[%get3A_723, %get3A_724] {strides = array<i32>} : memref<48x768xf32, #tpu.memory_space<vmem>>, vector<16xf32>,
      %mul3A_726 = vector.broadcast %reduce_max3A_274 : f32 to vector<16xf32>
      %mul3A_727 = arith.mulf %mul3A_726, %get3A_725 : vector<16xf32>
      %add3A_728 = arith.addf %mul3A_720, %mul3A_727 : vector<16xf32>
      %swap3A_729 = arith.index_cast %scan3A_362 : i32 to index
      %swap3A_730 = arith.constant 352 : index
      %swap3A_731 = tpu.vector_load %arg11[%swap3A_729, %swap3A_730] {strides = array<i32>} : memref<48x768xf32, #tpu.memory_space<vmem>>, vector<16xf32>,
      tpu.vector_store %arg11[%swap3A_729, %swap3A_730], %add3A_728 {strides = array<i32>} : memref<48x768xf32, #tpu.memory_space<vmem>>, vector<16xf32>,
      %get3A_732 = arith.index_cast %scan3A_362 : i32 to index
      %get3A_733 = arith.constant 368 : index
      %get3A_734 = tpu.vector_load %arg11[%get3A_732, %get3A_733] {strides = array<i32>} : memref<48x768xf32, #tpu.memory_space<vmem>>, vector<16xf32>,
      %mul3A_735 = vector.broadcast %reduce_max3A_270 : f32 to vector<16xf32>
      %mul3A_736 = arith.mulf %mul3A_735, %get3A_734 : vector<16xf32>
      %add3A_737 = arith.constant 24 : i32
      %add3A_738 = arith.addi %scan3A_362, %add3A_737 : i32
      %get3A_739 = arith.index_cast %add3A_738 : i32 to index
      %get3A_740 = arith.constant 368 : index
      %get3A_741 = tpu.vector_load %arg11[%get3A_739, %get3A_740] {strides = array<i32>} : memref<48x768xf32, #tpu.memory_space<vmem>>, vector<16xf32>,
      %mul3A_742 = vector.broadcast %reduce_max3A_274 : f32 to vector<16xf32>
      %mul3A_743 = arith.mulf %mul3A_742, %get3A_741 : vector<16xf32>
      %add3A_744 = arith.addf %mul3A_736, %mul3A_743 : vector<16xf32>
      %swap3A_745 = arith.index_cast %scan3A_362 : i32 to index
      %swap3A_746 = arith.constant 368 : index
      %swap3A_747 = tpu.vector_load %arg11[%swap3A_745, %swap3A_746] {strides = array<i32>} : memref<48x768xf32, #tpu.memory_space<vmem>>, vector<16xf32>,
      tpu.vector_store %arg11[%swap3A_745, %swap3A_746], %add3A_744 {strides = array<i32>} : memref<48x768xf32, #tpu.memory_space<vmem>>, vector<16xf32>,
      %get3A_748 = arith.index_cast %scan3A_362 : i32 to index
      %get3A_749 = arith.constant 384 : index
      %get3A_750 = tpu.vector_load %arg11[%get3A_748, %get3A_749] {strides = array<i32>} : memref<48x768xf32, #tpu.memory_space<vmem>>, vector<16xf32>,
      %mul3A_751 = vector.broadcast %reduce_max3A_270 : f32 to vector<16xf32>
      %mul3A_752 = arith.mulf %mul3A_751, %get3A_750 : vector<16xf32>
      %add3A_753 = arith.constant 24 : i32
      %add3A_754 = arith.addi %scan3A_362, %add3A_753 : i32
      %get3A_755 = arith.index_cast %add3A_754 : i32 to index
      %get3A_756 = arith.constant 384 : index
      %get3A_757 = tpu.vector_load %arg11[%get3A_755, %get3A_756] {strides = array<i32>} : memref<48x768xf32, #tpu.memory_space<vmem>>, vector<16xf32>,
      %mul3A_758 = vector.broadcast %reduce_max3A_274 : f32 to vector<16xf32>
      %mul3A_759 = arith.mulf %mul3A_758, %get3A_757 : vector<16xf32>
      %add3A_760 = arith.addf %mul3A_752, %mul3A_759 : vector<16xf32>
      %swap3A_761 = arith.index_cast %scan3A_362 : i32 to index
      %swap3A_762 = arith.constant 384 : index
      %swap3A_763 = tpu.vector_load %arg11[%swap3A_761, %swap3A_762] {strides = array<i32>} : memref<48x768xf32, #tpu.memory_space<vmem>>, vector<16xf32>,
      tpu.vector_store %arg11[%swap3A_761, %swap3A_762], %add3A_760 {strides = array<i32>} : memref<48x768xf32, #tpu.memory_space<vmem>>, vector<16xf32>,
      %get3A_764 = arith.index_cast %scan3A_362 : i32 to index
      %get3A_765 = arith.constant 400 : index
      %get3A_766 = tpu.vector_load %arg11[%get3A_764, %get3A_765] {strides = array<i32>} : memref<48x768xf32, #tpu.memory_space<vmem>>, vector<16xf32>,
      %mul3A_767 = vector.broadcast %reduce_max3A_270 : f32 to vector<16xf32>
      %mul3A_768 = arith.mulf %mul3A_767, %get3A_766 : vector<16xf32>
      %add3A_769 = arith.constant 24 : i32
      %add3A_770 = arith.addi %scan3A_362, %add3A_769 : i32
      %get3A_771 = arith.index_cast %add3A_770 : i32 to index
      %get3A_772 = arith.constant 400 : index
      %get3A_773 = tpu.vector_load %arg11[%get3A_771, %get3A_772] {strides = array<i32>} : memref<48x768xf32, #tpu.memory_space<vmem>>, vector<16xf32>,
      %mul3A_774 = vector.broadcast %reduce_max3A_274 : f32 to vector<16xf32>
      %mul3A_775 = arith.mulf %mul3A_774, %get3A_773 : vector<16xf32>
      %add3A_776 = arith.addf %mul3A_768, %mul3A_775 : vector<16xf32>
      %swap3A_777 = arith.index_cast %scan3A_362 : i32 to index
      %swap3A_778 = arith.constant 400 : index
      %swap3A_779 = tpu.vector_load %arg11[%swap3A_777, %swap3A_778] {strides = array<i32>} : memref<48x768xf32, #tpu.memory_space<vmem>>, vector<16xf32>,
      tpu.vector_store %arg11[%swap3A_777, %swap3A_778], %add3A_776 {strides = array<i32>} : memref<48x768xf32, #tpu.memory_space<vmem>>, vector<16xf32>,
      %get3A_780 = arith.index_cast %scan3A_362 : i32 to index
      %get3A_781 = arith.constant 416 : index
      %get3A_782 = tpu.vector_load %arg11[%get3A_780, %get3A_781] {strides = array<i32>} : memref<48x768xf32, #tpu.memory_space<vmem>>, vector<16xf32>,
      %mul3A_783 = vector.broadcast %reduce_max3A_270 : f32 to vector<16xf32>
      %mul3A_784 = arith.mulf %mul3A_783, %get3A_782 : vector<16xf32>
      %add3A_785 = arith.constant 24 : i32
      %add3A_786 = arith.addi %scan3A_362, %add3A_785 : i32
      %get3A_787 = arith.index_cast %add3A_786 : i32 to index
      %get3A_788 = arith.constant 416 : index
      %get3A_789 = tpu.vector_load %arg11[%get3A_787, %get3A_788] {strides = array<i32>} : memref<48x768xf32, #tpu.memory_space<vmem>>, vector<16xf32>,
      %mul3A_790 = vector.broadcast %reduce_max3A_274 : f32 to vector<16xf32>
      %mul3A_791 = arith.mulf %mul3A_790, %get3A_789 : vector<16xf32>
      %add3A_792 = arith.addf %mul3A_784, %mul3A_791 : vector<16xf32>
      %swap3A_793 = arith.index_cast %scan3A_362 : i32 to index
      %swap3A_794 = arith.constant 416 : index
      %swap3A_795 = tpu.vector_load %arg11[%swap3A_793, %swap3A_794] {strides = array<i32>} : memref<48x768xf32, #tpu.memory_space<vmem>>, vector<16xf32>,
      tpu.vector_store %arg11[%swap3A_793, %swap3A_794], %add3A_792 {strides = array<i32>} : memref<48x768xf32, #tpu.memory_space<vmem>>, vector<16xf32>,
      %get3A_796 = arith.index_cast %scan3A_362 : i32 to index
      %get3A_797 = arith.constant 432 : index
      %get3A_798 = tpu.vector_load %arg11[%get3A_796, %get3A_797] {strides = array<i32>} : memref<48x768xf32, #tpu.memory_space<vmem>>, vector<16xf32>,
      %mul3A_799 = vector.broadcast %reduce_max3A_270 : f32 to vector<16xf32>
      %mul3A_800 = arith.mulf %mul3A_799, %get3A_798 : vector<16xf32>
      %add3A_801 = arith.constant 24 : i32
      %add3A_802 = arith.addi %scan3A_362, %add3A_801 : i32
      %get3A_803 = arith.index_cast %add3A_802 : i32 to index
      %get3A_804 = arith.constant 432 : index
      %get3A_805 = tpu.vector_load %arg11[%get3A_803, %get3A_804] {strides = array<i32>} : memref<48x768xf32, #tpu.memory_space<vmem>>, vector<16xf32>,
      %mul3A_806 = vector.broadcast %reduce_max3A_274 : f32 to vector<16xf32>
      %mul3A_807 = arith.mulf %mul3A_806, %get3A_805 : vector<16xf32>
      %add3A_808 = arith.addf %mul3A_800, %mul3A_807 : vector<16xf32>
      %swap3A_809 = arith.index_cast %scan3A_362 : i32 to index
      %swap3A_810 = arith.constant 432 : index
      %swap3A_811 = tpu.vector_load %arg11[%swap3A_809, %swap3A_810] {strides = array<i32>} : memref<48x768xf32, #tpu.memory_space<vmem>>, vector<16xf32>,
      tpu.vector_store %arg11[%swap3A_809, %swap3A_810], %add3A_808 {strides = array<i32>} : memref<48x768xf32, #tpu.memory_space<vmem>>, vector<16xf32>,
      %get3A_812 = arith.index_cast %scan3A_362 : i32 to index
      %get3A_813 = arith.constant 448 : index
      %get3A_814 = tpu.vector_load %arg11[%get3A_812, %get3A_813] {strides = array<i32>} : memref<48x768xf32, #tpu.memory_space<vmem>>, vector<16xf32>,
      %mul3A_815 = vector.broadcast %reduce_max3A_270 : f32 to vector<16xf32>
      %mul3A_816 = arith.mulf %mul3A_815, %get3A_814 : vector<16xf32>
      %add3A_817 = arith.constant 24 : i32
      %add3A_818 = arith.addi %scan3A_362, %add3A_817 : i32
      %get3A_819 = arith.index_cast %add3A_818 : i32 to index
      %get3A_820 = arith.constant 448 : index
      %get3A_821 = tpu.vector_load %arg11[%get3A_819, %get3A_820] {strides = array<i32>} : memref<48x768xf32, #tpu.memory_space<vmem>>, vector<16xf32>,
      %mul3A_822 = vector.broadcast %reduce_max3A_274 : f32 to vector<16xf32>
      %mul3A_823 = arith.mulf %mul3A_822, %get3A_821 : vector<16xf32>
      %add3A_824 = arith.addf %mul3A_816, %mul3A_823 : vector<16xf32>
      %swap3A_825 = arith.index_cast %scan3A_362 : i32 to index
      %swap3A_826 = arith.constant 448 : index
      %swap3A_827 = tpu.vector_load %arg11[%swap3A_825, %swap3A_826] {strides = array<i32>} : memref<48x768xf32, #tpu.memory_space<vmem>>, vector<16xf32>,
      tpu.vector_store %arg11[%swap3A_825, %swap3A_826], %add3A_824 {strides = array<i32>} : memref<48x768xf32, #tpu.memory_space<vmem>>, vector<16xf32>,
      %get3A_828 = arith.index_cast %scan3A_362 : i32 to index
      %get3A_829 = arith.constant 464 : index
      %get3A_830 = tpu.vector_load %arg11[%get3A_828, %get3A_829] {strides = array<i32>} : memref<48x768xf32, #tpu.memory_space<vmem>>, vector<16xf32>,
      %mul3A_831 = vector.broadcast %reduce_max3A_270 : f32 to vector<16xf32>
      %mul3A_832 = arith.mulf %mul3A_831, %get3A_830 : vector<16xf32>
      %add3A_833 = arith.constant 24 : i32
      %add3A_834 = arith.addi %scan3A_362, %add3A_833 : i32
      %get3A_835 = arith.index_cast %add3A_834 : i32 to index
      %get3A_836 = arith.constant 464 : index
      %get3A_837 = tpu.vector_load %arg11[%get3A_835, %get3A_836] {strides = array<i32>} : memref<48x768xf32, #tpu.memory_space<vmem>>, vector<16xf32>,
      %mul3A_838 = vector.broadcast %reduce_max3A_274 : f32 to vector<16xf32>
      %mul3A_839 = arith.mulf %mul3A_838, %get3A_837 : vector<16xf32>
      %add3A_840 = arith.addf %mul3A_832, %mul3A_839 : vector<16xf32>
      %swap3A_841 = arith.index_cast %scan3A_362 : i32 to index
      %swap3A_842 = arith.constant 464 : index
      %swap3A_843 = tpu.vector_load %arg11[%swap3A_841, %swap3A_842] {strides = array<i32>} : memref<48x768xf32, #tpu.memory_space<vmem>>, vector<16xf32>,
      tpu.vector_store %arg11[%swap3A_841, %swap3A_842], %add3A_840 {strides = array<i32>} : memref<48x768xf32, #tpu.memory_space<vmem>>, vector<16xf32>,
      %get3A_844 = arith.index_cast %scan3A_362 : i32 to index
      %get3A_845 = arith.constant 480 : index
      %get3A_846 = tpu.vector_load %arg11[%get3A_844, %get3A_845] {strides = array<i32>} : memref<48x768xf32, #tpu.memory_space<vmem>>, vector<16xf32>,
      %mul3A_847 = vector.broadcast %reduce_max3A_270 : f32 to vector<16xf32>
      %mul3A_848 = arith.mulf %mul3A_847, %get3A_846 : vector<16xf32>
      %add3A_849 = arith.constant 24 : i32
      %add3A_850 = arith.addi %scan3A_362, %add3A_849 : i32
      %get3A_851 = arith.index_cast %add3A_850 : i32 to index
      %get3A_852 = arith.constant 480 : index
      %get3A_853 = tpu.vector_load %arg11[%get3A_851, %get3A_852] {strides = array<i32>} : memref<48x768xf32, #tpu.memory_space<vmem>>, vector<16xf32>,
      %mul3A_854 = vector.broadcast %reduce_max3A_274 : f32 to vector<16xf32>
      %mul3A_855 = arith.mulf %mul3A_854, %get3A_853 : vector<16xf32>
      %add3A_856 = arith.addf %mul3A_848, %mul3A_855 : vector<16xf32>
      %swap3A_857 = arith.index_cast %scan3A_362 : i32 to index
      %swap3A_858 = arith.constant 480 : index
      %swap3A_859 = tpu.vector_load %arg11[%swap3A_857, %swap3A_858] {strides = array<i32>} : memref<48x768xf32, #tpu.memory_space<vmem>>, vector<16xf32>,
      tpu.vector_store %arg11[%swap3A_857, %swap3A_858], %add3A_856 {strides = array<i32>} : memref<48x768xf32, #tpu.memory_space<vmem>>, vector<16xf32>,
      %get3A_860 = arith.index_cast %scan3A_362 : i32 to index
      %get3A_861 = arith.constant 496 : index
      %get3A_862 = tpu.vector_load %arg11[%get3A_860, %get3A_861] {strides = array<i32>} : memref<48x768xf32, #tpu.memory_space<vmem>>, vector<16xf32>,
      %mul3A_863 = vector.broadcast %reduce_max3A_270 : f32 to vector<16xf32>
      %mul3A_864 = arith.mulf %mul3A_863, %get3A_862 : vector<16xf32>
      %add3A_865 = arith.constant 24 : i32
      %add3A_866 = arith.addi %scan3A_362, %add3A_865 : i32
      %get3A_867 = arith.index_cast %add3A_866 : i32 to index
      %get3A_868 = arith.constant 496 : index
      %get3A_869 = tpu.vector_load %arg11[%get3A_867, %get3A_868] {strides = array<i32>} : memref<48x768xf32, #tpu.memory_space<vmem>>, vector<16xf32>,
      %mul3A_870 = vector.broadcast %reduce_max3A_274 : f32 to vector<16xf32>
      %mul3A_871 = arith.mulf %mul3A_870, %get3A_869 : vector<16xf32>
      %add3A_872 = arith.addf %mul3A_864, %mul3A_871 : vector<16xf32>
      %swap3A_873 = arith.index_cast %scan3A_362 : i32 to index
      %swap3A_874 = arith.constant 496 : index
      %swap3A_875 = tpu.vector_load %arg11[%swap3A_873, %swap3A_874] {strides = array<i32>} : memref<48x768xf32, #tpu.memory_space<vmem>>, vector<16xf32>,
      tpu.vector_store %arg11[%swap3A_873, %swap3A_874], %add3A_872 {strides = array<i32>} : memref<48x768xf32, #tpu.memory_space<vmem>>, vector<16xf32>,
      %get3A_876 = arith.index_cast %scan3A_362 : i32 to index
      %get3A_877 = arith.constant 512 : index
      %get3A_878 = tpu.vector_load %arg11[%get3A_876, %get3A_877] {strides = array<i32>} : memref<48x768xf32, #tpu.memory_space<vmem>>, vector<16xf32>,
      %mul3A_879 = vector.broadcast %reduce_max3A_270 : f32 to vector<16xf32>
      %mul3A_880 = arith.mulf %mul3A_879, %get3A_878 : vector<16xf32>
      %add3A_881 = arith.constant 24 : i32
      %add3A_882 = arith.addi %scan3A_362, %add3A_881 : i32
      %get3A_883 = arith.index_cast %add3A_882 : i32 to index
      %get3A_884 = arith.constant 512 : index
      %get3A_885 = tpu.vector_load %arg11[%get3A_883, %get3A_884] {strides = array<i32>} : memref<48x768xf32, #tpu.memory_space<vmem>>, vector<16xf32>,
      %mul3A_886 = vector.broadcast %reduce_max3A_274 : f32 to vector<16xf32>
      %mul3A_887 = arith.mulf %mul3A_886, %get3A_885 : vector<16xf32>
      %add3A_888 = arith.addf %mul3A_880, %mul3A_887 : vector<16xf32>
      %swap3A_889 = arith.index_cast %scan3A_362 : i32 to index
      %swap3A_890 = arith.constant 512 : index
      %swap3A_891 = tpu.vector_load %arg11[%swap3A_889, %swap3A_890] {strides = array<i32>} : memref<48x768xf32, #tpu.memory_space<vmem>>, vector<16xf32>,
      tpu.vector_store %arg11[%swap3A_889, %swap3A_890], %add3A_888 {strides = array<i32>} : memref<48x768xf32, #tpu.memory_space<vmem>>, vector<16xf32>,
      %get3A_892 = arith.index_cast %scan3A_362 : i32 to index
      %get3A_893 = arith.constant 528 : index
      %get3A_894 = tpu.vector_load %arg11[%get3A_892, %get3A_893] {strides = array<i32>} : memref<48x768xf32, #tpu.memory_space<vmem>>, vector<16xf32>,
      %mul3A_895 = vector.broadcast %reduce_max3A_270 : f32 to vector<16xf32>
      %mul3A_896 = arith.mulf %mul3A_895, %get3A_894 : vector<16xf32>
      %add3A_897 = arith.constant 24 : i32
      %add3A_898 = arith.addi %scan3A_362, %add3A_897 : i32
      %get3A_899 = arith.index_cast %add3A_898 : i32 to index
      %get3A_900 = arith.constant 528 : index
      %get3A_901 = tpu.vector_load %arg11[%get3A_899, %get3A_900] {strides = array<i32>} : memref<48x768xf32, #tpu.memory_space<vmem>>, vector<16xf32>,
      %mul3A_902 = vector.broadcast %reduce_max3A_274 : f32 to vector<16xf32>
      %mul3A_903 = arith.mulf %mul3A_902, %get3A_901 : vector<16xf32>
      %add3A_904 = arith.addf %mul3A_896, %mul3A_903 : vector<16xf32>
      %swap3A_905 = arith.index_cast %scan3A_362 : i32 to index
      %swap3A_906 = arith.constant 528 : index
      %swap3A_907 = tpu.vector_load %arg11[%swap3A_905, %swap3A_906] {strides = array<i32>} : memref<48x768xf32, #tpu.memory_space<vmem>>, vector<16xf32>,
      tpu.vector_store %arg11[%swap3A_905, %swap3A_906], %add3A_904 {strides = array<i32>} : memref<48x768xf32, #tpu.memory_space<vmem>>, vector<16xf32>,
      %get3A_908 = arith.index_cast %scan3A_362 : i32 to index
      %get3A_909 = arith.constant 544 : index
      %get3A_910 = tpu.vector_load %arg11[%get3A_908, %get3A_909] {strides = array<i32>} : memref<48x768xf32, #tpu.memory_space<vmem>>, vector<16xf32>,
      %mul3A_911 = vector.broadcast %reduce_max3A_270 : f32 to vector<16xf32>
      %mul3A_912 = arith.mulf %mul3A_911, %get3A_910 : vector<16xf32>
      %add3A_913 = arith.constant 24 : i32
      %add3A_914 = arith.addi %scan3A_362, %add3A_913 : i32
      %get3A_915 = arith.index_cast %add3A_914 : i32 to index
      %get3A_916 = arith.constant 544 : index
      %get3A_917 = tpu.vector_load %arg11[%get3A_915, %get3A_916] {strides = array<i32>} : memref<48x768xf32, #tpu.memory_space<vmem>>, vector<16xf32>,
      %mul3A_918 = vector.broadcast %reduce_max3A_274 : f32 to vector<16xf32>
      %mul3A_919 = arith.mulf %mul3A_918, %get3A_917 : vector<16xf32>
      %add3A_920 = arith.addf %mul3A_912, %mul3A_919 : vector<16xf32>
      %swap3A_921 = arith.index_cast %scan3A_362 : i32 to index
      %swap3A_922 = arith.constant 544 : index
      %swap3A_923 = tpu.vector_load %arg11[%swap3A_921, %swap3A_922] {strides = array<i32>} : memref<48x768xf32, #tpu.memory_space<vmem>>, vector<16xf32>,
      tpu.vector_store %arg11[%swap3A_921, %swap3A_922], %add3A_920 {strides = array<i32>} : memref<48x768xf32, #tpu.memory_space<vmem>>, vector<16xf32>,
      %get3A_924 = arith.index_cast %scan3A_362 : i32 to index
      %get3A_925 = arith.constant 560 : index
      %get3A_926 = tpu.vector_load %arg11[%get3A_924, %get3A_925] {strides = array<i32>} : memref<48x768xf32, #tpu.memory_space<vmem>>, vector<16xf32>,
      %mul3A_927 = vector.broadcast %reduce_max3A_270 : f32 to vector<16xf32>
      %mul3A_928 = arith.mulf %mul3A_927, %get3A_926 : vector<16xf32>
      %add3A_929 = arith.constant 24 : i32
      %add3A_930 = arith.addi %scan3A_362, %add3A_929 : i32
      %get3A_931 = arith.index_cast %add3A_930 : i32 to index
      %get3A_932 = arith.constant 560 : index
      %get3A_933 = tpu.vector_load %arg11[%get3A_931, %get3A_932] {strides = array<i32>} : memref<48x768xf32, #tpu.memory_space<vmem>>, vector<16xf32>,
      %mul3A_934 = vector.broadcast %reduce_max3A_274 : f32 to vector<16xf32>
      %mul3A_935 = arith.mulf %mul3A_934, %get3A_933 : vector<16xf32>
      %add3A_936 = arith.addf %mul3A_928, %mul3A_935 : vector<16xf32>
      %swap3A_937 = arith.index_cast %scan3A_362 : i32 to index
      %swap3A_938 = arith.constant 560 : index
      %swap3A_939 = tpu.vector_load %arg11[%swap3A_937, %swap3A_938] {strides = array<i32>} : memref<48x768xf32, #tpu.memory_space<vmem>>, vector<16xf32>,
      tpu.vector_store %arg11[%swap3A_937, %swap3A_938], %add3A_936 {strides = array<i32>} : memref<48x768xf32, #tpu.memory_space<vmem>>, vector<16xf32>,
      %get3A_940 = arith.index_cast %scan3A_362 : i32 to index
      %get3A_941 = arith.constant 576 : index
      %get3A_942 = tpu.vector_load %arg11[%get3A_940, %get3A_941] {strides = array<i32>} : memref<48x768xf32, #tpu.memory_space<vmem>>, vector<16xf32>,
      %mul3A_943 = vector.broadcast %reduce_max3A_270 : f32 to vector<16xf32>
      %mul3A_944 = arith.mulf %mul3A_943, %get3A_942 : vector<16xf32>
      %add3A_945 = arith.constant 24 : i32
      %add3A_946 = arith.addi %scan3A_362, %add3A_945 : i32
      %get3A_947 = arith.index_cast %add3A_946 : i32 to index
      %get3A_948 = arith.constant 576 : index
      %get3A_949 = tpu.vector_load %arg11[%get3A_947, %get3A_948] {strides = array<i32>} : memref<48x768xf32, #tpu.memory_space<vmem>>, vector<16xf32>,
      %mul3A_950 = vector.broadcast %reduce_max3A_274 : f32 to vector<16xf32>
      %mul3A_951 = arith.mulf %mul3A_950, %get3A_949 : vector<16xf32>
      %add3A_952 = arith.addf %mul3A_944, %mul3A_951 : vector<16xf32>
      %swap3A_953 = arith.index_cast %scan3A_362 : i32 to index
      %swap3A_954 = arith.constant 576 : index
      %swap3A_955 = tpu.vector_load %arg11[%swap3A_953, %swap3A_954] {strides = array<i32>} : memref<48x768xf32, #tpu.memory_space<vmem>>, vector<16xf32>,
      tpu.vector_store %arg11[%swap3A_953, %swap3A_954], %add3A_952 {strides = array<i32>} : memref<48x768xf32, #tpu.memory_space<vmem>>, vector<16xf32>,
      %get3A_956 = arith.index_cast %scan3A_362 : i32 to index
      %get3A_957 = arith.constant 592 : index
      %get3A_958 = tpu.vector_load %arg11[%get3A_956, %get3A_957] {strides = array<i32>} : memref<48x768xf32, #tpu.memory_space<vmem>>, vector<16xf32>,
      %mul3A_959 = vector.broadcast %reduce_max3A_270 : f32 to vector<16xf32>
      %mul3A_960 = arith.mulf %mul3A_959, %get3A_958 : vector<16xf32>
      %add3A_961 = arith.constant 24 : i32
      %add3A_962 = arith.addi %scan3A_362, %add3A_961 : i32
      %get3A_963 = arith.index_cast %add3A_962 : i32 to index
      %get3A_964 = arith.constant 592 : index
      %get3A_965 = tpu.vector_load %arg11[%get3A_963, %get3A_964] {strides = array<i32>} : memref<48x768xf32, #tpu.memory_space<vmem>>, vector<16xf32>,
      %mul3A_966 = vector.broadcast %reduce_max3A_274 : f32 to vector<16xf32>
      %mul3A_967 = arith.mulf %mul3A_966, %get3A_965 : vector<16xf32>
      %add3A_968 = arith.addf %mul3A_960, %mul3A_967 : vector<16xf32>
      %swap3A_969 = arith.index_cast %scan3A_362 : i32 to index
      %swap3A_970 = arith.constant 592 : index
      %swap3A_971 = tpu.vector_load %arg11[%swap3A_969, %swap3A_970] {strides = array<i32>} : memref<48x768xf32, #tpu.memory_space<vmem>>, vector<16xf32>,
      tpu.vector_store %arg11[%swap3A_969, %swap3A_970], %add3A_968 {strides = array<i32>} : memref<48x768xf32, #tpu.memory_space<vmem>>, vector<16xf32>,
      %get3A_972 = arith.index_cast %scan3A_362 : i32 to index
      %get3A_973 = arith.constant 608 : index
      %get3A_974 = tpu.vector_load %arg11[%get3A_972, %get3A_973] {strides = array<i32>} : memref<48x768xf32, #tpu.memory_space<vmem>>, vector<16xf32>,
      %mul3A_975 = vector.broadcast %reduce_max3A_270 : f32 to vector<16xf32>
      %mul3A_976 = arith.mulf %mul3A_975, %get3A_974 : vector<16xf32>
      %add3A_977 = arith.constant 24 : i32
      %add3A_978 = arith.addi %scan3A_362, %add3A_977 : i32
      %get3A_979 = arith.index_cast %add3A_978 : i32 to index
      %get3A_980 = arith.constant 608 : index
      %get3A_981 = tpu.vector_load %arg11[%get3A_979, %get3A_980] {strides = array<i32>} : memref<48x768xf32, #tpu.memory_space<vmem>>, vector<16xf32>,
      %mul3A_982 = vector.broadcast %reduce_max3A_274 : f32 to vector<16xf32>
      %mul3A_983 = arith.mulf %mul3A_982, %get3A_981 : vector<16xf32>
      %add3A_984 = arith.addf %mul3A_976, %mul3A_983 : vector<16xf32>
      %swap3A_985 = arith.index_cast %scan3A_362 : i32 to index
      %swap3A_986 = arith.constant 608 : index
      %swap3A_987 = tpu.vector_load %arg11[%swap3A_985, %swap3A_986] {strides = array<i32>} : memref<48x768xf32, #tpu.memory_space<vmem>>, vector<16xf32>,
      tpu.vector_store %arg11[%swap3A_985, %swap3A_986], %add3A_984 {strides = array<i32>} : memref<48x768xf32, #tpu.memory_space<vmem>>, vector<16xf32>,
      %get3A_988 = arith.index_cast %scan3A_362 : i32 to index
      %get3A_989 = arith.constant 624 : index
      %get3A_990 = tpu.vector_load %arg11[%get3A_988, %get3A_989] {strides = array<i32>} : memref<48x768xf32, #tpu.memory_space<vmem>>, vector<16xf32>,
      %mul3A_991 = vector.broadcast %reduce_max3A_270 : f32 to vector<16xf32>
      %mul3A_992 = arith.mulf %mul3A_991, %get3A_990 : vector<16xf32>
      %add3A_993 = arith.constant 24 : i32
      %add3A_994 = arith.addi %scan3A_362, %add3A_993 : i32
      %get3A_995 = arith.index_cast %add3A_994 : i32 to index
      %get3A_996 = arith.constant 624 : index
      %get3A_997 = tpu.vector_load %arg11[%get3A_995, %get3A_996] {strides = array<i32>} : memref<48x768xf32, #tpu.memory_space<vmem>>, vector<16xf32>,
      %mul3A_998 = vector.broadcast %reduce_max3A_274 : f32 to vector<16xf32>
      %mul3A_999 = arith.mulf %mul3A_998, %get3A_997 : vector<16xf32>
      %add3A_1000 = arith.addf %mul3A_992, %mul3A_999 : vector<16xf32>
      %swap3A_1001 = arith.index_cast %scan3A_362 : i32 to index
      %swap3A_1002 = arith.constant 624 : index
      %swap3A_1003 = tpu.vector_load %arg11[%swap3A_1001, %swap3A_1002] {strides = array<i32>} : memref<48x768xf32, #tpu.memory_space<vmem>>, vector<16xf32>,
      tpu.vector_store %arg11[%swap3A_1001, %swap3A_1002], %add3A_1000 {strides = array<i32>} : memref<48x768xf32, #tpu.memory_space<vmem>>, vector<16xf32>,
      %get3A_1004 = arith.index_cast %scan3A_362 : i32 to index
      %get3A_1005 = arith.constant 640 : index
      %get3A_1006 = tpu.vector_load %arg11[%get3A_1004, %get3A_1005] {strides = array<i32>} : memref<48x768xf32, #tpu.memory_space<vmem>>, vector<16xf32>,
      %mul3A_1007 = vector.broadcast %reduce_max3A_270 : f32 to vector<16xf32>
      %mul3A_1008 = arith.mulf %mul3A_1007, %get3A_1006 : vector<16xf32>
      %add3A_1009 = arith.constant 24 : i32
      %add3A_1010 = arith.addi %scan3A_362, %add3A_1009 : i32
      %get3A_1011 = arith.index_cast %add3A_1010 : i32 to index
      %get3A_1012 = arith.constant 640 : index
      %get3A_1013 = tpu.vector_load %arg11[%get3A_1011, %get3A_1012] {strides = array<i32>} : memref<48x768xf32, #tpu.memory_space<vmem>>, vector<16xf32>,
      %mul3A_1014 = vector.broadcast %reduce_max3A_274 : f32 to vector<16xf32>
      %mul3A_1015 = arith.mulf %mul3A_1014, %get3A_1013 : vector<16xf32>
      %add3A_1016 = arith.addf %mul3A_1008, %mul3A_1015 : vector<16xf32>
      %swap3A_1017 = arith.index_cast %scan3A_362 : i32 to index
      %swap3A_1018 = arith.constant 640 : index
      %swap3A_1019 = tpu.vector_load %arg11[%swap3A_1017, %swap3A_1018] {strides = array<i32>} : memref<48x768xf32, #tpu.memory_space<vmem>>, vector<16xf32>,
      tpu.vector_store %arg11[%swap3A_1017, %swap3A_1018], %add3A_1016 {strides = array<i32>} : memref<48x768xf32, #tpu.memory_space<vmem>>, vector<16xf32>,
      %get3A_1020 = arith.index_cast %scan3A_362 : i32 to index
      %get3A_1021 = arith.constant 656 : index
      %get3A_1022 = tpu.vector_load %arg11[%get3A_1020, %get3A_1021] {strides = array<i32>} : memref<48x768xf32, #tpu.memory_space<vmem>>, vector<16xf32>,
      %mul3A_1023 = vector.broadcast %reduce_max3A_270 : f32 to vector<16xf32>
      %mul3A_1024 = arith.mulf %mul3A_1023, %get3A_1022 : vector<16xf32>
      %add3A_1025 = arith.constant 24 : i32
      %add3A_1026 = arith.addi %scan3A_362, %add3A_1025 : i32
      %get3A_1027 = arith.index_cast %add3A_1026 : i32 to index
      %get3A_1028 = arith.constant 656 : index
      %get3A_1029 = tpu.vector_load %arg11[%get3A_1027, %get3A_1028] {strides = array<i32>} : memref<48x768xf32, #tpu.memory_space<vmem>>, vector<16xf32>,
      %mul3A_1030 = vector.broadcast %reduce_max3A_274 : f32 to vector<16xf32>
      %mul3A_1031 = arith.mulf %mul3A_1030, %get3A_1029 : vector<16xf32>
      %add3A_1032 = arith.addf %mul3A_1024, %mul3A_1031 : vector<16xf32>
      %swap3A_1033 = arith.index_cast %scan3A_362 : i32 to index
      %swap3A_1034 = arith.constant 656 : index
      %swap3A_1035 = tpu.vector_load %arg11[%swap3A_1033, %swap3A_1034] {strides = array<i32>} : memref<48x768xf32, #tpu.memory_space<vmem>>, vector<16xf32>,
      tpu.vector_store %arg11[%swap3A_1033, %swap3A_1034], %add3A_1032 {strides = array<i32>} : memref<48x768xf32, #tpu.memory_space<vmem>>, vector<16xf32>,
      %get3A_1036 = arith.index_cast %scan3A_362 : i32 to index
      %get3A_1037 = arith.constant 672 : index
      %get3A_1038 = tpu.vector_load %arg11[%get3A_1036, %get3A_1037] {strides = array<i32>} : memref<48x768xf32, #tpu.memory_space<vmem>>, vector<16xf32>,
      %mul3A_1039 = vector.broadcast %reduce_max3A_270 : f32 to vector<16xf32>
      %mul3A_1040 = arith.mulf %mul3A_1039, %get3A_1038 : vector<16xf32>
      %add3A_1041 = arith.constant 24 : i32
      %add3A_1042 = arith.addi %scan3A_362, %add3A_1041 : i32
      %get3A_1043 = arith.index_cast %add3A_1042 : i32 to index
      %get3A_1044 = arith.constant 672 : index
      %get3A_1045 = tpu.vector_load %arg11[%get3A_1043, %get3A_1044] {strides = array<i32>} : memref<48x768xf32, #tpu.memory_space<vmem>>, vector<16xf32>,
      %mul3A_1046 = vector.broadcast %reduce_max3A_274 : f32 to vector<16xf32>
      %mul3A_1047 = arith.mulf %mul3A_1046, %get3A_1045 : vector<16xf32>
      %add3A_1048 = arith.addf %mul3A_1040, %mul3A_1047 : vector<16xf32>
      %swap3A_1049 = arith.index_cast %scan3A_362 : i32 to index
      %swap3A_1050 = arith.constant 672 : index
      %swap3A_1051 = tpu.vector_load %arg11[%swap3A_1049, %swap3A_1050] {strides = array<i32>} : memref<48x768xf32, #tpu.memory_space<vmem>>, vector<16xf32>,
      tpu.vector_store %arg11[%swap3A_1049, %swap3A_1050], %add3A_1048 {strides = array<i32>} : memref<48x768xf32, #tpu.memory_space<vmem>>, vector<16xf32>,
      %get3A_1052 = arith.index_cast %scan3A_362 : i32 to index
      %get3A_1053 = arith.constant 688 : index
      %get3A_1054 = tpu.vector_load %arg11[%get3A_1052, %get3A_1053] {strides = array<i32>} : memref<48x768xf32, #tpu.memory_space<vmem>>, vector<16xf32>,
      %mul3A_1055 = vector.broadcast %reduce_max3A_270 : f32 to vector<16xf32>
      %mul3A_1056 = arith.mulf %mul3A_1055, %get3A_1054 : vector<16xf32>
      %add3A_1057 = arith.constant 24 : i32
      %add3A_1058 = arith.addi %scan3A_362, %add3A_1057 : i32
      %get3A_1059 = arith.index_cast %add3A_1058 : i32 to index
      %get3A_1060 = arith.constant 688 : index
      %get3A_1061 = tpu.vector_load %arg11[%get3A_1059, %get3A_1060] {strides = array<i32>} : memref<48x768xf32, #tpu.memory_space<vmem>>, vector<16xf32>,
      %mul3A_1062 = vector.broadcast %reduce_max3A_274 : f32 to vector<16xf32>
      %mul3A_1063 = arith.mulf %mul3A_1062, %get3A_1061 : vector<16xf32>
      %add3A_1064 = arith.addf %mul3A_1056, %mul3A_1063 : vector<16xf32>
      %swap3A_1065 = arith.index_cast %scan3A_362 : i32 to index
      %swap3A_1066 = arith.constant 688 : index
      %swap3A_1067 = tpu.vector_load %arg11[%swap3A_1065, %swap3A_1066] {strides = array<i32>} : memref<48x768xf32, #tpu.memory_space<vmem>>, vector<16xf32>,
      tpu.vector_store %arg11[%swap3A_1065, %swap3A_1066], %add3A_1064 {strides = array<i32>} : memref<48x768xf32, #tpu.memory_space<vmem>>, vector<16xf32>,
      %get3A_1068 = arith.index_cast %scan3A_362 : i32 to index
      %get3A_1069 = arith.constant 704 : index
      %get3A_1070 = tpu.vector_load %arg11[%get3A_1068, %get3A_1069] {strides = array<i32>} : memref<48x768xf32, #tpu.memory_space<vmem>>, vector<16xf32>,
      %mul3A_1071 = vector.broadcast %reduce_max3A_270 : f32 to vector<16xf32>
      %mul3A_1072 = arith.mulf %mul3A_1071, %get3A_1070 : vector<16xf32>
      %add3A_1073 = arith.constant 24 : i32
      %add3A_1074 = arith.addi %scan3A_362, %add3A_1073 : i32
      %get3A_1075 = arith.index_cast %add3A_1074 : i32 to index
      %get3A_1076 = arith.constant 704 : index
      %get3A_1077 = tpu.vector_load %arg11[%get3A_1075, %get3A_1076] {strides = array<i32>} : memref<48x768xf32, #tpu.memory_space<vmem>>, vector<16xf32>,
      %mul3A_1078 = vector.broadcast %reduce_max3A_274 : f32 to vector<16xf32>
      %mul3A_1079 = arith.mulf %mul3A_1078, %get3A_1077 : vector<16xf32>
      %add3A_1080 = arith.addf %mul3A_1072, %mul3A_1079 : vector<16xf32>
      %swap3A_1081 = arith.index_cast %scan3A_362 : i32 to index
      %swap3A_1082 = arith.constant 704 : index
      %swap3A_1083 = tpu.vector_load %arg11[%swap3A_1081, %swap3A_1082] {strides = array<i32>} : memref<48x768xf32, #tpu.memory_space<vmem>>, vector<16xf32>,
      tpu.vector_store %arg11[%swap3A_1081, %swap3A_1082], %add3A_1080 {strides = array<i32>} : memref<48x768xf32, #tpu.memory_space<vmem>>, vector<16xf32>,
      %get3A_1084 = arith.index_cast %scan3A_362 : i32 to index
      %get3A_1085 = arith.constant 720 : index
      %get3A_1086 = tpu.vector_load %arg11[%get3A_1084, %get3A_1085] {strides = array<i32>} : memref<48x768xf32, #tpu.memory_space<vmem>>, vector<16xf32>,
      %mul3A_1087 = vector.broadcast %reduce_max3A_270 : f32 to vector<16xf32>
      %mul3A_1088 = arith.mulf %mul3A_1087, %get3A_1086 : vector<16xf32>
      %add3A_1089 = arith.constant 24 : i32
      %add3A_1090 = arith.addi %scan3A_362, %add3A_1089 : i32
      %get3A_1091 = arith.index_cast %add3A_1090 : i32 to index
      %get3A_1092 = arith.constant 720 : index
      %get3A_1093 = tpu.vector_load %arg11[%get3A_1091, %get3A_1092] {strides = array<i32>} : memref<48x768xf32, #tpu.memory_space<vmem>>, vector<16xf32>,
      %mul3A_1094 = vector.broadcast %reduce_max3A_274 : f32 to vector<16xf32>
      %mul3A_1095 = arith.mulf %mul3A_1094, %get3A_1093 : vector<16xf32>
      %add3A_1096 = arith.addf %mul3A_1088, %mul3A_1095 : vector<16xf32>
      %swap3A_1097 = arith.index_cast %scan3A_362 : i32 to index
      %swap3A_1098 = arith.constant 720 : index
      %swap3A_1099 = tpu.vector_load %arg11[%swap3A_1097, %swap3A_1098] {strides = array<i32>} : memref<48x768xf32, #tpu.memory_space<vmem>>, vector<16xf32>,
      tpu.vector_store %arg11[%swap3A_1097, %swap3A_1098], %add3A_1096 {strides = array<i32>} : memref<48x768xf32, #tpu.memory_space<vmem>>, vector<16xf32>,
      %get3A_1100 = arith.index_cast %scan3A_362 : i32 to index
      %get3A_1101 = arith.constant 736 : index
      %get3A_1102 = tpu.vector_load %arg11[%get3A_1100, %get3A_1101] {strides = array<i32>} : memref<48x768xf32, #tpu.memory_space<vmem>>, vector<16xf32>,
      %mul3A_1103 = vector.broadcast %reduce_max3A_270 : f32 to vector<16xf32>
      %mul3A_1104 = arith.mulf %mul3A_1103, %get3A_1102 : vector<16xf32>
      %add3A_1105 = arith.constant 24 : i32
      %add3A_1106 = arith.addi %scan3A_362, %add3A_1105 : i32
      %get3A_1107 = arith.index_cast %add3A_1106 : i32 to index
      %get3A_1108 = arith.constant 736 : index
      %get3A_1109 = tpu.vector_load %arg11[%get3A_1107, %get3A_1108] {strides = array<i32>} : memref<48x768xf32, #tpu.memory_space<vmem>>, vector<16xf32>,
      %mul3A_1110 = vector.broadcast %reduce_max3A_274 : f32 to vector<16xf32>
      %mul3A_1111 = arith.mulf %mul3A_1110, %get3A_1109 : vector<16xf32>
      %add3A_1112 = arith.addf %mul3A_1104, %mul3A_1111 : vector<16xf32>
      %swap3A_1113 = arith.index_cast %scan3A_362 : i32 to index
      %swap3A_1114 = arith.constant 736 : index
      %swap3A_1115 = tpu.vector_load %arg11[%swap3A_1113, %swap3A_1114] {strides = array<i32>} : memref<48x768xf32, #tpu.memory_space<vmem>>, vector<16xf32>,
      tpu.vector_store %arg11[%swap3A_1113, %swap3A_1114], %add3A_1112 {strides = array<i32>} : memref<48x768xf32, #tpu.memory_space<vmem>>, vector<16xf32>,
      %get3A_1116 = arith.index_cast %scan3A_362 : i32 to index
      %get3A_1117 = arith.constant 752 : index
      %get3A_1118 = tpu.vector_load %arg11[%get3A_1116, %get3A_1117] {strides = array<i32>} : memref<48x768xf32, #tpu.memory_space<vmem>>, vector<16xf32>,
      %mul3A_1119 = vector.broadcast %reduce_max3A_270 : f32 to vector<16xf32>
      %mul3A_1120 = arith.mulf %mul3A_1119, %get3A_1118 : vector<16xf32>
      %add3A_1121 = arith.constant 24 : i32
      %add3A_1122 = arith.addi %scan3A_362, %add3A_1121 : i32
      %get3A_1123 = arith.index_cast %add3A_1122 : i32 to index
      %get3A_1124 = arith.constant 752 : index
      %get3A_1125 = tpu.vector_load %arg11[%get3A_1123, %get3A_1124] {strides = array<i32>} : memref<48x768xf32, #tpu.memory_space<vmem>>, vector<16xf32>,
      %mul3A_1126 = vector.broadcast %reduce_max3A_274 : f32 to vector<16xf32>
      %mul3A_1127 = arith.mulf %mul3A_1126, %get3A_1125 : vector<16xf32>
      %add3A_1128 = arith.addf %mul3A_1120, %mul3A_1127 : vector<16xf32>
      %swap3A_1129 = arith.index_cast %scan3A_362 : i32 to index
      %swap3A_1130 = arith.constant 752 : index
      %swap3A_1131 = tpu.vector_load %arg11[%swap3A_1129, %swap3A_1130] {strides = array<i32>} : memref<48x768xf32, #tpu.memory_space<vmem>>, vector<16xf32>,
      tpu.vector_store %arg11[%swap3A_1129, %swap3A_1130], %add3A_1128 {strides = array<i32>} : memref<48x768xf32, #tpu.memory_space<vmem>>, vector<16xf32>,
      %scan3A_1132 = arith.constant 0 : i32
      scf.yield %scan3A_1132 : i32
    }
    %scan3A_341 = arith.constant 24 : i32
    %dma_start3A_342 = arith.constant 0 : i32
    %dma_start3A_343 = arith.constant 0 : i32
    %dma_start3A_344 = tpu.memref_slice %arg11[%dma_start3A_342, %dma_start3A_343] : memref<48x768xf32, #tpu.memory_space<vmem>> -> memref<24x768xf32, #tpu.memory_space<vmem>>
    %dma_start3A_345 = arith.constant 0 : i32
    %dma_start3A_346 = arith.constant 0 : i32
    %dma_start3A_347 = tpu.memref_slice %arg7[%dma_start3A_345, %dma_start3A_346] : memref<768x768xf32, #tpu.memory_space<hbm>> -> memref<768x768xf32, #tpu.memory_space<hbm>>
    tpu.enqueue_indirect_dma source(%dma_start3A_344 : memref<24x768xf32, #tpu.memory_space<vmem>>) target(%dma_start3A_347 : memref<768x768xf32, #tpu.memory_space<hbm>>) offsets(%arg13 : memref<24xi32, #tpu.memory_space<vmem>>) semaphore(%arg17 : memref<!tpu.dma_semaphore, #tpu.memory_space<semaphore_mem>>)
    %dma_wait3A_348 = arith.constant 0 : i32
    %dma_wait3A_349 = arith.constant 0 : i32
    %dma_wait3A_350 = tpu.memref_slice %arg11[%dma_wait3A_348, %dma_wait3A_349] : memref<48x768xf32, #tpu.memory_space<vmem>> -> memref<24x768xf32, #tpu.memory_space<vmem>>
    %dma_wait3A_351 = arith.constant 0 : i32
    %dma_wait3A_352 = arith.constant 0 : i32
    %dma_wait3A_353 = tpu.memref_slice %arg7[%dma_wait3A_351, %dma_wait3A_352] : memref<768x768xf32, #tpu.memory_space<hbm>> -> memref<768x768xf32, #tpu.memory_space<hbm>>
    tpu.wait_indirect_dma semaphore(%arg17 : memref<!tpu.dma_semaphore, #tpu.memory_space<semaphore_mem>>) src(%dma_wait3A_350 : memref<24x768xf32, #tpu.memory_space<vmem>>) dst(%dma_wait3A_353 : memref<768x768xf32, #tpu.memory_space<hbm>>)
    %eq3A_354 = arith.constant 0 : i32
    %eq3A_355 = arith.cmpi eq, %arg1, %eq3A_354 : i32
    %eq3A_356 = arith.constant 0 : i32
    %eq3A_357 = arith.cmpi eq, %arg0, %eq3A_356 : i32
    %and3A_358 = arith.andi %eq3A_355, %eq3A_357 : i1
    %convert_element_type3A_359 = arith.extui %and3A_358 : i1 to i32
    %cond3A_360 = arith.constant 0 : i32
    %cond3A_361 = arith.cmpi ne, %convert_element_type3A_359, %cond3A_360 : i32
    scf.if %cond3A_361 {
      %scan3A_362 = arith.constant 0 : i32
      %scan3A_363 = arith.constant 0 : i32
      %scan3A_364 = arith.constant 48 : i32
      %scan3A_365 = arith.addi %scan3A_363, %scan3A_364 : i32
      %scan3A_366 = arith.constant 1 : i32
      %scan3A_367 = scf.for %scan3A_369 = %scan3A_363 to %scan3A_365 step %scan3A_366 iter_args(%scan3A_370 = %scan3A_362) -> (i32)  : i32 {
        %mul3A_371 = arith.constant 16 : i32
        %mul3A_372 = arith.muli %scan3A_369, %mul3A_371 : i32
        %get3A_373 = arith.index_cast %mul3A_372 : i32 to index
        %get3A_374 = tpu.vector_load %arg14[%get3A_373] {strides = array<i32>} : memref<768xf32, #tpu.memory_space<vmem>>, vector<16xf32>,
        %mul3A_375 = vector.broadcast %reduce_max3A_270 : f32 to vector<16xf32>
        %mul3A_376 = arith.mulf %mul3A_375, %get3A_374 : vector<16xf32>
        %get3A_377 = arith.index_cast %mul3A_372 : i32 to index
        %get3A_378 = tpu.vector_load %arg15[%get3A_377] {strides = array<i32>} : memref<768xf32, #tpu.memory_space<vmem>>, vector<16xf32>,
        %mul3A_379 = vector.broadcast %reduce_max3A_274 : f32 to vector<16xf32>
        %mul3A_380 = arith.mulf %mul3A_379, %get3A_378 : vector<16xf32>
        %add3A_381 = arith.addf %mul3A_376, %mul3A_380 : vector<16xf32>
        %swap3A_382 = arith.index_cast %mul3A_372 : i32 to index
        %swap3A_383 = tpu.vector_load %arg14[%swap3A_382] {strides = array<i32>} : memref<768xf32, #tpu.memory_space<vmem>>, vector<16xf32>,
        tpu.vector_store %arg14[%swap3A_382], %add3A_381 {strides = array<i32>} : memref<768xf32, #tpu.memory_space<vmem>>, vector<16xf32>,
        %scan3A_384 = arith.constant 0 : i32
        scf.yield %scan3A_384 : i32
      }
      %scan3A_368 = arith.constant 48 : i32
      "tpu.region"() ({
        %run_scoped3A_369 = tpu.sem_alloc : memref<!tpu.dma_semaphore, #tpu.memory_space<semaphore_mem>>
        tpu.enqueue_dma source(%arg14 : memref<768xf32, #tpu.memory_space<vmem>>) target(%arg8 : memref<768xf32, #tpu.memory_space<hbm>>) target_semaphore(%run_scoped3A_369 : memref<!tpu.dma_semaphore, #tpu.memory_space<semaphore_mem>>)
        tpu.wait_dma2 semaphore(%run_scoped3A_369 : memref<!tpu.dma_semaphore, #tpu.memory_space<semaphore_mem>>) src(%arg14 : memref<768xf32, #tpu.memory_space<vmem>>) dst(%arg8 : memref<768xf32, #tpu.memory_space<hbm>>)
        tpu.yield
      }) : () -> ()
    } else {
    }
    return
  }
}

module attributes {stable_mosaic.version = 14 : i64} {
  func.func @_matmul_tc(%arg0: i32, %arg1: memref<2048x768xf32, #tpu.memory_space<vmem>>, %arg2: memref<768x768xf32, #tpu.memory_space<vmem>>, %arg3: memref<1x768xf32, #tpu.memory_space<vmem>>, %arg4: memref<2048x768xf32, #tpu.memory_space<vmem>>) attributes {dimension_semantics = [#tpu.dimension_semantics<arbitrary>], iteration_bounds = array<i64: 16>, scalar_prefetch = 0 : i64, scratch_operands = 0 : i64, tpu.core_type = #tpu.core_type<tc>, window_params = [{transform_indices = @transform_0, window_bounds = array<i64: 2048, 768>}, {pipeline_mode = #tpu.pipeline_mode<synchronous>, transform_indices = @transform_1, window_bounds = array<i64: 768, 768>}, {pipeline_mode = #tpu.pipeline_mode<synchronous>, transform_indices = @transform_2, window_bounds = array<i64: 1, 768>}, {transform_indices = @transform_3, window_bounds = array<i64: 2048, 768>}]} {
    %get3A = arith.constant 0 : index
    %get3A_0 = arith.constant 0 : index
    %get3A_1 = vector.load %arg1[%get3A, %get3A_0] : memref<2048x768xf32, #tpu.memory_space<vmem>>, vector<2048x768xf32>
    %get3A_2 = arith.constant 0 : index
    %get3A_3 = arith.constant 0 : index
    %get3A_4 = vector.load %arg2[%get3A_2, %get3A_3] : memref<768x768xf32, #tpu.memory_space<vmem>>, vector<768x768xf32>
    %dot_general3A = arith.constant dense<0.000000e+00> : vector<2048x768xf32>
    %dot_general3A_5 = tpu.matmul %get3A_1, %get3A_4, %dot_general3A {dimension_numbers = #tpu.dot_dimension_numbers<[1], [1], [0], [0], [0, 0, 1, 0], [], []>, transpose_lhs_hint = false} : vector<2048x768xf32>, vector<768x768xf32>, vector<2048x768xf32> -> vector<2048x768xf32>
    %get3A_6 = arith.constant 0 : index
    %get3A_7 = arith.constant 0 : index
    %get3A_8 = vector.load %arg3[%get3A_6, %get3A_7] : memref<1x768xf32, #tpu.memory_space<vmem>>, vector<1x768xf32>
    %add3A = vector.broadcast %get3A_8 : vector<1x768xf32> to vector<2048x768xf32>
    %add3A_9 = arith.addf %dot_general3A_5, %add3A : vector<2048x768xf32>
    %swap3A = arith.constant 0 : index
    %swap3A_10 = arith.constant 0 : index
    %swap3A_11 = vector.load %arg4[%swap3A, %swap3A_10] : memref<2048x768xf32, #tpu.memory_space<vmem>>, vector<2048x768xf32>
    tpu.vector_store %arg4[%swap3A, %swap3A_10], %add3A_9 {strides = array<i32>} : memref<2048x768xf32, #tpu.memory_space<vmem>>, vector<2048x768xf32>,
    return
  }
  func.func @transform_0(%arg0: i32) -> (i32, i32) {
    %c0_i32 = arith.constant 0 : i32
    %c0_i32_0 = arith.constant 0 : i32
    return %arg0, %c0_i32 : i32, i32
  }
  func.func @transform_1(%arg0: i32) -> (i32, i32) {
    %c0_i32 = arith.constant 0 : i32
    %c0_i32_0 = arith.constant 0 : i32
    %c0_i32_1 = arith.constant 0 : i32
    return %c0_i32, %c0_i32_0 : i32, i32
  }
  func.func @transform_2(%arg0: i32) -> (i32, i32) {
    %c0_i32 = arith.constant 0 : i32
    %c0_i32_0 = arith.constant 0 : i32
    %c0_i32_1 = arith.constant 0 : i32
    return %c0_i32, %c0_i32_0 : i32, i32
  }
  func.func @transform_3(%arg0: i32) -> (i32, i32) {
    %c0_i32 = arith.constant 0 : i32
    %c0_i32_0 = arith.constant 0 : i32
    return %arg0, %c0_i32 : i32, i32
  }
}

</mosaic_0001>

<sc_bundles>
// kernel: kernel.4.cloned.1.call-start
scs
__scs_entry_jumppad:
0x0: {  	(pc) =	sbr.rel $0x88, $3  }
0x1: {  	(tag) =	ssettag $0x0;
	lr =	simm.s32 $0x1  }
0x2: {  	[smem:$0x3F9C] =	sst lr;
	_ =	strace $0xD0000000  }
0x3: {  	_ = 	snop  }
0x4: {  	_ = 	snop  }
0x5: {  	_ = 	snop  }
0x6: {  	_ = 	snop  }
0x7: {  	_ = 	snop  }
__scs_overlays_trampoline_lowered:
0x8: {  	[smem:$0x3FAB] =	sst s0  }
0x9: {  	[smem:$0x3FAC] =	sst s1  }
0xa: {  	[smem:$0x3FAD] =	sst s2  }
0xb: {  	[smem:$0x3FAE] =	sst s3  }
0xc: {  	[smem:$0x3FAF] =	sst s4  }
0xd: {  	[smem:$0x3FB0] =	sst s5  }
0xe: {  	[smem:$0x3FB1] =	sst s6  }
0xf: {  	[smem:$0x3FB2] =	sst s7  }
0x10: {  	[smem:$0x3FB3] =	sst s8  }
0x11: {  	[smem:$0x3FB4] =	sst s9;
	s0 =	simm.s32 @!p0 $0x0  }
0x12: {  	s1 =	sld [smem:$0x3F9A];
	s0 =	simm.s32 @p0 $0x1  }
0x13: {  	[smem:$0x3FB5] =	sst s0;
	s0 =	simm.s32 @!p1 $0x0  }
0x14: {  	s2 =	sld [smem:$0x3F99];
	s0 =	simm.s32 @p1 $0x1  }
0x15: {  	[smem:$0x3FB6] =	sst s0;
	s0 =	simm.s32 @!p2 $0x0  }
0x16: {  	s3 =	sld [smem:$0x3FDB];
	s0 =	simm.s32 @p2 $0x1  }
0x17: {  	s4 =	simm.s32 $0x1BF5;
	[smem:$0x3FB8] =	sst s0  }
0x18: {  	s0 =	sld [smem:$0x3F9B];
	_ =	swait.ge [sflag:s4], $0x0  }
0x19: {  	s7 =	sld [smem:$0x3F9C]  }
0x1a: {  	s8 =	sadd.s32 $0xFFFFE003, lr  }
0x1b: {  	s9 =	sadd.s32 $0xFFFFFEF7, lr;
	s5 =	simm.s32 $0xFFFFFFFF;
	p2 =	slt.u32 s8, $0xFFFFF086  }
0x1c: {  	p1 =	slt.u32 s9, $0xF7A;
	s5 =	simm.s32 @!p2 $0x0  }
0x1d: {  	s5 =	simm.s32 @p1 $0x1;
	p0 =	seq.s32 s7, s2  }
0x1e: {  	s7 =	smul.u32 @!p0 $0xF7A, s2;
	p2 =	seq.s32 @!p0 s5, $0x0  }
0x1f: {  	s9 =	smul.u32 $0xF7A, s1;
	s8 =	simm.s32 @!p0 $0x1BF5;
	p2 =	por !p2, p0  }
0x20: {  	[sflag:s8] =	ssyncset.s32 @!p0 $0xFFFFF086;
	s6 =	sadd.s32 @!p0 s3, s7;
	s7 =	simm.s32 @!p0 $0x108  }
0x21: {  	s3 =	sadd.s32 s3, s9;
	s6 =	sadd.s32 @!p0 $0x88, s6;
	s7 =	simm.s32 @p2 $0x1082  }
0x22: {  	[simem:s7], [sflag:s8] =	dma.local @!p0 [hbm:s6], $0xF7A  }
0x23: {  	s9 =	sor.u32 $0xD0000000, s2;
	s6 =	simm.s32 $0x108;
	_ =	swait.ge @!p0 [sflag:s8], $0x0  }
0x24: {  	s3 =	sadd.s32 $0x88, s3;
	s6 =	simm.s32 @!p1 $0x1082;
	[sflag:s4] =	ssyncset.s32 $0xFFFFF086  }
0x25: {  	[simem:s6], [sflag:s4] =	dma.local [hbm:s3], $0xF7A  }
0x26: {  	[smem:$0x3F9C] =	sst s1;
	(tag) =	ssettag s2;
	_ =	strace s9  }
0x27: {  	s1 =	sld [smem:$0x3FAC]  }
0x28: {  	s2 =	sld [smem:$0x3FAD]  }
0x29: {  	s4 =	sld [smem:$0x3FAF]  }
0x2a: {  	p0 =	seq.s32 s5, $0x0;
	s5 =	sld [smem:$0x3FB0]  }
0x2b: {  	s6 =	sld [smem:$0x3FB1]  }
0x2c: {  	s7 =	sld [smem:$0x3FB2]  }
0x2d: {  	s3 =	simm.s32 $0x108;
	s8 =	sld [smem:$0x3FB3]  }
0x2e: {  	s3 =	simm.s32 @!p0 $0x1082;
	s9 =	sld [smem:$0x3FB4]  }
0x2f: {  	lr =	sadd.s32 s0, s3;
	s0 =	sld [smem:$0x3FAB]  }
0x30: {  	s3 =	sld [smem:$0x3FAE]  }
0x31: {  	[smem:$0x3FB7] =	sst s10  }
0x32: {  	s10 =	sld [smem:$0x3FB5];
	_ =	sdelay $0x3  }
0x33: {  	p0 =	seq.s32 s10, $0x1;
	s10 =	sld [smem:$0x3FB7];
	_ =	sdelay $0x3  }
0x34: {  	[smem:$0x3FB7] =	sst s10  }
0x35: {  	s10 =	sld [smem:$0x3FB6];
	_ =	sdelay $0x3  }
0x36: {  	p1 =	seq.s32 s10, $0x1;
	s10 =	sld [smem:$0x3FB7];
	_ =	sdelay $0x3  }
0x37: {  	[smem:$0x3FB7] =	sst s10  }
0x38: {  	s10 =	sld [smem:$0x3FB8]  }
0x39: {  	_ = 	snop;
	(pc) =	sbr.ind lr, $3  }
0x3a: {  	_ = 	snop  }
0x3b: {  	_ = 	snop  }
0x3c: {  	p2 =	seq.s32 s10, $0x1;
	s10 =	sld [smem:$0x3FB7]  }
0x3d: {  	_ =	shalt  }
0x3e: {  	_ =	shalt  }
0x3f: {  	_ =	shalt  }
0x40: {  	_ =	shalt  }
0x41: {  	_ =	shalt  }
0x42: {  	_ =	shalt  }
0x43: {  	_ =	shalt  }
0x44: {  	_ =	shalt  }
0x45: {  	_ =	shalt  }
0x46: {  	_ =	shalt  }
0x47: {  	_ =	shalt  }
0x48: {  	_ =	shalt  }
0x49: {  	_ =	shalt  }
0x4a: {  	_ =	shalt  }
0x4b: {  	_ =	shalt  }
0x4c: {  	_ =	shalt  }
0x4d: {  	_ =	shalt  }
0x4e: {  	_ =	shalt  }
0x4f: {  	_ =	shalt  }
0x50: {  	_ =	shalt  }
0x51: {  	_ =	shalt  }
0x52: {  	_ =	shalt  }
0x53: {  	_ =	shalt  }
0x54: {  	_ =	shalt  }
0x55: {  	_ =	shalt  }
0x56: {  	_ =	shalt  }
0x57: {  	_ =	shalt  }
0x58: {  	_ =	shalt  }
0x59: {  	_ =	shalt  }
0x5a: {  	_ =	shalt  }
0x5b: {  	_ =	shalt  }
0x5c: {  	_ =	shalt  }
0x5d: {  	_ =	shalt  }
0x5e: {  	_ =	shalt  }
0x5f: {  	_ =	shalt  }
0x60: {  	_ =	shalt  }
0x61: {  	_ =	shalt  }
0x62: {  	_ =	shalt  }
0x63: {  	_ =	shalt  }
0x64: {  	_ =	shalt  }
0x65: {  	_ =	shalt  }
0x66: {  	_ =	shalt  }
0x67: {  	_ =	shalt  }
0x68: {  	_ =	shalt  }
0x69: {  	_ =	shalt  }
0x6a: {  	_ =	shalt  }
0x6b: {  	_ =	shalt  }
0x6c: {  	_ =	shalt  }
0x6d: {  	_ =	shalt  }
0x6e: {  	_ =	shalt  }
0x6f: {  	_ =	shalt  }
0x70: {  	_ =	shalt  }
0x71: {  	_ =	shalt  }
0x72: {  	_ =	shalt  }
0x73: {  	_ =	shalt  }
0x74: {  	_ =	shalt  }
0x75: {  	_ =	shalt  }
0x76: {  	_ =	shalt  }
0x77: {  	_ =	shalt  }
0x78: {  	_ =	shalt  }
0x79: {  	_ =	shalt  }
0x7a: {  	_ =	shalt  }
0x7b: {  	_ =	shalt  }
0x7c: {  	_ =	shalt  }
0x7d: {  	_ =	shalt  }
0x7e: {  	_ =	shalt  }
0x7f: {  	_ =	shalt  }
0x80: {  	_ =	shalt  }
0x81: {  	_ =	shalt  }
0x82: {  	_ =	shalt  }
0x83: {  	_ =	shalt  }
0x84: {  	_ =	shalt  }
0x85: {  	_ =	shalt  }
0x86: {  	_ =	shalt  }
0x87: {  	_ =	shalt  }
.Lfunc_end0:
.L_simem_size_0:
called_computation_lowered:
.L_overlay_start_0:
0x88: {  	s2 =	sld [smem:$0x3FD9]  }
0x89: {  	s3 =	sld [smem:$0x3FFE];
	_ =	sdelay $0x1  }
0x8a: {  	s1 =	srdreg.scid  }
0x8b: {  	s0 =	sand.u32 $0x1, s1  }
0x8c: {  	s17 =	sshll.u32 s0, $0xA;
	s2 =	sadd.s32 s3, s2  }
0x8d: {  	s2 =	sadd.s32 s2, s17  }
0x8e: {  	[smem:$0x3FC3] =	sst s2  }
0x8f: {  	_ = 	snop  }
0x90: {  	s2 =	sld [smem:$0x3FC9]  }
0x91: {  	s18 =	sld [smem:$0x3FC8]  }
0x92: {  	s4 =	sld [smem:$0x3FC7]  }
0x93: {  	s5 =	sld [smem:$0x3FD0];
	(tm) =	ssettm $0x1  }
0x94: {  	s6 =	sld [smem:$0x3FFB];
	_ =	sdelay $0x3  }
0x95: {  	_ =	strace s6  }
0x96: {  	s6 =	sld [smem:$0x3FFC];
	_ =	sdelay $0x3  }
0x97: {  	_ =	strace s6  }
0x98: {  	s6 =	sld [smem:$0x3FFD];
	_ =	sdelay $0x3  }
0x99: {  	_ =	strace s6  }
0x9a: {  	_ =	strace $0x8FFFFFFF  }
0x9b: {  	s19 =	sld [smem:$0x3FDB];
	_ =	sdelay $0x1  }
0x9c: {  	s7 =	simm.s32 $_scs_section_size  }
0x9d: {  	s8 =	simm.s32 $_size__tile_overlayer_lowered;
	s9 =	simm.s32 $_tile_overlayer_lowered  }
0x9e: {  	s22 =	simm.s32 $0x1BFF;
	s21 =	sshll.u32 s9, $0x1;
	s6 =	sadd.s32 s7, s19  }
0x9f: {  	s10 =	simm.s32 $0x0;
	s20 =	sshll.u32 s8, $0x1;
	s8 =	sadd.s32 s21, s6  }
0xa0: {  	[timem:s10], [sflag:s22] =	dma.local [hbm:s8], s20  }
0xa1: {  	_ =	swait.ge [sflag:s22], s20  }
0xa2: {  	s7 =	ssub.s32 $0x0, s20;
	[sflag:s22] =	ssyncset.done $0x0  }
0xa3: {  	[sflag:s22] =	ssyncadd.s32 s7;
	_ =	sdelay $0x1  }
0xa4: {  	s23 =	simm.s32 $0x1B8B  }
0xa5: {  	_ =	swait.ge [sflag:s23], $0x1  }
0xa6: {  	[sflag:s23] =	ssyncset.done $0x0  }
0xa7: {  	s25 =	simm.s32 $0x1B8E;
	s24 =	sld [smem:$0x3FFE];
	[sflag:s23] =	ssyncadd.s32 $0xFFFFFFFF  }
0xa8: {  	s26 =	simm.s32 $execute0_lowered;
	[smem:$0x3FD2] =	sst s25  }
0xa9: {  	s8 =	sshll.u32 s26, $0x1;
	_ =	strace $0x80000046;
	[dreg:$0x1] =	wrdreg $0xFFFFFFFF  }
0xaa: {  	s28 =	simm.s32 $_size_execute0_lowered;
	s6 =	sadd.s32 s6, s8;
	[dreg:$0x0] =	wrdreg $0x0  }
0xab: {  	s8 =	sshll.u32 s28, $0x1;
	[dreg:$0x2] =	wrdreg s6  }
0xac: {  	[dreg:$0x3] =	wrdreg s8  }
0xad: {  	[dreg:$0x4] =	wrdreg $0xC0  }
0xae: {  	_ =	task [dreg:s10], $0x5FFFF  }
0xaf: {  	[dreg:$0x1] =	wrdreg $0xFFFFFFFF  }
0xb0: {  	[dreg:$0x0] =	wrdreg $0x60  }
0xb1: {  	[dreg:$0x2] =	wrdreg s2  }
0xb2: {  	[dreg:$0x3] =	wrdreg s24  }
0xb3: {  	[dreg:$0x4] =	wrdreg s18  }
0xb4: {  	[dreg:$0x5] =	wrdreg s4  }
0xb5: {  	[dreg:$0x6] =	wrdreg s5  }
0xb6: {  	[dreg:$0x7] =	wrdreg $0x9  }
0xb7: {  	_ =	task.clear_ibuf [dreg:s10], $0x8FFFF;
	_ =	strace $0x90000046  }
0xb8: {  	s29 =	simm.s32 $0x9;
	_ =	strace $0x80000048  }
0xb9: {  	_ =	swait.ge [sflag:s29], $0x1  }
0xba: {  	[sflag:s29] =	ssyncadd.s32 $0xFFFFFFFF  }
0xbb: {  	_ =	strace $0x90000048  }
0xbc: {  	_ =	sfence  }
0xbd: {  	s30 =	sld [smem:$0x0];
	_ =	sdelay $0x2  }
0xbe: {  	s31 =	sshll.u32 s1, $0xD;
	s1 =	sshrl.u32 s1, $0x2  }
0xbf: {  	s3 =	sand.u32 $0x4000, s31;
	s1 =	sadd.s32 s1, s30  }
0xc0: {  	s0 =	sor.u32 s3, s0;
	s1 =	sshll.u32 s1, $0x11  }
0xc1: {  	s0 =	sor.u32 s1, s0  }
0xc2: {  	s0 =	sadd.s32 $0x8F2B, s0  }
0xc3: {  	[sflag:s0] =	ssyncadd.remote.s32 $0x1  }
0xc4: {  	_ =	sfence.sel $0xFFFF  }
0xc5: {  	[dreg:$0x0] =	wrdreg $0xFFFFFFFF;
	(pc) =	sbr.abs _section_cstart, $3  }
0xc6: {  	[dreg:$0x1] =	wrdreg $0xFFFFFFFF  }
0xc7: {  	_ =	task.clear_ibuf [dreg:s10], $0x2FFFF;
	_ =	strace $0x9FFFFFFF  }
0xc8: {  	(tm) =	ssettm $0x7FFFFFFF  }
0xc9: {  	_ =	shalt  }
tec
execute0_lowered:
.L_overlay_start_1:
0x0: {  	(tag) =	ssettag $0x1  }
0x1: {  	s0 =	rddreg [dreg:$0x1]  }
0x2: {  	s2 =	rddreg [dreg:$0x2]  }
0x3: {  	s4 =	rddreg [dreg:$0x4]  }
0x4: {  	s5 =	simm.s32 $0x0;
	s1 =	srdreg.scid;
	s7 =	stileid.u32  }
0x5: {  	s24 =	simm.s32 $0x3;
	v0 =	vlaneseq.u32;
	s29 =	simm.s32 $0x3380;
	[smem:$0x7FF] =	sst s5  }
0x6: {  	s3 =	sadd.s32 $0xC00, s0;
	s8 =	sadd.s32 $0xA00, s0;
	s9 =	sadd.s32 $0x2400, s0;
	v1 =	vor.u32 $0x80000010, v0  }
0x7: {  	s28 =	simm.s32 $0x1;
	s30 =	simm.s32 $0x2;
	v57 =	vor.u32 $0x80000020, v0;
	_ =	strace $0x80000047;
	[tilespmem:$0x1FF60] =	vst v1  }
0x8: {  	s1 =	sand.u32 $0x1, s1;
	s10 =	sadd.s32 $0x1200, s0;
	s12 =	sadd.s32 $0xA10, s0;
	v59 =	vor.u32 $0x80000030, v0;
	[tilespmem:$0x1FF80] =	vst v57  }
0x9: {  	s13 =	sadd.s32 $0x1800, s0;
	s14 =	sadd.s32 $0xA20, s0;
	v60 =	vor.u32 $0x80000000, v0;
	s6 =	sshll.u32 s1, $0x4;
	[tilespmem:$0x1FFA0] =	vst v59  }
0xa: {  	s15 =	sadd.s32 $0x1E00, s0;
	s16 =	sadd.s32 $0xA30, s0;
	v61 =	vor.u32 $0x10, v0;
	[tilespmem:$0x1FFB0] =	vst v60;
	s6 =	sor.u32 s7, s6  }
0xb: {  	s17 =	sadd.s32 $0x100, s2;
	s18 =	sadd.s32 $0x200, s2;
	v62 =	vor.u32 $0x20, v0;
	[tilespmem:$0x1FFC0] =	vst v61;
	s11 =	smul.u32 $0x18, s6  }
.Ltmp0:
0xc: {  	s19 =	sadd.s32 $0x100, s4;
	v63 =	vor.u32 $0x30, v0;
	[dreg:$0x6] =	wrdreg s3;
	[tilespmem:$0x1FFD0] =	vst v62;
	(pc) =	sbr.rel .LBB2_1-.Ltmp0, $4  }
0xd: {  	s20 =	sadd.s32 $0x200, s4;
	v8 =	vor.u32 $0x8, v0;
	s25 =	ssub.s32 $0x2, s1;
	[dreg:$0x7] =	wrdreg s9;
	[tilespmem:$0x1FFE0] =	vst v63  }
0xe: {  	s1 =	sor.u32 s1, s7;
	[tilespmem:$0x1FFF0] =	vst v8;
	s26 =	sshrl.u32 s25, $0x1;
	s31 =	sadd.s32 $0x8, s11;
	v58 =	vadd.s32 s11, v0  }
0xf: {  	vm0 =	vmmov $0xffff;
	v11 =	vshrl.u32 v0, $0x3;
	p0 =	sne.s32 s1, $0x0;
	s3 =	ssub.s32 s25, s26;
	s25 =	simm.s32 $0x380;
	v56 =	vadd.s32 s31, v0;
	[tilespmem:$0x1FF90] =	vst v58  }
0x10: {  	vm1 =	vmmov $0xff;
	v10 =	vand.u32 $0x7, v0;
	v11 =	vmul.u32 $0x8, v11;
	s26 =	simm.s32 $0x300;
	s21 =	smax.u32 s3, $0x1;
	s3 =	simm.s32 $0x0;
	[tilespmem:$0x1FF70] =	vst v56  }
.LBB2_14:
0x11: {  	v0 =	vld [tilespmem:s0+$0x9480];
	_ =	sdelay $0x4  }
0x12: {  	v1 =	vmul.f32 v15, v14;
	v0 =	vmul.f32 v0, v13;
	_ =	sdelay $0x1  }
0x13: {  	v0 =	vadd.f32 v1, v0;
	_ =	sdelay $0x1  }
0x14: {  	s31 =	rddreg [dreg:$0x7];
	s1 =	simm.s32 $0x9480;
	[tilespmem:s0+$0x9480] =	vst v0  }
0x15: {  	[hbm4b:s31+s5] =	stream.linear.scatter [tilespmem:s1], [sflag:$0x3], $0x300, $0x38;
	[tilespmem:$0x9A80] =	vst v63  }
0x16: {  	_ =	swait.ge [sflag:s24], $0x300  }
0x17: {  	[sflag:s24] =	ssyncset.done $0x0  }
0x18: {  	[sflag:s24] =	ssyncadd.s32 $0xFFFFFD00  }
.LBB2_15:
0x19: {  	s3 =	sadd.s32 $0x1, s3  }
0x1a: {  	p1 =	sne.s32 s3, s21  }
.Ltmp1:
0x1b: {  	_ = 	snop;
	(pc) =	sbr.rel @!p1 .LBB2_16-.Ltmp1, $1  }
0x1c: {  	_ =	sdelay $0x3  }
.LBB2_1:
0x1d: {  	s0 =	rddreg [dreg:$0x0];
	s1 =	simm.s32 $0x80;
	s6 =	simm.s32 $0x400  }
0x1e: {  	[tilespmem:s5], [sflag:$0x3] =	stream.strided.gather [hbm4b:s0+s1], $0x300, s6, s1, $0x38;
	[tilespmem:$0x9A80] =	vst v63  }
0x1f: {  	_ =	swait.ge [sflag:s24], $0x300  }
0x20: {  	[sflag:s24] =	ssyncset.done $0x0  }
0x21: {  	s9 =	rddreg [dreg:$0x6];
	[sflag:s24] =	ssyncadd.s32 $0xFFFFFD00  }
0x22: {  	[tilespmem:s25], [sflag:$0x1] =	stream.linear.gather [hbm4b:s9+s5], $0x3000, $0x38;
	[tilespmem:$0x9A80] =	vst v63  }
0x23: {  	_ = 	snop  }
0x24: {  	[tilespmem:s26], [sflag:$0x3] =	stream.linear.gather [hbm4b:s8+s5], $0x80, $0x38;
	[tilespmem:$0x9A80] =	vst v63  }
0x25: {  	_ =	swait.ge [sflag:s24], $0x80  }
0x26: {  	[sflag:s24] =	ssyncset.done $0x0  }
0x27: {  	[sflag:s24] =	ssyncadd.s32 $0xFFFFFF80  }
0x28: {  	_ =	swait.ge [sflag:s28], $0x3000  }
0x29: {  	[sflag:s28] =	ssyncset.done $0x0  }
0x2a: {  	s22 =	simm.s32 $0x20;
	s23 =	simm.s32 $0x0;
	[sflag:s28] =	ssyncadd.s32 $0xFFFFD000  }
0x2b: {  	[tilespmem:s29], [sflag:$0x2] =	stream.linear.gather [hbm4b:s10+s5], $0x3000, $0x38;
	[tilespmem:$0x9A80] =	vst v63  }
0x2c: {  	s1 =	smul.u32 $0x6000, s23;
	v14 =	vld [tilespmem:s22+$0xFFFFFFF0]  }
0x2d: {  	v16 =	vld [tilespmem:s22+$0xFFFFFFE0]  }
0x2e: {  	s31 =	sand.u32 $0x380, s5;
	s1 =	sshra.s32 s1, $0x2;
	v15 =	vld [tilespmem:$0x300]  }
0x2f: {  	s0 =	sor.u32 s31, s1;
	v13 =	vld [tilespmem:s22+$0x0]  }
0x30: {  	v19 =	vld [tilespmem:s0+$0xBD0]  }
0x31: {  	v18 =	vld [tilespmem:s0+$0x3D0];
	v20 =	vbroadcast v14, $0x2;
	v21 =	vbroadcast v14, $0x8  }
0x32: {  	v22 =	vld [tilespmem:s0+$0xBC0];
	v23 =	vbroadcast v14, $0x6;
	v24 =	vbroadcast v16, $0x0  }
0x33: {  	v25 =	vld [tilespmem:s0+$0x3C0];
	v26 =	vbroadcast v16, $0xA;
	v27 =	vbroadcast v16, $0x1  }
0x34: {  	v28 =	vld [tilespmem:s0+$0x3B0];
	v29 =	vbroadcast v13, $0x9;
	v30 =	vbroadcast v13, $0x0  }
0x35: {  	v31 =	vld [tilespmem:s0+$0x3A0];
	v17 =	vbroadcast v14, $0xC;
	v32 =	vbroadcast v14, $0x1  }
0x36: {  	v33 =	vld [tilespmem:s0+$0x13C0];
	v34 =	vbroadcast v16, $0x9;
	v35 =	vbroadcast v13, $0x1  }
0x37: {  	v36 =	vld [tilespmem:s0+$0xBB0];
	v37 =	vbroadcast v14, $0xA;
	v38 =	vbroadcast v14, $0x3  }
0x38: {  	v39 =	vld [tilespmem:s0+$0x13B0];
	v40 =	vbroadcast v14, $0x5;
	v42 =	vbroadcast v13, $0x2  }
0x39: {  	v41 =	vld [tilespmem:s0+$0x380];
	v43 =	vbroadcast v16, $0x8;
	v44 =	vbroadcast v14, $0x0  }
0x3a: {  	v45 =	vld [tilespmem:s0+$0x390];
	v46 =	vbroadcast v16, $0xE;
	v48 =	vbroadcast v13, $0x5  }
0x3b: {  	v47 =	vld [tilespmem:s0+$0xB80];
	v49 =	vbroadcast v14, $0x9;
	v51 =	vbroadcast v16, $0x2  }
0x3c: {  	v50 =	vld [tilespmem:s0+$0x13A0];
	v53 =	vbroadcast v13, $0x6;
	v54 =	vbroadcast v16, $0xC  }
0x3d: {  	v52 =	vld [tilespmem:s0+$0xBA0];
	v56 =	vbroadcast v13, $0x3;
	v57 =	vbroadcast v13, $0x7  }
0x3e: {  	v55 =	vld [tilespmem:s0+$0x1380];
	v59 =	vbroadcast v16, $0x6;
	v60 =	vbroadcast v14, $0xB  }
0x3f: {  	v58 =	vld [tilespmem:s0+$0xB90];
	v61 =	vbroadcast v13, $0x4;
	v62 =	vbroadcast v16, $0x5  }
0x40: {  	v63 =	vld [tilespmem:s0+$0x13D0];
	v2 =	vbroadcast v16, $0x3;
	v4 =	vbroadcast v16, $0x4  }
0x41: {  	v8 =	vld [tilespmem:s0+$0xBE0];
	v7 =	vbroadcast v14, $0x4;
	v9 =	vbroadcast v16, $0x7  }
0x42: {  	v0 =	vld [tilespmem:s0+$0x13E0];
	v5 =	vbroadcast v13, $0x8;
	v36 =	vmul.f32 v36, v38  }
0x43: {  	v1 =	vld [tilespmem:s0+$0x13F0];
	v38 =	vbroadcast v14, $0x7;
	v24 =	vmul.f32 v41, v24  }
0x44: {  	v3 =	vld [tilespmem:s0+$0x780];
	v39 =	vmul.f32 v39, v56;
	v2 =	vmul.f32 v28, v2  }
0x45: {  	v41 =	vld [tilespmem:s0+$0x1390];
	v28 =	vmul.f32 v18, v62;
	v4 =	vmul.f32 v25, v4  }
0x46: {  	v25 =	vld [tilespmem:s0+$0x3F0];
	v7 =	vmul.f32 v22, v7;
	v61 =	vmul.f32 v33, v61  }
0x47: {  	v22 =	vld [tilespmem:s0+$0xBF0];
	v31 =	vmul.f32 v31, v51;
	v18 =	vmul.f32 v63, v48  }
0x48: {  	v19 =	vmul.f32 v19, v40;
	v27 =	vmul.f32 v45, v27;
	v51 =	vld [tilespmem:s0+$0xF80]  }
0x49: {  	v56 =	vld [tilespmem:s0+$0x3E0];
	v44 =	vmul.f32 v47, v44;
	v52 =	vmul.f32 v52, v20;
	v24 =	vadd.f32 v24, v15  }
0x4a: {  	v20 =	vmul.f32 v1, v57;
	v15 =	vmul.f32 v0, v53;
	v53 =	vld [tilespmem:s0+$0x1780]  }
0x4b: {  	v8 =	vmul.f32 v8, v23;
	v24 =	vadd.f32 v27, v24;
	v9 =	vmul.f32 v25, v9;
	v25 =	vld [tilespmem:s0+$0x790]  }
0x4c: {  	v27 =	vmul.f32 v50, v42;
	v42 =	vmul.f32 v22, v38;
	v22 =	vld [tilespmem:s0+$0xF90]  }
0x4d: {  	v38 =	vimm.f32 $0.0e+00;
	v23 =	vmul.f32 v51, v21;
	v21 =	vld [tilespmem:s0+$0x1790];
	v24 =	vadd.f32 v31, v24  }
0x4e: {  	v32 =	vmul.f32 v58, v32;
	v57 =	vld [tilespmem:s0+$0x7A0];
	v30 =	vmul.f32 v55, v30;
	v58 =	vadd.f32 v44, v38  }
0x4f: {  	v62 =	vld [tilespmem:s0+$0xFA0];
	v33 =	vbroadcast v14, $0xD;
	v59 =	vmul.f32 v56, v59;
	v2 =	vadd.f32 v2, v24  }
0x50: {  	v63 =	vmul.f32 v41, v35;
	v51 =	vld [tilespmem:s0+$0x7C0];
	v31 =	vmul.f32 v3, v43;
	v24 =	vadd.f32 v32, v58  }
0x51: {  	v50 =	vld [tilespmem:s0+$0x7B0];
	v45 =	vmul.f32 v25, v34;
	v22 =	vmul.f32 v22, v49;
	v2 =	vadd.f32 v4, v2  }
0x52: {  	v25 =	vmul.f32 v53, v5;
	v52 =	vadd.f32 v52, v24;
	v24 =	vmul.f32 v21, v29;
	v29 =	vld [tilespmem:s0+$0x7D0]  }
0x53: {  	v55 =	vld [tilespmem:s0+$0x17A0];
	v53 =	vmul.f32 v57, v26;
	v21 =	vbroadcast v16, $0xB;
	v2 =	vadd.f32 v28, v2  }
0x54: {  	v56 =	vld [tilespmem:s0+$0xFB0];
	v26 =	vmul.f32 v62, v37;
	v28 =	vadd.f32 v30, v38;
	v30 =	vadd.f32 v36, v52  }
0x55: {  	v58 =	vld [tilespmem:s0+$0x7E0];
	v57 =	vbroadcast v16, $0xD;
	v32 =	vmul.f32 v51, v54;
	v2 =	vadd.f32 v59, v2  }
0x56: {  	v35 =	vmul.f32 v50, v21;
	v21 =	vld [tilespmem:s0+$0x17B0];
	v28 =	vadd.f32 v63, v28;
	v7 =	vadd.f32 v7, v30  }
0x57: {  	v30 =	vbroadcast v13, $0xA;
	v59 =	vld [tilespmem:s0+$0xFC0];
	v34 =	vmul.f32 v29, v57;
	v2 =	vadd.f32 v9, v2  }
0x58: {  	v63 =	vld [tilespmem:s0+$0x7F0];
	v9 =	vbroadcast v13, $0xB;
	v62 =	vadd.f32 v27, v28;
	v7 =	vadd.f32 v19, v7  }
0x59: {  	v41 =	vld [tilespmem:s0+$0x17C0];
	v28 =	vmul.f32 v55, v30;
	v27 =	vmul.f32 v56, v60;
	v2 =	vadd.f32 v31, v2  }
0x5a: {  	v38 =	vld [tilespmem:s0+$0xFD0];
	v19 =	vmul.f32 v58, v46;
	v31 =	vadd.f32 v39, v62;
	v7 =	vadd.f32 v8, v7  }
0x5b: {  	v36 =	vld [tilespmem:s0+$0x17E0];
	v29 =	vmul.f32 v21, v9;
	v8 =	vbroadcast v16, $0xF;
	v2 =	vadd.f32 v45, v2  }
0x5c: {  	v30 =	vld [tilespmem:s0+$0xFE0];
	v16 =	vbroadcast v13, $0xC;
	v40 =	vadd.f32 v61, v31;
	v37 =	vadd.f32 v42, v7  }
0x5d: {  	s6 =	simm.s32 $0x50;
	s1 =	simm.s32 $0x1;
	s9 =	simm.s32 $0x0;
	v39 =	vld [tilespmem:s0+$0x17D0];
	v31 =	vmul.f32 v59, v17;
	v21 =	vmul.f32 v63, v8;
	v42 =	vadd.f32 v53, v2  }
.LBB2_2:
0x5e: {  	s31 =	smov.u32 s1  }
0x5f: {  	v2 =	vld [tilespmem:s6+$0xFFFFFFF0];
	s22 =	sshrl.u32 s1, $0x3;
	v4 =	vbroadcast v14, $0xE;
	v7 =	vbroadcast v13, $0xF;
	s9 =	sadd.s32 $0x80, s9;
	s31 =	sadd.s32 $0x1, s1  }
0x60: {  	p1 =	sne.s32 s1, $0xF;
	v38 =	vmul.f32 v38, v33;
	s22 =	smul.u32 $0x6000, s22;
	v8 =	vadd.f32 v35, v42;
	v9 =	vmul.f32 v41, v16;
	v17 =	vld [tilespmem:s0+$0xFF0]  }
0x61: {  	v18 =	vadd.f32 v18, v40;
	v33 =	vbroadcast v13, $0xD;
	v40 =	vbroadcast v14, $0xF;
	v41 =	vld [tilespmem:s0+$0x17F0]  }
0x62: {  	v0 =	vbroadcast v13, $0xE;
	v4 =	vmul.f32 v30, v4;
	s0 =	sand.u32 $0x380, s9;
	s1 =	sshra.s32 s22, $0x2;
	v8 =	vadd.f32 v32, v8;
	v16 =	vld [tilespmem:s6+$0xFFFFFFE0]  }
0x63: {  	v15 =	vadd.f32 v15, v18;
	v18 =	vmul.f32 v39, v33;
	s0 =	sor.u32 s0, s1;
	v13 =	vld [tilespmem:s6+$0x0]  }
0x64: {  	v42 =	vmul.f32 v36, v0;
	v35 =	vbroadcast v2, $0x2;
	v8 =	vadd.f32 v34, v8;
	v14 =	vmovc v2;
	v39 =	vld [tilespmem:s0+$0xBD0]  }
0x65: {  	v15 =	vadd.f32 v20, v15;
	v34 =	vbroadcast v14, $0x8;
	v2 =	vld [tilespmem:s0+$0x3D0];
	v20 =	vmul.f32 v17, v40  }
0x66: {  	v36 =	vbroadcast v14, $0x6;
	v17 =	vadd.f32 v23, v37;
	v40 =	vld [tilespmem:s0+$0xBC0];
	v7 =	vmul.f32 v41, v7  }
0x67: {  	v15 =	vadd.f32 v25, v15;
	v23 =	vbroadcast v16, $0x0;
	v37 =	vld [tilespmem:s0+$0x3C0];
	v33 =	vbroadcast v16, $0xA  }
0x68: {  	v41 =	vbroadcast v16, $0x1;
	v22 =	vadd.f32 v22, v17;
	v43 =	vld [tilespmem:s0+$0x3B0];
	v32 =	vbroadcast v13, $0x9  }
0x69: {  	v15 =	vadd.f32 v24, v15;
	v17 =	vbroadcast v14, $0xC;
	v25 =	vbroadcast v13, $0x0;
	v44 =	vld [tilespmem:s0+$0x3A0]  }
0x6a: {  	v24 =	vbroadcast v14, $0x1;
	v46 =	vbroadcast v16, $0x9;
	v22 =	vadd.f32 v26, v22;
	v45 =	vld [tilespmem:s0+$0x13C0]  }
0x6b: {  	v47 =	vbroadcast v13, $0x1;
	v15 =	vadd.f32 v28, v15;
	v26 =	vbroadcast v14, $0xA;
	v48 =	vld [tilespmem:s0+$0xBB0]  }
0x6c: {  	v50 =	vbroadcast v14, $0x5;
	v28 =	vbroadcast v14, $0x3;
	v22 =	vadd.f32 v27, v22;
	v49 =	vld [tilespmem:s0+$0x13B0]  }
0x6d: {  	v52 =	vbroadcast v16, $0x8;
	v51 =	vbroadcast v13, $0x2;
	v15 =	vadd.f32 v29, v15;
	v27 =	vld [tilespmem:s0+$0x380]  }
0x6e: {  	v30 =	vbroadcast v16, $0xE;
	v29 =	vbroadcast v14, $0x0;
	v22 =	vadd.f32 v31, v22;
	v53 =	vld [tilespmem:s0+$0x390]  }
0x6f: {  	v55 =	vbroadcast v14, $0x9;
	v54 =	vbroadcast v13, $0x5;
	v9 =	vadd.f32 v9, v15;
	v31 =	vld [tilespmem:s0+$0xB80]  }
0x70: {  	v15 =	vadd.f32 v38, v22;
	v56 =	vld [tilespmem:s0+$0x13A0];
	v28 =	vmul.f32 v48, v28;
	v48 =	vbroadcast v14, $0x7  }
0x71: {  	v57 =	vbroadcast v13, $0x6;
	v9 =	vadd.f32 v18, v9;
	v22 =	vbroadcast v16, $0x2;
	v38 =	vld [tilespmem:s0+$0xBA0]  }
0x72: {  	v58 =	vbroadcast v16, $0xC;
	v4 =	vadd.f32 v4, v15;
	v23 =	vmul.f32 v27, v23;
	v27 =	vld [tilespmem:s0+$0x1390]  }
0x73: {  	v60 =	vbroadcast v13, $0x7;
	v9 =	vadd.f32 v42, v9;
	v15 =	vbroadcast v13, $0x3;
	v59 =	vld [tilespmem:s0+$0x1380]  }
0x74: {  	v62 =	vbroadcast v14, $0xB;
	v8 =	vadd.f32 v19, v8;
	v61 =	vbroadcast v16, $0x6;
	v42 =	vld [tilespmem:s0+$0xB90]  }
0x75: {  	v19 =	vbroadcast v16, $0x5;
	v18 =	vbroadcast v13, $0x4;
	v4 =	vadd.f32 v20, v4;
	v63 =	vld [tilespmem:s0+$0x13D0]  }
0x76: {  	v8 =	vadd.f32 v21, v8;
	v20 =	vbroadcast v16, $0x3;
	v49 =	vmul.f32 v49, v15;
	v0 =	vld [tilespmem:s0+$0x3E0]  }
0x77: {  	v21 =	vbroadcast v14, $0x4;
	v7 =	vadd.f32 v7, v9;
	v15 =	vbroadcast v16, $0x4;
	v1 =	vld [tilespmem:s0+$0xBE0]  }
0x78: {  	v2 =	vmul.f32 v2, v19;
	v9 =	vmul.f32 v43, v20;
	v19 =	vld [tilespmem:s0+$0x13E0]  }
0x79: {  	v37 =	vmul.f32 v37, v15;
	v43 =	vbroadcast v16, $0x7;
	v20 =	vld [tilespmem:s0+$0x3F0]  }
0x7a: {  	v21 =	vmul.f32 v40, v21;
	v40 =	vmul.f32 v45, v18;
	v45 =	vld [tilespmem:s0+$0xBF0]  }
0x7b: {  	v22 =	vmul.f32 v44, v22;
	v18 =	vmul.f32 v63, v54;
	v44 =	vld [tilespmem:s0+$0x13F0]  }
0x7c: {  	v39 =	vmul.f32 v39, v50;
	v50 =	vbroadcast v13, $0x8;
	v8 =	vadd.f32 v23, v8;
	v23 =	vld [tilespmem:s0+$0x780]  }
0x7d: {  	v41 =	vmul.f32 v53, v41;
	v15 =	vmul.f32 v19, v57;
	v19 =	vld [tilespmem:s0+$0xF80]  }
0x7e: {  	v29 =	vmul.f32 v31, v29;
	v31 =	vmul.f32 v20, v43;
	v43 =	vld [tilespmem:s0+$0x790]  }
0x7f: {  	v8 =	vadd.f32 v41, v8;
	v41 =	vmul.f32 v56, v51;
	v45 =	vmul.f32 v45, v48;
	v48 =	vld [tilespmem:s0+$0xF90]  }
0x80: {  	v4 =	vadd.f32 v29, v4;
	v29 =	vmul.f32 v38, v35;
	v20 =	vmul.f32 v44, v60;
	v35 =	vld [tilespmem:s0+$0x1780]  }
0x81: {  	v8 =	vadd.f32 v22, v8;
	v24 =	vmul.f32 v42, v24;
	v38 =	vmul.f32 v23, v52;
	v42 =	vld [tilespmem:s0+$0x7A0]  }
0x82: {  	v1 =	vmul.f32 v1, v36;
	v23 =	vmul.f32 v19, v34;
	v19 =	vld [tilespmem:s0+$0x1790]  }
0x83: {  	v8 =	vadd.f32 v9, v8;
	v0 =	vmul.f32 v0, v61;
	v9 =	vmul.f32 v43, v46;
	v34 =	vld [tilespmem:s0+$0xFA0]  }
0x84: {  	v27 =	vmul.f32 v27, v47;
	v4 =	vadd.f32 v24, v4;
	v22 =	vmul.f32 v48, v55;
	v36 =	vld [tilespmem:s0+$0x7B0]  }
0x85: {  	v8 =	vadd.f32 v37, v8;
	v43 =	vmul.f32 v59, v25;
	v25 =	vmul.f32 v35, v50;
	v37 =	vld [tilespmem:s0+$0x7C0]  }
0x86: {  	v4 =	vadd.f32 v29, v4;
	v42 =	vmul.f32 v42, v33;
	v29 =	vld [tilespmem:s0+$0x17A0];
	v33 =	vbroadcast v14, $0xD  }
0x87: {  	v2 =	vadd.f32 v2, v8;
	v8 =	vbroadcast v16, $0xB;
	v24 =	vmul.f32 v19, v32;
	v19 =	vld [tilespmem:s0+$0x7D0]  }
0x88: {  	v4 =	vadd.f32 v28, v4;
	v7 =	vadd.f32 v43, v7;
	v26 =	vmul.f32 v34, v26;
	v34 =	vld [tilespmem:s0+$0xFB0]  }
0x89: {  	v0 =	vadd.f32 v0, v2;
	v35 =	vmul.f32 v36, v8;
	v2 =	vld [tilespmem:s0+$0x17B0];
	v8 =	vbroadcast v16, $0xD  }
0x8a: {  	v4 =	vadd.f32 v21, v4;
	v21 =	vbroadcast v13, $0xA;
	v7 =	vadd.f32 v27, v7;
	v36 =	vld [tilespmem:s0+$0x7E0]  }
0x8b: {  	v0 =	vadd.f32 v31, v0;
	v31 =	vbroadcast v13, $0xB;
	v32 =	vmul.f32 v37, v58;
	v43 =	vld [tilespmem:s0+$0xFC0]  }
0x8c: {  	v4 =	vadd.f32 v39, v4;
	v7 =	vadd.f32 v41, v7;
	v28 =	vmul.f32 v29, v21;
	v21 =	vld [tilespmem:s0+$0x7F0]  }
.Ltmp2:
0x8d: {  	v0 =	vadd.f32 v38, v0;
	v27 =	vmul.f32 v34, v62;
	v34 =	vmul.f32 v19, v8;
	v38 =	vld [tilespmem:s0+$0xFD0];
	(pc) =	sbr.rel @p1 .LBB2_2-.Ltmp2, $4  }
0x8e: {  	v1 =	vadd.f32 v1, v4;
	v7 =	vadd.f32 v49, v7;
	v29 =	vmul.f32 v2, v31;
	v41 =	vld [tilespmem:s0+$0x17C0]  }
0x8f: {  	v0 =	vadd.f32 v9, v0;
	v2 =	vbroadcast v16, $0xF;
	v19 =	vmul.f32 v36, v30;
	v30 =	vld [tilespmem:s0+$0xFE0]  }
0x90: {  	v37 =	vadd.f32 v45, v1;
	v40 =	vadd.f32 v40, v7;
	v16 =	vbroadcast v13, $0xC;
	v39 =	vld [tilespmem:s0+$0x17D0]  }
0x91: {  	s1 =	smov.u32 s31;
	s6 =	sadd.s32 $0x30, s6;
	v42 =	vadd.f32 v42, v0;
	v31 =	vmul.f32 v43, v17;
	v36 =	vld [tilespmem:s0+$0x17E0];
	v21 =	vmul.f32 v21, v2  }
0x92: {  	v0 =	vld [tilespmem:s0+$0xFF0]  }
0x93: {  	v1 =	vld [tilespmem:s0+$0x17F0];
	s0 =	simm.s32 $0x0  }
0x94: {  	[tilespmem:s26], [sflag:$0x3] =	stream.linear.gather [hbm4b:s12+s0], $0x80, $0x38;
	[tilespmem:$0x9A80] =	vst v63  }
0x95: {  	_ =	swait.ge [sflag:s24], $0x80  }
0x96: {  	[sflag:s24] =	ssyncset.done $0x0  }
0x97: {  	[sflag:s24] =	ssyncadd.s32 $0xFFFFFF80  }
0x98: {  	_ =	swait.ge [sflag:s30], $0x3000  }
0x99: {  	[sflag:s30] =	ssyncset.done $0x0  }
0x9a: {  	s6 =	simm.s32 $0x20;
	[sflag:s30] =	ssyncadd.s32 $0xFFFFD000  }
0x9b: {  	v2 =	vbroadcast v14, $0xE;
	[tilespmem:s25], [sflag:$0x1] =	stream.linear.gather [hbm4b:s13+s0], $0x3000, $0x38;
	[tilespmem:$0x9A80] =	vst v63  }
0x9c: {  	v4 =	vbroadcast v13, $0xF;
	v7 =	vmul.f32 v41, v16;
	v16 =	vld [tilespmem:s6+$0xFFFFFFF0]  }
0x9d: {  	v8 =	vmul.f32 v38, v33;
	v9 =	vbroadcast v13, $0xD  }
0x9e: {  	s1 =	simm.s32 $0x0;
	v14 =	vbroadcast v14, $0xF;
	v13 =	vbroadcast v13, $0xE;
	v23 =	vadd.f32 v23, v37;
	v17 =	vld [tilespmem:s6+$0xFFFFFFE0]  }
0x9f: {  	s1 =	smul.u32 $0x1800, s1;
	v35 =	vadd.f32 v35, v42;
	v2 =	vmul.f32 v30, v2;
	v9 =	vmul.f32 v39, v9;
	v30 =	vld [tilespmem:s6+$0x0]  }
0xa0: {  	s9 =	sand.u32 $0x380, s0;
	v22 =	vadd.f32 v22, v23;
	v13 =	vmul.f32 v36, v13;
	v0 =	vmul.f32 v0, v14  }
0xa1: {  	v14 =	vadd.f32 v18, v40;
	v1 =	vmul.f32 v1, v4;
	v33 =	vld [tilespmem:$0x300];
	s6 =	sor.u32 s9, s1;
	v4 =	vbroadcast v16, $0x1  }
0xa2: {  	v18 =	vadd.f32 v32, v35;
	v36 =	vld [tilespmem:s6+$0x33E0];
	v32 =	vbroadcast v16, $0xA;
	v39 =	vbroadcast v16, $0x7  }
0xa3: {  	v14 =	vadd.f32 v15, v14;
	v38 =	vld [tilespmem:s6+$0x43E0];
	v15 =	vbroadcast v17, $0x0;
	v41 =	vbroadcast v16, $0x6  }
0xa4: {  	v34 =	vadd.f32 v34, v18;
	v35 =	vld [tilespmem:s6+$0x33D0];
	v42 =	vbroadcast v16, $0x0;
	v18 =	vbroadcast v30, $0xF  }
0xa5: {  	v14 =	vadd.f32 v20, v14;
	v40 =	vld [tilespmem:s6+$0x33C0];
	v45 =	vbroadcast v30, $0x4;
	v20 =	vbroadcast v16, $0xB  }
0xa6: {  	v22 =	vadd.f32 v26, v22;
	v43 =	vld [tilespmem:s6+$0x33B0];
	v37 =	vbroadcast v30, $0x2;
	v47 =	vbroadcast v30, $0x8  }
0xa7: {  	v44 =	vld [tilespmem:s6+$0x33A0];
	v14 =	vadd.f32 v25, v14;
	v48 =	vbroadcast v30, $0x5;
	v49 =	vbroadcast v17, $0xB  }
0xa8: {  	v22 =	vadd.f32 v27, v22;
	v46 =	vld [tilespmem:s6+$0x3BD0];
	v50 =	vbroadcast v16, $0x2;
	v51 =	vbroadcast v16, $0x9  }
0xa9: {  	v23 =	vld [tilespmem:s6+$0x3390];
	v14 =	vadd.f32 v24, v14;
	v24 =	vbroadcast v30, $0x3;
	v53 =	vbroadcast v16, $0x8  }
0xaa: {  	v22 =	vadd.f32 v31, v22;
	v52 =	vld [tilespmem:s6+$0x3BC0];
	v26 =	vbroadcast v30, $0x0;
	v54 =	vbroadcast v16, $0x3  }
0xab: {  	v55 =	vld [tilespmem:s6+$0x43B0];
	v56 =	vbroadcast v30, $0x1;
	v57 =	vbroadcast v30, $0x7  }
0xac: {  	v27 =	vld [tilespmem:s6+$0x3BB0];
	v8 =	vadd.f32 v8, v22;
	v58 =	vbroadcast v16, $0x4;
	v59 =	vbroadcast v30, $0x6  }
0xad: {  	v22 =	vld [tilespmem:s6+$0x4380];
	v60 =	vbroadcast v16, $0x5;
	v61 =	vbroadcast v17, $0x7  }
0xae: {  	v25 =	vld [tilespmem:s6+$0x43C0];
	v2 =	vadd.f32 v2, v8;
	v3 =	vbroadcast v17, $0x1;
	v62 =	vbroadcast v17, $0x9  }
0xaf: {  	v19 =	vadd.f32 v19, v34;
	v63 =	vld [tilespmem:s6+$0x3BE0];
	v6 =	vbroadcast v17, $0x4;
	v34 =	vbroadcast v30, $0x9  }
0xb0: {  	v8 =	vld [tilespmem:s6+$0x3B80];
	v0 =	vadd.f32 v0, v2;
	v52 =	vmul.f32 v52, v58;
	v46 =	vmul.f32 v46, v60  }
0xb1: {  	v31 =	vld [tilespmem:s6+$0x3BA0];
	v23 =	vmul.f32 v23, v3;
	v24 =	vmul.f32 v55, v24  }
0xb2: {  	v14 =	vadd.f32 v28, v14;
	v28 =	vld [tilespmem:s6+$0x3380];
	v27 =	vmul.f32 v27, v54;
	[tilespmem:$0x1FF40] =	vst v0;
	v0 =	vbroadcast v17, $0x8  }
0xb3: {  	v60 =	vld [tilespmem:s6+$0x3B90];
	v2 =	vmul.f32 v40, v6;
	v3 =	vadd.f32 v21, v19;
	v21 =	vmul.f32 v25, v45  }
0xb4: {  	v55 =	vld [tilespmem:s6+$0x43D0];
	v54 =	vbroadcast v17, $0x5;
	v22 =	vmul.f32 v22, v26;
	v14 =	vadd.f32 v29, v14  }
0xb5: {  	v45 =	vimm.f32 $0.0e+00;
	v41 =	vmul.f32 v63, v41;
	v29 =	vld [tilespmem:s6+$0x43A0];
	v8 =	vmul.f32 v8, v42  }
0xb6: {  	v25 =	vld [tilespmem:s6+$0x33F0];
	v22 =	vadd.f32 v22, v45;
	v7 =	vadd.f32 v7, v14;
	v14 =	vbroadcast v17, $0x2  }
0xb7: {  	v58 =	vld [tilespmem:s6+$0x4390];
	v8 =	vadd.f32 v8, v45;
	v45 =	vbroadcast v16, $0xC;
	v19 =	vmul.f32 v28, v15  }
0xb8: {  	v40 =	vld [tilespmem:s6+$0x43F0];
	v7 =	vadd.f32 v9, v7;
	v9 =	vbroadcast v17, $0x6;
	v44 =	vmul.f32 v44, v14  }
0xb9: {  	v28 =	vld [tilespmem:s6+$0x3BF0];
	v14 =	vbroadcast v17, $0x3;
	v4 =	vmul.f32 v60, v4  }
0xba: {  	v60 =	vld [tilespmem:s6+$0x3F90];
	v19 =	vadd.f32 v19, v33;
	v33 =	vmul.f32 v38, v59;
	v29 =	vmul.f32 v29, v37  }
0xbb: {  	v37 =	vmul.f32 v55, v48;
	v38 =	vmul.f32 v25, v61;
	v59 =	vld [tilespmem:s6+$0x3790]  }
0xbc: {  	s1 =	sor.u32 s1, s0;
	v61 =	vmul.f32 v58, v56;
	v48 =	vbroadcast v17, $0xA;
	v56 =	vld [tilespmem:s6+$0x37C0]  }
0xbd: {  	s1 =	sor.u32 $0x4400, s1;
	v55 =	vbroadcast v30, $0xA;
	v7 =	vadd.f32 v13, v7;
	v19 =	vadd.f32 v23, v19;
	v23 =	vld [tilespmem:s6+$0x3F80]  }
0xbe: {  	v58 =	vld [tilespmem:s1+$0x3C0];
	v43 =	vmul.f32 v43, v14;
	v9 =	vmul.f32 v36, v9;
	v4 =	vadd.f32 v4, v8  }
0xbf: {  	v15 =	vadd.f32 v1, v7;
	v1 =	vmul.f32 v31, v50;
	v31 =	vld [tilespmem:s1+$0x380];
	v7 =	vmul.f32 v35, v54  }
0xc0: {  	v50 =	vld [tilespmem:s6+$0x3780];
	v8 =	vmul.f32 v28, v39;
	v39 =	vmul.f32 v40, v57  }
0xc1: {  	v54 =	vld [tilespmem:s1+$0x390];
	v28 =	vbroadcast v16, $0xF;
	v19 =	vadd.f32 v44, v19;
	v1 =	vadd.f32 v1, v4  }
0xc2: {  	v57 =	vbroadcast v17, $0xD;
	v63 =	vmul.f32 v23, v53;
	v23 =	vld [tilespmem:s1+$0x3A0]  }
0xc3: {  	v42 =	vmul.f32 v59, v62;
	v19 =	vadd.f32 v43, v19;
	v1 =	vadd.f32 v27, v1;
	v53 =	vld [tilespmem:s6+$0x37B0]  }
0xc4: {  	v43 =	vbroadcast v17, $0xE;
	v27 =	vadd.f32 v61, v22;
	v26 =	vmul.f32 v31, v47;
	v31 =	vld [tilespmem:s6+$0x37A0]  }
0xc5: {  	v0 =	vmul.f32 v50, v0;
	v50 =	vld [tilespmem:s6+$0x3FA0];
	v2 =	vadd.f32 v2, v19;
	v1 =	vadd.f32 v52, v1  }
0xc6: {  	v61 =	vbroadcast v30, $0xC;
	v25 =	vmul.f32 v54, v34;
	v19 =	vld [tilespmem:s6+$0x37D0];
	v29 =	vadd.f32 v29, v27  }
0xc7: {  	v36 =	vld [tilespmem:s6+$0x37E0];
	v54 =	vmul.f32 v60, v51;
	v2 =	vadd.f32 v7, v2;
	v1 =	vadd.f32 v46, v1  }
0xc8: {  	v59 =	vld [tilespmem:s6+$0x3FB0];
	v24 =	vadd.f32 v24, v29;
	v29 =	vbroadcast v30, $0xB;
	v27 =	vmul.f32 v23, v55  }
0xc9: {  	v35 =	vld [tilespmem:s6+$0x3FC0];
	v23 =	vmul.f32 v53, v49;
	v2 =	vadd.f32 v9, v2;
	v9 =	vbroadcast v17, $0xC  }
0xca: {  	v22 =	vmul.f32 v31, v48;
	v31 =	vld [tilespmem:s1+$0x3B0];
	v1 =	vadd.f32 v41, v1;
	v21 =	vadd.f32 v21, v24  }
0xcb: {  	v60 =	vld [tilespmem:s1+$0x3D0];
	v34 =	vmul.f32 v50, v32;
	v19 =	vmul.f32 v19, v57;
	v2 =	vadd.f32 v38, v2  }
0xcc: {  	v40 =	vld [tilespmem:s1+$0x3E0];
	v24 =	vmul.f32 v56, v9;
	v1 =	vadd.f32 v8, v1;
	v8 =	vadd.f32 v37, v21  }
0xcd: {  	v44 =	vld [tilespmem:s1+$0x3F0];
	v37 =	vmul.f32 v59, v20;
	v20 =	vbroadcast v30, $0xE;
	v0 =	vadd.f32 v0, v2  }
0xce: {  	v41 =	vld [tilespmem:s6+$0x3FE0];
	v1 =	vadd.f32 v63, v1;
	v62 =	vadd.f32 v33, v8;
	v63 =	vbroadcast v30, $0xD  }
0xcf: {  	v38 =	vld [tilespmem:s6+$0x3FD0];
	v31 =	vmul.f32 v31, v29;
	v29 =	vmul.f32 v58, v61;
	v33 =	vadd.f32 v42, v0  }
0xd0: {  	s9 =	simm.s32 $0x50;
	[tilespmem:$0x1FF50] =	vst v3;
	s1 =	simm.s32 $0x1;
	v30 =	vld [tilespmem:s6+$0x3FF0];
	v42 =	vadd.f32 v54, v1;
	v39 =	vadd.f32 v39, v62;
	v32 =	vmul.f32 v60, v63  }
.LBB2_4:
0xd1: {  	s31 =	smov.u32 s1  }
0xd2: {  	s22 =	sshrl.u32 s1, $0x3;
	v0 =	vadd.f32 v34, v42;
	v1 =	vbroadcast v16, $0xD;
	v2 =	vbroadcast v16, $0xE;
	v16 =	vld [tilespmem:s9+$0xFFFFFFF0];
	s0 =	sadd.s32 $0x80, s0;
	s31 =	sadd.s32 $0x1, s1  }
0xd3: {  	p1 =	sne.s32 s1, $0xF;
	v7 =	vmul.f32 v35, v45;
	s22 =	smul.u32 $0x1800, s22;
	v4 =	vadd.f32 v26, v39;
	v8 =	vmul.f32 v40, v20;
	v9 =	vld [tilespmem:s6+$0x37F0]  }
0xd4: {  	s1 =	sand.u32 $0x380, s0;
	v26 =	vmul.f32 v36, v43;
	v0 =	vadd.f32 v37, v0;
	v34 =	vmul.f32 v44, v18;
	v21 =	vld [tilespmem:s9+$0xFFFFFFE0]  }
0xd5: {  	v1 =	vmul.f32 v38, v1;
	s6 =	sor.u32 s1, s22;
	s1 =	sor.u32 s22, s0;
	v4 =	vadd.f32 v25, v4;
	v2 =	vmul.f32 v41, v2;
	v20 =	vld [tilespmem:s9+$0x0]  }
0xd6: {  	v0 =	vadd.f32 v7, v0;
	v7 =	vbroadcast v17, $0xF;
	v28 =	vmul.f32 v30, v28;
	v25 =	vld [tilespmem:s6+$0x33E0]  }
0xd7: {  	v35 =	vbroadcast v16, $0x1;
	v30 =	vbroadcast v16, $0xA;
	v4 =	vadd.f32 v27, v4;
	v36 =	vld [tilespmem:s6+$0x43E0]  }
0xd8: {  	v37 =	vbroadcast v16, $0x7;
	v0 =	vadd.f32 v1, v0;
	v27 =	vld [tilespmem:s6+$0x33D0];
	v1 =	vmul.f32 v9, v7  }
0xd9: {  	v38 =	vbroadcast v16, $0x6;
	v4 =	vadd.f32 v31, v4;
	v7 =	vbroadcast v21, $0x0;
	v9 =	vld [tilespmem:s6+$0x33C0];
	v17 =	vmovc v21  }
0xda: {  	v22 =	vadd.f32 v22, v33;
	v31 =	vbroadcast v16, $0x0;
	v39 =	vld [tilespmem:s6+$0x33B0];
	v18 =	vbroadcast v20, $0xF  }
0xdb: {  	v21 =	vbroadcast v16, $0xB;
	v40 =	vbroadcast v20, $0x4;
	v4 =	vadd.f32 v29, v4;
	v33 =	vld [tilespmem:s6+$0x33A0]  }
0xdc: {  	v22 =	vadd.f32 v23, v22;
	v29 =	vbroadcast v20, $0x2;
	v42 =	vbroadcast v20, $0x8;
	v41 =	vld [tilespmem:s6+$0x3BD0]  }
0xdd: {  	v44 =	vbroadcast v20, $0x5;
	v23 =	vbroadcast v17, $0xB;
	v4 =	vadd.f32 v32, v4;
	v43 =	vld [tilespmem:s6+$0x43C0]  }
0xde: {  	v22 =	vadd.f32 v24, v22;
	v45 =	vbroadcast v16, $0x2;
	v46 =	vbroadcast v16, $0x9;
	v32 =	vld [tilespmem:s6+$0x3390]  }
0xdf: {  	v48 =	vbroadcast v16, $0x8;
	v24 =	vbroadcast v20, $0x3;
	v4 =	vadd.f32 v8, v4;
	v47 =	vld [tilespmem:s6+$0x3BC0]  }
0xe0: {  	v49 =	vbroadcast v16, $0x3;
	v19 =	vadd.f32 v19, v22;
	v8 =	vbroadcast v20, $0x0;
	v50 =	vld [tilespmem:s6+$0x43B0]  }
0xe1: {  	v0 =	vadd.f32 v2, v0;
	v51 =	vbroadcast v20, $0x1;
	v52 =	vbroadcast v20, $0x7;
	v22 =	vld [tilespmem:s6+$0x3380]  }
0xe2: {  	v53 =	vbroadcast v16, $0x4;
	v54 =	vbroadcast v20, $0x6;
	v4 =	vadd.f32 v34, v4;
	v2 =	vld [tilespmem:s6+$0x3BB0]  }
0xe3: {  	v55 =	vbroadcast v16, $0x5;
	v19 =	vadd.f32 v26, v19;
	v56 =	vbroadcast v17, $0x7;
	v34 =	vld [tilespmem:s6+$0x43A0]  }
0xe4: {  	v0 =	vadd.f32 v28, v0;
	v26 =	vld [tilespmem:s6+$0x3BA0];
	v47 =	vmul.f32 v47, v53;
	v53 =	vbroadcast v17, $0x9  }
0xe5: {  	v58 =	vbroadcast v17, $0x6;
	v28 =	vbroadcast v17, $0x1;
	v1 =	vadd.f32 v1, v19;
	v57 =	vld [tilespmem:s6+$0x3B90]  }
0xe6: {  	v59 =	vbroadcast v17, $0x2;
	v41 =	vmul.f32 v41, v55;
	v19 =	vld [tilespmem:s6+$0x4380]  }
0xe7: {  	v55 =	vbroadcast v20, $0x9;
	v28 =	vmul.f32 v32, v28;
	v32 =	vld [tilespmem:s6+$0x43D0]  }
0xe8: {  	v61 =	vbroadcast v17, $0x3;
	v24 =	vmul.f32 v50, v24;
	v60 =	vld [tilespmem:s6+$0x3B80]  }
0xe9: {  	v33 =	vmul.f32 v33, v59;
	v59 =	vbroadcast v17, $0x4;
	v50 =	vld [tilespmem:s6+$0x4390]  }
0xea: {  	v62 =	vbroadcast v17, $0x8;
	v2 =	vmul.f32 v2, v49;
	v49 =	vld [tilespmem:s6+$0x3BE0]  }
0xeb: {  	v39 =	vmul.f32 v39, v61;
	v9 =	vmul.f32 v9, v59;
	v59 =	vld [tilespmem:s6+$0x43F0]  }
0xec: {  	v40 =	vmul.f32 v43, v40;
	v7 =	vmul.f32 v22, v7;
	v22 =	vld [tilespmem:s6+$0x33F0]  }
0xed: {  	s1 =	sor.u32 $0x4400, s1;
	v43 =	vmul.f32 v26, v45;
	v26 =	vbroadcast v17, $0x5;
	v45 =	vld [tilespmem:s6+$0x3BF0]  }
0xee: {  	v54 =	vmul.f32 v36, v54;
	v1 =	vadd.f32 v7, v1;
	v7 =	vmul.f32 v57, v35;
	v35 =	vld [tilespmem:s1+$0x380]  }
0xef: {  	v36 =	vmul.f32 v27, v26;
	v31 =	vmul.f32 v60, v31;
	v26 =	vld [tilespmem:s6+$0x3780]  }
0xf0: {  	v1 =	vadd.f32 v28, v1;
	v8 =	vmul.f32 v19, v8;
	v19 =	vmul.f32 v49, v38;
	v27 =	vld [tilespmem:s6+$0x3F80]  }
0xf1: {  	v29 =	vmul.f32 v34, v29;
	v0 =	vadd.f32 v31, v0;
	v31 =	vmul.f32 v25, v58;
	v25 =	vld [tilespmem:s1+$0x390]  }
0xf2: {  	v4 =	vadd.f32 v8, v4;
	v8 =	vmul.f32 v32, v44;
	v32 =	vmul.f32 v22, v56;
	v22 =	vld [tilespmem:s6+$0x3790]  }
0xf3: {  	v49 =	vmul.f32 v59, v52;
	v0 =	vadd.f32 v7, v0;
	v7 =	vmul.f32 v45, v37;
	v34 =	vld [tilespmem:s6+$0x3F90]  }
0xf4: {  	v1 =	vadd.f32 v33, v1;
	v33 =	vmul.f32 v26, v62;
	v26 =	vmul.f32 v35, v42;
	v35 =	vld [tilespmem:s6+$0x37A0]  }
0xf5: {  	v37 =	vmul.f32 v50, v51;
	v0 =	vadd.f32 v43, v0;
	v38 =	vmul.f32 v27, v48;
	v27 =	vld [tilespmem:s1+$0x3A0]  }
0xf6: {  	v1 =	vadd.f32 v39, v1;
	v39 =	vbroadcast v17, $0xA;
	v25 =	vmul.f32 v25, v55;
	v42 =	vld [tilespmem:s6+$0x3FA0]  }
0xf7: {  	v28 =	vbroadcast v16, $0xF;
	v0 =	vadd.f32 v2, v0;
	v2 =	vmul.f32 v22, v53;
	v43 =	vld [tilespmem:s6+$0x37B0]  }
0xf8: {  	v4 =	vadd.f32 v37, v4;
	v45 =	vmul.f32 v34, v46;
	v34 =	vbroadcast v20, $0xA;
	v37 =	vld [tilespmem:s6+$0x37C0]  }
0xf9: {  	v1 =	vadd.f32 v9, v1;
	v0 =	vadd.f32 v47, v0;
	v22 =	vmul.f32 v35, v39;
	v9 =	vld [tilespmem:s6+$0x37D0]  }
0xfa: {  	v4 =	vadd.f32 v29, v4;
	v39 =	vbroadcast v17, $0xD;
	v27 =	vmul.f32 v27, v34;
	v29 =	vld [tilespmem:s1+$0x3B0]  }
0xfb: {  	v1 =	vadd.f32 v36, v1;
	v0 =	vadd.f32 v41, v0;
	v34 =	vmul.f32 v42, v30;
	v30 =	vld [tilespmem:s1+$0x3C0]  }
0xfc: {  	v4 =	vadd.f32 v24, v4;
	v42 =	vbroadcast v20, $0xB;
	v23 =	vmul.f32 v43, v23;
	v41 =	vld [tilespmem:s6+$0x3FB0]  }
0xfd: {  	v1 =	vadd.f32 v31, v1;
	v24 =	vbroadcast v17, $0xC;
	v0 =	vadd.f32 v19, v0;
	v46 =	vld [tilespmem:s1+$0x3D0]  }
0xfe: {  	v4 =	vadd.f32 v40, v4;
	v40 =	vbroadcast v20, $0xC;
	v35 =	vld [tilespmem:s6+$0x3FC0];
	v19 =	vmul.f32 v9, v39  }
0xff: {  	v1 =	vadd.f32 v32, v1;
	v0 =	vadd.f32 v7, v0;
	v24 =	vmul.f32 v37, v24;
	v36 =	vld [tilespmem:s6+$0x37E0]  }
.Ltmp3:
0x100: {  	v4 =	vadd.f32 v8, v4;
	v31 =	vmul.f32 v29, v42;
	v29 =	vmul.f32 v30, v40;
	v40 =	vld [tilespmem:s1+$0x3E0];
	(pc) =	sbr.rel @p1 .LBB2_4-.Ltmp3, $4  }
0x101: {  	v1 =	vadd.f32 v33, v1;
	v0 =	vadd.f32 v38, v0;
	v37 =	vmul.f32 v41, v21;
	v38 =	vld [tilespmem:s6+$0x3FD0]  }
0x102: {  	v43 =	vbroadcast v17, $0xE;
	v7 =	vbroadcast v20, $0xD;
	v4 =	vadd.f32 v54, v4;
	v44 =	vld [tilespmem:s1+$0x3F0]  }
0x103: {  	v33 =	vadd.f32 v2, v1;
	v42 =	vadd.f32 v45, v0;
	v45 =	vbroadcast v16, $0xC;
	v41 =	vld [tilespmem:s6+$0x3FE0]  }
0x104: {  	s9 =	sadd.s32 $0x30, s9;
	v20 =	vbroadcast v20, $0xE;
	v39 =	vadd.f32 v49, v4;
	v32 =	vmul.f32 v46, v7;
	s1 =	smov.u32 s31;
	v30 =	vld [tilespmem:s6+$0x3FF0]  }
0x105: {  	s0 =	simm.s32 $0x0  }
0x106: {  	v0 =	vld [tilespmem:s6+$0x37F0];
	[tilespmem:s26], [sflag:$0x3] =	stream.linear.gather [hbm4b:s14+s0], $0x80, $0x38  }
0x107: {  	_ =	swait.ge [sflag:s24], $0x80  }
0x108: {  	[sflag:s24] =	ssyncset.done $0x0  }
0x109: {  	[sflag:s24] =	ssyncadd.s32 $0xFFFFFF80  }
0x10a: {  	_ =	swait.ge [sflag:s28], $0x3000  }
0x10b: {  	[sflag:s28] =	ssyncset.done $0x0  }
0x10c: {  	s1 =	simm.s32 $0x20;
	[sflag:s28] =	ssyncadd.s32 $0xFFFFD000  }
0x10d: {  	v1 =	vbroadcast v16, $0xD;
	[tilespmem:s29], [sflag:$0x2] =	stream.linear.gather [hbm4b:s15+s0], $0x3000, $0x38;
	[tilespmem:$0x9A80] =	vst v63  }
0x10e: {  	s31 =	simm.s32 $0x0;
	v2 =	vbroadcast v16, $0xE;
	v4 =	vmul.f32 v35, v45;
	v21 =	vld [tilespmem:s1+$0xFFFFFFF0]  }
0x10f: {  	v9 =	vmul.f32 v36, v43;
	v17 =	vbroadcast v17, $0xF;
	s6 =	smul.u32 $0x6000, s31;
	v35 =	vld [tilespmem:s1+$0xFFFFFFE0]  }
0x110: {  	v7 =	vmul.f32 v40, v20;
	v16 =	vmul.f32 v44, v18  }
0x111: {  	s9 =	sand.u32 $0x380, s0;
	v1 =	vmul.f32 v38, v1;
	s6 =	sshra.s32 s6, $0x2;
	v2 =	vmul.f32 v41, v2;
	v20 =	vld [tilespmem:s1+$0x0]  }
0x112: {  	s6 =	sor.u32 s9, s6;
	v18 =	vmul.f32 v30, v28;
	v0 =	vmul.f32 v0, v17;
	v8 =	vld [tilespmem:$0x300]  }
0x113: {  	v34 =	vadd.f32 v34, v42;
	v28 =	vld [tilespmem:s6+$0xBD0];
	v30 =	vbroadcast v21, $0x2;
	v38 =	vbroadcast v21, $0x8  }
0x114: {  	v26 =	vadd.f32 v26, v39;
	v17 =	vld [tilespmem:s6+$0x3D0];
	v41 =	vbroadcast v21, $0x6;
	v43 =	vbroadcast v35, $0x0  }
0x115: {  	v22 =	vadd.f32 v22, v33;
	v40 =	vld [tilespmem:s6+$0xBC0];
	v45 =	vbroadcast v35, $0xA;
	v46 =	vbroadcast v35, $0x1  }
0x116: {  	v25 =	vadd.f32 v25, v26;
	v44 =	vld [tilespmem:s6+$0x3C0];
	v48 =	vbroadcast v20, $0x9;
	v49 =	vbroadcast v20, $0x0  }
0x117: {  	v34 =	vadd.f32 v37, v34;
	v47 =	vld [tilespmem:s6+$0x3B0];
	v36 =	vbroadcast v21, $0xC;
	v42 =	vbroadcast v21, $0x1  }
0x118: {  	v25 =	vadd.f32 v27, v25;
	v50 =	vld [tilespmem:s6+$0x3A0];
	v52 =	vbroadcast v35, $0x9;
	v39 =	vbroadcast v20, $0x1  }
0x119: {  	v22 =	vadd.f32 v23, v22;
	v51 =	vld [tilespmem:s6+$0x13C0];
	v54 =	vbroadcast v21, $0xA;
	v37 =	vbroadcast v21, $0x3  }
0x11a: {  	v25 =	vadd.f32 v31, v25;
	v53 =	vld [tilespmem:s6+$0xBB0];
	v56 =	vbroadcast v21, $0x5;
	v58 =	vbroadcast v20, $0x2  }
0x11b: {  	v4 =	vadd.f32 v4, v34;
	v55 =	vld [tilespmem:s6+$0x13B0];
	v59 =	vbroadcast v35, $0x8;
	v34 =	vbroadcast v21, $0x0  }
0x11c: {  	v57 =	vld [tilespmem:s6+$0x380];
	v25 =	vadd.f32 v29, v25;
	v26 =	vbroadcast v35, $0xE;
	v61 =	vbroadcast v20, $0x5  }
0x11d: {  	v22 =	vadd.f32 v24, v22;
	v60 =	vld [tilespmem:s6+$0x390];
	v62 =	vbroadcast v21, $0x9;
	v31 =	vbroadcast v35, $0x2  }
0x11e: {  	v27 =	vld [tilespmem:s6+$0xB80];
	v25 =	vadd.f32 v32, v25;
	v3 =	vbroadcast v20, $0x6;
	v5 =	vbroadcast v20, $0x3  }
0x11f: {  	v1 =	vadd.f32 v1, v4;
	v4 =	vld [tilespmem:s6+$0x13A0];
	v6 =	vbroadcast v20, $0x7;
	v12 =	vbroadcast v35, $0x6  }
0x120: {  	v63 =	vld [tilespmem:s6+$0xBA0];
	v7 =	vadd.f32 v7, v25;
	v13 =	vbroadcast v35, $0x3;
	v32 =	vbroadcast v35, $0x5  }
0x121: {  	v1 =	vadd.f32 v2, v1;
	v29 =	vld [tilespmem:s6+$0x1380];
	v24 =	vbroadcast v35, $0x4;
	v25 =	vbroadcast v21, $0x4  }
0x122: {  	v23 =	vld [tilespmem:s6+$0xB90];
	v2 =	vbroadcast v21, $0xB;
	v16 =	vadd.f32 v16, v7;
	v7 =	vbroadcast v35, $0x7  }
0x123: {  	v14 =	vld [tilespmem:s6+$0x3E0];
	v37 =	vmul.f32 v53, v37;
	v53 =	vbroadcast v21, $0x7  }
0x124: {  	v33 =	vmul.f32 v57, v43;
	v43 =	vld [tilespmem:s6+$0x1390];
	v57 =	vbroadcast v35, $0xC  }
0x125: {  	v5 =	vmul.f32 v55, v5;
	v55 =	vld [tilespmem:s6+$0x13D0];
	v13 =	vmul.f32 v47, v13  }
0x126: {  	v32 =	vmul.f32 v17, v32;
	v47 =	vld [tilespmem:s6+$0xBE0];
	v17 =	vadd.f32 v19, v22;
	v19 =	vbroadcast v20, $0x4  }
0x127: {  	v44 =	vmul.f32 v44, v24;
	v22 =	vld [tilespmem:s6+$0x13E0];
	v40 =	vmul.f32 v40, v25  }
0x128: {  	v25 =	vld [tilespmem:s6+$0x3F0];
	v31 =	vmul.f32 v50, v31;
	v60 =	vmul.f32 v60, v46  }
0x129: {  	v50 =	vld [tilespmem:s6+$0x13F0];
	v46 =	vmul.f32 v27, v34;
	v4 =	vmul.f32 v4, v58  }
0x12a: {  	v27 =	vld [tilespmem:s6+$0xF90];
	v58 =	vmul.f32 v63, v30;
	v23 =	vmul.f32 v23, v42  }
0x12b: {  	v12 =	vmul.f32 v14, v12;
	v19 =	vmul.f32 v51, v19;
	v51 =	vld [tilespmem:s6+$0xBF0];
	v9 =	vadd.f32 v9, v17  }
0x12c: {  	v17 =	vadd.f32 v18, v1;
	v1 =	vmul.f32 v28, v56;
	v28 =	vld [tilespmem:s6+$0x780];
	v8 =	vadd.f32 v33, v8  }
0x12d: {  	v63 =	vmul.f32 v29, v49;
	v56 =	vimm.f32 $0.0e+00;
	v18 =	vadd.f32 v0, v9;
	v9 =	vld [tilespmem:s6+$0x790]  }
0x12e: {  	v8 =	vadd.f32 v60, v8;
	v60 =	vld [tilespmem:s6+$0x1780];
	v24 =	vmul.f32 v55, v61;
	v55 =	vbroadcast v20, $0x8  }
0x12f: {  	v0 =	vadd.f32 v46, v56;
	v22 =	vmul.f32 v22, v3;
	v61 =	vld [tilespmem:s6+$0xF80];
	v7 =	vmul.f32 v25, v7  }
0x130: {  	v25 =	vmul.f32 v50, v6;
	v46 =	vmul.f32 v47, v41;
	v47 =	vld [tilespmem:s6+$0x7C0];
	v8 =	vadd.f32 v31, v8  }
0x131: {  	v14 =	vmul.f32 v43, v39;
	v27 =	vmul.f32 v27, v62;
	v31 =	vld [tilespmem:s6+$0x7A0]  }
0x132: {  	v39 =	vbroadcast v21, $0xD;
	v0 =	vadd.f32 v23, v0;
	v23 =	vld [tilespmem:s6+$0x7B0];
	v8 =	vadd.f32 v13, v8  }
0x133: {  	v50 =	vld [tilespmem:s6+$0x17A0];
	v51 =	vmul.f32 v51, v53;
	v42 =	vmul.f32 v28, v59  }
0x134: {  	v59 =	vld [tilespmem:s6+$0xFC0];
	v0 =	vadd.f32 v58, v0;
	v9 =	vmul.f32 v9, v52;
	v8 =	vadd.f32 v44, v8  }
0x135: {  	v13 =	vld [tilespmem:s6+$0xFA0];
	v30 =	vmul.f32 v60, v55;
	v52 =	vbroadcast v35, $0xB;
	v55 =	vadd.f32 v63, v56  }
0x136: {  	v58 =	vld [tilespmem:s6+$0x7E0];
	v63 =	vbroadcast v35, $0xF;
	v28 =	vmul.f32 v61, v38;
	v8 =	vadd.f32 v32, v8  }
0x137: {  	v60 =	vld [tilespmem:s6+$0x7F0];
	v0 =	vadd.f32 v37, v0;
	v49 =	vmul.f32 v31, v45;
	v41 =	vmul.f32 v23, v52  }
0x138: {  	v61 =	vld [tilespmem:s6+$0x1790];
	v14 =	vadd.f32 v14, v55;
	v23 =	vbroadcast v20, $0xA;
	v8 =	vadd.f32 v12, v8  }
0x139: {  	v53 =	vld [tilespmem:s6+$0x7D0];
	v0 =	vadd.f32 v40, v0;
	v40 =	vmul.f32 v47, v57;
	v36 =	vmul.f32 v59, v36  }
0x13a: {  	v31 =	vmul.f32 v13, v54;
	v13 =	vld [tilespmem:s6+$0xFB0];
	v33 =	vmul.f32 v50, v23;
	v7 =	vadd.f32 v7, v8  }
0x13b: {  	v56 =	vld [tilespmem:s6+$0x17B0];
	v4 =	vadd.f32 v4, v14;
	v23 =	vmul.f32 v58, v26;
	v12 =	vbroadcast v35, $0xD  }
0x13c: {  	v44 =	vld [tilespmem:s6+$0xFD0];
	v0 =	vadd.f32 v1, v0;
	v26 =	vmul.f32 v60, v63;
	v7 =	vadd.f32 v42, v7  }
0x13d: {  	v37 =	vld [tilespmem:s6+$0xFE0];
	v29 =	vmul.f32 v61, v48;
	v61 =	vadd.f32 v5, v4;
	v8 =	vbroadcast v20, $0xB  }
0x13e: {  	v47 =	vld [tilespmem:s6+$0x17C0];
	v38 =	vmul.f32 v53, v12;
	v0 =	vadd.f32 v46, v0;
	v62 =	vadd.f32 v9, v7  }
0x13f: {  	v45 =	vld [tilespmem:s6+$0x17D0];
	v46 =	vadd.f32 v19, v61;
	v19 =	vbroadcast v20, $0xC;
	v32 =	vmul.f32 v13, v2  }
0x140: {  	s9 =	simm.s32 $0x50;
	s1 =	simm.s32 $0x1;
	v34 =	vmul.f32 v56, v8;
	v43 =	vadd.f32 v51, v0;
	v42 =	vld [tilespmem:s6+$0x17E0];
	v48 =	vadd.f32 v49, v62  }
.LBB2_6:
0x141: {  	s31 =	smov.u32 s1  }
0x142: {  	v0 =	vld [tilespmem:s9+$0xFFFFFFF0];
	s22 =	sshrl.u32 s1, $0x3;
	v1 =	vbroadcast v21, $0xE;
	v2 =	vbroadcast v20, $0xF;
	s0 =	sadd.s32 $0x80, s0;
	s31 =	sadd.s32 $0x1, s1  }
0x143: {  	p1 =	sne.s32 s1, $0xF;
	v5 =	vmul.f32 v44, v39;
	s22 =	smul.u32 $0x6000, s22;
	v3 =	vadd.f32 v41, v48;
	v4 =	vmul.f32 v47, v19;
	v6 =	vld [tilespmem:s6+$0xFF0]  }
0x144: {  	v7 =	vadd.f32 v24, v46;
	v8 =	vbroadcast v20, $0xD;
	v9 =	vbroadcast v21, $0xF;
	v12 =	vld [tilespmem:s6+$0x17F0]  }
0x145: {  	v13 =	vbroadcast v20, $0xE;
	s1 =	sand.u32 $0x380, s0;
	v1 =	vmul.f32 v37, v1;
	s6 =	sshra.s32 s22, $0x2;
	v3 =	vadd.f32 v40, v3;
	v19 =	vld [tilespmem:s9+$0xFFFFFFE0]  }
0x146: {  	v7 =	vadd.f32 v22, v7;
	v8 =	vmul.f32 v45, v8;
	s6 =	sor.u32 s1, s6;
	v20 =	vld [tilespmem:s9+$0x0]  }
0x147: {  	v13 =	vmul.f32 v42, v13;
	v41 =	vbroadcast v0, $0x2;
	v3 =	vadd.f32 v38, v3;
	v21 =	vmovc v0;
	v14 =	vld [tilespmem:s6+$0xBD0]  }
0x148: {  	v7 =	vadd.f32 v25, v7;
	v40 =	vbroadcast v21, $0x8;
	v0 =	vld [tilespmem:s6+$0x3D0];
	v6 =	vmul.f32 v6, v9  }
0x149: {  	v22 =	vadd.f32 v28, v43;
	v42 =	vbroadcast v21, $0x6;
	v9 =	vld [tilespmem:s6+$0xBC0];
	v2 =	vmul.f32 v12, v2  }
0x14a: {  	v7 =	vadd.f32 v30, v7;
	v12 =	vbroadcast v19, $0x0;
	v24 =	vld [tilespmem:s6+$0x3C0];
	v39 =	vbroadcast v19, $0xA  }
0x14b: {  	v22 =	vadd.f32 v27, v22;
	v25 =	vbroadcast v19, $0x1;
	v28 =	vld [tilespmem:s6+$0x3B0];
	v38 =	vbroadcast v20, $0x9  }
0x14c: {  	v35 =	vbroadcast v21, $0xC;
	v7 =	vadd.f32 v29, v7;
	v30 =	vbroadcast v20, $0x0;
	v27 =	vld [tilespmem:s6+$0x3A0]  }
0x14d: {  	v22 =	vadd.f32 v31, v22;
	v29 =	vbroadcast v21, $0x1;
	v44 =	vbroadcast v19, $0x9;
	v43 =	vld [tilespmem:s6+$0x13C0]  }
0x14e: {  	v31 =	vbroadcast v21, $0xA;
	v45 =	vbroadcast v20, $0x1;
	v7 =	vadd.f32 v33, v7;
	v46 =	vld [tilespmem:s6+$0xBB0]  }
0x14f: {  	v48 =	vbroadcast v21, $0x5;
	v22 =	vadd.f32 v32, v22;
	v33 =	vbroadcast v21, $0x3;
	v47 =	vld [tilespmem:s6+$0x13B0]  }
0x150: {  	v50 =	vbroadcast v19, $0x8;
	v49 =	vbroadcast v20, $0x2;
	v7 =	vadd.f32 v34, v7;
	v32 =	vld [tilespmem:s6+$0x380]  }
0x151: {  	v37 =	vbroadcast v19, $0xE;
	v22 =	vadd.f32 v36, v22;
	v34 =	vbroadcast v21, $0x0;
	v51 =	vld [tilespmem:s6+$0x390]  }
0x152: {  	v53 =	vbroadcast v21, $0x9;
	v52 =	vbroadcast v20, $0x5;
	v4 =	vadd.f32 v4, v7;
	v36 =	vld [tilespmem:s6+$0xB80]  }
0x153: {  	v5 =	vadd.f32 v5, v22;
	v7 =	vld [tilespmem:s6+$0x13A0];
	v33 =	vmul.f32 v46, v33;
	v46 =	vbroadcast v21, $0x7  }
0x154: {  	v55 =	vbroadcast v20, $0x6;
	v22 =	vbroadcast v19, $0x2;
	v4 =	vadd.f32 v8, v4;
	v54 =	vld [tilespmem:s6+$0xBA0]  }
0x155: {  	v1 =	vadd.f32 v1, v5;
	v8 =	vmul.f32 v32, v12;
	v12 =	vld [tilespmem:s6+$0x1390];
	v32 =	vbroadcast v19, $0xC  }
0x156: {  	v56 =	vbroadcast v20, $0x3;
	v57 =	vbroadcast v20, $0x7;
	v4 =	vadd.f32 v13, v4;
	v5 =	vld [tilespmem:s6+$0x1380]  }
0x157: {  	v59 =	vbroadcast v21, $0xB;
	v3 =	vadd.f32 v23, v3;
	v58 =	vbroadcast v19, $0x6;
	v13 =	vld [tilespmem:s6+$0xB90]  }
0x158: {  	v60 =	vbroadcast v19, $0x5;
	v23 =	vbroadcast v20, $0x4;
	v1 =	vadd.f32 v6, v1;
	v61 =	vld [tilespmem:s6+$0x13D0]  }
0x159: {  	v3 =	vadd.f32 v26, v3;
	v6 =	vbroadcast v19, $0x3;
	v47 =	vmul.f32 v47, v56;
	v56 =	vld [tilespmem:s6+$0x3E0]  }
0x15a: {  	v62 =	vbroadcast v21, $0x4;
	v26 =	vbroadcast v19, $0x4;
	v2 =	vadd.f32 v2, v4;
	v63 =	vld [tilespmem:s6+$0xBE0]  }
0x15b: {  	v0 =	vmul.f32 v0, v60;
	v4 =	vmul.f32 v28, v6;
	v6 =	vld [tilespmem:s6+$0x13E0]  }
0x15c: {  	v60 =	vbroadcast v19, $0x7;
	v26 =	vmul.f32 v24, v26;
	v28 =	vld [tilespmem:s6+$0x3F0]  }
0x15d: {  	v9 =	vmul.f32 v9, v62;
	v43 =	vmul.f32 v43, v23;
	v23 =	vld [tilespmem:s6+$0xBF0]  }
0x15e: {  	v27 =	vmul.f32 v27, v22;
	v24 =	vmul.f32 v61, v52;
	v52 =	vld [tilespmem:s6+$0x13F0]  }
0x15f: {  	v3 =	vadd.f32 v8, v3;
	v8 =	vmul.f32 v14, v48;
	v48 =	vbroadcast v20, $0x8;
	v14 =	vld [tilespmem:s6+$0x780]  }
0x160: {  	v25 =	vmul.f32 v51, v25;
	v22 =	vmul.f32 v6, v55;
	v6 =	vld [tilespmem:s6+$0xF80]  }
0x161: {  	v34 =	vmul.f32 v36, v34;
	v36 =	vmul.f32 v28, v60;
	v51 =	vld [tilespmem:s6+$0x790]  }
0x162: {  	v7 =	vmul.f32 v7, v49;
	v3 =	vadd.f32 v25, v3;
	v49 =	vmul.f32 v23, v46;
	v23 =	vld [tilespmem:s6+$0xF90]  }
0x163: {  	v1 =	vadd.f32 v34, v1;
	v34 =	vmul.f32 v54, v41;
	v25 =	vmul.f32 v52, v57;
	v41 =	vld [tilespmem:s6+$0x1780]  }
0x164: {  	v3 =	vadd.f32 v27, v3;
	v13 =	vmul.f32 v13, v29;
	v14 =	vmul.f32 v14, v50;
	v29 =	vld [tilespmem:s6+$0x7A0]  }
0x165: {  	v42 =	vmul.f32 v63, v42;
	v28 =	vmul.f32 v6, v40;
	v6 =	vld [tilespmem:s6+$0x1790]  }
0x166: {  	v3 =	vadd.f32 v4, v3;
	v4 =	vmul.f32 v56, v58;
	v46 =	vmul.f32 v51, v44;
	v40 =	vld [tilespmem:s6+$0xFA0]  }
0x167: {  	v12 =	vmul.f32 v12, v45;
	v1 =	vadd.f32 v13, v1;
	v27 =	vmul.f32 v23, v53;
	v13 =	vld [tilespmem:s6+$0x7B0]  }
0x168: {  	v5 =	vmul.f32 v5, v30;
	v3 =	vadd.f32 v26, v3;
	v30 =	vmul.f32 v41, v48;
	v23 =	vld [tilespmem:s6+$0x7C0]  }
0x169: {  	v1 =	vadd.f32 v34, v1;
	v26 =	vmul.f32 v29, v39;
	v34 =	vld [tilespmem:s6+$0x17A0];
	v39 =	vbroadcast v21, $0xD  }
0x16a: {  	v0 =	vadd.f32 v0, v3;
	v3 =	vbroadcast v19, $0xB;
	v29 =	vmul.f32 v6, v38;
	v6 =	vld [tilespmem:s6+$0x7D0]  }
0x16b: {  	v2 =	vadd.f32 v5, v2;
	v1 =	vadd.f32 v33, v1;
	v31 =	vmul.f32 v40, v31;
	v5 =	vld [tilespmem:s6+$0xFB0]  }
0x16c: {  	v0 =	vadd.f32 v4, v0;
	v4 =	vbroadcast v19, $0xD;
	v41 =	vmul.f32 v13, v3;
	v3 =	vld [tilespmem:s6+$0x17B0]  }
0x16d: {  	v2 =	vadd.f32 v12, v2;
	v1 =	vadd.f32 v9, v1;
	v9 =	vbroadcast v20, $0xA;
	v12 =	vld [tilespmem:s6+$0x7E0]  }
0x16e: {  	v0 =	vadd.f32 v36, v0;
	v13 =	vbroadcast v20, $0xB;
	v40 =	vmul.f32 v23, v32;
	v36 =	vld [tilespmem:s6+$0xFC0]  }
0x16f: {  	v2 =	vadd.f32 v7, v2;
	v1 =	vadd.f32 v8, v1;
	v33 =	vmul.f32 v34, v9;
	v7 =	vld [tilespmem:s6+$0x7F0]  }
.Ltmp4:
0x170: {  	v0 =	vadd.f32 v14, v0;
	v38 =	vmul.f32 v6, v4;
	v32 =	vmul.f32 v5, v59;
	v44 =	vld [tilespmem:s6+$0xFD0];
	(pc) =	sbr.rel @p1 .LBB2_6-.Ltmp4, $4  }
0x171: {  	v2 =	vadd.f32 v47, v2;
	v1 =	vadd.f32 v42, v1;
	v34 =	vmul.f32 v3, v13;
	v47 =	vld [tilespmem:s6+$0x17C0]  }
0x172: {  	v0 =	vadd.f32 v46, v0;
	v3 =	vbroadcast v19, $0xF;
	v23 =	vmul.f32 v12, v37;
	v37 =	vld [tilespmem:s6+$0xFE0]  }
0x173: {  	v46 =	vadd.f32 v43, v2;
	v43 =	vadd.f32 v49, v1;
	v19 =	vbroadcast v20, $0xC;
	v45 =	vld [tilespmem:s6+$0x17D0]  }
0x174: {  	s1 =	smov.u32 s31;
	s9 =	sadd.s32 $0x30, s9;
	v48 =	vadd.f32 v26, v0;
	v36 =	vmul.f32 v36, v35;
	v42 =	vld [tilespmem:s6+$0x17E0];
	v26 =	vmul.f32 v7, v3  }
0x175: {  	v0 =	vld [tilespmem:s6+$0xFF0];
	s0 =	simm.s32 $0x0  }
0x176: {  	v1 =	vld [tilespmem:s6+$0x17F0];
	[tilespmem:s26], [sflag:$0x3] =	stream.linear.gather [hbm4b:s16+s0], $0x80, $0x38  }
0x177: {  	_ =	swait.ge [sflag:s24], $0x80  }
0x178: {  	[sflag:s24] =	ssyncset.done $0x0  }
0x179: {  	[sflag:s24] =	ssyncadd.s32 $0xFFFFFF80  }
0x17a: {  	_ =	swait.ge [sflag:s30], $0x3000  }
0x17b: {  	[sflag:s30] =	ssyncset.done $0x0  }
0x17c: {  	v2 =	vbroadcast v21, $0xE;
	s31 =	simm.s32 $0x20;
	[sflag:s30] =	ssyncadd.s32 $0xFFFFD000  }
0x17d: {  	v3 =	vbroadcast v20, $0xF;
	v4 =	vmul.f32 v47, v19;
	v19 =	vld [tilespmem:s31+$0xFFFFFFF0]  }
0x17e: {  	s1 =	simm.s32 $0x0;
	v5 =	vmul.f32 v44, v39;
	v6 =	vbroadcast v20, $0xD  }
0x17f: {  	v8 =	vbroadcast v21, $0xF;
	v9 =	vbroadcast v20, $0xE;
	v13 =	vadd.f32 v24, v46;
	s1 =	smul.u32 $0x1800, s1;
	v20 =	vld [tilespmem:s31+$0xFFFFFFE0]  }
0x180: {  	v28 =	vadd.f32 v28, v43;
	s9 =	sand.u32 $0x380, s0;
	v2 =	vmul.f32 v37, v2;
	v6 =	vmul.f32 v45, v6;
	v35 =	vld [tilespmem:s31+$0x0]  }
0x181: {  	v12 =	vadd.f32 v41, v48;
	s6 =	sor.u32 s9, s1;
	v9 =	vmul.f32 v42, v9;
	v0 =	vmul.f32 v0, v8;
	v7 =	vld [tilespmem:$0x300]  }
0x182: {  	v13 =	vadd.f32 v22, v13;
	v1 =	vmul.f32 v1, v3;
	v8 =	vld [tilespmem:s6+$0x33E0];
	v3 =	vbroadcast v19, $0x1  }
0x183: {  	v12 =	vadd.f32 v40, v12;
	v14 =	vld [tilespmem:s6+$0x43E0];
	v37 =	vbroadcast v19, $0xA;
	v40 =	vbroadcast v19, $0x7  }
0x184: {  	v27 =	vadd.f32 v27, v28;
	v39 =	vld [tilespmem:s6+$0x33D0];
	v24 =	vbroadcast v20, $0x0;
	v42 =	vbroadcast v19, $0x6  }
0x185: {  	v12 =	vadd.f32 v38, v12;
	v41 =	vld [tilespmem:s6+$0x33C0];
	v38 =	vbroadcast v19, $0x0;
	v21 =	vbroadcast v35, $0xF  }
0x186: {  	v13 =	vadd.f32 v25, v13;
	v22 =	vld [tilespmem:s6+$0x33B0];
	v45 =	vbroadcast v35, $0x4;
	v25 =	vbroadcast v19, $0xB  }
0x187: {  	v27 =	vadd.f32 v31, v27;
	v44 =	vld [tilespmem:s6+$0x33A0];
	v43 =	vbroadcast v35, $0x2;
	v47 =	vbroadcast v35, $0x8  }
0x188: {  	v13 =	vadd.f32 v30, v13;
	v46 =	vld [tilespmem:s6+$0x3BD0];
	v48 =	vbroadcast v35, $0x5;
	v49 =	vbroadcast v20, $0xB  }
0x189: {  	v27 =	vadd.f32 v32, v27;
	v30 =	vld [tilespmem:s6+$0x43C0];
	v50 =	vbroadcast v19, $0x2;
	v51 =	vbroadcast v19, $0x9  }
0x18a: {  	v28 =	vld [tilespmem:s6+$0x3390];
	v13 =	vadd.f32 v29, v13;
	v29 =	vbroadcast v35, $0x3;
	v53 =	vbroadcast v19, $0x8  }
0x18b: {  	v12 =	vadd.f32 v23, v12;
	v52 =	vld [tilespmem:s6+$0x3BC0];
	v31 =	vbroadcast v35, $0x0;
	v54 =	vbroadcast v19, $0x3  }
0x18c: {  	v55 =	vld [tilespmem:s6+$0x43B0];
	v13 =	vadd.f32 v33, v13;
	v56 =	vbroadcast v35, $0x1;
	v57 =	vbroadcast v35, $0x7  }
0x18d: {  	v32 =	vld [tilespmem:s6+$0x3BB0];
	v27 =	vadd.f32 v36, v27;
	v58 =	vbroadcast v19, $0x4;
	v59 =	vbroadcast v35, $0x6  }
0x18e: {  	v36 =	vld [tilespmem:s6+$0x3BA0];
	v13 =	vadd.f32 v34, v13;
	v60 =	vbroadcast v19, $0x5;
	v61 =	vbroadcast v20, $0x7  }
0x18f: {  	v33 =	vld [tilespmem:s6+$0x3380];
	v5 =	vadd.f32 v5, v27;
	v63 =	vbroadcast v20, $0x2;
	v62 =	vbroadcast v35, $0x9  }
0x190: {  	v27 =	vld [tilespmem:s6+$0x4380];
	v4 =	vadd.f32 v4, v13;
	v13 =	vbroadcast v20, $0x9;
	v52 =	vmul.f32 v52, v58  }
0x191: {  	v23 =	vadd.f32 v26, v12;
	v26 =	vld [tilespmem:s6+$0x33F0];
	v58 =	vbroadcast v20, $0x1;
	v46 =	vmul.f32 v46, v60  }
0x192: {  	v2 =	vadd.f32 v2, v5;
	v5 =	vld [tilespmem:s6+$0x3B80];
	v55 =	vmul.f32 v55, v29;
	v44 =	vmul.f32 v44, v63  }
0x193: {  	v34 =	vld [tilespmem:s6+$0x43A0];
	v54 =	vmul.f32 v32, v54;
	v32 =	vbroadcast v20, $0x4  }
0x194: {  	v60 =	vld [tilespmem:s6+$0x3B90];
	v12 =	vmul.f32 v33, v24;
	v30 =	vmul.f32 v30, v45  }
0x195: {  	v29 =	vld [tilespmem:s6+$0x43D0];
	v27 =	vmul.f32 v27, v31;
	v4 =	vadd.f32 v6, v4;
	v6 =	vbroadcast v20, $0x6  }
0x196: {  	s1 =	sor.u32 s1, s0;
	v63 =	vld [tilespmem:s6+$0x3BE0];
	v28 =	vmul.f32 v28, v58;
	v58 =	vbroadcast v20, $0x3  }
0x197: {  	s1 =	sor.u32 $0x4400, s1;
	v45 =	vld [tilespmem:s6+$0x3BF0];
	v7 =	vadd.f32 v12, v7;
	v12 =	vmul.f32 v14, v59;
	v5 =	vmul.f32 v5, v38  }
0x198: {  	v14 =	vld [tilespmem:s1+$0x380];
	v34 =	vmul.f32 v34, v43;
	v43 =	vmul.f32 v26, v61  }
0x199: {  	v59 =	vld [tilespmem:s6+$0x3780];
	v4 =	vadd.f32 v9, v4;
	v6 =	vmul.f32 v8, v6;
	v58 =	vmul.f32 v22, v58  }
0x19a: {  	v26 =	vld [tilespmem:s6+$0x3790];
	v22 =	vadd.f32 v0, v2;
	v0 =	vbroadcast v20, $0x8;
	v2 =	vmul.f32 v41, v32  }
0x19b: {  	v9 =	vld [tilespmem:s6+$0x4390];
	v41 =	vbroadcast v20, $0x5;
	v24 =	vadd.f32 v1, v4;
	v1 =	vmul.f32 v36, v50  }
0x19c: {  	v8 =	vld [tilespmem:s1+$0x390];
	v7 =	vadd.f32 v28, v7;
	v3 =	vmul.f32 v60, v3;
	v60 =	vmul.f32 v63, v42  }
0x19d: {  	v32 =	vld [tilespmem:s6+$0x43F0];
	v50 =	vimm.f32 $0.0e+00;
	v42 =	vmul.f32 v29, v48;
	v61 =	vmul.f32 v45, v40  }
0x19e: {  	v28 =	vld [tilespmem:s6+$0x3F80];
	v45 =	vbroadcast v20, $0xE;
	v4 =	vmul.f32 v39, v41;
	v5 =	vadd.f32 v5, v50  }
0x19f: {  	v29 =	vld [tilespmem:s6+$0x3F90];
	v27 =	vadd.f32 v27, v50;
	v7 =	vadd.f32 v44, v7;
	v0 =	vmul.f32 v59, v0  }
0x1a0: {  	v63 =	vld [tilespmem:s6+$0x3FA0];
	v31 =	vmul.f32 v14, v47;
	v13 =	vmul.f32 v26, v13;
	v3 =	vadd.f32 v3, v5  }
0x1a1: {  	v14 =	vld [tilespmem:s6+$0x37A0];
	v26 =	vbroadcast v19, $0xF;
	v9 =	vmul.f32 v9, v56;
	v7 =	vadd.f32 v58, v7  }
0x1a2: {  	v48 =	vld [tilespmem:s6+$0x37B0];
	v58 =	vbroadcast v20, $0xC;
	v50 =	vmul.f32 v32, v57;
	v1 =	vadd.f32 v1, v3  }
0x1a3: {  	v40 =	vld [tilespmem:s6+$0x37E0];
	v32 =	vmul.f32 v8, v62;
	v8 =	vbroadcast v20, $0xA  }
0x1a4: {  	v3 =	vmul.f32 v28, v53;
	v28 =	vld [tilespmem:s1+$0x3A0];
	v9 =	vadd.f32 v9, v27;
	v1 =	vadd.f32 v54, v1  }
0x1a5: {  	v59 =	vld [tilespmem:s1+$0x3D0];
	v57 =	vbroadcast v35, $0xB;
	v51 =	vmul.f32 v29, v51;
	v2 =	vadd.f32 v2, v7  }
0x1a6: {  	v53 =	vld [tilespmem:s6+$0x37C0];
	v29 =	vmul.f32 v14, v8;
	v8 =	vadd.f32 v34, v9;
	v1 =	vadd.f32 v52, v1  }
0x1a7: {  	v27 =	vbroadcast v35, $0xA;
	v33 =	vmul.f32 v48, v49;
	v54 =	vld [tilespmem:s6+$0x37D0];
	v2 =	vadd.f32 v4, v2  }
0x1a8: {  	v48 =	vbroadcast v19, $0xC;
	v9 =	vld [tilespmem:s1+$0x3B0];
	v8 =	vadd.f32 v55, v8;
	v1 =	vadd.f32 v46, v1  }
0x1a9: {  	v56 =	vld [tilespmem:s1+$0x3C0];
	v14 =	vbroadcast v20, $0xD;
	v2 =	vadd.f32 v6, v2;
	v36 =	vmul.f32 v28, v27  }
0x1aa: {  	v28 =	vmul.f32 v63, v37;
	v27 =	vld [tilespmem:s6+$0x3FB0];
	v8 =	vadd.f32 v30, v8;
	v1 =	vadd.f32 v60, v1  }
0x1ab: {  	v41 =	vld [tilespmem:s6+$0x3FC0];
	v34 =	vmul.f32 v53, v58;
	v63 =	vbroadcast v35, $0xD;
	v2 =	vadd.f32 v43, v2  }
0x1ac: {  	v44 =	vld [tilespmem:s1+$0x3E0];
	v30 =	vmul.f32 v54, v14;
	v1 =	vadd.f32 v61, v1;
	v61 =	vadd.f32 v42, v8  }
0x1ad: {  	v47 =	vld [tilespmem:s6+$0x3FE0];
	v38 =	vmul.f32 v9, v57;
	v60 =	vbroadcast v35, $0xC;
	v0 =	vadd.f32 v0, v2  }
0x1ae: {  	v43 =	vld [tilespmem:s6+$0x3FD0];
	v39 =	vmul.f32 v59, v63;
	v1 =	vadd.f32 v3, v1;
	v62 =	vadd.f32 v12, v61  }
0x1af: {  	v37 =	vmul.f32 v56, v60;
	v46 =	vmul.f32 v27, v25;
	v42 =	vld [tilespmem:s1+$0x3F0];
	v27 =	vadd.f32 v13, v0  }
0x1b0: {  	s9 =	simm.s32 $0x50;
	s1 =	simm.s32 $0x1;
	v25 =	vbroadcast v35, $0xE;
	v35 =	vld [tilespmem:s6+$0x3FF0];
	v49 =	vadd.f32 v51, v1;
	v50 =	vadd.f32 v50, v62  }
.LBB2_8:
0x1b1: {  	s31 =	smov.u32 s1  }
0x1b2: {  	s22 =	sshrl.u32 s1, $0x3;
	v0 =	vadd.f32 v28, v49;
	v1 =	vbroadcast v19, $0xD;
	v2 =	vbroadcast v19, $0xE;
	v19 =	vld [tilespmem:s9+$0xFFFFFFF0];
	s0 =	sadd.s32 $0x80, s0;
	s31 =	sadd.s32 $0x1, s1  }
0x1b3: {  	p1 =	sne.s32 s1, $0xF;
	v4 =	vmul.f32 v41, v48;
	s22 =	smul.u32 $0x1800, s22;
	v3 =	vadd.f32 v31, v50;
	v5 =	vmul.f32 v44, v25;
	v6 =	vld [tilespmem:s6+$0x37F0]  }
0x1b4: {  	v8 =	vmul.f32 v40, v45;
	s1 =	sand.u32 $0x380, s0;
	v0 =	vadd.f32 v46, v0;
	v9 =	vmul.f32 v42, v21;
	v7 =	vld [tilespmem:s9+$0xFFFFFFE0]  }
0x1b5: {  	v1 =	vmul.f32 v43, v1;
	s6 =	sor.u32 s1, s22;
	s1 =	sor.u32 s22, s0;
	v3 =	vadd.f32 v32, v3;
	v2 =	vmul.f32 v47, v2;
	v25 =	vld [tilespmem:s9+$0x0]  }
0x1b6: {  	v0 =	vadd.f32 v4, v0;
	v4 =	vbroadcast v20, $0xF;
	v12 =	vmul.f32 v35, v26;
	v31 =	vld [tilespmem:s6+$0x33E0]  }
0x1b7: {  	v13 =	vbroadcast v19, $0x1;
	v28 =	vbroadcast v19, $0xA;
	v3 =	vadd.f32 v36, v3;
	v14 =	vld [tilespmem:s6+$0x43E0]  }
0x1b8: {  	v32 =	vbroadcast v19, $0x7;
	v0 =	vadd.f32 v1, v0;
	v26 =	vld [tilespmem:s6+$0x33D0];
	v1 =	vmul.f32 v6, v4  }
0x1b9: {  	v35 =	vbroadcast v19, $0x6;
	v3 =	vadd.f32 v38, v3;
	v4 =	vbroadcast v7, $0x0;
	v6 =	vld [tilespmem:s6+$0x33C0];
	v20 =	vmovc v7  }
0x1ba: {  	v29 =	vadd.f32 v29, v27;
	v7 =	vbroadcast v19, $0x0;
	v36 =	vld [tilespmem:s6+$0x33B0];
	v21 =	vbroadcast v25, $0xF  }
0x1bb: {  	v27 =	vbroadcast v19, $0xB;
	v40 =	vbroadcast v25, $0x4;
	v3 =	vadd.f32 v37, v3;
	v38 =	vld [tilespmem:s6+$0x33A0]  }
0x1bc: {  	v29 =	vadd.f32 v33, v29;
	v37 =	vbroadcast v25, $0x2;
	v42 =	vbroadcast v25, $0x8;
	v41 =	vld [tilespmem:s6+$0x3BD0]  }
0x1bd: {  	v44 =	vbroadcast v25, $0x5;
	v33 =	vbroadcast v20, $0xB;
	v3 =	vadd.f32 v39, v3;
	v43 =	vld [tilespmem:s6+$0x43C0]  }
0x1be: {  	v29 =	vadd.f32 v34, v29;
	v45 =	vbroadcast v19, $0x2;
	v46 =	vbroadcast v19, $0x9;
	v39 =	vld [tilespmem:s6+$0x3390]  }
0x1bf: {  	v48 =	vbroadcast v19, $0x8;
	v34 =	vbroadcast v25, $0x3;
	v3 =	vadd.f32 v5, v3;
	v47 =	vld [tilespmem:s6+$0x3BC0]  }
0x1c0: {  	v49 =	vbroadcast v19, $0x3;
	v29 =	vadd.f32 v30, v29;
	v5 =	vbroadcast v25, $0x0;
	v50 =	vld [tilespmem:s6+$0x43B0]  }
0x1c1: {  	v0 =	vadd.f32 v2, v0;
	v51 =	vbroadcast v25, $0x1;
	v52 =	vbroadcast v25, $0x7;
	v30 =	vld [tilespmem:s6+$0x3380]  }
0x1c2: {  	v53 =	vbroadcast v19, $0x4;
	v54 =	vbroadcast v25, $0x6;
	v3 =	vadd.f32 v9, v3;
	v2 =	vld [tilespmem:s6+$0x3BB0]  }
0x1c3: {  	v55 =	vbroadcast v19, $0x5;
	v8 =	vadd.f32 v8, v29;
	v56 =	vbroadcast v20, $0x7;
	v9 =	vld [tilespmem:s6+$0x43A0]  }
0x1c4: {  	v0 =	vadd.f32 v12, v0;
	v29 =	vld [tilespmem:s6+$0x3BA0];
	v47 =	vmul.f32 v47, v53;
	v53 =	vbroadcast v20, $0x9  }
0x1c5: {  	v58 =	vbroadcast v20, $0x6;
	v12 =	vbroadcast v20, $0x1;
	v1 =	vadd.f32 v1, v8;
	v57 =	vld [tilespmem:s6+$0x3B90]  }
0x1c6: {  	v59 =	vbroadcast v20, $0x2;
	v41 =	vmul.f32 v41, v55;
	v8 =	vld [tilespmem:s6+$0x4380]  }
0x1c7: {  	v55 =	vbroadcast v25, $0x9;
	v12 =	vmul.f32 v39, v12;
	v39 =	vld [tilespmem:s6+$0x43D0]  }
0x1c8: {  	v61 =	vbroadcast v20, $0x3;
	v34 =	vmul.f32 v50, v34;
	v60 =	vld [tilespmem:s6+$0x3B80]  }
0x1c9: {  	v38 =	vmul.f32 v38, v59;
	v59 =	vbroadcast v20, $0x4;
	v50 =	vld [tilespmem:s6+$0x4390]  }
0x1ca: {  	v62 =	vbroadcast v20, $0x8;
	v2 =	vmul.f32 v2, v49;
	v49 =	vld [tilespmem:s6+$0x3BE0]  }
0x1cb: {  	v36 =	vmul.f32 v36, v61;
	v6 =	vmul.f32 v6, v59;
	v59 =	vld [tilespmem:s6+$0x43F0]  }
0x1cc: {  	v4 =	vmul.f32 v30, v4;
	v30 =	vmul.f32 v43, v40;
	v40 =	vld [tilespmem:s6+$0x33F0]  }
0x1cd: {  	s1 =	sor.u32 $0x4400, s1;
	v43 =	vbroadcast v20, $0x5;
	v29 =	vmul.f32 v29, v45;
	v45 =	vld [tilespmem:s6+$0x3BF0]  }
0x1ce: {  	v1 =	vadd.f32 v4, v1;
	v4 =	vmul.f32 v57, v13;
	v13 =	vmul.f32 v14, v54;
	v14 =	vld [tilespmem:s1+$0x380]  }
0x1cf: {  	v43 =	vmul.f32 v26, v43;
	v7 =	vmul.f32 v60, v7;
	v26 =	vld [tilespmem:s6+$0x3780]  }
0x1d0: {  	v1 =	vadd.f32 v12, v1;
	v5 =	vmul.f32 v8, v5;
	v8 =	vmul.f32 v49, v35;
	v12 =	vld [tilespmem:s6+$0x3F80]  }
0x1d1: {  	v0 =	vadd.f32 v7, v0;
	v7 =	vmul.f32 v9, v37;
	v9 =	vmul.f32 v31, v58;
	v35 =	vld [tilespmem:s1+$0x390]  }
0x1d2: {  	v3 =	vadd.f32 v5, v3;
	v5 =	vmul.f32 v39, v44;
	v37 =	vmul.f32 v40, v56;
	v39 =	vld [tilespmem:s6+$0x3790]  }
0x1d3: {  	v52 =	vmul.f32 v59, v52;
	v0 =	vadd.f32 v4, v0;
	v4 =	vmul.f32 v45, v32;
	v40 =	vld [tilespmem:s6+$0x3F90]  }
0x1d4: {  	v1 =	vadd.f32 v38, v1;
	v31 =	vmul.f32 v14, v42;
	v45 =	vmul.f32 v26, v62;
	v14 =	vld [tilespmem:s6+$0x37A0]  }
0x1d5: {  	v38 =	vmul.f32 v50, v51;
	v0 =	vadd.f32 v29, v0;
	v12 =	vmul.f32 v12, v48;
	v42 =	vld [tilespmem:s1+$0x3A0]  }
0x1d6: {  	v1 =	vadd.f32 v36, v1;
	v29 =	vbroadcast v20, $0xA;
	v32 =	vmul.f32 v35, v55;
	v35 =	vld [tilespmem:s6+$0x3FA0]  }
0x1d7: {  	v26 =	vbroadcast v19, $0xF;
	v0 =	vadd.f32 v2, v0;
	v2 =	vmul.f32 v39, v53;
	v39 =	vld [tilespmem:s6+$0x37B0]  }
0x1d8: {  	v36 =	vbroadcast v25, $0xA;
	v3 =	vadd.f32 v38, v3;
	v48 =	vmul.f32 v40, v46;
	v38 =	vld [tilespmem:s6+$0x37C0]  }
0x1d9: {  	v1 =	vadd.f32 v6, v1;
	v0 =	vadd.f32 v47, v0;
	v29 =	vmul.f32 v14, v29;
	v6 =	vld [tilespmem:s6+$0x37D0]  }
0x1da: {  	v3 =	vadd.f32 v7, v3;
	v14 =	vbroadcast v20, $0xD;
	v36 =	vmul.f32 v42, v36;
	v7 =	vld [tilespmem:s1+$0x3B0]  }
0x1db: {  	v1 =	vadd.f32 v43, v1;
	v0 =	vadd.f32 v41, v0;
	v28 =	vmul.f32 v35, v28;
	v35 =	vld [tilespmem:s1+$0x3C0]  }
0x1dc: {  	v3 =	vadd.f32 v34, v3;
	v42 =	vbroadcast v25, $0xB;
	v33 =	vmul.f32 v39, v33;
	v39 =	vld [tilespmem:s6+$0x3FB0]  }
0x1dd: {  	v1 =	vadd.f32 v9, v1;
	v0 =	vadd.f32 v8, v0;
	v8 =	vbroadcast v20, $0xC;
	v9 =	vld [tilespmem:s1+$0x3D0]  }
0x1de: {  	v43 =	vbroadcast v25, $0xC;
	v3 =	vadd.f32 v30, v3;
	v41 =	vld [tilespmem:s6+$0x3FC0];
	v30 =	vmul.f32 v6, v14  }
0x1df: {  	v1 =	vadd.f32 v37, v1;
	v0 =	vadd.f32 v4, v0;
	v34 =	vmul.f32 v38, v8;
	v40 =	vld [tilespmem:s6+$0x37E0]  }
.Ltmp5:
0x1e0: {  	v3 =	vadd.f32 v5, v3;
	v38 =	vmul.f32 v7, v42;
	v37 =	vmul.f32 v35, v43;
	v44 =	vld [tilespmem:s1+$0x3E0];
	(pc) =	sbr.rel @p1 .LBB2_8-.Ltmp5, $4  }
0x1e1: {  	v1 =	vadd.f32 v45, v1;
	v0 =	vadd.f32 v12, v0;
	v46 =	vmul.f32 v39, v27;
	v43 =	vld [tilespmem:s6+$0x3FD0]  }
0x1e2: {  	v45 =	vbroadcast v20, $0xE;
	v3 =	vadd.f32 v13, v3;
	v4 =	vbroadcast v25, $0xD;
	v42 =	vld [tilespmem:s1+$0x3F0]  }
0x1e3: {  	v27 =	vadd.f32 v2, v1;
	v49 =	vadd.f32 v48, v0;
	v48 =	vbroadcast v19, $0xC;
	v47 =	vld [tilespmem:s6+$0x3FE0]  }
0x1e4: {  	s9 =	sadd.s32 $0x30, s9;
	v50 =	vadd.f32 v52, v3;
	v25 =	vbroadcast v25, $0xE;
	v39 =	vmul.f32 v9, v4;
	s1 =	smov.u32 s31;
	v35 =	vld [tilespmem:s6+$0x3FF0]  }
0x1e5: {  	_ = 	snop  }
0x1e6: {  	v0 =	vadd.f32 v31, v50  }
0x1e7: {  	v1 =	vadd.f32 v28, v49;
	v2 =	vbroadcast v19, $0xD;
	v3 =	vadd.f32 v29, v27  }
0x1e8: {  	v4 =	vmul.f32 v41, v48;
	v5 =	vbroadcast v19, $0xE;
	v0 =	vadd.f32 v32, v0  }
0x1e9: {  	v6 =	vld [tilespmem:s6+$0x37F0];
	v63 =	vmul.f32 v40, v45;
	v1 =	vadd.f32 v46, v1;
	v3 =	vadd.f32 v33, v3  }
0x1ea: {  	v27 =	vld [tilespmem:$0x1FF50];
	v28 =	vadd.f32 v17, v18;
	v2 =	vmul.f32 v43, v2;
	v0 =	vadd.f32 v36, v0  }
0x1eb: {  	v1 =	vadd.f32 v4, v1;
	v3 =	vadd.f32 v34, v3;
	v8 =	vmul.f32 v35, v26;
	v26 =	vld [tilespmem:$0x1FF40]  }
0x1ec: {  	v7 =	vbroadcast v20, $0xF;
	v29 =	vadd.f32 v16, v28;
	v0 =	vadd.f32 v38, v0  }
0x1ed: {  	v5 =	vmul.f32 v47, v5;
	v1 =	vadd.f32 v2, v1;
	v3 =	vadd.f32 v30, v3  }
0x1ee: {  	v62 =	vmul.f32 v44, v25;
	v30 =	vadd.f32 v22, v23;
	v0 =	vadd.f32 v37, v0  }
0x1ef: {  	v25 =	vmul.f32 v6, v7;
	v1 =	vadd.f32 v5, v1;
	v2 =	vadd.f32 v63, v3  }
0x1f0: {  	v3 =	vadd.f32 v26, v27;
	v0 =	vadd.f32 v39, v0  }
0x1f1: {  	v1 =	vadd.f32 v8, v1;
	v2 =	vadd.f32 v25, v2  }
0x1f2: {  	v6 =	vmul.f32 v42, v21;
	v3 =	vadd.f32 v15, v3;
	v0 =	vadd.f32 v62, v0  }
0x1f3: {  	v5 =	vadd.f32 v24, v30  }
0x1f4: {  	v1 =	vadd.f32 v1, v2;
	vm2 =	vgt.f32 v29, v3;
	v0 =	vadd.f32 v6, v0  }
0x1f5: {  	v31 =	vsel vm2, v29, v3  }
0x1f6: {  	vm3 =	vgt.f32 v5, v31;
	v0 =	vadd.f32 v0, v1  }
0x1f7: {  	v32 =	vsel vm3, v5, v31  }
0x1f8: {  	vm4 =	vgt.f32 v0, v32  }
0x1f9: {  	v1 =	vsel vm4, v0, v32  }
0x1fa: {  	(xrf0) =	vmax.scan.msk.f32 $0xffff, v1  }
0x1fb: {  	v12 =	vld [tilespmem:$0x1FF60]  }
0x1fc: {  	v15 =	vld [tilespmem:$0x1FFB0]  }
0x1fd: {  	v13 =	vld [tilespmem:$0x1FF80]  }
0x1fe: {  	v14 =	vld [tilespmem:$0x1FFA0];
	_ =	sdelay $0x1  }
0x1ff: {  	v33, _, _ =	vpop (xrf0)  }
0x200: {  	v7 =	vsel vm2, v12, v15;
	v6 =	vbroadcast v33, $0xF  }
0x201: {  	v7 =	vsel vm3, v13, v7  }
0x202: {  	v34 =	vsel vm4, v14, v7;
	vm2 =	veq.f32 v1, v6  }
0x203: {  	v1 =	vnsel vm2, $0x80000040, v34  }
0x204: {  	(xrf0) =	vmin.scan.msk.u32 $0xffff, v1;
	_ =	sdelay $0x5  }
0x205: {  	(v2sf) =	vpush v33, $0xF;
	v1, _, _ =	vpop (xrf0)  }
0x206: {  	(v2sf) =	vpush v1, $0xF;
	_ =	sdelay $0xc  }
0x207: {  	v36 =	vld [tilespmem:$0x1FFC0]  }
0x208: {  	s1 =	spop (v2sf)  }
0x209: {  	s0 =	spop (v2sf)  }
0x20a: {  	s6 =	sxor.u32 $0x80000000, s0  }
0x20b: {  	v9 =	vlaneseq.u32;
	v35 =	vmov s6  }
0x20c: {  	vm2 =	veq.s32 v35, v9;
	vm3 =	veq.s32 v35, v36  }
0x20d: {  	v8 =	vld [tilespmem:$0x1FFD0];
	v37 =	vsel vm2, $0xF149F2CA, v3;
	v7 =	vsel vm3, $0xF149F2CA, v29  }
0x20e: {  	vm3 =	vgt.f32 v7, v37  }
0x20f: {  	v2 =	vsel vm3, v7, v37;
	v7 =	vld [tilespmem:$0x1FFE0];
	_ =	sdelay $0x2  }
0x210: {  	vm2 =	veq.s32 v35, v8  }
0x211: {  	v8 =	vsel vm2, $0xF149F2CA, v5  }
0x212: {  	vm15 =	vgt.f32 v8, v2;
	vm2 =	veq.s32 v35, v7  }
0x213: {  	v2 =	vsel vm15, v8, v2;
	v1 =	vsel vm2, $0xF149F2CA, v0  }
0x214: {  	vm2 =	vgt.f32 v1, v2  }
0x215: {  	v1 =	vsel vm2, v1, v2  }
0x216: {  	(xrf0) =	vmax.scan.msk.f32 $0xffff, v1;
	_ =	sdelay $0x5  }
0x217: {  	v38, _, _ =	vpop (xrf0)  }
0x218: {  	v8 =	vsel vm3, v12, v15;
	v7 =	vbroadcast v38, $0xF  }
0x219: {  	v8 =	vsel vm15, v13, v8  }
0x21a: {  	v39 =	vsel vm2, v14, v8;
	vm3 =	veq.f32 v1, v7  }
0x21b: {  	v1 =	vnsel vm3, $0x80000040, v39  }
0x21c: {  	(xrf0) =	vmin.scan.msk.u32 $0xffff, v1;
	_ =	sdelay $0x5  }
0x21d: {  	(v2sf) =	vpush v38, $0xF;
	v1, _, _ =	vpop (xrf0)  }
0x21e: {  	(v2sf) =	vpush v1, $0xF;
	_ =	sdelay $0x6  }
0x21f: {  	s9 =	smul.u32 $0x300, s6;
	_ =	sdelay $0x1  }
0x220: {  	s23 =	sadd.s32 s11, s9  }
0x221: {  	v40 =	vadd.s32 s23, v9  }
0x222: {  	[tilespmem:$0x9380] =	vst v40  }
0x223: {  	v1 =	vld [tilespmem:$0x9380];
	_ =	sdelay $0x1  }
0x224: {  	s22 =	spop (v2sf)  }
0x225: {  	s9 =	spop (v2sf)  }
0x226: {  	s31 =	sxor.u32 $0x80000000, s9  }
0x227: {  	v41 =	vshrl.u32 v1, $0x3;
	s7 =	smul.u32 $0x300, s31  }
0x228: {  	v2 =	vmul.u32 $0x30, v41  }
0x229: {  	v1 =	vand.u32 $0x7, v1;
	s7 =	sadd.s32 s11, s7  }
0x22a: {  	v43 =	vld [tilespmem:$0x1FF90];
	v1 =	vor.u32 v1, v2;
	v42 =	vmov s7;
	s7 =	sadd.s32 $0x8, s7  }
0x22b: {  	v44 =	vld [tilespmem:$0x1FF70];
	v7 =	vperm.xlane v1, v10;
	v8 =	vadd.s32 s7, v9  }
0x22c: {  	[tilespmem:$0x93A0] =	vst v8;
	v8 =	vld [tilespmem:$0x1FFF0]  }
0x22d: {  	v7 =	vadd.s32 v11, v7  }
0x22e: {  	s23 =	sadd.s32 $0x10, s23  }
0x22f: {  	[tilespmem:$0x9400] =	vst v43;
	v2 =	vsel vm1, s23, v42  }
0x230: {  	[tilespmem:$0x9408] =	vst v44;
	v2 =	vor.u32 v10, v2  }
0x231: {  	[tilespmem:$0x9390] =	vst v2;
	v1 =	vperm.xlane v1, v8  }
0x232: {  	[tilespmem:s25], [sflag:$0x1] =	stream.indirect_vreg.gather [hbm4b:s2+s5], $0x80, v7, vm0, $0xb8;
	[tilespmem:$0x9A80] =	vst v63  }
0x233: {  	s23 =	simm.s32 $0xB80;
	v1 =	vadd.s32 v11, v1  }
0x234: {  	[tilespmem:s23], [sflag:$0x1] =	stream.indirect_vreg.gather [hbm4b:s17+s5], $0x80, v7, vm0, $0xb8;
	[tilespmem:$0x9A80] =	vst v63  }
0x235: {  	s7 =	simm.s32 $0x1380  }
0x236: {  	[tilespmem:s7], [sflag:$0x1] =	stream.indirect_vreg.gather [hbm4b:s18+s5], $0x80, v7, vm0, $0xb8;
	[tilespmem:$0x9A80] =	vst v63  }
0x237: {  	s7 =	simm.s32 $0x1B80  }
0x238: {  	[tilespmem:s7], [sflag:$0x1] =	stream.indirect_vreg.gather [hbm4b:s2+s5], $0x80, v1, vm0, $0xb8;
	[tilespmem:$0x9A80] =	vst v63  }
0x239: {  	s7 =	simm.s32 $0x2380  }
0x23a: {  	[tilespmem:s7], [sflag:$0x1] =	stream.indirect_vreg.gather [hbm4b:s17+s5], $0x80, v1, vm0, $0xb8;
	[tilespmem:$0x9A80] =	vst v63  }
0x23b: {  	s7 =	simm.s32 $0x2B80  }
0x23c: {  	[tilespmem:s7], [sflag:$0x1] =	stream.indirect_vreg.gather [hbm4b:s18+s5], $0x80, v1, vm0, $0xb8;
	[tilespmem:$0x9A80] =	vst v63  }
0x23d: {  	v1 =	vld [tilespmem:$0x9390];
	_ =	sdelay $0x3  }
0x23e: {  	v3 =	vsub.f32 v3, v6  }
0x23f: {  	v4 =	vsub.f32 v29, v6;
	v45 =	vshrl.u32 v1, $0x3  }
0x240: {  	v5 =	vsub.f32 v5, v6;
	v3 =	vmul.f32 $1.442695020e+00, v3;
	v2 =	vmul.u32 $0x30, v45  }
0x241: {  	v4 =	vmul.f32 $1.442695020e+00, v4;
	v1 =	vand.u32 $0x7, v1  }
0x242: {  	v46 =	vmul.f32 $1.442695020e+00, v5;
	(erf) = vpow2.f32 v3;
	v1 =	vor.u32 v1, v2  }
0x243: {  	(erf) = vpow2.f32 v4;
	v0 =	vsub.f32 v0, v6;
	v2 =	vperm.xlane v1, v10;
	_ =	sdelay $0x1  }
0x244: {  	(erf) = vpow2.f32 v46;
	v0 =	vmul.f32 $1.442695020e+00, v0;
	v2 =	vadd.s32 v11, v2;
	_ =	sdelay $0x1  }
0x245: {  	(erf) = vpow2.f32 v0;
	_ =	sdelay $0x1  }
0x246: {  	v1 =	vperm.xlane v1, v8  }
0x247: {  	[tilespmem:s29], [sflag:$0x1] =	stream.indirect_vreg.gather [hbm4b:s2+s5], $0x80, v2, vm0, $0xb8;
	[tilespmem:$0x9A80] =	vst v63  }
0x248: {  	v47 =	vpop (erf);
	s7 =	simm.s32 $0x3B80;
	v1 =	vadd.s32 v11, v1  }
0x249: {  	v48 =	vpop (erf);
	[tilespmem:s7], [sflag:$0x1] =	stream.indirect_vreg.gather [hbm4b:s17+s5], $0x80, v2, vm0, $0xb8;
	[tilespmem:$0x9A80] =	vst v63  }
0x24a: {  	v0 =	vadd.f32 v48, v47;
	s7 =	simm.s32 $0x4380  }
0x24b: {  	v49 =	vpop (erf);
	[tilespmem:s7], [sflag:$0x1] =	stream.indirect_vreg.gather [hbm4b:s18+s5], $0x80, v2, vm0, $0xb8;
	[tilespmem:$0x9A80] =	vst v63  }
0x24c: {  	v0 =	vadd.f32 v0, v49;
	s7 =	simm.s32 $0x4B80  }
0x24d: {  	v51 =	vpop (erf);
	[tilespmem:s7], [sflag:$0x1] =	stream.indirect_vreg.gather [hbm4b:s2+s5], $0x80, v1, vm0, $0xb8;
	[tilespmem:$0x9A80] =	vst v63  }
0x24e: {  	v0 =	vadd.f32 v0, v51;
	s7 =	simm.s32 $0x5380  }
0x24f: {  	[tilespmem:s7], [sflag:$0x1] =	stream.indirect_vreg.gather [hbm4b:s17+s5], $0x80, v1, vm0, $0xb8;
	[tilespmem:$0x9A80] =	vst v63  }
0x250: {  	(xrf2) =	vadd.scan.msk.f32 $0xffff, v0;
	s7 =	simm.s32 $0x5B80  }
0x251: {  	[tilespmem:s7], [sflag:$0x1] =	stream.indirect_vreg.gather [hbm4b:s18+s5], $0x80, v1, vm0, $0xb8;
	[tilespmem:$0x9A80] =	vst v63  }
0x252: {  	v50 =	vld [tilespmem:$0x93A0];
	_ =	sdelay $0x4  }
0x253: {  	v52 =	vshrl.u32 v50, $0x3  }
0x254: {  	s1 =	ssub.f32 s22, s1;
	v0 =	vmul.u32 $0x30, v52  }
0x255: {  	v53 =	vand.u32 $0x7, v50  }
0x256: {  	v54 =	vmov s1;
	v0 =	vor.u32 v53, v0  }
0x257: {  	v55, _, _ =	vpop (xrf2);
	v2 =	vmul.f32 $1.442695020e+00, v54;
	v1 =	vperm.xlane v0, v10  }
0x258: {  	v3 =	vbroadcast v55, $0xF  }
0x259: {  	v2 =	vbroadcast v2, $0x0;
	v1 =	vadd.s32 v11, v1  }
0x25a: {  	(erf) = vrcp.f32 v3  }
0x25b: {  	(erf) = vpow2.f32 v2;
	_ =	sdelay $0x1  }
0x25c: {  	s7 =	simm.s32 $0x6380;
	v0 =	vperm.xlane v0, v8  }
0x25d: {  	[tilespmem:s7], [sflag:$0x1] =	stream.indirect_vreg.gather [hbm4b:s2+s5], $0x80, v1, vm0, $0xb8;
	[tilespmem:$0x9A80] =	vst v63  }
0x25e: {  	s22 =	simm.s32 $0x6B80;
	v0 =	vadd.s32 v11, v0  }
0x25f: {  	[tilespmem:s22], [sflag:$0x1] =	stream.indirect_vreg.gather [hbm4b:s17+s5], $0x80, v1, vm0, $0xb8;
	[tilespmem:$0x9A80] =	vst v63  }
0x260: {  	s7 =	simm.s32 $0x7380  }
0x261: {  	[tilespmem:s7], [sflag:$0x1] =	stream.indirect_vreg.gather [hbm4b:s18+s5], $0x80, v1, vm0, $0xb8;
	[tilespmem:$0x9A80] =	vst v63  }
0x262: {  	s0 =	sshll.u32 @!p0 s0, $0x7;
	s1 =	sshrl.u32 @!p0 s6, $0x3;
	v56 =	vpop (erf);
	s22 =	simm.s32 $0x7B80  }
0x263: {  	v57 =	vpop (erf);
	[tilespmem:s22], [sflag:$0x1] =	stream.indirect_vreg.gather [hbm4b:s2+s5], $0x80, v0, vm0, $0xb8;
	[tilespmem:$0x9A80] =	vst v63  }
0x264: {  	s0 =	sand.u32 @!p0 $0x380, s0;
	s1 =	smul.u32 @!p0 $0x1800, s1;
	(xrf0) =	vmax.scan.msk.f32 $0xffff, v56;
	s7 =	simm.s32 $0x8380;
	v1 =	vmul.f32 v57, v56  }
0x265: {  	[tilespmem:s7], [sflag:$0x1] =	stream.indirect_vreg.gather [hbm4b:s17+s5], $0x80, v0, vm0, $0xb8;
	[tilespmem:$0x9A80] =	vst v63  }
0x266: {  	s0 =	sor.u32 @!p0 s0, s1;
	s22 =	simm.s32 $0x8B80;
	(xrf0) =	vmax.scan.msk.f32 $0xffff, v1  }
0x267: {  	[tilespmem:s22], [sflag:$0x1] =	stream.indirect_vreg.gather [hbm4b:s18+s5], $0x80, v0, vm0, $0xb8;
	[tilespmem:$0x9A80] =	vst v63  }
0x268: {  	s6 =	simm.s32 @!p0 $0x400;
	s0 =	sshrl.u32 @!p0 s0, $0x3;
	s22 =	rddreg [dreg:$0x3]  }
0x269: {  	s1 =	simm.s32 @!p0 $0x80;
	s7 =	simm.s32 @!p0 $0x9480;
	s0 =	sadd.s32 @!p0 s22, s0  }
0x26a: {  	[tilespmem:s7], [sflag:$0x3] =	stream.strided.gather @!p0 [hbm4b:s0+s1], $0x300, s6, s1, $0x38;
	[tilespmem:$0x9A80] =	vst v63  }
0x26b: {  	s0 =	sshrl.u32 @!p0 s31, $0x3  }
0x26c: {  	v0, _, _ =	vpop (xrf0);
	s7 =	sshll.u32 @!p0 s9, $0x7;
	s0 =	smul.u32 @!p0 $0x1800, s0  }
0x26d: {  	v1, _, _ =	vpop (xrf0);
	s9 =	simm.s32 @!p0 $0x3;
	s7 =	sand.u32 @!p0 $0x380, s7  }
0x26e: {  	_ =	swait.ge @!p0 [sflag:s9], $0x300;
	s0 =	sor.u32 @!p0 s7, s0  }
0x26f: {  	[sflag:s9] =	ssyncset.done @!p0 $0x0;
	s0 =	sshrl.u32 @!p0 s0, $0x3  }
0x270: {  	[sflag:s9] =	ssyncadd.s32 @!p0 $0xFFFFFD00;
	s7 =	simm.s32 @!p0 $0x9780;
	s0 =	sadd.s32 @!p0 s22, s0  }
0x271: {  	[tilespmem:s7], [sflag:$0x3] =	stream.strided.gather @!p0 [hbm4b:s0+s1], $0x300, s6, s1, $0x38;
	[tilespmem:$0x9A80] =	vst v63  }
0x272: {  	_ =	swait.ge @!p0 [sflag:s9], $0x300  }
0x273: {  	s7 =	simm.s32 $0x0;
	[sflag:s9] =	ssyncset.done @!p0 $0x0  }
0x274: {  	s22 =	simm.s32 $0x0;
	s0 =	smul.u32 $0x6000, s7;
	[sflag:s9] =	ssyncadd.s32 @!p0 $0xFFFFFD00  }
0x275: {  	s6 =	sand.u32 $0x380, s22;
	s9 =	simm.s32 $0x3;
	_ =	swait.ge [sflag:s28], $0x9000  }
0x276: {  	s0 =	sshra.s32 s0, $0x2;
	s1 =	smul.u32 $0x6000, s9;
	[sflag:s28] =	ssyncset.done $0x0  }
0x277: {  	s31 =	sor.u32 s6, s0;
	[sflag:s28] =	ssyncadd.s32 $0xFFFF7000  }
0x278: {  	s7 =	sshra.s32 s1, $0x2;
	v58 =	vld [tilespmem:s31+$0x780]  }
0x279: {  	s0 =	sor.u32 s6, s7;
	v60 =	vld [tilespmem:s31+$0x380]  }
0x27a: {  	v59 =	vld [tilespmem:s0+$0x780]  }
0x27b: {  	v61 =	vld [tilespmem:s0+$0x380];
	_ =	sdelay $0x1  }
0x27c: {  	v13 =	vbroadcast v0, $0xF;
	v14 =	vbroadcast v1, $0xF;
	_ =	sdelay $0x1  }
0x27d: {  	v0 =	vmul.f32 v58, v13;
	v1 =	vmul.f32 v59, v14  }
0x27e: {  	v62 =	vmul.f32 v60, v13;
	v63 =	vmul.f32 v61, v14  }
0x27f: {  	v0 =	vadd.f32 v1, v0  }
0x280: {  	v21 =	vld [tilespmem:s31+$0x790];
	v20 =	vadd.f32 v63, v62  }
0x281: {  	v23 =	vld [tilespmem:s31+$0x390];
	[tilespmem:s31+$0x780] =	vst v0  }
0x282: {  	[tilespmem:s31+$0x380] =	vst v20;
	v22 =	vld [tilespmem:s0+$0x790]  }
0x283: {  	v24 =	vld [tilespmem:s0+$0x390];
	_ =	sdelay $0x3  }
0x284: {  	v0 =	vmul.f32 v21, v13;
	v2 =	vmul.f32 v22, v14  }
0x285: {  	v1 =	vmul.f32 v23, v13;
	v3 =	vmul.f32 v24, v14  }
0x286: {  	v0 =	vadd.f32 v2, v0  }
0x287: {  	v25 =	vld [tilespmem:s31+$0x7A0];
	v1 =	vadd.f32 v3, v1  }
0x288: {  	v27 =	vld [tilespmem:s31+$0x3A0];
	[tilespmem:s31+$0x790] =	vst v0  }
0x289: {  	[tilespmem:s31+$0x390] =	vst v1;
	v26 =	vld [tilespmem:s0+$0x7A0]  }
0x28a: {  	v28 =	vld [tilespmem:s0+$0x3A0];
	_ =	sdelay $0x3  }
0x28b: {  	v0 =	vmul.f32 v25, v13;
	v2 =	vmul.f32 v26, v14  }
0x28c: {  	v1 =	vmul.f32 v27, v13;
	v3 =	vmul.f32 v28, v14  }
0x28d: {  	v0 =	vadd.f32 v2, v0  }
0x28e: {  	v29 =	vld [tilespmem:s31+$0x7B0];
	v1 =	vadd.f32 v3, v1  }
0x28f: {  	v31 =	vld [tilespmem:s31+$0x3B0];
	[tilespmem:s31+$0x7A0] =	vst v0  }
0x290: {  	[tilespmem:s31+$0x3A0] =	vst v1;
	v30 =	vld [tilespmem:s0+$0x7B0]  }
0x291: {  	v32 =	vld [tilespmem:s0+$0x3B0];
	_ =	sdelay $0x3  }
0x292: {  	v0 =	vmul.f32 v29, v13;
	v2 =	vmul.f32 v30, v14  }
0x293: {  	v1 =	vmul.f32 v31, v13;
	v3 =	vmul.f32 v32, v14  }
0x294: {  	v0 =	vadd.f32 v2, v0  }
0x295: {  	v33 =	vld [tilespmem:s31+$0x7C0];
	v1 =	vadd.f32 v3, v1  }
0x296: {  	v35 =	vld [tilespmem:s31+$0x3C0];
	[tilespmem:s31+$0x7B0] =	vst v0  }
0x297: {  	[tilespmem:s31+$0x3B0] =	vst v1;
	v34 =	vld [tilespmem:s0+$0x7C0]  }
0x298: {  	v36 =	vld [tilespmem:s0+$0x3C0];
	_ =	sdelay $0x3  }
0x299: {  	v0 =	vmul.f32 v33, v13;
	v2 =	vmul.f32 v34, v14  }
0x29a: {  	v1 =	vmul.f32 v35, v13;
	v3 =	vmul.f32 v36, v14  }
0x29b: {  	v0 =	vadd.f32 v2, v0  }
0x29c: {  	v37 =	vld [tilespmem:s31+$0x7D0];
	v1 =	vadd.f32 v3, v1  }
0x29d: {  	v39 =	vld [tilespmem:s31+$0x3D0];
	[tilespmem:s31+$0x7C0] =	vst v0  }
0x29e: {  	[tilespmem:s31+$0x3C0] =	vst v1;
	v38 =	vld [tilespmem:s0+$0x7D0]  }
0x29f: {  	v40 =	vld [tilespmem:s0+$0x3D0];
	_ =	sdelay $0x3  }
0x2a0: {  	v0 =	vmul.f32 v37, v13;
	v2 =	vmul.f32 v38, v14  }
0x2a1: {  	v1 =	vmul.f32 v39, v13;
	v3 =	vmul.f32 v40, v14  }
0x2a2: {  	v0 =	vadd.f32 v2, v0  }
0x2a3: {  	v41 =	vld [tilespmem:s31+$0x7E0];
	v1 =	vadd.f32 v3, v1  }
0x2a4: {  	v43 =	vld [tilespmem:s31+$0x3E0];
	[tilespmem:s31+$0x7D0] =	vst v0  }
0x2a5: {  	[tilespmem:s31+$0x3D0] =	vst v1;
	v42 =	vld [tilespmem:s0+$0x7E0]  }
0x2a6: {  	v44 =	vld [tilespmem:s0+$0x3E0];
	_ =	sdelay $0x3  }
0x2a7: {  	v0 =	vmul.f32 v41, v13;
	v2 =	vmul.f32 v42, v14  }
0x2a8: {  	v1 =	vmul.f32 v43, v13;
	v3 =	vmul.f32 v44, v14  }
0x2a9: {  	v0 =	vadd.f32 v2, v0  }
0x2aa: {  	v45 =	vld [tilespmem:s31+$0x7F0];
	v1 =	vadd.f32 v3, v1  }
0x2ab: {  	v47 =	vld [tilespmem:s31+$0x3F0];
	[tilespmem:s31+$0x7E0] =	vst v0  }
0x2ac: {  	[tilespmem:s31+$0x3E0] =	vst v1;
	v46 =	vld [tilespmem:s0+$0x7F0]  }
0x2ad: {  	v48 =	vld [tilespmem:s0+$0x3F0];
	_ =	sdelay $0x3  }
0x2ae: {  	v0 =	vmul.f32 v45, v13;
	v2 =	vmul.f32 v46, v14  }
0x2af: {  	v1 =	vmul.f32 v47, v13;
	v3 =	vmul.f32 v48, v14  }
0x2b0: {  	v0 =	vadd.f32 v2, v0  }
0x2b1: {  	v1 =	vadd.f32 v3, v1  }
0x2b2: {  	[tilespmem:s31+$0x7F0] =	vst v0  }
0x2b3: {  	v49 =	vld [tilespmem:s31+$0xB80];
	[tilespmem:s31+$0x3F0] =	vst v1  }
0x2b4: {  	v1 =	vld [tilespmem:s0+$0xB80];
	_ =	sdelay $0x4  }
0x2b5: {  	v0 =	vmul.f32 v49, v13;
	v1 =	vmul.f32 v1, v14;
	_ =	sdelay $0x1  }
0x2b6: {  	v0 =	vadd.f32 v1, v0;
	_ =	sdelay $0x1  }
0x2b7: {  	v50 =	vld [tilespmem:s31+$0xB90];
	[tilespmem:s31+$0xB80] =	vst v0  }
0x2b8: {  	v51 =	vld [tilespmem:s0+$0xB90];
	_ =	sdelay $0x4  }
0x2b9: {  	v0 =	vmul.f32 v50, v13;
	v1 =	vmul.f32 v51, v14;
	_ =	sdelay $0x1  }
0x2ba: {  	v0 =	vadd.f32 v1, v0;
	_ =	sdelay $0x1  }
0x2bb: {  	v52 =	vld [tilespmem:s31+$0xBA0];
	[tilespmem:s31+$0xB90] =	vst v0  }
0x2bc: {  	v53 =	vld [tilespmem:s0+$0xBA0];
	_ =	sdelay $0x4  }
0x2bd: {  	v0 =	vmul.f32 v52, v13;
	v1 =	vmul.f32 v53, v14;
	_ =	sdelay $0x1  }
0x2be: {  	v0 =	vadd.f32 v1, v0;
	_ =	sdelay $0x1  }
0x2bf: {  	v54 =	vld [tilespmem:s31+$0xBB0];
	[tilespmem:s31+$0xBA0] =	vst v0  }
0x2c0: {  	v55 =	vld [tilespmem:s0+$0xBB0];
	_ =	sdelay $0x4  }
0x2c1: {  	v0 =	vmul.f32 v54, v13;
	v1 =	vmul.f32 v55, v14;
	_ =	sdelay $0x1  }
0x2c2: {  	v0 =	vadd.f32 v1, v0;
	_ =	sdelay $0x1  }
0x2c3: {  	v56 =	vld [tilespmem:s31+$0xBC0];
	[tilespmem:s31+$0xBB0] =	vst v0  }
0x2c4: {  	v57 =	vld [tilespmem:s0+$0xBC0];
	_ =	sdelay $0x4  }
0x2c5: {  	v0 =	vmul.f32 v56, v13;
	v1 =	vmul.f32 v57, v14;
	_ =	sdelay $0x1  }
0x2c6: {  	v0 =	vadd.f32 v1, v0;
	_ =	sdelay $0x1  }
0x2c7: {  	v58 =	vld [tilespmem:s31+$0xBD0];
	[tilespmem:s31+$0xBC0] =	vst v0  }
0x2c8: {  	v59 =	vld [tilespmem:s0+$0xBD0];
	_ =	sdelay $0x4  }
0x2c9: {  	v0 =	vmul.f32 v58, v13;
	v1 =	vmul.f32 v59, v14;
	_ =	sdelay $0x1  }
0x2ca: {  	v0 =	vadd.f32 v1, v0;
	_ =	sdelay $0x1  }
0x2cb: {  	v60 =	vld [tilespmem:s31+$0xBE0];
	[tilespmem:s31+$0xBD0] =	vst v0  }
0x2cc: {  	v61 =	vld [tilespmem:s0+$0xBE0];
	_ =	sdelay $0x4  }
0x2cd: {  	v0 =	vmul.f32 v60, v13;
	v1 =	vmul.f32 v61, v14;
	_ =	sdelay $0x1  }
0x2ce: {  	v0 =	vadd.f32 v1, v0;
	_ =	sdelay $0x1  }
0x2cf: {  	v62 =	vld [tilespmem:s31+$0xBF0];
	[tilespmem:s31+$0xBE0] =	vst v0  }
0x2d0: {  	v63 =	vld [tilespmem:s0+$0xBF0];
	_ =	sdelay $0x4  }
0x2d1: {  	v0 =	vmul.f32 v62, v13;
	v1 =	vmul.f32 v63, v14;
	_ =	sdelay $0x1  }
0x2d2: {  	v0 =	vadd.f32 v1, v0;
	_ =	sdelay $0x1  }
0x2d3: {  	v4 =	vld [tilespmem:s31+$0xF80];
	[tilespmem:s31+$0xBF0] =	vst v0  }
0x2d4: {  	v5 =	vld [tilespmem:s0+$0xF80];
	_ =	sdelay $0x4  }
0x2d5: {  	v0 =	vmul.f32 v4, v13;
	v1 =	vmul.f32 v5, v14;
	_ =	sdelay $0x1  }
0x2d6: {  	v0 =	vadd.f32 v1, v0;
	_ =	sdelay $0x1  }
0x2d7: {  	v20 =	vld [tilespmem:s31+$0xF90];
	[tilespmem:s31+$0xF80] =	vst v0  }
0x2d8: {  	v21 =	vld [tilespmem:s0+$0xF90];
	_ =	sdelay $0x4  }
0x2d9: {  	v0 =	vmul.f32 v20, v13;
	v1 =	vmul.f32 v21, v14;
	_ =	sdelay $0x1  }
0x2da: {  	v0 =	vadd.f32 v1, v0;
	_ =	sdelay $0x1  }
0x2db: {  	v22 =	vld [tilespmem:s31+$0xFA0];
	[tilespmem:s31+$0xF90] =	vst v0  }
0x2dc: {  	v23 =	vld [tilespmem:s0+$0xFA0];
	_ =	sdelay $0x4  }
0x2dd: {  	v0 =	vmul.f32 v22, v13;
	v1 =	vmul.f32 v23, v14;
	_ =	sdelay $0x1  }
0x2de: {  	v0 =	vadd.f32 v1, v0;
	_ =	sdelay $0x1  }
0x2df: {  	v24 =	vld [tilespmem:s31+$0xFB0];
	[tilespmem:s31+$0xFA0] =	vst v0  }
0x2e0: {  	v25 =	vld [tilespmem:s0+$0xFB0];
	_ =	sdelay $0x4  }
0x2e1: {  	v0 =	vmul.f32 v24, v13;
	v1 =	vmul.f32 v25, v14;
	_ =	sdelay $0x1  }
0x2e2: {  	v0 =	vadd.f32 v1, v0;
	_ =	sdelay $0x1  }
0x2e3: {  	v26 =	vld [tilespmem:s31+$0xFC0];
	[tilespmem:s31+$0xFB0] =	vst v0  }
0x2e4: {  	v27 =	vld [tilespmem:s0+$0xFC0];
	_ =	sdelay $0x4  }
0x2e5: {  	v0 =	vmul.f32 v26, v13;
	v1 =	vmul.f32 v27, v14;
	_ =	sdelay $0x1  }
0x2e6: {  	v0 =	vadd.f32 v1, v0;
	_ =	sdelay $0x1  }
0x2e7: {  	v28 =	vld [tilespmem:s31+$0xFD0];
	[tilespmem:s31+$0xFC0] =	vst v0  }
0x2e8: {  	v29 =	vld [tilespmem:s0+$0xFD0];
	_ =	sdelay $0x4  }
0x2e9: {  	v0 =	vmul.f32 v28, v13;
	v1 =	vmul.f32 v29, v14;
	_ =	sdelay $0x1  }
0x2ea: {  	v0 =	vadd.f32 v1, v0;
	_ =	sdelay $0x1  }
0x2eb: {  	v30 =	vld [tilespmem:s31+$0xFE0];
	[tilespmem:s31+$0xFD0] =	vst v0  }
0x2ec: {  	v31 =	vld [tilespmem:s0+$0xFE0];
	_ =	sdelay $0x4  }
0x2ed: {  	v0 =	vmul.f32 v30, v13;
	v1 =	vmul.f32 v31, v14;
	_ =	sdelay $0x1  }
0x2ee: {  	v0 =	vadd.f32 v1, v0;
	_ =	sdelay $0x1  }
0x2ef: {  	v32 =	vld [tilespmem:s31+$0xFF0];
	[tilespmem:s31+$0xFE0] =	vst v0  }
0x2f0: {  	v33 =	vld [tilespmem:s0+$0xFF0];
	_ =	sdelay $0x4  }
0x2f1: {  	v0 =	vmul.f32 v32, v13;
	v1 =	vmul.f32 v33, v14;
	_ =	sdelay $0x1  }
0x2f2: {  	v0 =	vadd.f32 v1, v0;
	_ =	sdelay $0x1  }
0x2f3: {  	v34 =	vld [tilespmem:s31+$0x1380];
	[tilespmem:s31+$0xFF0] =	vst v0  }
0x2f4: {  	v35 =	vld [tilespmem:s0+$0x1380];
	_ =	sdelay $0x4  }
0x2f5: {  	v0 =	vmul.f32 v34, v13;
	v1 =	vmul.f32 v35, v14;
	_ =	sdelay $0x1  }
0x2f6: {  	v0 =	vadd.f32 v1, v0;
	_ =	sdelay $0x1  }
0x2f7: {  	v36 =	vld [tilespmem:s31+$0x1390];
	[tilespmem:s31+$0x1380] =	vst v0  }
0x2f8: {  	v37 =	vld [tilespmem:s0+$0x1390];
	_ =	sdelay $0x4  }
0x2f9: {  	v0 =	vmul.f32 v36, v13;
	v1 =	vmul.f32 v37, v14;
	_ =	sdelay $0x1  }
0x2fa: {  	v0 =	vadd.f32 v1, v0;
	_ =	sdelay $0x1  }
0x2fb: {  	v38 =	vld [tilespmem:s31+$0x13A0];
	[tilespmem:s31+$0x1390] =	vst v0  }
0x2fc: {  	v39 =	vld [tilespmem:s0+$0x13A0];
	_ =	sdelay $0x4  }
0x2fd: {  	v0 =	vmul.f32 v38, v13;
	v1 =	vmul.f32 v39, v14;
	_ =	sdelay $0x1  }
0x2fe: {  	v0 =	vadd.f32 v1, v0;
	_ =	sdelay $0x1  }
0x2ff: {  	v40 =	vld [tilespmem:s31+$0x13B0];
	[tilespmem:s31+$0x13A0] =	vst v0  }
0x300: {  	v41 =	vld [tilespmem:s0+$0x13B0];
	_ =	sdelay $0x4  }
0x301: {  	v0 =	vmul.f32 v40, v13;
	v1 =	vmul.f32 v41, v14;
	_ =	sdelay $0x1  }
0x302: {  	v0 =	vadd.f32 v1, v0;
	_ =	sdelay $0x1  }
0x303: {  	v42 =	vld [tilespmem:s31+$0x13C0];
	[tilespmem:s31+$0x13B0] =	vst v0  }
0x304: {  	v43 =	vld [tilespmem:s0+$0x13C0];
	_ =	sdelay $0x4  }
0x305: {  	v0 =	vmul.f32 v42, v13;
	v1 =	vmul.f32 v43, v14;
	_ =	sdelay $0x1  }
0x306: {  	v0 =	vadd.f32 v1, v0;
	_ =	sdelay $0x1  }
0x307: {  	v44 =	vld [tilespmem:s31+$0x13D0];
	[tilespmem:s31+$0x13C0] =	vst v0  }
0x308: {  	v45 =	vld [tilespmem:s0+$0x13D0];
	_ =	sdelay $0x4  }
0x309: {  	v0 =	vmul.f32 v44, v13;
	v1 =	vmul.f32 v45, v14;
	_ =	sdelay $0x1  }
0x30a: {  	v0 =	vadd.f32 v1, v0;
	_ =	sdelay $0x1  }
0x30b: {  	v46 =	vld [tilespmem:s31+$0x13E0];
	[tilespmem:s31+$0x13D0] =	vst v0  }
0x30c: {  	v47 =	vld [tilespmem:s0+$0x13E0];
	_ =	sdelay $0x4  }
0x30d: {  	v0 =	vmul.f32 v46, v13;
	v1 =	vmul.f32 v47, v14;
	_ =	sdelay $0x1  }
0x30e: {  	v0 =	vadd.f32 v1, v0;
	_ =	sdelay $0x1  }
0x30f: {  	v48 =	vld [tilespmem:s31+$0x13F0];
	[tilespmem:s31+$0x13E0] =	vst v0  }
0x310: {  	v49 =	vld [tilespmem:s0+$0x13F0];
	_ =	sdelay $0x4  }
0x311: {  	v0 =	vmul.f32 v48, v13;
	v1 =	vmul.f32 v49, v14;
	_ =	sdelay $0x1  }
0x312: {  	v0 =	vadd.f32 v1, v0;
	_ =	sdelay $0x1  }
0x313: {  	v50 =	vld [tilespmem:s31+$0x1780];
	[tilespmem:s31+$0x13F0] =	vst v0  }
0x314: {  	v51 =	vld [tilespmem:s0+$0x1780];
	_ =	sdelay $0x4  }
0x315: {  	v0 =	vmul.f32 v50, v13;
	v1 =	vmul.f32 v51, v14;
	_ =	sdelay $0x1  }
0x316: {  	v0 =	vadd.f32 v1, v0;
	_ =	sdelay $0x1  }
0x317: {  	v52 =	vld [tilespmem:s31+$0x1790];
	[tilespmem:s31+$0x1780] =	vst v0  }
0x318: {  	v53 =	vld [tilespmem:s0+$0x1790];
	_ =	sdelay $0x4  }
0x319: {  	v0 =	vmul.f32 v52, v13;
	v1 =	vmul.f32 v53, v14;
	_ =	sdelay $0x1  }
0x31a: {  	v0 =	vadd.f32 v1, v0;
	_ =	sdelay $0x1  }
0x31b: {  	v54 =	vld [tilespmem:s31+$0x17A0];
	[tilespmem:s31+$0x1790] =	vst v0  }
0x31c: {  	v55 =	vld [tilespmem:s0+$0x17A0];
	_ =	sdelay $0x4  }
0x31d: {  	v0 =	vmul.f32 v54, v13;
	v1 =	vmul.f32 v55, v14;
	_ =	sdelay $0x1  }
0x31e: {  	v0 =	vadd.f32 v1, v0;
	_ =	sdelay $0x1  }
0x31f: {  	v56 =	vld [tilespmem:s31+$0x17B0];
	[tilespmem:s31+$0x17A0] =	vst v0  }
0x320: {  	v57 =	vld [tilespmem:s0+$0x17B0];
	_ =	sdelay $0x4  }
0x321: {  	v0 =	vmul.f32 v56, v13;
	v1 =	vmul.f32 v57, v14;
	_ =	sdelay $0x1  }
0x322: {  	v0 =	vadd.f32 v1, v0;
	_ =	sdelay $0x1  }
0x323: {  	v58 =	vld [tilespmem:s31+$0x17C0];
	[tilespmem:s31+$0x17B0] =	vst v0  }
0x324: {  	v59 =	vld [tilespmem:s0+$0x17C0];
	_ =	sdelay $0x4  }
0x325: {  	v0 =	vmul.f32 v58, v13;
	v1 =	vmul.f32 v59, v14;
	_ =	sdelay $0x1  }
0x326: {  	v0 =	vadd.f32 v1, v0  }
0x327: {  	v15 =	vld [tilespmem:s31+$0x17F0]  }
0x328: {  	v60 =	vld [tilespmem:s31+$0x17D0];
	[tilespmem:s31+$0x17C0] =	vst v0  }
0x329: {  	v61 =	vld [tilespmem:s0+$0x17D0];
	_ =	sdelay $0x4  }
0x32a: {  	v0 =	vmul.f32 v60, v13;
	v1 =	vmul.f32 v61, v14;
	_ =	sdelay $0x1  }
0x32b: {  	v0 =	vadd.f32 v1, v0;
	_ =	sdelay $0x1  }
0x32c: {  	v62 =	vld [tilespmem:s31+$0x17E0];
	[tilespmem:s31+$0x17D0] =	vst v0  }
0x32d: {  	v63 =	vld [tilespmem:s0+$0x17E0];
	_ =	sdelay $0x4  }
0x32e: {  	v0 =	vmul.f32 v62, v13;
	v1 =	vmul.f32 v63, v14;
	_ =	sdelay $0x1  }
0x32f: {  	v0 =	vadd.f32 v1, v0;
	_ =	sdelay $0x1  }
0x330: {  	[tilespmem:s31+$0x17E0] =	vst v0  }
0x331: {  	v0 =	vld [tilespmem:s0+$0x17F0];
	_ =	sdelay $0x3  }
0x332: {  	s9 =	simm.s32 $0x0  }
0x333: {  	s22 =	simm.s32 $0x3;
	s1 =	smul.u32 $0x6000, s9;
	v15 =	vmul.f32 v15, v13;
	v16 =	vmul.f32 v0, v14  }
0x334: {  	s9 =	smul.u32 $0x6000, s22;
	s6 =	simm.s32 $0x2;
	s0 =	simm.s32 $0x80  }
.LBB2_10:
0x335: {  	p1 =	sne.s32 s6, $0x17;
	s7 =	sand.u32 $0x380, s0;
	s1 =	sshra.s32 s1, $0x2;
	v0 =	vadd.f32 v16, v15  }
0x336: {  	s1 =	sor.u32 s7, s1;
	s9 =	sshra.s32 s9, $0x2  }
0x337: {  	s9 =	sor.u32 s7, s9;
	v1 =	vld [tilespmem:s1+$0x780];
	[tilespmem:s31+$0x17F0] =	vst v0;
	s31 =	smov.u32 s1  }
0x338: {  	v0 =	vld [tilespmem:s9+$0x780]  }
0x339: {  	v2 =	vld [tilespmem:s31+$0x380]  }
0x33a: {  	v3 =	vld [tilespmem:s9+$0x380]  }
0x33b: {  	v4 =	vld [tilespmem:s31+$0x17F0];
	_ =	sdelay $0x1  }
0x33c: {  	v1 =	vmul.f32 v1, v13;
	v0 =	vmul.f32 v0, v14;
	_ =	sdelay $0x1  }
0x33d: {  	v2 =	vmul.f32 v2, v13;
	v3 =	vmul.f32 v3, v14;
	v0 =	vadd.f32 v0, v1  }
0x33e: {  	v15 =	vmul.f32 v4, v13  }
0x33f: {  	v1 =	vadd.f32 v3, v2;
	[tilespmem:s31+$0x780] =	vst v0;
	v0 =	vld [tilespmem:s31+$0x790]  }
0x340: {  	v2 =	vld [tilespmem:s9+$0x790]  }
0x341: {  	[tilespmem:s31+$0x380] =	vst v1;
	v1 =	vld [tilespmem:s31+$0x390]  }
0x342: {  	v3 =	vld [tilespmem:s9+$0x390];
	_ =	sdelay $0x2  }
0x343: {  	v0 =	vmul.f32 v0, v13;
	v2 =	vmul.f32 v2, v14;
	_ =	sdelay $0x1  }
0x344: {  	v1 =	vmul.f32 v1, v13;
	v3 =	vmul.f32 v3, v14;
	v0 =	vadd.f32 v2, v0;
	_ =	sdelay $0x1  }
0x345: {  	v1 =	vadd.f32 v3, v1;
	[tilespmem:s31+$0x790] =	vst v0;
	v0 =	vld [tilespmem:s31+$0x7A0]  }
0x346: {  	v2 =	vld [tilespmem:s9+$0x7A0]  }
0x347: {  	[tilespmem:s31+$0x390] =	vst v1;
	v1 =	vld [tilespmem:s31+$0x3A0]  }
0x348: {  	v3 =	vld [tilespmem:s9+$0x3A0];
	_ =	sdelay $0x2  }
0x349: {  	v0 =	vmul.f32 v0, v13;
	v2 =	vmul.f32 v2, v14;
	_ =	sdelay $0x1  }
0x34a: {  	v1 =	vmul.f32 v1, v13;
	v3 =	vmul.f32 v3, v14;
	v0 =	vadd.f32 v2, v0;
	_ =	sdelay $0x1  }
0x34b: {  	v1 =	vadd.f32 v3, v1;
	[tilespmem:s31+$0x7A0] =	vst v0;
	v0 =	vld [tilespmem:s31+$0x7B0]  }
0x34c: {  	v2 =	vld [tilespmem:s9+$0x7B0]  }
0x34d: {  	[tilespmem:s31+$0x3A0] =	vst v1;
	v1 =	vld [tilespmem:s31+$0x3B0]  }
0x34e: {  	v3 =	vld [tilespmem:s9+$0x3B0];
	_ =	sdelay $0x2  }
0x34f: {  	v0 =	vmul.f32 v0, v13;
	v2 =	vmul.f32 v2, v14;
	_ =	sdelay $0x1  }
0x350: {  	v1 =	vmul.f32 v1, v13;
	v3 =	vmul.f32 v3, v14;
	v0 =	vadd.f32 v2, v0;
	_ =	sdelay $0x1  }
0x351: {  	v1 =	vadd.f32 v3, v1;
	[tilespmem:s31+$0x7B0] =	vst v0;
	v0 =	vld [tilespmem:s31+$0x7C0]  }
0x352: {  	v2 =	vld [tilespmem:s9+$0x7C0]  }
0x353: {  	[tilespmem:s31+$0x3B0] =	vst v1;
	v1 =	vld [tilespmem:s31+$0x3C0]  }
0x354: {  	v3 =	vld [tilespmem:s9+$0x3C0];
	_ =	sdelay $0x2  }
0x355: {  	v0 =	vmul.f32 v0, v13;
	v2 =	vmul.f32 v2, v14;
	_ =	sdelay $0x1  }
0x356: {  	v1 =	vmul.f32 v1, v13;
	v3 =	vmul.f32 v3, v14;
	v0 =	vadd.f32 v2, v0;
	_ =	sdelay $0x1  }
0x357: {  	v1 =	vadd.f32 v3, v1;
	[tilespmem:s31+$0x7C0] =	vst v0;
	v0 =	vld [tilespmem:s31+$0x7D0]  }
0x358: {  	v2 =	vld [tilespmem:s9+$0x7D0]  }
0x359: {  	[tilespmem:s31+$0x3C0] =	vst v1;
	v1 =	vld [tilespmem:s31+$0x3D0]  }
0x35a: {  	v3 =	vld [tilespmem:s9+$0x3D0];
	_ =	sdelay $0x2  }
0x35b: {  	v0 =	vmul.f32 v0, v13;
	v2 =	vmul.f32 v2, v14;
	_ =	sdelay $0x1  }
0x35c: {  	v1 =	vmul.f32 v1, v13;
	v3 =	vmul.f32 v3, v14;
	v0 =	vadd.f32 v2, v0;
	_ =	sdelay $0x1  }
0x35d: {  	v1 =	vadd.f32 v3, v1;
	[tilespmem:s31+$0x7D0] =	vst v0;
	v0 =	vld [tilespmem:s31+$0x7E0]  }
0x35e: {  	v2 =	vld [tilespmem:s9+$0x7E0]  }
0x35f: {  	[tilespmem:s31+$0x3D0] =	vst v1;
	v1 =	vld [tilespmem:s31+$0x3E0]  }
0x360: {  	v3 =	vld [tilespmem:s9+$0x3E0];
	_ =	sdelay $0x2  }
0x361: {  	v0 =	vmul.f32 v0, v13;
	v2 =	vmul.f32 v2, v14;
	_ =	sdelay $0x1  }
0x362: {  	v1 =	vmul.f32 v1, v13;
	v3 =	vmul.f32 v3, v14;
	v0 =	vadd.f32 v2, v0;
	_ =	sdelay $0x1  }
0x363: {  	v1 =	vadd.f32 v3, v1;
	[tilespmem:s31+$0x7E0] =	vst v0;
	v0 =	vld [tilespmem:s31+$0x7F0]  }
0x364: {  	v2 =	vld [tilespmem:s9+$0x7F0]  }
0x365: {  	[tilespmem:s31+$0x3E0] =	vst v1;
	v1 =	vld [tilespmem:s31+$0x3F0]  }
0x366: {  	v3 =	vld [tilespmem:s9+$0x3F0];
	_ =	sdelay $0x3  }
0x367: {  	v0 =	vmul.f32 v0, v13;
	v2 =	vmul.f32 v2, v14  }
0x368: {  	v1 =	vmul.f32 v1, v13;
	v3 =	vmul.f32 v3, v14  }
0x369: {  	v0 =	vadd.f32 v2, v0  }
0x36a: {  	v1 =	vadd.f32 v3, v1  }
0x36b: {  	[tilespmem:s31+$0x7F0] =	vst v0  }
0x36c: {  	[tilespmem:s31+$0x3F0] =	vst v1;
	v0 =	vld [tilespmem:s31+$0xB80]  }
0x36d: {  	v1 =	vld [tilespmem:s9+$0xB80];
	_ =	sdelay $0x4  }
0x36e: {  	v0 =	vmul.f32 v0, v13;
	v1 =	vmul.f32 v1, v14;
	_ =	sdelay $0x1  }
0x36f: {  	v0 =	vadd.f32 v1, v0;
	_ =	sdelay $0x1  }
0x370: {  	[tilespmem:s31+$0xB80] =	vst v0;
	v0 =	vld [tilespmem:s31+$0xB90]  }
0x371: {  	v1 =	vld [tilespmem:s9+$0xB90];
	_ =	sdelay $0x4  }
0x372: {  	v0 =	vmul.f32 v0, v13;
	v1 =	vmul.f32 v1, v14;
	_ =	sdelay $0x1  }
0x373: {  	v0 =	vadd.f32 v1, v0;
	_ =	sdelay $0x1  }
0x374: {  	[tilespmem:s31+$0xB90] =	vst v0;
	v0 =	vld [tilespmem:s31+$0xBA0]  }
0x375: {  	v1 =	vld [tilespmem:s9+$0xBA0];
	_ =	sdelay $0x4  }
0x376: {  	v0 =	vmul.f32 v0, v13;
	v1 =	vmul.f32 v1, v14;
	_ =	sdelay $0x1  }
0x377: {  	v0 =	vadd.f32 v1, v0;
	_ =	sdelay $0x1  }
0x378: {  	[tilespmem:s31+$0xBA0] =	vst v0;
	v0 =	vld [tilespmem:s31+$0xBB0]  }
0x379: {  	v1 =	vld [tilespmem:s9+$0xBB0];
	_ =	sdelay $0x4  }
0x37a: {  	v0 =	vmul.f32 v0, v13;
	v1 =	vmul.f32 v1, v14;
	_ =	sdelay $0x1  }
0x37b: {  	v0 =	vadd.f32 v1, v0;
	_ =	sdelay $0x1  }
0x37c: {  	[tilespmem:s31+$0xBB0] =	vst v0;
	v0 =	vld [tilespmem:s31+$0xBC0]  }
0x37d: {  	v1 =	vld [tilespmem:s9+$0xBC0];
	_ =	sdelay $0x4  }
0x37e: {  	v0 =	vmul.f32 v0, v13;
	v1 =	vmul.f32 v1, v14;
	_ =	sdelay $0x1  }
0x37f: {  	v0 =	vadd.f32 v1, v0;
	_ =	sdelay $0x1  }
0x380: {  	[tilespmem:s31+$0xBC0] =	vst v0;
	v0 =	vld [tilespmem:s31+$0xBD0]  }
0x381: {  	v1 =	vld [tilespmem:s9+$0xBD0];
	_ =	sdelay $0x4  }
0x382: {  	v0 =	vmul.f32 v0, v13;
	v1 =	vmul.f32 v1, v14;
	_ =	sdelay $0x1  }
0x383: {  	v0 =	vadd.f32 v1, v0;
	_ =	sdelay $0x1  }
0x384: {  	[tilespmem:s31+$0xBD0] =	vst v0;
	v0 =	vld [tilespmem:s31+$0xBE0]  }
0x385: {  	v1 =	vld [tilespmem:s9+$0xBE0];
	_ =	sdelay $0x4  }
0x386: {  	v0 =	vmul.f32 v0, v13;
	v1 =	vmul.f32 v1, v14;
	_ =	sdelay $0x1  }
0x387: {  	v0 =	vadd.f32 v1, v0;
	_ =	sdelay $0x1  }
0x388: {  	[tilespmem:s31+$0xBE0] =	vst v0;
	v0 =	vld [tilespmem:s31+$0xBF0]  }
0x389: {  	v1 =	vld [tilespmem:s9+$0xBF0];
	_ =	sdelay $0x4  }
0x38a: {  	v0 =	vmul.f32 v0, v13;
	v1 =	vmul.f32 v1, v14;
	_ =	sdelay $0x1  }
0x38b: {  	v0 =	vadd.f32 v1, v0;
	_ =	sdelay $0x1  }
0x38c: {  	[tilespmem:s31+$0xBF0] =	vst v0;
	v0 =	vld [tilespmem:s31+$0xF80]  }
0x38d: {  	v1 =	vld [tilespmem:s9+$0xF80];
	_ =	sdelay $0x4  }
0x38e: {  	v0 =	vmul.f32 v0, v13;
	v1 =	vmul.f32 v1, v14;
	_ =	sdelay $0x1  }
0x38f: {  	v0 =	vadd.f32 v1, v0;
	_ =	sdelay $0x1  }
0x390: {  	[tilespmem:s31+$0xF80] =	vst v0;
	v0 =	vld [tilespmem:s31+$0xF90]  }
0x391: {  	v1 =	vld [tilespmem:s9+$0xF90];
	_ =	sdelay $0x4  }
0x392: {  	v0 =	vmul.f32 v0, v13;
	v1 =	vmul.f32 v1, v14;
	_ =	sdelay $0x1  }
0x393: {  	v0 =	vadd.f32 v1, v0;
	_ =	sdelay $0x1  }
0x394: {  	[tilespmem:s31+$0xF90] =	vst v0;
	v0 =	vld [tilespmem:s31+$0xFA0]  }
0x395: {  	v1 =	vld [tilespmem:s9+$0xFA0];
	_ =	sdelay $0x4  }
0x396: {  	v0 =	vmul.f32 v0, v13;
	v1 =	vmul.f32 v1, v14;
	_ =	sdelay $0x1  }
0x397: {  	v0 =	vadd.f32 v1, v0;
	_ =	sdelay $0x1  }
0x398: {  	[tilespmem:s31+$0xFA0] =	vst v0;
	v0 =	vld [tilespmem:s31+$0xFB0]  }
0x399: {  	v1 =	vld [tilespmem:s9+$0xFB0];
	_ =	sdelay $0x4  }
0x39a: {  	v0 =	vmul.f32 v0, v13;
	v1 =	vmul.f32 v1, v14;
	_ =	sdelay $0x1  }
0x39b: {  	v0 =	vadd.f32 v1, v0;
	_ =	sdelay $0x1  }
0x39c: {  	[tilespmem:s31+$0xFB0] =	vst v0;
	v0 =	vld [tilespmem:s31+$0xFC0]  }
0x39d: {  	v1 =	vld [tilespmem:s9+$0xFC0];
	_ =	sdelay $0x4  }
0x39e: {  	v0 =	vmul.f32 v0, v13;
	v1 =	vmul.f32 v1, v14;
	_ =	sdelay $0x1  }
0x39f: {  	v0 =	vadd.f32 v1, v0;
	_ =	sdelay $0x1  }
0x3a0: {  	[tilespmem:s31+$0xFC0] =	vst v0;
	v0 =	vld [tilespmem:s31+$0xFD0]  }
0x3a1: {  	v1 =	vld [tilespmem:s9+$0xFD0];
	_ =	sdelay $0x4  }
0x3a2: {  	v0 =	vmul.f32 v0, v13;
	v1 =	vmul.f32 v1, v14;
	_ =	sdelay $0x1  }
0x3a3: {  	v0 =	vadd.f32 v1, v0;
	_ =	sdelay $0x1  }
0x3a4: {  	[tilespmem:s31+$0xFD0] =	vst v0;
	v0 =	vld [tilespmem:s31+$0xFE0]  }
0x3a5: {  	v1 =	vld [tilespmem:s9+$0xFE0];
	_ =	sdelay $0x4  }
0x3a6: {  	v0 =	vmul.f32 v0, v13;
	v1 =	vmul.f32 v1, v14;
	_ =	sdelay $0x1  }
0x3a7: {  	v0 =	vadd.f32 v1, v0;
	_ =	sdelay $0x1  }
0x3a8: {  	[tilespmem:s31+$0xFE0] =	vst v0;
	v0 =	vld [tilespmem:s31+$0xFF0]  }
0x3a9: {  	v1 =	vld [tilespmem:s9+$0xFF0];
	_ =	sdelay $0x4  }
0x3aa: {  	v0 =	vmul.f32 v0, v13;
	v1 =	vmul.f32 v1, v14;
	_ =	sdelay $0x1  }
0x3ab: {  	v0 =	vadd.f32 v1, v0;
	_ =	sdelay $0x1  }
0x3ac: {  	[tilespmem:s31+$0xFF0] =	vst v0;
	v0 =	vld [tilespmem:s31+$0x1380]  }
0x3ad: {  	v1 =	vld [tilespmem:s9+$0x1380];
	_ =	sdelay $0x4  }
0x3ae: {  	v0 =	vmul.f32 v0, v13;
	v1 =	vmul.f32 v1, v14;
	_ =	sdelay $0x1  }
0x3af: {  	v0 =	vadd.f32 v1, v0;
	_ =	sdelay $0x1  }
0x3b0: {  	[tilespmem:s31+$0x1380] =	vst v0;
	v0 =	vld [tilespmem:s31+$0x1390]  }
0x3b1: {  	v1 =	vld [tilespmem:s9+$0x1390];
	_ =	sdelay $0x4  }
0x3b2: {  	v0 =	vmul.f32 v0, v13;
	v1 =	vmul.f32 v1, v14;
	_ =	sdelay $0x1  }
0x3b3: {  	v0 =	vadd.f32 v1, v0;
	_ =	sdelay $0x1  }
0x3b4: {  	[tilespmem:s31+$0x1390] =	vst v0;
	v0 =	vld [tilespmem:s31+$0x13A0]  }
0x3b5: {  	v1 =	vld [tilespmem:s9+$0x13A0];
	_ =	sdelay $0x4  }
0x3b6: {  	v0 =	vmul.f32 v0, v13;
	v1 =	vmul.f32 v1, v14;
	_ =	sdelay $0x1  }
0x3b7: {  	v0 =	vadd.f32 v1, v0;
	_ =	sdelay $0x1  }
0x3b8: {  	[tilespmem:s31+$0x13A0] =	vst v0;
	v0 =	vld [tilespmem:s31+$0x13B0]  }
0x3b9: {  	v1 =	vld [tilespmem:s9+$0x13B0];
	_ =	sdelay $0x4  }
0x3ba: {  	v0 =	vmul.f32 v0, v13;
	v1 =	vmul.f32 v1, v14;
	_ =	sdelay $0x1  }
0x3bb: {  	v0 =	vadd.f32 v1, v0;
	_ =	sdelay $0x1  }
0x3bc: {  	[tilespmem:s31+$0x13B0] =	vst v0;
	v0 =	vld [tilespmem:s31+$0x13C0]  }
0x3bd: {  	v1 =	vld [tilespmem:s9+$0x13C0];
	_ =	sdelay $0x4  }
0x3be: {  	v0 =	vmul.f32 v0, v13;
	v1 =	vmul.f32 v1, v14;
	_ =	sdelay $0x1  }
0x3bf: {  	v0 =	vadd.f32 v1, v0;
	_ =	sdelay $0x1  }
0x3c0: {  	[tilespmem:s31+$0x13C0] =	vst v0;
	v0 =	vld [tilespmem:s31+$0x13D0]  }
0x3c1: {  	v1 =	vld [tilespmem:s9+$0x13D0];
	_ =	sdelay $0x4  }
0x3c2: {  	v0 =	vmul.f32 v0, v13;
	v1 =	vmul.f32 v1, v14;
	_ =	sdelay $0x1  }
0x3c3: {  	v0 =	vadd.f32 v1, v0;
	_ =	sdelay $0x1  }
0x3c4: {  	[tilespmem:s31+$0x13D0] =	vst v0;
	v0 =	vld [tilespmem:s31+$0x13E0]  }
0x3c5: {  	v1 =	vld [tilespmem:s9+$0x13E0];
	_ =	sdelay $0x4  }
0x3c6: {  	v0 =	vmul.f32 v0, v13;
	v1 =	vmul.f32 v1, v14;
	_ =	sdelay $0x1  }
0x3c7: {  	v0 =	vadd.f32 v1, v0;
	_ =	sdelay $0x1  }
0x3c8: {  	[tilespmem:s31+$0x13E0] =	vst v0;
	v0 =	vld [tilespmem:s31+$0x13F0]  }
0x3c9: {  	v1 =	vld [tilespmem:s9+$0x13F0];
	_ =	sdelay $0x4  }
0x3ca: {  	v0 =	vmul.f32 v0, v13;
	v1 =	vmul.f32 v1, v14;
	_ =	sdelay $0x1  }
0x3cb: {  	v0 =	vadd.f32 v1, v0;
	_ =	sdelay $0x1  }
0x3cc: {  	[tilespmem:s31+$0x13F0] =	vst v0;
	v0 =	vld [tilespmem:s31+$0x1780]  }
0x3cd: {  	v1 =	vld [tilespmem:s9+$0x1780];
	_ =	sdelay $0x4  }
0x3ce: {  	v0 =	vmul.f32 v0, v13;
	v1 =	vmul.f32 v1, v14;
	_ =	sdelay $0x1  }
0x3cf: {  	v0 =	vadd.f32 v1, v0;
	_ =	sdelay $0x1  }
0x3d0: {  	[tilespmem:s31+$0x1780] =	vst v0;
	v0 =	vld [tilespmem:s31+$0x1790]  }
0x3d1: {  	v1 =	vld [tilespmem:s9+$0x1790];
	_ =	sdelay $0x4  }
0x3d2: {  	v0 =	vmul.f32 v0, v13;
	v1 =	vmul.f32 v1, v14;
	_ =	sdelay $0x1  }
0x3d3: {  	v0 =	vadd.f32 v1, v0;
	_ =	sdelay $0x1  }
0x3d4: {  	[tilespmem:s31+$0x1790] =	vst v0;
	v0 =	vld [tilespmem:s31+$0x17A0]  }
0x3d5: {  	v1 =	vld [tilespmem:s9+$0x17A0];
	_ =	sdelay $0x4  }
0x3d6: {  	v0 =	vmul.f32 v0, v13;
	v1 =	vmul.f32 v1, v14;
	_ =	sdelay $0x1  }
0x3d7: {  	v0 =	vadd.f32 v1, v0;
	_ =	sdelay $0x1  }
0x3d8: {  	[tilespmem:s31+$0x17A0] =	vst v0;
	v0 =	vld [tilespmem:s31+$0x17B0]  }
0x3d9: {  	v1 =	vld [tilespmem:s9+$0x17B0];
	_ =	sdelay $0x4  }
0x3da: {  	v0 =	vmul.f32 v0, v13;
	v1 =	vmul.f32 v1, v14;
	_ =	sdelay $0x1  }
0x3db: {  	v0 =	vadd.f32 v1, v0;
	_ =	sdelay $0x1  }
0x3dc: {  	[tilespmem:s31+$0x17B0] =	vst v0;
	v0 =	vld [tilespmem:s31+$0x17C0]  }
0x3dd: {  	v1 =	vld [tilespmem:s9+$0x17C0];
	_ =	sdelay $0x4  }
0x3de: {  	v0 =	vmul.f32 v0, v13;
	v1 =	vmul.f32 v1, v14;
	_ =	sdelay $0x1  }
0x3df: {  	v0 =	vadd.f32 v1, v0;
	_ =	sdelay $0x1  }
0x3e0: {  	[tilespmem:s31+$0x17C0] =	vst v0;
	v0 =	vld [tilespmem:s31+$0x17D0]  }
0x3e1: {  	v1 =	vld [tilespmem:s9+$0x17D0];
	_ =	sdelay $0x4  }
0x3e2: {  	v0 =	vmul.f32 v0, v13;
	v1 =	vmul.f32 v1, v14;
	_ =	sdelay $0x1  }
0x3e3: {  	v0 =	vadd.f32 v1, v0;
	_ =	sdelay $0x1  }
0x3e4: {  	[tilespmem:s31+$0x17D0] =	vst v0;
	v0 =	vld [tilespmem:s31+$0x17E0]  }
0x3e5: {  	v1 =	vld [tilespmem:s9+$0x17E0];
	_ =	sdelay $0x4  }
0x3e6: {  	v0 =	vmul.f32 v0, v13;
	v1 =	vmul.f32 v1, v14;
	_ =	sdelay $0x1  }
0x3e7: {  	v0 =	vadd.f32 v1, v0;
	_ =	sdelay $0x1  }
0x3e8: {  	[tilespmem:s31+$0x17E0] =	vst v0  }
0x3e9: {  	v0 =	vld [tilespmem:s9+$0x17F0];
	_ =	sdelay $0x1  }
.Ltmp6:
0x3ea: {  	(pc) =	sbr.rel @p1 .LBB2_10-.Ltmp6, $4  }
0x3eb: {  	_ = 	snop  }
0x3ec: {  	s1 =	sshrl.u32 s6, $0x3;
	s7 =	sadd.s32 $0x18, s6  }
0x3ed: {  	s1 =	smul.u32 $0x6000, s1;
	s7 =	sshrl.u32 s7, $0x3;
	v16 =	vmul.f32 v0, v14  }
0x3ee: {  	s0 =	sadd.s32 $0x80, s0;
	s6 =	sadd.s32 $0x1, s6;
	s9 =	smul.u32 $0x6000, s7  }
0x3ef: {  	s6 =	sand.u32 $0x380, s0;
	s7 =	sshra.s32 s1, $0x2;
	v0 =	vadd.f32 v16, v15  }
0x3f0: {  	s0 =	sor.u32 s6, s7;
	s22 =	sshra.s32 s9, $0x2  }
0x3f1: {  	v1 =	vld [tilespmem:s0+$0x780];
	s6 =	sor.u32 s6, s22;
	[tilespmem:s31+$0x17F0] =	vst v0  }
0x3f2: {  	v0 =	vld [tilespmem:s6+$0x780]  }
0x3f3: {  	v2 =	vld [tilespmem:s0+$0x380]  }
0x3f4: {  	v3 =	vld [tilespmem:s6+$0x380];
	_ =	sdelay $0x3  }
0x3f5: {  	v1 =	vmul.f32 v1, v13;
	v0 =	vmul.f32 v0, v14  }
0x3f6: {  	v2 =	vmul.f32 v2, v13;
	v3 =	vmul.f32 v3, v14  }
0x3f7: {  	v0 =	vadd.f32 v0, v1  }
0x3f8: {  	v24 =	vld [tilespmem:s0+$0x790];
	v23 =	vadd.f32 v3, v2  }
0x3f9: {  	v26 =	vld [tilespmem:s0+$0x390];
	[tilespmem:s0+$0x780] =	vst v0  }
0x3fa: {  	[tilespmem:s0+$0x380] =	vst v23;
	v25 =	vld [tilespmem:s6+$0x790]  }
0x3fb: {  	v27 =	vld [tilespmem:s6+$0x390];
	_ =	sdelay $0x3  }
0x3fc: {  	v0 =	vmul.f32 v24, v13;
	v2 =	vmul.f32 v25, v14  }
0x3fd: {  	v1 =	vmul.f32 v26, v13;
	v3 =	vmul.f32 v27, v14  }
0x3fe: {  	v0 =	vadd.f32 v2, v0  }
0x3ff: {  	v28 =	vld [tilespmem:s0+$0x7A0];
	v1 =	vadd.f32 v3, v1  }
0x400: {  	v30 =	vld [tilespmem:s0+$0x3A0];
	[tilespmem:s0+$0x790] =	vst v0  }
0x401: {  	[tilespmem:s0+$0x390] =	vst v1;
	v29 =	vld [tilespmem:s6+$0x7A0]  }
0x402: {  	v31 =	vld [tilespmem:s6+$0x3A0];
	_ =	sdelay $0x3  }
0x403: {  	v0 =	vmul.f32 v28, v13;
	v2 =	vmul.f32 v29, v14  }
0x404: {  	v1 =	vmul.f32 v30, v13;
	v3 =	vmul.f32 v31, v14  }
0x405: {  	v0 =	vadd.f32 v2, v0  }
0x406: {  	v32 =	vld [tilespmem:s0+$0x7B0];
	v1 =	vadd.f32 v3, v1  }
0x407: {  	v34 =	vld [tilespmem:s0+$0x3B0];
	[tilespmem:s0+$0x7A0] =	vst v0  }
0x408: {  	[tilespmem:s0+$0x3A0] =	vst v1;
	v33 =	vld [tilespmem:s6+$0x7B0]  }
0x409: {  	v35 =	vld [tilespmem:s6+$0x3B0];
	_ =	sdelay $0x3  }
0x40a: {  	v0 =	vmul.f32 v32, v13;
	v2 =	vmul.f32 v33, v14  }
0x40b: {  	v1 =	vmul.f32 v34, v13;
	v3 =	vmul.f32 v35, v14  }
0x40c: {  	v0 =	vadd.f32 v2, v0  }
0x40d: {  	v36 =	vld [tilespmem:s0+$0x7C0];
	v1 =	vadd.f32 v3, v1  }
0x40e: {  	v38 =	vld [tilespmem:s0+$0x3C0];
	[tilespmem:s0+$0x7B0] =	vst v0  }
0x40f: {  	[tilespmem:s0+$0x3B0] =	vst v1;
	v37 =	vld [tilespmem:s6+$0x7C0]  }
0x410: {  	v39 =	vld [tilespmem:s6+$0x3C0];
	_ =	sdelay $0x3  }
0x411: {  	v0 =	vmul.f32 v36, v13;
	v2 =	vmul.f32 v37, v14  }
0x412: {  	v1 =	vmul.f32 v38, v13;
	v3 =	vmul.f32 v39, v14  }
0x413: {  	v0 =	vadd.f32 v2, v0  }
0x414: {  	v40 =	vld [tilespmem:s0+$0x7D0];
	v1 =	vadd.f32 v3, v1  }
0x415: {  	v42 =	vld [tilespmem:s0+$0x3D0];
	[tilespmem:s0+$0x7C0] =	vst v0  }
0x416: {  	[tilespmem:s0+$0x3C0] =	vst v1;
	v41 =	vld [tilespmem:s6+$0x7D0]  }
0x417: {  	v43 =	vld [tilespmem:s6+$0x3D0];
	_ =	sdelay $0x3  }
0x418: {  	v0 =	vmul.f32 v40, v13;
	v2 =	vmul.f32 v41, v14  }
0x419: {  	v1 =	vmul.f32 v42, v13;
	v3 =	vmul.f32 v43, v14  }
0x41a: {  	v0 =	vadd.f32 v2, v0  }
0x41b: {  	v44 =	vld [tilespmem:s0+$0x7E0];
	v1 =	vadd.f32 v3, v1  }
0x41c: {  	v46 =	vld [tilespmem:s0+$0x3E0];
	[tilespmem:s0+$0x7D0] =	vst v0  }
0x41d: {  	[tilespmem:s0+$0x3D0] =	vst v1;
	v45 =	vld [tilespmem:s6+$0x7E0]  }
0x41e: {  	v47 =	vld [tilespmem:s6+$0x3E0];
	_ =	sdelay $0x3  }
0x41f: {  	v0 =	vmul.f32 v44, v13;
	v2 =	vmul.f32 v45, v14  }
0x420: {  	v1 =	vmul.f32 v46, v13;
	v3 =	vmul.f32 v47, v14  }
0x421: {  	v0 =	vadd.f32 v2, v0  }
0x422: {  	v48 =	vld [tilespmem:s0+$0x7F0];
	v1 =	vadd.f32 v3, v1  }
0x423: {  	v50 =	vld [tilespmem:s0+$0x3F0];
	[tilespmem:s0+$0x7E0] =	vst v0  }
0x424: {  	[tilespmem:s0+$0x3E0] =	vst v1;
	v49 =	vld [tilespmem:s6+$0x7F0]  }
0x425: {  	v51 =	vld [tilespmem:s6+$0x3F0];
	_ =	sdelay $0x3  }
0x426: {  	v0 =	vmul.f32 v48, v13;
	v2 =	vmul.f32 v49, v14  }
0x427: {  	v1 =	vmul.f32 v50, v13;
	v3 =	vmul.f32 v51, v14  }
0x428: {  	v0 =	vadd.f32 v2, v0  }
0x429: {  	v1 =	vadd.f32 v3, v1  }
0x42a: {  	[tilespmem:s0+$0x7F0] =	vst v0  }
0x42b: {  	v52 =	vld [tilespmem:s0+$0xB80];
	[tilespmem:s0+$0x3F0] =	vst v1  }
0x42c: {  	v1 =	vld [tilespmem:s6+$0xB80];
	_ =	sdelay $0x4  }
0x42d: {  	v0 =	vmul.f32 v52, v13;
	v1 =	vmul.f32 v1, v14;
	_ =	sdelay $0x1  }
0x42e: {  	v0 =	vadd.f32 v1, v0;
	_ =	sdelay $0x1  }
0x42f: {  	v53 =	vld [tilespmem:s0+$0xB90];
	[tilespmem:s0+$0xB80] =	vst v0  }
0x430: {  	v54 =	vld [tilespmem:s6+$0xB90];
	_ =	sdelay $0x4  }
0x431: {  	v0 =	vmul.f32 v53, v13;
	v1 =	vmul.f32 v54, v14;
	_ =	sdelay $0x1  }
0x432: {  	v0 =	vadd.f32 v1, v0;
	_ =	sdelay $0x1  }
0x433: {  	v55 =	vld [tilespmem:s0+$0xBA0];
	[tilespmem:s0+$0xB90] =	vst v0  }
0x434: {  	v56 =	vld [tilespmem:s6+$0xBA0];
	_ =	sdelay $0x4  }
0x435: {  	v0 =	vmul.f32 v55, v13;
	v1 =	vmul.f32 v56, v14;
	_ =	sdelay $0x1  }
0x436: {  	v0 =	vadd.f32 v1, v0;
	_ =	sdelay $0x1  }
0x437: {  	v57 =	vld [tilespmem:s0+$0xBB0];
	[tilespmem:s0+$0xBA0] =	vst v0  }
0x438: {  	v58 =	vld [tilespmem:s6+$0xBB0];
	_ =	sdelay $0x4  }
0x439: {  	v0 =	vmul.f32 v57, v13;
	v1 =	vmul.f32 v58, v14;
	_ =	sdelay $0x1  }
0x43a: {  	v0 =	vadd.f32 v1, v0;
	_ =	sdelay $0x1  }
0x43b: {  	v59 =	vld [tilespmem:s0+$0xBC0];
	[tilespmem:s0+$0xBB0] =	vst v0  }
0x43c: {  	v60 =	vld [tilespmem:s6+$0xBC0];
	_ =	sdelay $0x4  }
0x43d: {  	v0 =	vmul.f32 v59, v13;
	v1 =	vmul.f32 v60, v14;
	_ =	sdelay $0x1  }
0x43e: {  	v0 =	vadd.f32 v1, v0;
	_ =	sdelay $0x1  }
0x43f: {  	v61 =	vld [tilespmem:s0+$0xBD0];
	[tilespmem:s0+$0xBC0] =	vst v0  }
0x440: {  	v62 =	vld [tilespmem:s6+$0xBD0];
	_ =	sdelay $0x4  }
0x441: {  	v0 =	vmul.f32 v61, v13;
	v1 =	vmul.f32 v62, v14;
	_ =	sdelay $0x1  }
0x442: {  	v0 =	vadd.f32 v1, v0;
	_ =	sdelay $0x1  }
0x443: {  	v63 =	vld [tilespmem:s0+$0xBE0];
	[tilespmem:s0+$0xBD0] =	vst v0  }
0x444: {  	v4 =	vld [tilespmem:s6+$0xBE0];
	_ =	sdelay $0x4  }
0x445: {  	v0 =	vmul.f32 v63, v13;
	v1 =	vmul.f32 v4, v14;
	_ =	sdelay $0x1  }
0x446: {  	v0 =	vadd.f32 v1, v0;
	_ =	sdelay $0x1  }
0x447: {  	v5 =	vld [tilespmem:s0+$0xBF0];
	[tilespmem:s0+$0xBE0] =	vst v0  }
0x448: {  	v6 =	vld [tilespmem:s6+$0xBF0];
	_ =	sdelay $0x4  }
0x449: {  	v0 =	vmul.f32 v5, v13;
	v1 =	vmul.f32 v6, v14;
	_ =	sdelay $0x1  }
0x44a: {  	v0 =	vadd.f32 v1, v0;
	_ =	sdelay $0x1  }
0x44b: {  	v7 =	vld [tilespmem:s0+$0xF80];
	[tilespmem:s0+$0xBF0] =	vst v0  }
0x44c: {  	v16 =	vld [tilespmem:s6+$0xF80];
	_ =	sdelay $0x4  }
0x44d: {  	v0 =	vmul.f32 v7, v13;
	v1 =	vmul.f32 v16, v14;
	_ =	sdelay $0x1  }
0x44e: {  	v0 =	vadd.f32 v1, v0;
	_ =	sdelay $0x1  }
0x44f: {  	v17 =	vld [tilespmem:s0+$0xF90];
	[tilespmem:s0+$0xF80] =	vst v0  }
0x450: {  	v18 =	vld [tilespmem:s6+$0xF90];
	_ =	sdelay $0x4  }
0x451: {  	v0 =	vmul.f32 v17, v13;
	v1 =	vmul.f32 v18, v14;
	_ =	sdelay $0x1  }
0x452: {  	v0 =	vadd.f32 v1, v0;
	_ =	sdelay $0x1  }
0x453: {  	v19 =	vld [tilespmem:s0+$0xFA0];
	[tilespmem:s0+$0xF90] =	vst v0  }
0x454: {  	v20 =	vld [tilespmem:s6+$0xFA0];
	_ =	sdelay $0x4  }
0x455: {  	v0 =	vmul.f32 v19, v13;
	v1 =	vmul.f32 v20, v14;
	_ =	sdelay $0x1  }
0x456: {  	v0 =	vadd.f32 v1, v0;
	_ =	sdelay $0x1  }
0x457: {  	v21 =	vld [tilespmem:s0+$0xFB0];
	[tilespmem:s0+$0xFA0] =	vst v0  }
0x458: {  	v22 =	vld [tilespmem:s6+$0xFB0];
	_ =	sdelay $0x4  }
0x459: {  	v0 =	vmul.f32 v21, v13;
	v1 =	vmul.f32 v22, v14;
	_ =	sdelay $0x1  }
0x45a: {  	v0 =	vadd.f32 v1, v0;
	_ =	sdelay $0x1  }
0x45b: {  	v23 =	vld [tilespmem:s0+$0xFC0];
	[tilespmem:s0+$0xFB0] =	vst v0  }
0x45c: {  	v24 =	vld [tilespmem:s6+$0xFC0];
	_ =	sdelay $0x4  }
0x45d: {  	v0 =	vmul.f32 v23, v13;
	v1 =	vmul.f32 v24, v14;
	_ =	sdelay $0x1  }
0x45e: {  	v0 =	vadd.f32 v1, v0;
	_ =	sdelay $0x1  }
0x45f: {  	v25 =	vld [tilespmem:s0+$0xFD0];
	[tilespmem:s0+$0xFC0] =	vst v0  }
0x460: {  	v26 =	vld [tilespmem:s6+$0xFD0];
	_ =	sdelay $0x4  }
0x461: {  	v0 =	vmul.f32 v25, v13;
	v1 =	vmul.f32 v26, v14;
	_ =	sdelay $0x1  }
0x462: {  	v0 =	vadd.f32 v1, v0;
	_ =	sdelay $0x1  }
0x463: {  	v27 =	vld [tilespmem:s0+$0xFE0];
	[tilespmem:s0+$0xFD0] =	vst v0  }
0x464: {  	v28 =	vld [tilespmem:s6+$0xFE0];
	_ =	sdelay $0x4  }
0x465: {  	v0 =	vmul.f32 v27, v13;
	v1 =	vmul.f32 v28, v14;
	_ =	sdelay $0x1  }
0x466: {  	v0 =	vadd.f32 v1, v0;
	_ =	sdelay $0x1  }
0x467: {  	v29 =	vld [tilespmem:s0+$0xFF0];
	[tilespmem:s0+$0xFE0] =	vst v0  }
0x468: {  	v30 =	vld [tilespmem:s6+$0xFF0];
	_ =	sdelay $0x4  }
0x469: {  	v0 =	vmul.f32 v29, v13;
	v1 =	vmul.f32 v30, v14;
	_ =	sdelay $0x1  }
0x46a: {  	v0 =	vadd.f32 v1, v0;
	_ =	sdelay $0x1  }
0x46b: {  	v31 =	vld [tilespmem:s0+$0x1380];
	[tilespmem:s0+$0xFF0] =	vst v0  }
0x46c: {  	v32 =	vld [tilespmem:s6+$0x1380];
	_ =	sdelay $0x4  }
0x46d: {  	v0 =	vmul.f32 v31, v13;
	v1 =	vmul.f32 v32, v14;
	_ =	sdelay $0x1  }
0x46e: {  	v0 =	vadd.f32 v1, v0;
	_ =	sdelay $0x1  }
0x46f: {  	v33 =	vld [tilespmem:s0+$0x1390];
	[tilespmem:s0+$0x1380] =	vst v0  }
0x470: {  	v34 =	vld [tilespmem:s6+$0x1390];
	_ =	sdelay $0x4  }
0x471: {  	v0 =	vmul.f32 v33, v13;
	v1 =	vmul.f32 v34, v14;
	_ =	sdelay $0x1  }
0x472: {  	v0 =	vadd.f32 v1, v0;
	_ =	sdelay $0x1  }
0x473: {  	v35 =	vld [tilespmem:s0+$0x13A0];
	[tilespmem:s0+$0x1390] =	vst v0  }
0x474: {  	v36 =	vld [tilespmem:s6+$0x13A0];
	_ =	sdelay $0x4  }
0x475: {  	v0 =	vmul.f32 v35, v13;
	v1 =	vmul.f32 v36, v14;
	_ =	sdelay $0x1  }
0x476: {  	v0 =	vadd.f32 v1, v0;
	_ =	sdelay $0x1  }
0x477: {  	v37 =	vld [tilespmem:s0+$0x13B0];
	[tilespmem:s0+$0x13A0] =	vst v0  }
0x478: {  	v38 =	vld [tilespmem:s6+$0x13B0];
	_ =	sdelay $0x4  }
0x479: {  	v0 =	vmul.f32 v37, v13;
	v1 =	vmul.f32 v38, v14;
	_ =	sdelay $0x1  }
0x47a: {  	v0 =	vadd.f32 v1, v0;
	_ =	sdelay $0x1  }
0x47b: {  	v39 =	vld [tilespmem:s0+$0x13C0];
	[tilespmem:s0+$0x13B0] =	vst v0  }
0x47c: {  	v40 =	vld [tilespmem:s6+$0x13C0];
	_ =	sdelay $0x4  }
0x47d: {  	v0 =	vmul.f32 v39, v13;
	v1 =	vmul.f32 v40, v14;
	_ =	sdelay $0x1  }
0x47e: {  	v0 =	vadd.f32 v1, v0;
	_ =	sdelay $0x1  }
0x47f: {  	v41 =	vld [tilespmem:s0+$0x13D0];
	[tilespmem:s0+$0x13C0] =	vst v0  }
0x480: {  	v42 =	vld [tilespmem:s6+$0x13D0];
	_ =	sdelay $0x4  }
0x481: {  	v0 =	vmul.f32 v41, v13;
	v1 =	vmul.f32 v42, v14;
	_ =	sdelay $0x1  }
0x482: {  	v0 =	vadd.f32 v1, v0;
	_ =	sdelay $0x1  }
0x483: {  	v43 =	vld [tilespmem:s0+$0x13E0];
	[tilespmem:s0+$0x13D0] =	vst v0  }
0x484: {  	v44 =	vld [tilespmem:s6+$0x13E0];
	_ =	sdelay $0x4  }
0x485: {  	v0 =	vmul.f32 v43, v13;
	v1 =	vmul.f32 v44, v14;
	_ =	sdelay $0x1  }
0x486: {  	v0 =	vadd.f32 v1, v0;
	_ =	sdelay $0x1  }
0x487: {  	v45 =	vld [tilespmem:s0+$0x13F0];
	[tilespmem:s0+$0x13E0] =	vst v0  }
0x488: {  	v46 =	vld [tilespmem:s6+$0x13F0];
	_ =	sdelay $0x4  }
0x489: {  	v0 =	vmul.f32 v45, v13;
	v1 =	vmul.f32 v46, v14;
	_ =	sdelay $0x1  }
0x48a: {  	v0 =	vadd.f32 v1, v0;
	_ =	sdelay $0x1  }
0x48b: {  	v47 =	vld [tilespmem:s0+$0x1780];
	[tilespmem:s0+$0x13F0] =	vst v0  }
0x48c: {  	v48 =	vld [tilespmem:s6+$0x1780];
	_ =	sdelay $0x4  }
0x48d: {  	v0 =	vmul.f32 v47, v13;
	v1 =	vmul.f32 v48, v14;
	_ =	sdelay $0x1  }
0x48e: {  	v0 =	vadd.f32 v1, v0;
	_ =	sdelay $0x1  }
0x48f: {  	v49 =	vld [tilespmem:s0+$0x1790];
	[tilespmem:s0+$0x1780] =	vst v0  }
0x490: {  	v50 =	vld [tilespmem:s6+$0x1790];
	_ =	sdelay $0x4  }
0x491: {  	v0 =	vmul.f32 v49, v13;
	v1 =	vmul.f32 v50, v14;
	_ =	sdelay $0x1  }
0x492: {  	v0 =	vadd.f32 v1, v0;
	_ =	sdelay $0x1  }
0x493: {  	v51 =	vld [tilespmem:s0+$0x17A0];
	[tilespmem:s0+$0x1790] =	vst v0  }
0x494: {  	v52 =	vld [tilespmem:s6+$0x17A0];
	_ =	sdelay $0x4  }
0x495: {  	v0 =	vmul.f32 v51, v13;
	v1 =	vmul.f32 v52, v14;
	_ =	sdelay $0x1  }
0x496: {  	v0 =	vadd.f32 v1, v0;
	_ =	sdelay $0x1  }
0x497: {  	v53 =	vld [tilespmem:s0+$0x17B0];
	[tilespmem:s0+$0x17A0] =	vst v0  }
0x498: {  	v54 =	vld [tilespmem:s6+$0x17B0];
	_ =	sdelay $0x4  }
0x499: {  	v0 =	vmul.f32 v53, v13;
	v1 =	vmul.f32 v54, v14;
	_ =	sdelay $0x1  }
0x49a: {  	v0 =	vadd.f32 v1, v0;
	_ =	sdelay $0x1  }
0x49b: {  	v55 =	vld [tilespmem:s0+$0x17C0];
	[tilespmem:s0+$0x17B0] =	vst v0  }
0x49c: {  	v56 =	vld [tilespmem:s6+$0x17C0];
	_ =	sdelay $0x4  }
0x49d: {  	v0 =	vmul.f32 v55, v13;
	v1 =	vmul.f32 v56, v14;
	_ =	sdelay $0x1  }
0x49e: {  	v0 =	vadd.f32 v1, v0;
	_ =	sdelay $0x1  }
0x49f: {  	v57 =	vld [tilespmem:s0+$0x17D0];
	[tilespmem:s0+$0x17C0] =	vst v0  }
0x4a0: {  	v58 =	vld [tilespmem:s6+$0x17D0];
	_ =	sdelay $0x4  }
0x4a1: {  	v0 =	vmul.f32 v57, v13;
	v1 =	vmul.f32 v58, v14;
	_ =	sdelay $0x1  }
0x4a2: {  	v0 =	vadd.f32 v1, v0;
	_ =	sdelay $0x1  }
0x4a3: {  	v59 =	vld [tilespmem:s0+$0x17E0];
	[tilespmem:s0+$0x17D0] =	vst v0  }
0x4a4: {  	v60 =	vld [tilespmem:s6+$0x17E0];
	_ =	sdelay $0x4  }
0x4a5: {  	v0 =	vmul.f32 v59, v13;
	v1 =	vmul.f32 v60, v14;
	_ =	sdelay $0x1  }
0x4a6: {  	v0 =	vadd.f32 v1, v0;
	_ =	sdelay $0x1  }
0x4a7: {  	v61 =	vld [tilespmem:s0+$0x17F0];
	[tilespmem:s0+$0x17E0] =	vst v0  }
0x4a8: {  	v0 =	vld [tilespmem:s6+$0x17F0];
	_ =	sdelay $0x4  }
0x4a9: {  	v1 =	vmul.f32 v61, v13;
	v0 =	vmul.f32 v0, v14;
	_ =	sdelay $0x1  }
0x4aa: {  	v0 =	vadd.f32 v0, v1;
	_ =	sdelay $0x1  }
0x4ab: {  	[tilespmem:s0+$0x17F0] =	vst v0  }
0x4ac: {  	v0 =	vld [tilespmem:$0x9400];
	_ =	sdelay $0x4  }
0x4ad: {  	v62 =	vshrl.u32 v0, $0x3  }
0x4ae: {  	v1 =	vmul.u32 $0x30, v62  }
0x4af: {  	v0 =	vand.u32 $0x7, v0  }
0x4b0: {  	v0 =	vor.u32 v0, v1  }
0x4b1: {  	v1 =	vperm.xlane v0, v10;
	_ =	sdelay $0x1  }
0x4b2: {  	v1 =	vadd.s32 v11, v1;
	_ =	sdelay $0x3  }
0x4b3: {  	s0 =	simm.s32 $0x0;
	v0 =	vperm.xlane v0, v8  }
0x4b4: {  	[hbm4b:s4+s0] =	stream.indirect_vreg.scatter [tilespmem:s25], [sflag:$0x2], $0x80, v1, vm0, $0xb8;
	[tilespmem:$0x9A80] =	vst v63  }
0x4b5: {  	v0 =	vadd.s32 v11, v0  }
0x4b6: {  	[hbm4b:s19+s0] =	stream.indirect_vreg.scatter [tilespmem:s23], [sflag:$0x2], $0x80, v1, vm0, $0xb8;
	[tilespmem:$0x9A80] =	vst v63  }
0x4b7: {  	s6 =	simm.s32 $0x1380  }
0x4b8: {  	[hbm4b:s20+s0] =	stream.indirect_vreg.scatter [tilespmem:s6], [sflag:$0x2], $0x80, v1, vm0, $0xb8;
	[tilespmem:$0x9A80] =	vst v63  }
0x4b9: {  	s7 =	simm.s32 $0x1B80  }
0x4ba: {  	[hbm4b:s4+s0] =	stream.indirect_vreg.scatter [tilespmem:s7], [sflag:$0x2], $0x80, v0, vm0, $0xb8;
	[tilespmem:$0x9A80] =	vst v63  }
0x4bb: {  	s9 =	simm.s32 $0x2380  }
0x4bc: {  	[hbm4b:s19+s0] =	stream.indirect_vreg.scatter [tilespmem:s9], [sflag:$0x2], $0x80, v0, vm0, $0xb8;
	[tilespmem:$0x9A80] =	vst v63  }
0x4bd: {  	s22 =	simm.s32 $0x2B80  }
0x4be: {  	[hbm4b:s20+s0] =	stream.indirect_vreg.scatter [tilespmem:s22], [sflag:$0x2], $0x80, v0, vm0, $0xb8;
	[tilespmem:$0x9A80] =	vst v63  }
0x4bf: {  	v0 =	vld.msk [tilespmem:$0x9410], $0xff;
	_ =	sdelay $0x4  }
0x4c0: {  	v63 =	vshrl.u32 v0, $0x3  }
0x4c1: {  	v1 =	vmul.u32 $0x30, v63  }
0x4c2: {  	v0 =	vand.u32 $0x7, v0  }
0x4c3: {  	v0 =	vor.u32 v0, v1  }
0x4c4: {  	v0 =	vperm.xlane v0, v10;
	_ =	sdelay $0x1  }
0x4c5: {  	v0 =	vadd.s32 v11, v0;
	_ =	sdelay $0x4  }
0x4c6: {  	[hbm4b:s4+s0] =	stream.indirect_vreg.scatter [tilespmem:s29], [sflag:$0x2], $0x80, v0, vm0, $0xb8;
	[tilespmem:$0x9A80] =	vst v63  }
0x4c7: {  	s23 =	simm.s32 $0x3B80  }
0x4c8: {  	[hbm4b:s19+s0] =	stream.indirect_vreg.scatter [tilespmem:s23], [sflag:$0x2], $0x80, v0, vm0, $0xb8;
	[tilespmem:$0x9A80] =	vst v63  }
.Ltmp7:
0x4c9: {  	s31 =	simm.s32 $0x4380;
	(pc) =	sbr.rel @p0 .LBB2_15-.Ltmp7, $4  }
0x4ca: {  	[hbm4b:s20+s0] =	stream.indirect_vreg.scatter [tilespmem:s31], [sflag:$0x2], $0x80, v0, vm0, $0xb8;
	[tilespmem:$0x9A80] =	vst v63  }
0x4cb: {  	_ =	swait.ge [sflag:s30], $0x4800  }
0x4cc: {  	[sflag:s30] =	ssyncset.done $0x0  }
0x4cd: {  	[sflag:s30] =	ssyncadd.s32 $0xFFFFB800  }
0x4ce: {  	s0 =	simm.s32 $0x0  }
0x4cf: {  	s1 =	simm.s32 $0x40;
	v15 =	vld [tilespmem:s0+$0x9780]  }
.LBB2_13:
0x4d0: {  	p1 =	sne.s32 s1, $0xBC0;
	v0 =	vld [tilespmem:s0+$0x9480];
	_ =	sdelay $0x4  }
.Ltmp8:
0x4d1: {  	v1 =	vmul.f32 v15, v14;
	v0 =	vmul.f32 v0, v13;
	(pc) =	sbr.rel @p1 .LBB2_13-.Ltmp8, $4  }
0x4d2: {  	_ = 	snop  }
0x4d3: {  	v0 =	vadd.f32 v1, v0  }
0x4d4: {  	s6 =	sshra.s32 s1, $0x2  }
0x4d5: {  	s1 =	sadd.s32 $0x40, s1;
	v15 =	vld [tilespmem:s6+$0x9780];
	[tilespmem:s0+$0x9480] =	vst v0;
	s0 =	smov.u32 s6  }
.Ltmp9:
0x4d6: {  	_ = 	snop;
	(pc) =	sbr.rel .LBB2_14-.Ltmp9, $1  }
0x4d7: {  	_ =	sdelay $0x3  }
.LBB2_16:
0x4d8: {  	_ =	sfence.sel $0x180000  }
0x4d9: {  	[bflag:$0x0] =	sbarrier.arrive $0xFFFF  }
0x4da: {  	_ =	strace $0x90000047  }
0x4db: {  	s0 =	stileid.u32;
	[bflag:$0x2] =	sbarrier.arrive $0xFFFF  }
0x4dc: {  	p0 =	sne.s32 s0, $0x0;
	s0 =	rddreg [dreg:$0x5]  }
0x4dd: {  	s0 =	sadd.s32 @!p0 $0x100000, s0  }
0x4de: {  	[sflag:s0] =	ssyncadd.tile.s32 @!p0 $0x1;
	_ =	shalt  }
.Lfunc_end2:
_tile_overlayer_lowered:
.L_overlay_start_2:
0x4df: {  	(tag) =	ssettag $0x2  }
0x4e0: {  	s0 =	rddreg [dreg:$0x0];
	s2 =	stileid.u32  }
0x4e1: {  	s1 =	rddreg [dreg:$0x1];
	p0 =	sne.s32 s2, $0x0  }
0x4e2: {  	s3 =	rddreg [dreg:$0x2];
	[bflag:$0x3] =	sbarrier.arrive $0xFFFF;
	s2 =	simm.s32 @!p0 $0x1C03  }
0x4e3: {  	[timem:s3], [sflag:s2] =	dma.local @!p0 [hbm:s0], s1  }
0x4e4: {  	s0 =	simm.s32 @!p0 $0x3  }
0x4e5: {  	_ =	swait.ge @!p0 [sflag:s0], s1  }
0x4e6: {  	s1 =	ssub.s32 @!p0 $0x0, s1;
	[sflag:s0] =	ssyncset.done @!p0 $0x0  }
0x4e7: {  	[sflag:s0] =	ssyncadd.s32 @!p0 s1  }
0x4e8: {  	[bflag:$0x3] =	sbarrier.arrive $0xFFFF  }
0x4e9: {  	_ =	shalt  }

</sc_bundles>
